<compile_context>
chip_gen: v7x
topology: tpu7x:2x2x1
jax: 0.10.2.dev20260603
libtpu: 0.0.44.dev20260713+nightly
codegen_flags: <defaults>
</compile_context>

<pallas_src>
import jax
import jax.numpy as jnp
from jax import lax
from jax.experimental import pallas as pl
from jax.experimental.pallas import tpu as pltpu
from jax.experimental.pallas import tpu_sc as plsc

NC = 2
NS = 16
L = 16
NW = NC * NS

N_TRIPLES = 16384
DIM = 64
ENT_ROWS = 1000000
REL_ROWS = 1000
PER_W = N_TRIPLES // NW
CHUNKR = 256
NCHK = PER_W // CHUNKR
FIRE = 16
NBURST = CHUNKR // FIRE
NBLK = CHUNKR // L


def _sc_body(h_hbm, r_hbm, t_hbm, ent, rel, out, ih, ir, it, eh, er, et,
             score_v, sem):
    wid = lax.axis_index("s") * NC + lax.axis_index("c")
    base = wid * PER_W

    entv = ent.reshape(ENT_ROWS // 8, 8, DIM)
    relv = rel.reshape(REL_ROWS // 8, 8, DIM)

    pltpu.sync_copy(h_hbm.at[pl.ds(base, PER_W)], ih)
    pltpu.sync_copy(r_hbm.at[pl.ds(base, PER_W)], ir)
    pltpu.sync_copy(t_hbm.at[pl.ds(base, PER_W)], it)

    lanes = lax.iota(jnp.int32, L)

    def chunk(c, carry0):
      c0 = c * CHUNKR

      def burst(w, carry):
        i0 = c0 + w * FIRE
        vh = ih[pl.ds(i0, FIRE)]
        vr = ir[pl.ds(i0, FIRE)]
        vt = it[pl.ds(i0, FIRE)]
        vh_slab, vh_sub = vh // 8, vh % 8
        vr_slab, vr_sub = vr // 8, vr % 8
        vt_slab, vt_sub = vt // 8, vt % 8
        copies = []
        for k in range(FIRE):
            dst = (pl.ds(w * FIRE + k, 1), pl.ds(0, 1), pl.ds(0, DIM))
            copies.append(pltpu.async_copy(
                entv.at[pl.ds(vh_slab[k], 1), pl.ds(vh_sub[k], 1),
                        pl.ds(0, DIM)],
                eh.at[dst], sem))
            copies.append(pltpu.async_copy(
                entv.at[pl.ds(vt_slab[k], 1), pl.ds(vt_sub[k], 1),
                        pl.ds(0, DIM)],
                et.at[dst], sem))
            copies.append(pltpu.async_copy(
                relv.at[pl.ds(vr_slab[k], 1), pl.ds(vr_sub[k], 1),
                        pl.ds(0, DIM)],
                er.at[dst], sem))
        for cp in copies:
            cp.wait()
        return carry
      lax.fori_loop(0, NBURST, burst, 0)

      def blk(b, carry):
        i0 = c0 + b * L
        rows = b * L + lanes
        zero = jnp.zeros((L,), jnp.int32)
        acc = jnp.zeros((L,), jnp.float32)
        for d in range(DIM):
            col = jnp.full((L,), d, jnp.int32)
            vh = plsc.load_gather(eh, [rows, zero, col])
            vr = plsc.load_gather(er, [rows, zero, col])
            vt = plsc.load_gather(et, [rows, zero, col])
            acc = acc + jnp.abs(vh + vr - vt)
        score_v[pl.ds(i0, L)] = -acc
        return carry

      lax.fori_loop(0, NBLK, blk, 0)
      return carry0

    lax.fori_loop(0, NCHK, chunk, 0)

    pltpu.sync_copy(score_v, out.at[pl.ds(base, PER_W)])


@jax.jit
def _sc_score(h, r, t, ent_emb, rel_emb):
    mesh = plsc.VectorSubcoreMesh(core_axis_name="c", subcore_axis_name="s",
                                  num_cores=NC, num_subcores=NS)
    fn = pl.kernel(
        _sc_body,
        out_type=jax.ShapeDtypeStruct((N_TRIPLES,), jnp.float32),
        mesh=mesh,
        scratch_types=[
            pltpu.VMEM((PER_W,), jnp.int32),
            pltpu.VMEM((PER_W,), jnp.int32),
            pltpu.VMEM((PER_W,), jnp.int32),
            pltpu.VMEM((CHUNKR, 1, DIM), jnp.float32),
            pltpu.VMEM((CHUNKR, 1, DIM), jnp.float32),
            pltpu.VMEM((CHUNKR, 1, DIM), jnp.float32),
            pltpu.VMEM((PER_W,), jnp.float32),
            pltpu.SemaphoreType.DMA,
        ],
        compiler_params=pltpu.CompilerParams(needs_layout_passes=False,
                                             use_tc_tiling_on_sc=True),
    )
    return fn(h, r, t, ent_emb, rel_emb)


def kernel(h, r, t, batch_size, ent_emb, rel_emb):
    score = _sc_score(h, r, t, ent_emb, rel_emb)
    pos = lax.dynamic_slice_in_dim(score, batch_size - batch_size, 4096)
    neg = lax.dynamic_slice_in_dim(score, batch_size, score.shape[0] - 4096)
    return (pos, neg)

# --- scband reference (transcript-rebuilt; emitter-appended) ---
"""Pipeline reference for scband-base-model-57114475102738 (READ-ONLY COPY).

The authoritative reference and input builder live on the scoring server;
editing this copy changes nothing except your own understanding.
"""

import jax, jax.numpy as jnp
import numpy as np
from jax import lax

ENT_TOT = 1000000
REL_TOT = 1000
DIM = 64
N = 16384
BATCH_SIZE = 4096


def setup_inputs(seed: int = 0) -> dict:
    key = jax.random.key(seed)
    k1, k2, k3, k4, k5 = jax.random.split(key, 5)
    h = jax.random.randint(k1, (N,), 0, ENT_TOT, dtype=jnp.int64 if jax.config.jax_enable_x64 else jnp.int32).astype(jnp.int32)
    r = jax.random.randint(k2, (N,), 0, REL_TOT).astype(jnp.int32)
    t = jax.random.randint(k3, (N,), 0, ENT_TOT).astype(jnp.int32)
    ent_emb = jax.random.normal(k4, (ENT_TOT, DIM), dtype=jnp.float32) * 0.05
    rel_emb = jax.random.normal(k5, (REL_TOT, DIM), dtype=jnp.float32) * 0.05
    return {"h": h, "r": r, "t": t, "batch_size": BATCH_SIZE, "ent_emb": ent_emb, "rel_emb": rel_emb}


def reference(h, r, t, batch_size, ent_emb, rel_emb):
    # Embedding lookups (the core memory-bound op of BaseModel subclasses)
    e_h = jnp.take(ent_emb, h, axis=0)
    e_r = jnp.take(rel_emb, r, axis=0)
    e_t = jnp.take(ent_emb, t, axis=0)
    # _calc is abstract in BaseModel; TransE (L1) is the canonical instantiation
    score = -jnp.sum(jnp.abs(e_h + e_r - e_t), axis=-1)
    # forward() in neg_sample mode splits score into pos/neg
    pos_score = lax.dynamic_slice_in_dim(score, batch_size - batch_size, BATCH_SIZE)
    neg_score = lax.dynamic_slice_in_dim(score, batch_size, score.shape[0] - BATCH_SIZE)
    return (pos_score, neg_score)

if __name__ == "__main__":
    import jax
    _d = setup_inputs()
    print(jax.jit(kernel)(*tuple(_d.values())))

</pallas_src>

<mosaic_0001>
#map = affine_map<(d0, d1) -> (0)>
#map1 = affine_map<(d0, d1) -> (0, 0)>
module attributes {stable_mosaic.version = 14 : i64} {
  func.func @_sc_body(%arg0: i32, %arg1: i32, %arg2: memref<16384xi32, #tpu.memory_space<hbm>>, %arg3: memref<16384xi32, #tpu.memory_space<hbm>>, %arg4: memref<16384xi32, #tpu.memory_space<hbm>>, %arg5: memref<1000000x64xf32, #tpu.memory_space<hbm>>, %arg6: memref<1000x64xf32, #tpu.memory_space<hbm>>, %arg7: memref<16384xf32, #tpu.memory_space<hbm>>, %arg8: memref<512xi32, #tpu.memory_space<vmem>>, %arg9: memref<512xi32, #tpu.memory_space<vmem>>, %arg10: memref<512xi32, #tpu.memory_space<vmem>>, %arg11: memref<256x1x64xf32, #tpu.memory_space<vmem>>, %arg12: memref<256x1x64xf32, #tpu.memory_space<vmem>>, %arg13: memref<256x1x64xf32, #tpu.memory_space<vmem>>, %arg14: memref<512xf32, #tpu.memory_space<vmem>>, %arg15: memref<!tpu.dma_semaphore, #tpu.memory_space<semaphore_mem>>) attributes {dimension_semantics = [#tpu.dimension_semantics<core_parallel>, #tpu.dimension_semantics<subcore_parallel>], iteration_bounds = array<i64: 2, 16>, scalar_prefetch = 0 : i64, scratch_operands = 8 : i64, tpu.core_type = #tpu.core_type<sc_vector_subcore>, window_params = [{transform_indices = #map}, {transform_indices = #map}, {transform_indices = #map}, {transform_indices = #map1}, {transform_indices = #map1}, {transform_indices = #map}]} {
    %mul3A = arith.constant 2 : i32
    %mul3A_0 = arith.muli %arg1, %mul3A : i32
    %add3A = arith.addi %mul3A_0, %arg0 : i32
    %mul3A_1 = arith.constant 512 : i32
    %mul3A_2 = arith.muli %add3A, %mul3A_1 : i32
    "tpu.region"() ({
      %run_scoped3A = tpu.sem_alloc : memref<!tpu.dma_semaphore, #tpu.memory_space<semaphore_mem>>
      %dma_start3A = tpu.memref_slice %arg2[%mul3A_2] : memref<16384xi32, #tpu.memory_space<hbm>> -> memref<512xi32, #tpu.memory_space<hbm>>
      %dma_start3A_8 = tpu.memref_slice %arg2[%mul3A_2] : memref<16384xi32, #tpu.memory_space<hbm>> -> memref<512xi32, #tpu.memory_space<hbm>>
      tpu.enqueue_dma source(%dma_start3A_8 : memref<512xi32, #tpu.memory_space<hbm>>) target(%arg8 : memref<512xi32, #tpu.memory_space<vmem>>) target_semaphore(%run_scoped3A : memref<!tpu.dma_semaphore, #tpu.memory_space<semaphore_mem>>)
      %dma_wait3A = tpu.memref_slice %arg2[%mul3A_2] : memref<16384xi32, #tpu.memory_space<hbm>> -> memref<512xi32, #tpu.memory_space<hbm>>
      %dma_wait3A_9 = tpu.memref_slice %arg2[%mul3A_2] : memref<16384xi32, #tpu.memory_space<hbm>> -> memref<512xi32, #tpu.memory_space<hbm>>
      tpu.wait_dma2 semaphore(%run_scoped3A : memref<!tpu.dma_semaphore, #tpu.memory_space<semaphore_mem>>) src(%dma_wait3A_9 : memref<512xi32, #tpu.memory_space<hbm>>) dst(%arg8 : memref<512xi32, #tpu.memory_space<vmem>>)
      tpu.yield
    }) : () -> ()
    "tpu.region"() ({
      %run_scoped3A = tpu.sem_alloc : memref<!tpu.dma_semaphore, #tpu.memory_space<semaphore_mem>>
      %dma_start3A = tpu.memref_slice %arg3[%mul3A_2] : memref<16384xi32, #tpu.memory_space<hbm>> -> memref<512xi32, #tpu.memory_space<hbm>>
      %dma_start3A_8 = tpu.memref_slice %arg3[%mul3A_2] : memref<16384xi32, #tpu.memory_space<hbm>> -> memref<512xi32, #tpu.memory_space<hbm>>
      tpu.enqueue_dma source(%dma_start3A_8 : memref<512xi32, #tpu.memory_space<hbm>>) target(%arg9 : memref<512xi32, #tpu.memory_space<vmem>>) target_semaphore(%run_scoped3A : memref<!tpu.dma_semaphore, #tpu.memory_space<semaphore_mem>>)
      %dma_wait3A = tpu.memref_slice %arg3[%mul3A_2] : memref<16384xi32, #tpu.memory_space<hbm>> -> memref<512xi32, #tpu.memory_space<hbm>>
      %dma_wait3A_9 = tpu.memref_slice %arg3[%mul3A_2] : memref<16384xi32, #tpu.memory_space<hbm>> -> memref<512xi32, #tpu.memory_space<hbm>>
      tpu.wait_dma2 semaphore(%run_scoped3A : memref<!tpu.dma_semaphore, #tpu.memory_space<semaphore_mem>>) src(%dma_wait3A_9 : memref<512xi32, #tpu.memory_space<hbm>>) dst(%arg9 : memref<512xi32, #tpu.memory_space<vmem>>)
      tpu.yield
    }) : () -> ()
    "tpu.region"() ({
      %run_scoped3A = tpu.sem_alloc : memref<!tpu.dma_semaphore, #tpu.memory_space<semaphore_mem>>
      %dma_start3A = tpu.memref_slice %arg4[%mul3A_2] : memref<16384xi32, #tpu.memory_space<hbm>> -> memref<512xi32, #tpu.memory_space<hbm>>
      %dma_start3A_8 = tpu.memref_slice %arg4[%mul3A_2] : memref<16384xi32, #tpu.memory_space<hbm>> -> memref<512xi32, #tpu.memory_space<hbm>>
      tpu.enqueue_dma source(%dma_start3A_8 : memref<512xi32, #tpu.memory_space<hbm>>) target(%arg10 : memref<512xi32, #tpu.memory_space<vmem>>) target_semaphore(%run_scoped3A : memref<!tpu.dma_semaphore, #tpu.memory_space<semaphore_mem>>)
      %dma_wait3A = tpu.memref_slice %arg4[%mul3A_2] : memref<16384xi32, #tpu.memory_space<hbm>> -> memref<512xi32, #tpu.memory_space<hbm>>
      %dma_wait3A_9 = tpu.memref_slice %arg4[%mul3A_2] : memref<16384xi32, #tpu.memory_space<hbm>> -> memref<512xi32, #tpu.memory_space<hbm>>
      tpu.wait_dma2 semaphore(%run_scoped3A : memref<!tpu.dma_semaphore, #tpu.memory_space<semaphore_mem>>) src(%dma_wait3A_9 : memref<512xi32, #tpu.memory_space<hbm>>) dst(%arg10 : memref<512xi32, #tpu.memory_space<vmem>>)
      tpu.yield
    }) : () -> ()
    %iota3A = tpu.iota {dimensions = array<i32: 0>} : vector<16xi32>
    %scan3A = arith.constant 0 : i32
    %scan3A_3 = arith.constant 0 : i32
    %scan3A_4 = arith.constant 2 : i32
    %scan3A_5 = arith.addi %scan3A_3, %scan3A_4 : i32
    %scan3A_6 = arith.constant 1 : i32
    scf.for %scan3A_8 = %scan3A_3 to %scan3A_5 step %scan3A_6  : i32 {
      %mul3A_9 = arith.constant 256 : i32
      %mul3A_10 = arith.muli %scan3A_8, %mul3A_9 : i32
      %scan3A_11 = arith.constant 0 : i32
      %scan3A_12 = arith.constant 0 : i32
      %scan3A_13 = arith.constant 16 : i32
      %scan3A_14 = arith.addi %scan3A_12, %scan3A_13 : i32
      %scan3A_15 = arith.constant 1 : i32
      scf.for %scan3A_23 = %scan3A_12 to %scan3A_14 step %scan3A_15  : i32 {
        %mul3A_24 = arith.constant 16 : i32
        %mul3A_25 = arith.muli %scan3A_23, %mul3A_24 : i32
        %add3A_26 = arith.addi %mul3A_10, %mul3A_25 : i32
        %get3A = arith.index_cast %add3A_26 : i32 to index
        %get3A_27 = tpu.vector_load %arg8[%get3A] {strides = array<i32>} : memref<512xi32, #tpu.memory_space<vmem>>, vector<16xi32>,
        %get3A_28 = arith.index_cast %add3A_26 : i32 to index
        %get3A_29 = tpu.vector_load %arg9[%get3A_28] {strides = array<i32>} : memref<512xi32, #tpu.memory_space<vmem>>, vector<16xi32>,
        %get3A_30 = arith.index_cast %add3A_26 : i32 to index
        %get3A_31 = tpu.vector_load %arg10[%get3A_30] {strides = array<i32>} : memref<512xi32, #tpu.memory_space<vmem>>, vector<16xi32>,
        %jit3A = arith.constant 8 : i32
        %div3A = vector.broadcast %jit3A : i32 to vector<16xi32>
        %div3A_32 = arith.divsi %get3A_27, %div3A : vector<16xi32>
        %sign3A = arith.constant 0 : i32
        %sign3A_33 = vector.broadcast %sign3A : i32 to vector<16xi32>
        %sign3A_34 = arith.cmpi sgt, %get3A_27, %sign3A_33 : vector<16xi32>
        %sign3A_35 = arith.extui %sign3A_34 : vector<16xi1> to vector<16xi32>
        %sign3A_36 = arith.constant 0 : i32
        %sign3A_37 = vector.broadcast %sign3A_36 : i32 to vector<16xi32>
        %sign3A_38 = arith.cmpi slt, %get3A_27, %sign3A_37 : vector<16xi32>
        %sign3A_39 = arith.extui %sign3A_38 : vector<16xi1> to vector<16xi32>
        %sign3A_40 = arith.subi %sign3A_35, %sign3A_39 : vector<16xi32>
        %sign3A_41 = arith.constant 0 : i32
        %sign3A_42 = arith.cmpi sgt, %jit3A, %sign3A_41 : i32
        %sign3A_43 = arith.extui %sign3A_42 : i1 to i32
        %sign3A_44 = arith.constant 0 : i32
        %sign3A_45 = arith.cmpi slt, %jit3A, %sign3A_44 : i32
        %sign3A_46 = arith.extui %sign3A_45 : i1 to i32
        %sign3A_47 = arith.subi %sign3A_43, %sign3A_46 : i32
        %ne3A = vector.broadcast %sign3A_47 : i32 to vector<16xi32>
        %ne3A_48 = arith.cmpi ne, %sign3A_40, %ne3A : vector<16xi32>
        %rem3A = vector.broadcast %jit3A : i32 to vector<16xi32>
        %rem3A_49 = arith.remsi %get3A_27, %rem3A : vector<16xi32>
        %ne3A_50 = arith.constant 0 : i32
        %ne3A_51 = vector.broadcast %ne3A_50 : i32 to vector<16xi32>
        %ne3A_52 = arith.cmpi ne, %rem3A_49, %ne3A_51 : vector<16xi32>
        %and3A = arith.andi %ne3A_48, %ne3A_52 : vector<16xi1>
        %sub3A = arith.constant 1 : i32
        %sub3A_53 = vector.broadcast %sub3A : i32 to vector<16xi32>
        %sub3A_54 = arith.subi %div3A_32, %sub3A_53 : vector<16xi32>
        %select_n3A = arith.select %and3A, %sub3A_54, %div3A_32 : vector<16xi1>, vector<16xi32>
        %jit3A_55 = arith.constant 8 : i32
        %eq3A = arith.constant 0 : i32
        %eq3A_56 = arith.cmpi eq, %jit3A_55, %eq3A : i32
        %jit3A_57 = arith.constant 1 : i32
        %select_n3A_58 = arith.select %eq3A_56, %jit3A_57, %jit3A_55 : i32
        %rem3A_59 = vector.broadcast %select_n3A_58 : i32 to vector<16xi32>
        %rem3A_60 = arith.remsi %get3A_27, %rem3A_59 : vector<16xi32>
        %ne3A_61 = arith.constant 0 : i32
        %ne3A_62 = vector.broadcast %ne3A_61 : i32 to vector<16xi32>
        %ne3A_63 = arith.cmpi ne, %rem3A_60, %ne3A_62 : vector<16xi32>
        %lt3A = arith.constant 0 : i32
        %lt3A_64 = vector.broadcast %lt3A : i32 to vector<16xi32>
        %lt3A_65 = arith.cmpi slt, %rem3A_60, %lt3A_64 : vector<16xi32>
        %lt3A_66 = arith.constant 0 : i32
        %lt3A_67 = arith.cmpi slt, %select_n3A_58, %lt3A_66 : i32
        %ne3A_68 = vector.broadcast %lt3A_67 : i1 to vector<16xi1>
        %ne3A_69 = vector.broadcast %ne3A_68 : vector<16xi1> to vector<16xi1>
        %ne3A_70 = arith.xori %lt3A_65, %ne3A_69 : vector<16xi1>
        %and3A_71 = arith.andi %ne3A_70, %ne3A_63 : vector<16xi1>
        %add3A_72 = vector.broadcast %select_n3A_58 : i32 to vector<16xi32>
        %add3A_73 = arith.addi %rem3A_60, %add3A_72 : vector<16xi32>
        %select_n3A_74 = arith.select %and3A_71, %add3A_73, %rem3A_60 : vector<16xi1>, vector<16xi32>
        %jit3A_75 = arith.constant 8 : i32
        %div3A_76 = vector.broadcast %jit3A_75 : i32 to vector<16xi32>
        %div3A_77 = arith.divsi %get3A_29, %div3A_76 : vector<16xi32>
        %sign3A_78 = arith.constant 0 : i32
        %sign3A_79 = vector.broadcast %sign3A_78 : i32 to vector<16xi32>
        %sign3A_80 = arith.cmpi sgt, %get3A_29, %sign3A_79 : vector<16xi32>
        %sign3A_81 = arith.extui %sign3A_80 : vector<16xi1> to vector<16xi32>
        %sign3A_82 = arith.constant 0 : i32
        %sign3A_83 = vector.broadcast %sign3A_82 : i32 to vector<16xi32>
        %sign3A_84 = arith.cmpi slt, %get3A_29, %sign3A_83 : vector<16xi32>
        %sign3A_85 = arith.extui %sign3A_84 : vector<16xi1> to vector<16xi32>
        %sign3A_86 = arith.subi %sign3A_81, %sign3A_85 : vector<16xi32>
        %sign3A_87 = arith.constant 0 : i32
        %sign3A_88 = arith.cmpi sgt, %jit3A_75, %sign3A_87 : i32
        %sign3A_89 = arith.extui %sign3A_88 : i1 to i32
        %sign3A_90 = arith.constant 0 : i32
        %sign3A_91 = arith.cmpi slt, %jit3A_75, %sign3A_90 : i32
        %sign3A_92 = arith.extui %sign3A_91 : i1 to i32
        %sign3A_93 = arith.subi %sign3A_89, %sign3A_92 : i32
        %ne3A_94 = vector.broadcast %sign3A_93 : i32 to vector<16xi32>
        %ne3A_95 = arith.cmpi ne, %sign3A_86, %ne3A_94 : vector<16xi32>
        %rem3A_96 = vector.broadcast %jit3A_75 : i32 to vector<16xi32>
        %rem3A_97 = arith.remsi %get3A_29, %rem3A_96 : vector<16xi32>
        %ne3A_98 = arith.constant 0 : i32
        %ne3A_99 = vector.broadcast %ne3A_98 : i32 to vector<16xi32>
        %ne3A_100 = arith.cmpi ne, %rem3A_97, %ne3A_99 : vector<16xi32>
        %and3A_101 = arith.andi %ne3A_95, %ne3A_100 : vector<16xi1>
        %sub3A_102 = arith.constant 1 : i32
        %sub3A_103 = vector.broadcast %sub3A_102 : i32 to vector<16xi32>
        %sub3A_104 = arith.subi %div3A_77, %sub3A_103 : vector<16xi32>
        %select_n3A_105 = arith.select %and3A_101, %sub3A_104, %div3A_77 : vector<16xi1>, vector<16xi32>
        %jit3A_106 = arith.constant 8 : i32
        %eq3A_107 = arith.constant 0 : i32
        %eq3A_108 = arith.cmpi eq, %jit3A_106, %eq3A_107 : i32
        %jit3A_109 = arith.constant 1 : i32
        %select_n3A_110 = arith.select %eq3A_108, %jit3A_109, %jit3A_106 : i32
        %rem3A_111 = vector.broadcast %select_n3A_110 : i32 to vector<16xi32>
        %rem3A_112 = arith.remsi %get3A_29, %rem3A_111 : vector<16xi32>
        %ne3A_113 = arith.constant 0 : i32
        %ne3A_114 = vector.broadcast %ne3A_113 : i32 to vector<16xi32>
        %ne3A_115 = arith.cmpi ne, %rem3A_112, %ne3A_114 : vector<16xi32>
        %lt3A_116 = arith.constant 0 : i32
        %lt3A_117 = vector.broadcast %lt3A_116 : i32 to vector<16xi32>
        %lt3A_118 = arith.cmpi slt, %rem3A_112, %lt3A_117 : vector<16xi32>
        %lt3A_119 = arith.constant 0 : i32
        %lt3A_120 = arith.cmpi slt, %select_n3A_110, %lt3A_119 : i32
        %ne3A_121 = vector.broadcast %lt3A_120 : i1 to vector<16xi1>
        %ne3A_122 = vector.broadcast %ne3A_121 : vector<16xi1> to vector<16xi1>
        %ne3A_123 = arith.xori %lt3A_118, %ne3A_122 : vector<16xi1>
        %and3A_124 = arith.andi %ne3A_123, %ne3A_115 : vector<16xi1>
        %add3A_125 = vector.broadcast %select_n3A_110 : i32 to vector<16xi32>
        %add3A_126 = arith.addi %rem3A_112, %add3A_125 : vector<16xi32>
        %select_n3A_127 = arith.select %and3A_124, %add3A_126, %rem3A_112 : vector<16xi1>, vector<16xi32>
        %jit3A_128 = arith.constant 8 : i32
        %div3A_129 = vector.broadcast %jit3A_128 : i32 to vector<16xi32>
        %div3A_130 = arith.divsi %get3A_31, %div3A_129 : vector<16xi32>
        %sign3A_131 = arith.constant 0 : i32
        %sign3A_132 = vector.broadcast %sign3A_131 : i32 to vector<16xi32>
        %sign3A_133 = arith.cmpi sgt, %get3A_31, %sign3A_132 : vector<16xi32>
        %sign3A_134 = arith.extui %sign3A_133 : vector<16xi1> to vector<16xi32>
        %sign3A_135 = arith.constant 0 : i32
        %sign3A_136 = vector.broadcast %sign3A_135 : i32 to vector<16xi32>
        %sign3A_137 = arith.cmpi slt, %get3A_31, %sign3A_136 : vector<16xi32>
        %sign3A_138 = arith.extui %sign3A_137 : vector<16xi1> to vector<16xi32>
        %sign3A_139 = arith.subi %sign3A_134, %sign3A_138 : vector<16xi32>
        %sign3A_140 = arith.constant 0 : i32
        %sign3A_141 = arith.cmpi sgt, %jit3A_128, %sign3A_140 : i32
        %sign3A_142 = arith.extui %sign3A_141 : i1 to i32
        %sign3A_143 = arith.constant 0 : i32
        %sign3A_144 = arith.cmpi slt, %jit3A_128, %sign3A_143 : i32
        %sign3A_145 = arith.extui %sign3A_144 : i1 to i32
        %sign3A_146 = arith.subi %sign3A_142, %sign3A_145 : i32
        %ne3A_147 = vector.broadcast %sign3A_146 : i32 to vector<16xi32>
        %ne3A_148 = arith.cmpi ne, %sign3A_139, %ne3A_147 : vector<16xi32>
        %rem3A_149 = vector.broadcast %jit3A_128 : i32 to vector<16xi32>
        %rem3A_150 = arith.remsi %get3A_31, %rem3A_149 : vector<16xi32>
        %ne3A_151 = arith.constant 0 : i32
        %ne3A_152 = vector.broadcast %ne3A_151 : i32 to vector<16xi32>
        %ne3A_153 = arith.cmpi ne, %rem3A_150, %ne3A_152 : vector<16xi32>
        %and3A_154 = arith.andi %ne3A_148, %ne3A_153 : vector<16xi1>
        %sub3A_155 = arith.constant 1 : i32
        %sub3A_156 = vector.broadcast %sub3A_155 : i32 to vector<16xi32>
        %sub3A_157 = arith.subi %div3A_130, %sub3A_156 : vector<16xi32>
        %select_n3A_158 = arith.select %and3A_154, %sub3A_157, %div3A_130 : vector<16xi1>, vector<16xi32>
        %jit3A_159 = arith.constant 8 : i32
        %eq3A_160 = arith.constant 0 : i32
        %eq3A_161 = arith.cmpi eq, %jit3A_159, %eq3A_160 : i32
        %jit3A_162 = arith.constant 1 : i32
        %select_n3A_163 = arith.select %eq3A_161, %jit3A_162, %jit3A_159 : i32
        %rem3A_164 = vector.broadcast %select_n3A_163 : i32 to vector<16xi32>
        %rem3A_165 = arith.remsi %get3A_31, %rem3A_164 : vector<16xi32>
        %ne3A_166 = arith.constant 0 : i32
        %ne3A_167 = vector.broadcast %ne3A_166 : i32 to vector<16xi32>
        %ne3A_168 = arith.cmpi ne, %rem3A_165, %ne3A_167 : vector<16xi32>
        %lt3A_169 = arith.constant 0 : i32
        %lt3A_170 = vector.broadcast %lt3A_169 : i32 to vector<16xi32>
        %lt3A_171 = arith.cmpi slt, %rem3A_165, %lt3A_170 : vector<16xi32>
        %lt3A_172 = arith.constant 0 : i32
        %lt3A_173 = arith.cmpi slt, %select_n3A_163, %lt3A_172 : i32
        %ne3A_174 = vector.broadcast %lt3A_173 : i1 to vector<16xi1>
        %ne3A_175 = vector.broadcast %ne3A_174 : vector<16xi1> to vector<16xi1>
        %ne3A_176 = arith.xori %lt3A_171, %ne3A_175 : vector<16xi1>
        %and3A_177 = arith.andi %ne3A_176, %ne3A_168 : vector<16xi1>
        %add3A_178 = vector.broadcast %select_n3A_163 : i32 to vector<16xi32>
        %add3A_179 = arith.addi %rem3A_165, %add3A_178 : vector<16xi32>
        %select_n3A_180 = arith.select %and3A_177, %add3A_179, %rem3A_165 : vector<16xi1>, vector<16xi32>
        %mul3A_181 = arith.constant 16 : i32
        %mul3A_182 = arith.muli %scan3A_23, %mul3A_181 : i32
        %add3A_183 = arith.constant 0 : i32
        %add3A_184 = arith.addi %mul3A_182, %add3A_183 : i32
        %slice3A = vector.extract_strided_slice %select_n3A {offsets = [0], sizes = [1], strides = [1]} : vector<16xi32> to vector<1xi32>
        %squeeze3A = vector.extract %slice3A[0] : i32 from vector<1xi32>
        %slice3A_185 = vector.extract_strided_slice %select_n3A_74 {offsets = [0], sizes = [1], strides = [1]} : vector<16xi32> to vector<1xi32>
        %squeeze3A_186 = vector.extract %slice3A_185[0] : i32 from vector<1xi32>
        %dma_start3A = arith.constant 0 : i32
        %dma_start3A_187 = arith.constant 0 : i32
        %dma_start3A_188 = tpu.memref_slice %arg11[%add3A_184, %dma_start3A, %dma_start3A_187] : memref<256x1x64xf32, #tpu.memory_space<vmem>> -> memref<1x1x64xf32, #tpu.memory_space<vmem>>
        %dma_start3A_189 = tpu.memref_reshape %arg5 : memref<1000000x64xf32, #tpu.memory_space<hbm>> -> memref<125000x8x64xf32, #tpu.memory_space<hbm>>
        %dma_start3A_190 = arith.constant 0 : i32
        %dma_start3A_191 = tpu.memref_slice %dma_start3A_189[%squeeze3A, %squeeze3A_186, %dma_start3A_190] : memref<125000x8x64xf32, #tpu.memory_space<hbm>> -> memref<1x1x64xf32, #tpu.memory_space<hbm>>
        %dma_start3A_192 = arith.constant 0 : i32
        %dma_start3A_193 = arith.constant 0 : i32
        %dma_start3A_194 = tpu.memref_slice %arg11[%add3A_184, %dma_start3A_192, %dma_start3A_193] : memref<256x1x64xf32, #tpu.memory_space<vmem>> -> memref<1x1x64xf32, #tpu.memory_space<vmem>>
        %dma_start3A_195 = tpu.memref_reshape %arg5 : memref<1000000x64xf32, #tpu.memory_space<hbm>> -> memref<125000x8x64xf32, #tpu.memory_space<hbm>>
        %dma_start3A_196 = arith.constant 0 : i32
        %dma_start3A_197 = tpu.memref_slice %dma_start3A_195[%squeeze3A, %squeeze3A_186, %dma_start3A_196] : memref<125000x8x64xf32, #tpu.memory_space<hbm>> -> memref<1x1x64xf32, #tpu.memory_space<hbm>>
        tpu.enqueue_dma source(%dma_start3A_197 : memref<1x1x64xf32, #tpu.memory_space<hbm>>) target(%dma_start3A_194 : memref<1x1x64xf32, #tpu.memory_space<vmem>>) target_semaphore(%arg15 : memref<!tpu.dma_semaphore, #tpu.memory_space<semaphore_mem>>)
        %slice3A_198 = vector.extract_strided_slice %select_n3A_158 {offsets = [0], sizes = [1], strides = [1]} : vector<16xi32> to vector<1xi32>
        %squeeze3A_199 = vector.extract %slice3A_198[0] : i32 from vector<1xi32>
        %slice3A_200 = vector.extract_strided_slice %select_n3A_180 {offsets = [0], sizes = [1], strides = [1]} : vector<16xi32> to vector<1xi32>
        %squeeze3A_201 = vector.extract %slice3A_200[0] : i32 from vector<1xi32>
        %dma_start3A_202 = arith.constant 0 : i32
        %dma_start3A_203 = arith.constant 0 : i32
        %dma_start3A_204 = tpu.memref_slice %arg13[%add3A_184, %dma_start3A_202, %dma_start3A_203] : memref<256x1x64xf32, #tpu.memory_space<vmem>> -> memref<1x1x64xf32, #tpu.memory_space<vmem>>
        %dma_start3A_205 = tpu.memref_reshape %arg5 : memref<1000000x64xf32, #tpu.memory_space<hbm>> -> memref<125000x8x64xf32, #tpu.memory_space<hbm>>
        %dma_start3A_206 = arith.constant 0 : i32
        %dma_start3A_207 = tpu.memref_slice %dma_start3A_205[%squeeze3A_199, %squeeze3A_201, %dma_start3A_206] : memref<125000x8x64xf32, #tpu.memory_space<hbm>> -> memref<1x1x64xf32, #tpu.memory_space<hbm>>
        %dma_start3A_208 = arith.constant 0 : i32
        %dma_start3A_209 = arith.constant 0 : i32
        %dma_start3A_210 = tpu.memref_slice %arg13[%add3A_184, %dma_start3A_208, %dma_start3A_209] : memref<256x1x64xf32, #tpu.memory_space<vmem>> -> memref<1x1x64xf32, #tpu.memory_space<vmem>>
        %dma_start3A_211 = tpu.memref_reshape %arg5 : memref<1000000x64xf32, #tpu.memory_space<hbm>> -> memref<125000x8x64xf32, #tpu.memory_space<hbm>>
        %dma_start3A_212 = arith.constant 0 : i32
        %dma_start3A_213 = tpu.memref_slice %dma_start3A_211[%squeeze3A_199, %squeeze3A_201, %dma_start3A_212] : memref<125000x8x64xf32, #tpu.memory_space<hbm>> -> memref<1x1x64xf32, #tpu.memory_space<hbm>>
        tpu.enqueue_dma source(%dma_start3A_213 : memref<1x1x64xf32, #tpu.memory_space<hbm>>) target(%dma_start3A_210 : memref<1x1x64xf32, #tpu.memory_space<vmem>>) target_semaphore(%arg15 : memref<!tpu.dma_semaphore, #tpu.memory_space<semaphore_mem>>)
        %slice3A_214 = vector.extract_strided_slice %select_n3A_105 {offsets = [0], sizes = [1], strides = [1]} : vector<16xi32> to vector<1xi32>
        %squeeze3A_215 = vector.extract %slice3A_214[0] : i32 from vector<1xi32>
        %slice3A_216 = vector.extract_strided_slice %select_n3A_127 {offsets = [0], sizes = [1], strides = [1]} : vector<16xi32> to vector<1xi32>
        %squeeze3A_217 = vector.extract %slice3A_216[0] : i32 from vector<1xi32>
        %dma_start3A_218 = arith.constant 0 : i32
        %dma_start3A_219 = arith.constant 0 : i32
        %dma_start3A_220 = tpu.memref_slice %arg12[%add3A_184, %dma_start3A_218, %dma_start3A_219] : memref<256x1x64xf32, #tpu.memory_space<vmem>> -> memref<1x1x64xf32, #tpu.memory_space<vmem>>
        %dma_start3A_221 = tpu.memref_reshape %arg6 : memref<1000x64xf32, #tpu.memory_space<hbm>> -> memref<125x8x64xf32, #tpu.memory_space<hbm>>
        %dma_start3A_222 = arith.constant 0 : i32
        %dma_start3A_223 = tpu.memref_slice %dma_start3A_221[%squeeze3A_215, %squeeze3A_217, %dma_start3A_222] : memref<125x8x64xf32, #tpu.memory_space<hbm>> -> memref<1x1x64xf32, #tpu.memory_space<hbm>>
        %dma_start3A_224 = arith.constant 0 : i32
        %dma_start3A_225 = arith.constant 0 : i32
        %dma_start3A_226 = tpu.memref_slice %arg12[%add3A_184, %dma_start3A_224, %dma_start3A_225] : memref<256x1x64xf32, #tpu.memory_space<vmem>> -> memref<1x1x64xf32, #tpu.memory_space<vmem>>
        %dma_start3A_227 = tpu.memref_reshape %arg6 : memref<1000x64xf32, #tpu.memory_space<hbm>> -> memref<125x8x64xf32, #tpu.memory_space<hbm>>
        %dma_start3A_228 = arith.constant 0 : i32
        %dma_start3A_229 = tpu.memref_slice %dma_start3A_227[%squeeze3A_215, %squeeze3A_217, %dma_start3A_228] : memref<125x8x64xf32, #tpu.memory_space<hbm>> -> memref<1x1x64xf32, #tpu.memory_space<hbm>>
        tpu.enqueue_dma source(%dma_start3A_229 : memref<1x1x64xf32, #tpu.memory_space<hbm>>) target(%dma_start3A_226 : memref<1x1x64xf32, #tpu.memory_space<vmem>>) target_semaphore(%arg15 : memref<!tpu.dma_semaphore, #tpu.memory_space<semaphore_mem>>)
        %mul3A_230 = arith.constant 16 : i32
        %mul3A_231 = arith.muli %scan3A_23, %mul3A_230 : i32
        %add3A_232 = arith.constant 1 : i32
        %add3A_233 = arith.addi %mul3A_231, %add3A_232 : i32
        %slice3A_234 = vector.extract_strided_slice %select_n3A {offsets = [1], sizes = [1], strides = [1]} : vector<16xi32> to vector<1xi32>
        %squeeze3A_235 = vector.extract %slice3A_234[0] : i32 from vector<1xi32>
        %slice3A_236 = vector.extract_strided_slice %select_n3A_74 {offsets = [1], sizes = [1], strides = [1]} : vector<16xi32> to vector<1xi32>
        %squeeze3A_237 = vector.extract %slice3A_236[0] : i32 from vector<1xi32>
        %dma_start3A_238 = arith.constant 0 : i32
        %dma_start3A_239 = arith.constant 0 : i32
        %dma_start3A_240 = tpu.memref_slice %arg11[%add3A_233, %dma_start3A_238, %dma_start3A_239] : memref<256x1x64xf32, #tpu.memory_space<vmem>> -> memref<1x1x64xf32, #tpu.memory_space<vmem>>
        %dma_start3A_241 = tpu.memref_reshape %arg5 : memref<1000000x64xf32, #tpu.memory_space<hbm>> -> memref<125000x8x64xf32, #tpu.memory_space<hbm>>
        %dma_start3A_242 = arith.constant 0 : i32
        %dma_start3A_243 = tpu.memref_slice %dma_start3A_241[%squeeze3A_235, %squeeze3A_237, %dma_start3A_242] : memref<125000x8x64xf32, #tpu.memory_space<hbm>> -> memref<1x1x64xf32, #tpu.memory_space<hbm>>
        %dma_start3A_244 = arith.constant 0 : i32
        %dma_start3A_245 = arith.constant 0 : i32
        %dma_start3A_246 = tpu.memref_slice %arg11[%add3A_233, %dma_start3A_244, %dma_start3A_245] : memref<256x1x64xf32, #tpu.memory_space<vmem>> -> memref<1x1x64xf32, #tpu.memory_space<vmem>>
        %dma_start3A_247 = tpu.memref_reshape %arg5 : memref<1000000x64xf32, #tpu.memory_space<hbm>> -> memref<125000x8x64xf32, #tpu.memory_space<hbm>>
        %dma_start3A_248 = arith.constant 0 : i32
        %dma_start3A_249 = tpu.memref_slice %dma_start3A_247[%squeeze3A_235, %squeeze3A_237, %dma_start3A_248] : memref<125000x8x64xf32, #tpu.memory_space<hbm>> -> memref<1x1x64xf32, #tpu.memory_space<hbm>>
        tpu.enqueue_dma source(%dma_start3A_249 : memref<1x1x64xf32, #tpu.memory_space<hbm>>) target(%dma_start3A_246 : memref<1x1x64xf32, #tpu.memory_space<vmem>>) target_semaphore(%arg15 : memref<!tpu.dma_semaphore, #tpu.memory_space<semaphore_mem>>)
        %slice3A_250 = vector.extract_strided_slice %select_n3A_158 {offsets = [1], sizes = [1], strides = [1]} : vector<16xi32> to vector<1xi32>
        %squeeze3A_251 = vector.extract %slice3A_250[0] : i32 from vector<1xi32>
        %slice3A_252 = vector.extract_strided_slice %select_n3A_180 {offsets = [1], sizes = [1], strides = [1]} : vector<16xi32> to vector<1xi32>
        %squeeze3A_253 = vector.extract %slice3A_252[0] : i32 from vector<1xi32>
        %dma_start3A_254 = arith.constant 0 : i32
        %dma_start3A_255 = arith.constant 0 : i32
        %dma_start3A_256 = tpu.memref_slice %arg13[%add3A_233, %dma_start3A_254, %dma_start3A_255] : memref<256x1x64xf32, #tpu.memory_space<vmem>> -> memref<1x1x64xf32, #tpu.memory_space<vmem>>
        %dma_start3A_257 = tpu.memref_reshape %arg5 : memref<1000000x64xf32, #tpu.memory_space<hbm>> -> memref<125000x8x64xf32, #tpu.memory_space<hbm>>
        %dma_start3A_258 = arith.constant 0 : i32
        %dma_start3A_259 = tpu.memref_slice %dma_start3A_257[%squeeze3A_251, %squeeze3A_253, %dma_start3A_258] : memref<125000x8x64xf32, #tpu.memory_space<hbm>> -> memref<1x1x64xf32, #tpu.memory_space<hbm>>
        %dma_start3A_260 = arith.constant 0 : i32
        %dma_start3A_261 = arith.constant 0 : i32
        %dma_start3A_262 = tpu.memref_slice %arg13[%add3A_233, %dma_start3A_260, %dma_start3A_261] : memref<256x1x64xf32, #tpu.memory_space<vmem>> -> memref<1x1x64xf32, #tpu.memory_space<vmem>>
        %dma_start3A_263 = tpu.memref_reshape %arg5 : memref<1000000x64xf32, #tpu.memory_space<hbm>> -> memref<125000x8x64xf32, #tpu.memory_space<hbm>>
        %dma_start3A_264 = arith.constant 0 : i32
        %dma_start3A_265 = tpu.memref_slice %dma_start3A_263[%squeeze3A_251, %squeeze3A_253, %dma_start3A_264] : memref<125000x8x64xf32, #tpu.memory_space<hbm>> -> memref<1x1x64xf32, #tpu.memory_space<hbm>>
        tpu.enqueue_dma source(%dma_start3A_265 : memref<1x1x64xf32, #tpu.memory_space<hbm>>) target(%dma_start3A_262 : memref<1x1x64xf32, #tpu.memory_space<vmem>>) target_semaphore(%arg15 : memref<!tpu.dma_semaphore, #tpu.memory_space<semaphore_mem>>)
        %slice3A_266 = vector.extract_strided_slice %select_n3A_105 {offsets = [1], sizes = [1], strides = [1]} : vector<16xi32> to vector<1xi32>
        %squeeze3A_267 = vector.extract %slice3A_266[0] : i32 from vector<1xi32>
        %slice3A_268 = vector.extract_strided_slice %select_n3A_127 {offsets = [1], sizes = [1], strides = [1]} : vector<16xi32> to vector<1xi32>
        %squeeze3A_269 = vector.extract %slice3A_268[0] : i32 from vector<1xi32>
        %dma_start3A_270 = arith.constant 0 : i32
        %dma_start3A_271 = arith.constant 0 : i32
        %dma_start3A_272 = tpu.memref_slice %arg12[%add3A_233, %dma_start3A_270, %dma_start3A_271] : memref<256x1x64xf32, #tpu.memory_space<vmem>> -> memref<1x1x64xf32, #tpu.memory_space<vmem>>
        %dma_start3A_273 = tpu.memref_reshape %arg6 : memref<1000x64xf32, #tpu.memory_space<hbm>> -> memref<125x8x64xf32, #tpu.memory_space<hbm>>
        %dma_start3A_274 = arith.constant 0 : i32
        %dma_start3A_275 = tpu.memref_slice %dma_start3A_273[%squeeze3A_267, %squeeze3A_269, %dma_start3A_274] : memref<125x8x64xf32, #tpu.memory_space<hbm>> -> memref<1x1x64xf32, #tpu.memory_space<hbm>>
        %dma_start3A_276 = arith.constant 0 : i32
        %dma_start3A_277 = arith.constant 0 : i32
        %dma_start3A_278 = tpu.memref_slice %arg12[%add3A_233, %dma_start3A_276, %dma_start3A_277] : memref<256x1x64xf32, #tpu.memory_space<vmem>> -> memref<1x1x64xf32, #tpu.memory_space<vmem>>
        %dma_start3A_279 = tpu.memref_reshape %arg6 : memref<1000x64xf32, #tpu.memory_space<hbm>> -> memref<125x8x64xf32, #tpu.memory_space<hbm>>
        %dma_start3A_280 = arith.constant 0 : i32
        %dma_start3A_281 = tpu.memref_slice %dma_start3A_279[%squeeze3A_267, %squeeze3A_269, %dma_start3A_280] : memref<125x8x64xf32, #tpu.memory_space<hbm>> -> memref<1x1x64xf32, #tpu.memory_space<hbm>>
        tpu.enqueue_dma source(%dma_start3A_281 : memref<1x1x64xf32, #tpu.memory_space<hbm>>) target(%dma_start3A_278 : memref<1x1x64xf32, #tpu.memory_space<vmem>>) target_semaphore(%arg15 : memref<!tpu.dma_semaphore, #tpu.memory_space<semaphore_mem>>)
        %mul3A_282 = arith.constant 16 : i32
        %mul3A_283 = arith.muli %scan3A_23, %mul3A_282 : i32
        %add3A_284 = arith.constant 2 : i32
        %add3A_285 = arith.addi %mul3A_283, %add3A_284 : i32
        %slice3A_286 = vector.extract_strided_slice %select_n3A {offsets = [2], sizes = [1], strides = [1]} : vector<16xi32> to vector<1xi32>
        %squeeze3A_287 = vector.extract %slice3A_286[0] : i32 from vector<1xi32>
        %slice3A_288 = vector.extract_strided_slice %select_n3A_74 {offsets = [2], sizes = [1], strides = [1]} : vector<16xi32> to vector<1xi32>
        %squeeze3A_289 = vector.extract %slice3A_288[0] : i32 from vector<1xi32>
        %dma_start3A_290 = arith.constant 0 : i32
        %dma_start3A_291 = arith.constant 0 : i32
        %dma_start3A_292 = tpu.memref_slice %arg11[%add3A_285, %dma_start3A_290, %dma_start3A_291] : memref<256x1x64xf32, #tpu.memory_space<vmem>> -> memref<1x1x64xf32, #tpu.memory_space<vmem>>
        %dma_start3A_293 = tpu.memref_reshape %arg5 : memref<1000000x64xf32, #tpu.memory_space<hbm>> -> memref<125000x8x64xf32, #tpu.memory_space<hbm>>
        %dma_start3A_294 = arith.constant 0 : i32
        %dma_start3A_295 = tpu.memref_slice %dma_start3A_293[%squeeze3A_287, %squeeze3A_289, %dma_start3A_294] : memref<125000x8x64xf32, #tpu.memory_space<hbm>> -> memref<1x1x64xf32, #tpu.memory_space<hbm>>
        %dma_start3A_296 = arith.constant 0 : i32
        %dma_start3A_297 = arith.constant 0 : i32
        %dma_start3A_298 = tpu.memref_slice %arg11[%add3A_285, %dma_start3A_296, %dma_start3A_297] : memref<256x1x64xf32, #tpu.memory_space<vmem>> -> memref<1x1x64xf32, #tpu.memory_space<vmem>>
        %dma_start3A_299 = tpu.memref_reshape %arg5 : memref<1000000x64xf32, #tpu.memory_space<hbm>> -> memref<125000x8x64xf32, #tpu.memory_space<hbm>>
        %dma_start3A_300 = arith.constant 0 : i32
        %dma_start3A_301 = tpu.memref_slice %dma_start3A_299[%squeeze3A_287, %squeeze3A_289, %dma_start3A_300] : memref<125000x8x64xf32, #tpu.memory_space<hbm>> -> memref<1x1x64xf32, #tpu.memory_space<hbm>>
        tpu.enqueue_dma source(%dma_start3A_301 : memref<1x1x64xf32, #tpu.memory_space<hbm>>) target(%dma_start3A_298 : memref<1x1x64xf32, #tpu.memory_space<vmem>>) target_semaphore(%arg15 : memref<!tpu.dma_semaphore, #tpu.memory_space<semaphore_mem>>)
        %slice3A_302 = vector.extract_strided_slice %select_n3A_158 {offsets = [2], sizes = [1], strides = [1]} : vector<16xi32> to vector<1xi32>
        %squeeze3A_303 = vector.extract %slice3A_302[0] : i32 from vector<1xi32>
        %slice3A_304 = vector.extract_strided_slice %select_n3A_180 {offsets = [2], sizes = [1], strides = [1]} : vector<16xi32> to vector<1xi32>
        %squeeze3A_305 = vector.extract %slice3A_304[0] : i32 from vector<1xi32>
        %dma_start3A_306 = arith.constant 0 : i32
        %dma_start3A_307 = arith.constant 0 : i32
        %dma_start3A_308 = tpu.memref_slice %arg13[%add3A_285, %dma_start3A_306, %dma_start3A_307] : memref<256x1x64xf32, #tpu.memory_space<vmem>> -> memref<1x1x64xf32, #tpu.memory_space<vmem>>
        %dma_start3A_309 = tpu.memref_reshape %arg5 : memref<1000000x64xf32, #tpu.memory_space<hbm>> -> memref<125000x8x64xf32, #tpu.memory_space<hbm>>
        %dma_start3A_310 = arith.constant 0 : i32
        %dma_start3A_311 = tpu.memref_slice %dma_start3A_309[%squeeze3A_303, %squeeze3A_305, %dma_start3A_310] : memref<125000x8x64xf32, #tpu.memory_space<hbm>> -> memref<1x1x64xf32, #tpu.memory_space<hbm>>
        %dma_start3A_312 = arith.constant 0 : i32
        %dma_start3A_313 = arith.constant 0 : i32
        %dma_start3A_314 = tpu.memref_slice %arg13[%add3A_285, %dma_start3A_312, %dma_start3A_313] : memref<256x1x64xf32, #tpu.memory_space<vmem>> -> memref<1x1x64xf32, #tpu.memory_space<vmem>>
        %dma_start3A_315 = tpu.memref_reshape %arg5 : memref<1000000x64xf32, #tpu.memory_space<hbm>> -> memref<125000x8x64xf32, #tpu.memory_space<hbm>>
        %dma_start3A_316 = arith.constant 0 : i32
        %dma_start3A_317 = tpu.memref_slice %dma_start3A_315[%squeeze3A_303, %squeeze3A_305, %dma_start3A_316] : memref<125000x8x64xf32, #tpu.memory_space<hbm>> -> memref<1x1x64xf32, #tpu.memory_space<hbm>>
        tpu.enqueue_dma source(%dma_start3A_317 : memref<1x1x64xf32, #tpu.memory_space<hbm>>) target(%dma_start3A_314 : memref<1x1x64xf32, #tpu.memory_space<vmem>>) target_semaphore(%arg15 : memref<!tpu.dma_semaphore, #tpu.memory_space<semaphore_mem>>)
        %slice3A_318 = vector.extract_strided_slice %select_n3A_105 {offsets = [2], sizes = [1], strides = [1]} : vector<16xi32> to vector<1xi32>
        %squeeze3A_319 = vector.extract %slice3A_318[0] : i32 from vector<1xi32>
        %slice3A_320 = vector.extract_strided_slice %select_n3A_127 {offsets = [2], sizes = [1], strides = [1]} : vector<16xi32> to vector<1xi32>
        %squeeze3A_321 = vector.extract %slice3A_320[0] : i32 from vector<1xi32>
        %dma_start3A_322 = arith.constant 0 : i32
        %dma_start3A_323 = arith.constant 0 : i32
        %dma_start3A_324 = tpu.memref_slice %arg12[%add3A_285, %dma_start3A_322, %dma_start3A_323] : memref<256x1x64xf32, #tpu.memory_space<vmem>> -> memref<1x1x64xf32, #tpu.memory_space<vmem>>
        %dma_start3A_325 = tpu.memref_reshape %arg6 : memref<1000x64xf32, #tpu.memory_space<hbm>> -> memref<125x8x64xf32, #tpu.memory_space<hbm>>
        %dma_start3A_326 = arith.constant 0 : i32
        %dma_start3A_327 = tpu.memref_slice %dma_start3A_325[%squeeze3A_319, %squeeze3A_321, %dma_start3A_326] : memref<125x8x64xf32, #tpu.memory_space<hbm>> -> memref<1x1x64xf32, #tpu.memory_space<hbm>>
        %dma_start3A_328 = arith.constant 0 : i32
        %dma_start3A_329 = arith.constant 0 : i32
        %dma_start3A_330 = tpu.memref_slice %arg12[%add3A_285, %dma_start3A_328, %dma_start3A_329] : memref<256x1x64xf32, #tpu.memory_space<vmem>> -> memref<1x1x64xf32, #tpu.memory_space<vmem>>
        %dma_start3A_331 = tpu.memref_reshape %arg6 : memref<1000x64xf32, #tpu.memory_space<hbm>> -> memref<125x8x64xf32, #tpu.memory_space<hbm>>
        %dma_start3A_332 = arith.constant 0 : i32
        %dma_start3A_333 = tpu.memref_slice %dma_start3A_331[%squeeze3A_319, %squeeze3A_321, %dma_start3A_332] : memref<125x8x64xf32, #tpu.memory_space<hbm>> -> memref<1x1x64xf32, #tpu.memory_space<hbm>>
        tpu.enqueue_dma source(%dma_start3A_333 : memref<1x1x64xf32, #tpu.memory_space<hbm>>) target(%dma_start3A_330 : memref<1x1x64xf32, #tpu.memory_space<vmem>>) target_semaphore(%arg15 : memref<!tpu.dma_semaphore, #tpu.memory_space<semaphore_mem>>)
        %mul3A_334 = arith.constant 16 : i32
        %mul3A_335 = arith.muli %scan3A_23, %mul3A_334 : i32
        %add3A_336 = arith.constant 3 : i32
        %add3A_337 = arith.addi %mul3A_335, %add3A_336 : i32
        %slice3A_338 = vector.extract_strided_slice %select_n3A {offsets = [3], sizes = [1], strides = [1]} : vector<16xi32> to vector<1xi32>
        %squeeze3A_339 = vector.extract %slice3A_338[0] : i32 from vector<1xi32>
        %slice3A_340 = vector.extract_strided_slice %select_n3A_74 {offsets = [3], sizes = [1], strides = [1]} : vector<16xi32> to vector<1xi32>
        %squeeze3A_341 = vector.extract %slice3A_340[0] : i32 from vector<1xi32>
        %dma_start3A_342 = arith.constant 0 : i32
        %dma_start3A_343 = arith.constant 0 : i32
        %dma_start3A_344 = tpu.memref_slice %arg11[%add3A_337, %dma_start3A_342, %dma_start3A_343] : memref<256x1x64xf32, #tpu.memory_space<vmem>> -> memref<1x1x64xf32, #tpu.memory_space<vmem>>
        %dma_start3A_345 = tpu.memref_reshape %arg5 : memref<1000000x64xf32, #tpu.memory_space<hbm>> -> memref<125000x8x64xf32, #tpu.memory_space<hbm>>
        %dma_start3A_346 = arith.constant 0 : i32
        %dma_start3A_347 = tpu.memref_slice %dma_start3A_345[%squeeze3A_339, %squeeze3A_341, %dma_start3A_346] : memref<125000x8x64xf32, #tpu.memory_space<hbm>> -> memref<1x1x64xf32, #tpu.memory_space<hbm>>
        %dma_start3A_348 = arith.constant 0 : i32
        %dma_start3A_349 = arith.constant 0 : i32
        %dma_start3A_350 = tpu.memref_slice %arg11[%add3A_337, %dma_start3A_348, %dma_start3A_349] : memref<256x1x64xf32, #tpu.memory_space<vmem>> -> memref<1x1x64xf32, #tpu.memory_space<vmem>>
        %dma_start3A_351 = tpu.memref_reshape %arg5 : memref<1000000x64xf32, #tpu.memory_space<hbm>> -> memref<125000x8x64xf32, #tpu.memory_space<hbm>>
        %dma_start3A_352 = arith.constant 0 : i32
        %dma_start3A_353 = tpu.memref_slice %dma_start3A_351[%squeeze3A_339, %squeeze3A_341, %dma_start3A_352] : memref<125000x8x64xf32, #tpu.memory_space<hbm>> -> memref<1x1x64xf32, #tpu.memory_space<hbm>>
        tpu.enqueue_dma source(%dma_start3A_353 : memref<1x1x64xf32, #tpu.memory_space<hbm>>) target(%dma_start3A_350 : memref<1x1x64xf32, #tpu.memory_space<vmem>>) target_semaphore(%arg15 : memref<!tpu.dma_semaphore, #tpu.memory_space<semaphore_mem>>)
        %slice3A_354 = vector.extract_strided_slice %select_n3A_158 {offsets = [3], sizes = [1], strides = [1]} : vector<16xi32> to vector<1xi32>
        %squeeze3A_355 = vector.extract %slice3A_354[0] : i32 from vector<1xi32>
        %slice3A_356 = vector.extract_strided_slice %select_n3A_180 {offsets = [3], sizes = [1], strides = [1]} : vector<16xi32> to vector<1xi32>
        %squeeze3A_357 = vector.extract %slice3A_356[0] : i32 from vector<1xi32>
        %dma_start3A_358 = arith.constant 0 : i32
        %dma_start3A_359 = arith.constant 0 : i32
        %dma_start3A_360 = tpu.memref_slice %arg13[%add3A_337, %dma_start3A_358, %dma_start3A_359] : memref<256x1x64xf32, #tpu.memory_space<vmem>> -> memref<1x1x64xf32, #tpu.memory_space<vmem>>
        %dma_start3A_361 = tpu.memref_reshape %arg5 : memref<1000000x64xf32, #tpu.memory_space<hbm>> -> memref<125000x8x64xf32, #tpu.memory_space<hbm>>
        %dma_start3A_362 = arith.constant 0 : i32
        %dma_start3A_363 = tpu.memref_slice %dma_start3A_361[%squeeze3A_355, %squeeze3A_357, %dma_start3A_362] : memref<125000x8x64xf32, #tpu.memory_space<hbm>> -> memref<1x1x64xf32, #tpu.memory_space<hbm>>
        %dma_start3A_364 = arith.constant 0 : i32
        %dma_start3A_365 = arith.constant 0 : i32
        %dma_start3A_366 = tpu.memref_slice %arg13[%add3A_337, %dma_start3A_364, %dma_start3A_365] : memref<256x1x64xf32, #tpu.memory_space<vmem>> -> memref<1x1x64xf32, #tpu.memory_space<vmem>>
        %dma_start3A_367 = tpu.memref_reshape %arg5 : memref<1000000x64xf32, #tpu.memory_space<hbm>> -> memref<125000x8x64xf32, #tpu.memory_space<hbm>>
        %dma_start3A_368 = arith.constant 0 : i32
        %dma_start3A_369 = tpu.memref_slice %dma_start3A_367[%squeeze3A_355, %squeeze3A_357, %dma_start3A_368] : memref<125000x8x64xf32, #tpu.memory_space<hbm>> -> memref<1x1x64xf32, #tpu.memory_space<hbm>>
        tpu.enqueue_dma source(%dma_start3A_369 : memref<1x1x64xf32, #tpu.memory_space<hbm>>) target(%dma_start3A_366 : memref<1x1x64xf32, #tpu.memory_space<vmem>>) target_semaphore(%arg15 : memref<!tpu.dma_semaphore, #tpu.memory_space<semaphore_mem>>)
        %slice3A_370 = vector.extract_strided_slice %select_n3A_105 {offsets = [3], sizes = [1], strides = [1]} : vector<16xi32> to vector<1xi32>
        %squeeze3A_371 = vector.extract %slice3A_370[0] : i32 from vector<1xi32>
        %slice3A_372 = vector.extract_strided_slice %select_n3A_127 {offsets = [3], sizes = [1], strides = [1]} : vector<16xi32> to vector<1xi32>
        %squeeze3A_373 = vector.extract %slice3A_372[0] : i32 from vector<1xi32>
        %dma_start3A_374 = arith.constant 0 : i32
        %dma_start3A_375 = arith.constant 0 : i32
        %dma_start3A_376 = tpu.memref_slice %arg12[%add3A_337, %dma_start3A_374, %dma_start3A_375] : memref<256x1x64xf32, #tpu.memory_space<vmem>> -> memref<1x1x64xf32, #tpu.memory_space<vmem>>
        %dma_start3A_377 = tpu.memref_reshape %arg6 : memref<1000x64xf32, #tpu.memory_space<hbm>> -> memref<125x8x64xf32, #tpu.memory_space<hbm>>
        %dma_start3A_378 = arith.constant 0 : i32
        %dma_start3A_379 = tpu.memref_slice %dma_start3A_377[%squeeze3A_371, %squeeze3A_373, %dma_start3A_378] : memref<125x8x64xf32, #tpu.memory_space<hbm>> -> memref<1x1x64xf32, #tpu.memory_space<hbm>>
        %dma_start3A_380 = arith.constant 0 : i32
        %dma_start3A_381 = arith.constant 0 : i32
        %dma_start3A_382 = tpu.memref_slice %arg12[%add3A_337, %dma_start3A_380, %dma_start3A_381] : memref<256x1x64xf32, #tpu.memory_space<vmem>> -> memref<1x1x64xf32, #tpu.memory_space<vmem>>
        %dma_start3A_383 = tpu.memref_reshape %arg6 : memref<1000x64xf32, #tpu.memory_space<hbm>> -> memref<125x8x64xf32, #tpu.memory_space<hbm>>
        %dma_start3A_384 = arith.constant 0 : i32
        %dma_start3A_385 = tpu.memref_slice %dma_start3A_383[%squeeze3A_371, %squeeze3A_373, %dma_start3A_384] : memref<125x8x64xf32, #tpu.memory_space<hbm>> -> memref<1x1x64xf32, #tpu.memory_space<hbm>>
        tpu.enqueue_dma source(%dma_start3A_385 : memref<1x1x64xf32, #tpu.memory_space<hbm>>) target(%dma_start3A_382 : memref<1x1x64xf32, #tpu.memory_space<vmem>>) target_semaphore(%arg15 : memref<!tpu.dma_semaphore, #tpu.memory_space<semaphore_mem>>)
        %mul3A_386 = arith.constant 16 : i32
        %mul3A_387 = arith.muli %scan3A_23, %mul3A_386 : i32
        %add3A_388 = arith.constant 4 : i32
        %add3A_389 = arith.addi %mul3A_387, %add3A_388 : i32
        %slice3A_390 = vector.extract_strided_slice %select_n3A {offsets = [4], sizes = [1], strides = [1]} : vector<16xi32> to vector<1xi32>
        %squeeze3A_391 = vector.extract %slice3A_390[0] : i32 from vector<1xi32>
        %slice3A_392 = vector.extract_strided_slice %select_n3A_74 {offsets = [4], sizes = [1], strides = [1]} : vector<16xi32> to vector<1xi32>
        %squeeze3A_393 = vector.extract %slice3A_392[0] : i32 from vector<1xi32>
        %dma_start3A_394 = arith.constant 0 : i32
        %dma_start3A_395 = arith.constant 0 : i32
        %dma_start3A_396 = tpu.memref_slice %arg11[%add3A_389, %dma_start3A_394, %dma_start3A_395] : memref<256x1x64xf32, #tpu.memory_space<vmem>> -> memref<1x1x64xf32, #tpu.memory_space<vmem>>
        %dma_start3A_397 = tpu.memref_reshape %arg5 : memref<1000000x64xf32, #tpu.memory_space<hbm>> -> memref<125000x8x64xf32, #tpu.memory_space<hbm>>
        %dma_start3A_398 = arith.constant 0 : i32
        %dma_start3A_399 = tpu.memref_slice %dma_start3A_397[%squeeze3A_391, %squeeze3A_393, %dma_start3A_398] : memref<125000x8x64xf32, #tpu.memory_space<hbm>> -> memref<1x1x64xf32, #tpu.memory_space<hbm>>
        %dma_start3A_400 = arith.constant 0 : i32
        %dma_start3A_401 = arith.constant 0 : i32
        %dma_start3A_402 = tpu.memref_slice %arg11[%add3A_389, %dma_start3A_400, %dma_start3A_401] : memref<256x1x64xf32, #tpu.memory_space<vmem>> -> memref<1x1x64xf32, #tpu.memory_space<vmem>>
        %dma_start3A_403 = tpu.memref_reshape %arg5 : memref<1000000x64xf32, #tpu.memory_space<hbm>> -> memref<125000x8x64xf32, #tpu.memory_space<hbm>>
        %dma_start3A_404 = arith.constant 0 : i32
        %dma_start3A_405 = tpu.memref_slice %dma_start3A_403[%squeeze3A_391, %squeeze3A_393, %dma_start3A_404] : memref<125000x8x64xf32, #tpu.memory_space<hbm>> -> memref<1x1x64xf32, #tpu.memory_space<hbm>>
        tpu.enqueue_dma source(%dma_start3A_405 : memref<1x1x64xf32, #tpu.memory_space<hbm>>) target(%dma_start3A_402 : memref<1x1x64xf32, #tpu.memory_space<vmem>>) target_semaphore(%arg15 : memref<!tpu.dma_semaphore, #tpu.memory_space<semaphore_mem>>)
        %slice3A_406 = vector.extract_strided_slice %select_n3A_158 {offsets = [4], sizes = [1], strides = [1]} : vector<16xi32> to vector<1xi32>
        %squeeze3A_407 = vector.extract %slice3A_406[0] : i32 from vector<1xi32>
        %slice3A_408 = vector.extract_strided_slice %select_n3A_180 {offsets = [4], sizes = [1], strides = [1]} : vector<16xi32> to vector<1xi32>
        %squeeze3A_409 = vector.extract %slice3A_408[0] : i32 from vector<1xi32>
        %dma_start3A_410 = arith.constant 0 : i32
        %dma_start3A_411 = arith.constant 0 : i32
        %dma_start3A_412 = tpu.memref_slice %arg13[%add3A_389, %dma_start3A_410, %dma_start3A_411] : memref<256x1x64xf32, #tpu.memory_space<vmem>> -> memref<1x1x64xf32, #tpu.memory_space<vmem>>
        %dma_start3A_413 = tpu.memref_reshape %arg5 : memref<1000000x64xf32, #tpu.memory_space<hbm>> -> memref<125000x8x64xf32, #tpu.memory_space<hbm>>
        %dma_start3A_414 = arith.constant 0 : i32
        %dma_start3A_415 = tpu.memref_slice %dma_start3A_413[%squeeze3A_407, %squeeze3A_409, %dma_start3A_414] : memref<125000x8x64xf32, #tpu.memory_space<hbm>> -> memref<1x1x64xf32, #tpu.memory_space<hbm>>
        %dma_start3A_416 = arith.constant 0 : i32
        %dma_start3A_417 = arith.constant 0 : i32
        %dma_start3A_418 = tpu.memref_slice %arg13[%add3A_389, %dma_start3A_416, %dma_start3A_417] : memref<256x1x64xf32, #tpu.memory_space<vmem>> -> memref<1x1x64xf32, #tpu.memory_space<vmem>>
        %dma_start3A_419 = tpu.memref_reshape %arg5 : memref<1000000x64xf32, #tpu.memory_space<hbm>> -> memref<125000x8x64xf32, #tpu.memory_space<hbm>>
        %dma_start3A_420 = arith.constant 0 : i32
        %dma_start3A_421 = tpu.memref_slice %dma_start3A_419[%squeeze3A_407, %squeeze3A_409, %dma_start3A_420] : memref<125000x8x64xf32, #tpu.memory_space<hbm>> -> memref<1x1x64xf32, #tpu.memory_space<hbm>>
        tpu.enqueue_dma source(%dma_start3A_421 : memref<1x1x64xf32, #tpu.memory_space<hbm>>) target(%dma_start3A_418 : memref<1x1x64xf32, #tpu.memory_space<vmem>>) target_semaphore(%arg15 : memref<!tpu.dma_semaphore, #tpu.memory_space<semaphore_mem>>)
        %slice3A_422 = vector.extract_strided_slice %select_n3A_105 {offsets = [4], sizes = [1], strides = [1]} : vector<16xi32> to vector<1xi32>
        %squeeze3A_423 = vector.extract %slice3A_422[0] : i32 from vector<1xi32>
        %slice3A_424 = vector.extract_strided_slice %select_n3A_127 {offsets = [4], sizes = [1], strides = [1]} : vector<16xi32> to vector<1xi32>
        %squeeze3A_425 = vector.extract %slice3A_424[0] : i32 from vector<1xi32>
        %dma_start3A_426 = arith.constant 0 : i32
        %dma_start3A_427 = arith.constant 0 : i32
        %dma_start3A_428 = tpu.memref_slice %arg12[%add3A_389, %dma_start3A_426, %dma_start3A_427] : memref<256x1x64xf32, #tpu.memory_space<vmem>> -> memref<1x1x64xf32, #tpu.memory_space<vmem>>
        %dma_start3A_429 = tpu.memref_reshape %arg6 : memref<1000x64xf32, #tpu.memory_space<hbm>> -> memref<125x8x64xf32, #tpu.memory_space<hbm>>
        %dma_start3A_430 = arith.constant 0 : i32
        %dma_start3A_431 = tpu.memref_slice %dma_start3A_429[%squeeze3A_423, %squeeze3A_425, %dma_start3A_430] : memref<125x8x64xf32, #tpu.memory_space<hbm>> -> memref<1x1x64xf32, #tpu.memory_space<hbm>>
        %dma_start3A_432 = arith.constant 0 : i32
        %dma_start3A_433 = arith.constant 0 : i32
        %dma_start3A_434 = tpu.memref_slice %arg12[%add3A_389, %dma_start3A_432, %dma_start3A_433] : memref<256x1x64xf32, #tpu.memory_space<vmem>> -> memref<1x1x64xf32, #tpu.memory_space<vmem>>
        %dma_start3A_435 = tpu.memref_reshape %arg6 : memref<1000x64xf32, #tpu.memory_space<hbm>> -> memref<125x8x64xf32, #tpu.memory_space<hbm>>
        %dma_start3A_436 = arith.constant 0 : i32
        %dma_start3A_437 = tpu.memref_slice %dma_start3A_435[%squeeze3A_423, %squeeze3A_425, %dma_start3A_436] : memref<125x8x64xf32, #tpu.memory_space<hbm>> -> memref<1x1x64xf32, #tpu.memory_space<hbm>>
        tpu.enqueue_dma source(%dma_start3A_437 : memref<1x1x64xf32, #tpu.memory_space<hbm>>) target(%dma_start3A_434 : memref<1x1x64xf32, #tpu.memory_space<vmem>>) target_semaphore(%arg15 : memref<!tpu.dma_semaphore, #tpu.memory_space<semaphore_mem>>)
        %mul3A_438 = arith.constant 16 : i32
        %mul3A_439 = arith.muli %scan3A_23, %mul3A_438 : i32
        %add3A_440 = arith.constant 5 : i32
        %add3A_441 = arith.addi %mul3A_439, %add3A_440 : i32
        %slice3A_442 = vector.extract_strided_slice %select_n3A {offsets = [5], sizes = [1], strides = [1]} : vector<16xi32> to vector<1xi32>
        %squeeze3A_443 = vector.extract %slice3A_442[0] : i32 from vector<1xi32>
        %slice3A_444 = vector.extract_strided_slice %select_n3A_74 {offsets = [5], sizes = [1], strides = [1]} : vector<16xi32> to vector<1xi32>
        %squeeze3A_445 = vector.extract %slice3A_444[0] : i32 from vector<1xi32>
        %dma_start3A_446 = arith.constant 0 : i32
        %dma_start3A_447 = arith.constant 0 : i32
        %dma_start3A_448 = tpu.memref_slice %arg11[%add3A_441, %dma_start3A_446, %dma_start3A_447] : memref<256x1x64xf32, #tpu.memory_space<vmem>> -> memref<1x1x64xf32, #tpu.memory_space<vmem>>
        %dma_start3A_449 = tpu.memref_reshape %arg5 : memref<1000000x64xf32, #tpu.memory_space<hbm>> -> memref<125000x8x64xf32, #tpu.memory_space<hbm>>
        %dma_start3A_450 = arith.constant 0 : i32
        %dma_start3A_451 = tpu.memref_slice %dma_start3A_449[%squeeze3A_443, %squeeze3A_445, %dma_start3A_450] : memref<125000x8x64xf32, #tpu.memory_space<hbm>> -> memref<1x1x64xf32, #tpu.memory_space<hbm>>
        %dma_start3A_452 = arith.constant 0 : i32
        %dma_start3A_453 = arith.constant 0 : i32
        %dma_start3A_454 = tpu.memref_slice %arg11[%add3A_441, %dma_start3A_452, %dma_start3A_453] : memref<256x1x64xf32, #tpu.memory_space<vmem>> -> memref<1x1x64xf32, #tpu.memory_space<vmem>>
        %dma_start3A_455 = tpu.memref_reshape %arg5 : memref<1000000x64xf32, #tpu.memory_space<hbm>> -> memref<125000x8x64xf32, #tpu.memory_space<hbm>>
        %dma_start3A_456 = arith.constant 0 : i32
        %dma_start3A_457 = tpu.memref_slice %dma_start3A_455[%squeeze3A_443, %squeeze3A_445, %dma_start3A_456] : memref<125000x8x64xf32, #tpu.memory_space<hbm>> -> memref<1x1x64xf32, #tpu.memory_space<hbm>>
        tpu.enqueue_dma source(%dma_start3A_457 : memref<1x1x64xf32, #tpu.memory_space<hbm>>) target(%dma_start3A_454 : memref<1x1x64xf32, #tpu.memory_space<vmem>>) target_semaphore(%arg15 : memref<!tpu.dma_semaphore, #tpu.memory_space<semaphore_mem>>)
        %slice3A_458 = vector.extract_strided_slice %select_n3A_158 {offsets = [5], sizes = [1], strides = [1]} : vector<16xi32> to vector<1xi32>
        %squeeze3A_459 = vector.extract %slice3A_458[0] : i32 from vector<1xi32>
        %slice3A_460 = vector.extract_strided_slice %select_n3A_180 {offsets = [5], sizes = [1], strides = [1]} : vector<16xi32> to vector<1xi32>
        %squeeze3A_461 = vector.extract %slice3A_460[0] : i32 from vector<1xi32>
        %dma_start3A_462 = arith.constant 0 : i32
        %dma_start3A_463 = arith.constant 0 : i32
        %dma_start3A_464 = tpu.memref_slice %arg13[%add3A_441, %dma_start3A_462, %dma_start3A_463] : memref<256x1x64xf32, #tpu.memory_space<vmem>> -> memref<1x1x64xf32, #tpu.memory_space<vmem>>
        %dma_start3A_465 = tpu.memref_reshape %arg5 : memref<1000000x64xf32, #tpu.memory_space<hbm>> -> memref<125000x8x64xf32, #tpu.memory_space<hbm>>
        %dma_start3A_466 = arith.constant 0 : i32
        %dma_start3A_467 = tpu.memref_slice %dma_start3A_465[%squeeze3A_459, %squeeze3A_461, %dma_start3A_466] : memref<125000x8x64xf32, #tpu.memory_space<hbm>> -> memref<1x1x64xf32, #tpu.memory_space<hbm>>
        %dma_start3A_468 = arith.constant 0 : i32
        %dma_start3A_469 = arith.constant 0 : i32
        %dma_start3A_470 = tpu.memref_slice %arg13[%add3A_441, %dma_start3A_468, %dma_start3A_469] : memref<256x1x64xf32, #tpu.memory_space<vmem>> -> memref<1x1x64xf32, #tpu.memory_space<vmem>>
        %dma_start3A_471 = tpu.memref_reshape %arg5 : memref<1000000x64xf32, #tpu.memory_space<hbm>> -> memref<125000x8x64xf32, #tpu.memory_space<hbm>>
        %dma_start3A_472 = arith.constant 0 : i32
        %dma_start3A_473 = tpu.memref_slice %dma_start3A_471[%squeeze3A_459, %squeeze3A_461, %dma_start3A_472] : memref<125000x8x64xf32, #tpu.memory_space<hbm>> -> memref<1x1x64xf32, #tpu.memory_space<hbm>>
        tpu.enqueue_dma source(%dma_start3A_473 : memref<1x1x64xf32, #tpu.memory_space<hbm>>) target(%dma_start3A_470 : memref<1x1x64xf32, #tpu.memory_space<vmem>>) target_semaphore(%arg15 : memref<!tpu.dma_semaphore, #tpu.memory_space<semaphore_mem>>)
        %slice3A_474 = vector.extract_strided_slice %select_n3A_105 {offsets = [5], sizes = [1], strides = [1]} : vector<16xi32> to vector<1xi32>
        %squeeze3A_475 = vector.extract %slice3A_474[0] : i32 from vector<1xi32>
        %slice3A_476 = vector.extract_strided_slice %select_n3A_127 {offsets = [5], sizes = [1], strides = [1]} : vector<16xi32> to vector<1xi32>
        %squeeze3A_477 = vector.extract %slice3A_476[0] : i32 from vector<1xi32>
        %dma_start3A_478 = arith.constant 0 : i32
        %dma_start3A_479 = arith.constant 0 : i32
        %dma_start3A_480 = tpu.memref_slice %arg12[%add3A_441, %dma_start3A_478, %dma_start3A_479] : memref<256x1x64xf32, #tpu.memory_space<vmem>> -> memref<1x1x64xf32, #tpu.memory_space<vmem>>
        %dma_start3A_481 = tpu.memref_reshape %arg6 : memref<1000x64xf32, #tpu.memory_space<hbm>> -> memref<125x8x64xf32, #tpu.memory_space<hbm>>
        %dma_start3A_482 = arith.constant 0 : i32
        %dma_start3A_483 = tpu.memref_slice %dma_start3A_481[%squeeze3A_475, %squeeze3A_477, %dma_start3A_482] : memref<125x8x64xf32, #tpu.memory_space<hbm>> -> memref<1x1x64xf32, #tpu.memory_space<hbm>>
        %dma_start3A_484 = arith.constant 0 : i32
        %dma_start3A_485 = arith.constant 0 : i32
        %dma_start3A_486 = tpu.memref_slice %arg12[%add3A_441, %dma_start3A_484, %dma_start3A_485] : memref<256x1x64xf32, #tpu.memory_space<vmem>> -> memref<1x1x64xf32, #tpu.memory_space<vmem>>
        %dma_start3A_487 = tpu.memref_reshape %arg6 : memref<1000x64xf32, #tpu.memory_space<hbm>> -> memref<125x8x64xf32, #tpu.memory_space<hbm>>
        %dma_start3A_488 = arith.constant 0 : i32
        %dma_start3A_489 = tpu.memref_slice %dma_start3A_487[%squeeze3A_475, %squeeze3A_477, %dma_start3A_488] : memref<125x8x64xf32, #tpu.memory_space<hbm>> -> memref<1x1x64xf32, #tpu.memory_space<hbm>>
        tpu.enqueue_dma source(%dma_start3A_489 : memref<1x1x64xf32, #tpu.memory_space<hbm>>) target(%dma_start3A_486 : memref<1x1x64xf32, #tpu.memory_space<vmem>>) target_semaphore(%arg15 : memref<!tpu.dma_semaphore, #tpu.memory_space<semaphore_mem>>)
        %mul3A_490 = arith.constant 16 : i32
        %mul3A_491 = arith.muli %scan3A_23, %mul3A_490 : i32
        %add3A_492 = arith.constant 6 : i32
        %add3A_493 = arith.addi %mul3A_491, %add3A_492 : i32
        %slice3A_494 = vector.extract_strided_slice %select_n3A {offsets = [6], sizes = [1], strides = [1]} : vector<16xi32> to vector<1xi32>
        %squeeze3A_495 = vector.extract %slice3A_494[0] : i32 from vector<1xi32>
        %slice3A_496 = vector.extract_strided_slice %select_n3A_74 {offsets = [6], sizes = [1], strides = [1]} : vector<16xi32> to vector<1xi32>
        %squeeze3A_497 = vector.extract %slice3A_496[0] : i32 from vector<1xi32>
        %dma_start3A_498 = arith.constant 0 : i32
        %dma_start3A_499 = arith.constant 0 : i32
        %dma_start3A_500 = tpu.memref_slice %arg11[%add3A_493, %dma_start3A_498, %dma_start3A_499] : memref<256x1x64xf32, #tpu.memory_space<vmem>> -> memref<1x1x64xf32, #tpu.memory_space<vmem>>
        %dma_start3A_501 = tpu.memref_reshape %arg5 : memref<1000000x64xf32, #tpu.memory_space<hbm>> -> memref<125000x8x64xf32, #tpu.memory_space<hbm>>
        %dma_start3A_502 = arith.constant 0 : i32
        %dma_start3A_503 = tpu.memref_slice %dma_start3A_501[%squeeze3A_495, %squeeze3A_497, %dma_start3A_502] : memref<125000x8x64xf32, #tpu.memory_space<hbm>> -> memref<1x1x64xf32, #tpu.memory_space<hbm>>
        %dma_start3A_504 = arith.constant 0 : i32
        %dma_start3A_505 = arith.constant 0 : i32
        %dma_start3A_506 = tpu.memref_slice %arg11[%add3A_493, %dma_start3A_504, %dma_start3A_505] : memref<256x1x64xf32, #tpu.memory_space<vmem>> -> memref<1x1x64xf32, #tpu.memory_space<vmem>>
        %dma_start3A_507 = tpu.memref_reshape %arg5 : memref<1000000x64xf32, #tpu.memory_space<hbm>> -> memref<125000x8x64xf32, #tpu.memory_space<hbm>>
        %dma_start3A_508 = arith.constant 0 : i32
        %dma_start3A_509 = tpu.memref_slice %dma_start3A_507[%squeeze3A_495, %squeeze3A_497, %dma_start3A_508] : memref<125000x8x64xf32, #tpu.memory_space<hbm>> -> memref<1x1x64xf32, #tpu.memory_space<hbm>>
        tpu.enqueue_dma source(%dma_start3A_509 : memref<1x1x64xf32, #tpu.memory_space<hbm>>) target(%dma_start3A_506 : memref<1x1x64xf32, #tpu.memory_space<vmem>>) target_semaphore(%arg15 : memref<!tpu.dma_semaphore, #tpu.memory_space<semaphore_mem>>)
        %slice3A_510 = vector.extract_strided_slice %select_n3A_158 {offsets = [6], sizes = [1], strides = [1]} : vector<16xi32> to vector<1xi32>
        %squeeze3A_511 = vector.extract %slice3A_510[0] : i32 from vector<1xi32>
        %slice3A_512 = vector.extract_strided_slice %select_n3A_180 {offsets = [6], sizes = [1], strides = [1]} : vector<16xi32> to vector<1xi32>
        %squeeze3A_513 = vector.extract %slice3A_512[0] : i32 from vector<1xi32>
        %dma_start3A_514 = arith.constant 0 : i32
        %dma_start3A_515 = arith.constant 0 : i32
        %dma_start3A_516 = tpu.memref_slice %arg13[%add3A_493, %dma_start3A_514, %dma_start3A_515] : memref<256x1x64xf32, #tpu.memory_space<vmem>> -> memref<1x1x64xf32, #tpu.memory_space<vmem>>
        %dma_start3A_517 = tpu.memref_reshape %arg5 : memref<1000000x64xf32, #tpu.memory_space<hbm>> -> memref<125000x8x64xf32, #tpu.memory_space<hbm>>
        %dma_start3A_518 = arith.constant 0 : i32
        %dma_start3A_519 = tpu.memref_slice %dma_start3A_517[%squeeze3A_511, %squeeze3A_513, %dma_start3A_518] : memref<125000x8x64xf32, #tpu.memory_space<hbm>> -> memref<1x1x64xf32, #tpu.memory_space<hbm>>
        %dma_start3A_520 = arith.constant 0 : i32
        %dma_start3A_521 = arith.constant 0 : i32
        %dma_start3A_522 = tpu.memref_slice %arg13[%add3A_493, %dma_start3A_520, %dma_start3A_521] : memref<256x1x64xf32, #tpu.memory_space<vmem>> -> memref<1x1x64xf32, #tpu.memory_space<vmem>>
        %dma_start3A_523 = tpu.memref_reshape %arg5 : memref<1000000x64xf32, #tpu.memory_space<hbm>> -> memref<125000x8x64xf32, #tpu.memory_space<hbm>>
        %dma_start3A_524 = arith.constant 0 : i32
        %dma_start3A_525 = tpu.memref_slice %dma_start3A_523[%squeeze3A_511, %squeeze3A_513, %dma_start3A_524] : memref<125000x8x64xf32, #tpu.memory_space<hbm>> -> memref<1x1x64xf32, #tpu.memory_space<hbm>>
        tpu.enqueue_dma source(%dma_start3A_525 : memref<1x1x64xf32, #tpu.memory_space<hbm>>) target(%dma_start3A_522 : memref<1x1x64xf32, #tpu.memory_space<vmem>>) target_semaphore(%arg15 : memref<!tpu.dma_semaphore, #tpu.memory_space<semaphore_mem>>)
        %slice3A_526 = vector.extract_strided_slice %select_n3A_105 {offsets = [6], sizes = [1], strides = [1]} : vector<16xi32> to vector<1xi32>
        %squeeze3A_527 = vector.extract %slice3A_526[0] : i32 from vector<1xi32>
        %slice3A_528 = vector.extract_strided_slice %select_n3A_127 {offsets = [6], sizes = [1], strides = [1]} : vector<16xi32> to vector<1xi32>
        %squeeze3A_529 = vector.extract %slice3A_528[0] : i32 from vector<1xi32>
        %dma_start3A_530 = arith.constant 0 : i32
        %dma_start3A_531 = arith.constant 0 : i32
        %dma_start3A_532 = tpu.memref_slice %arg12[%add3A_493, %dma_start3A_530, %dma_start3A_531] : memref<256x1x64xf32, #tpu.memory_space<vmem>> -> memref<1x1x64xf32, #tpu.memory_space<vmem>>
        %dma_start3A_533 = tpu.memref_reshape %arg6 : memref<1000x64xf32, #tpu.memory_space<hbm>> -> memref<125x8x64xf32, #tpu.memory_space<hbm>>
        %dma_start3A_534 = arith.constant 0 : i32
        %dma_start3A_535 = tpu.memref_slice %dma_start3A_533[%squeeze3A_527, %squeeze3A_529, %dma_start3A_534] : memref<125x8x64xf32, #tpu.memory_space<hbm>> -> memref<1x1x64xf32, #tpu.memory_space<hbm>>
        %dma_start3A_536 = arith.constant 0 : i32
        %dma_start3A_537 = arith.constant 0 : i32
        %dma_start3A_538 = tpu.memref_slice %arg12[%add3A_493, %dma_start3A_536, %dma_start3A_537] : memref<256x1x64xf32, #tpu.memory_space<vmem>> -> memref<1x1x64xf32, #tpu.memory_space<vmem>>
        %dma_start3A_539 = tpu.memref_reshape %arg6 : memref<1000x64xf32, #tpu.memory_space<hbm>> -> memref<125x8x64xf32, #tpu.memory_space<hbm>>
        %dma_start3A_540 = arith.constant 0 : i32
        %dma_start3A_541 = tpu.memref_slice %dma_start3A_539[%squeeze3A_527, %squeeze3A_529, %dma_start3A_540] : memref<125x8x64xf32, #tpu.memory_space<hbm>> -> memref<1x1x64xf32, #tpu.memory_space<hbm>>
        tpu.enqueue_dma source(%dma_start3A_541 : memref<1x1x64xf32, #tpu.memory_space<hbm>>) target(%dma_start3A_538 : memref<1x1x64xf32, #tpu.memory_space<vmem>>) target_semaphore(%arg15 : memref<!tpu.dma_semaphore, #tpu.memory_space<semaphore_mem>>)
        %mul3A_542 = arith.constant 16 : i32
        %mul3A_543 = arith.muli %scan3A_23, %mul3A_542 : i32
        %add3A_544 = arith.constant 7 : i32
        %add3A_545 = arith.addi %mul3A_543, %add3A_544 : i32
        %slice3A_546 = vector.extract_strided_slice %select_n3A {offsets = [7], sizes = [1], strides = [1]} : vector<16xi32> to vector<1xi32>
        %squeeze3A_547 = vector.extract %slice3A_546[0] : i32 from vector<1xi32>
        %slice3A_548 = vector.extract_strided_slice %select_n3A_74 {offsets = [7], sizes = [1], strides = [1]} : vector<16xi32> to vector<1xi32>
        %squeeze3A_549 = vector.extract %slice3A_548[0] : i32 from vector<1xi32>
        %dma_start3A_550 = arith.constant 0 : i32
        %dma_start3A_551 = arith.constant 0 : i32
        %dma_start3A_552 = tpu.memref_slice %arg11[%add3A_545, %dma_start3A_550, %dma_start3A_551] : memref<256x1x64xf32, #tpu.memory_space<vmem>> -> memref<1x1x64xf32, #tpu.memory_space<vmem>>
        %dma_start3A_553 = tpu.memref_reshape %arg5 : memref<1000000x64xf32, #tpu.memory_space<hbm>> -> memref<125000x8x64xf32, #tpu.memory_space<hbm>>
        %dma_start3A_554 = arith.constant 0 : i32
        %dma_start3A_555 = tpu.memref_slice %dma_start3A_553[%squeeze3A_547, %squeeze3A_549, %dma_start3A_554] : memref<125000x8x64xf32, #tpu.memory_space<hbm>> -> memref<1x1x64xf32, #tpu.memory_space<hbm>>
        %dma_start3A_556 = arith.constant 0 : i32
        %dma_start3A_557 = arith.constant 0 : i32
        %dma_start3A_558 = tpu.memref_slice %arg11[%add3A_545, %dma_start3A_556, %dma_start3A_557] : memref<256x1x64xf32, #tpu.memory_space<vmem>> -> memref<1x1x64xf32, #tpu.memory_space<vmem>>
        %dma_start3A_559 = tpu.memref_reshape %arg5 : memref<1000000x64xf32, #tpu.memory_space<hbm>> -> memref<125000x8x64xf32, #tpu.memory_space<hbm>>
        %dma_start3A_560 = arith.constant 0 : i32
        %dma_start3A_561 = tpu.memref_slice %dma_start3A_559[%squeeze3A_547, %squeeze3A_549, %dma_start3A_560] : memref<125000x8x64xf32, #tpu.memory_space<hbm>> -> memref<1x1x64xf32, #tpu.memory_space<hbm>>
        tpu.enqueue_dma source(%dma_start3A_561 : memref<1x1x64xf32, #tpu.memory_space<hbm>>) target(%dma_start3A_558 : memref<1x1x64xf32, #tpu.memory_space<vmem>>) target_semaphore(%arg15 : memref<!tpu.dma_semaphore, #tpu.memory_space<semaphore_mem>>)
        %slice3A_562 = vector.extract_strided_slice %select_n3A_158 {offsets = [7], sizes = [1], strides = [1]} : vector<16xi32> to vector<1xi32>
        %squeeze3A_563 = vector.extract %slice3A_562[0] : i32 from vector<1xi32>
        %slice3A_564 = vector.extract_strided_slice %select_n3A_180 {offsets = [7], sizes = [1], strides = [1]} : vector<16xi32> to vector<1xi32>
        %squeeze3A_565 = vector.extract %slice3A_564[0] : i32 from vector<1xi32>
        %dma_start3A_566 = arith.constant 0 : i32
        %dma_start3A_567 = arith.constant 0 : i32
        %dma_start3A_568 = tpu.memref_slice %arg13[%add3A_545, %dma_start3A_566, %dma_start3A_567] : memref<256x1x64xf32, #tpu.memory_space<vmem>> -> memref<1x1x64xf32, #tpu.memory_space<vmem>>
        %dma_start3A_569 = tpu.memref_reshape %arg5 : memref<1000000x64xf32, #tpu.memory_space<hbm>> -> memref<125000x8x64xf32, #tpu.memory_space<hbm>>
        %dma_start3A_570 = arith.constant 0 : i32
        %dma_start3A_571 = tpu.memref_slice %dma_start3A_569[%squeeze3A_563, %squeeze3A_565, %dma_start3A_570] : memref<125000x8x64xf32, #tpu.memory_space<hbm>> -> memref<1x1x64xf32, #tpu.memory_space<hbm>>
        %dma_start3A_572 = arith.constant 0 : i32
        %dma_start3A_573 = arith.constant 0 : i32
        %dma_start3A_574 = tpu.memref_slice %arg13[%add3A_545, %dma_start3A_572, %dma_start3A_573] : memref<256x1x64xf32, #tpu.memory_space<vmem>> -> memref<1x1x64xf32, #tpu.memory_space<vmem>>
        %dma_start3A_575 = tpu.memref_reshape %arg5 : memref<1000000x64xf32, #tpu.memory_space<hbm>> -> memref<125000x8x64xf32, #tpu.memory_space<hbm>>
        %dma_start3A_576 = arith.constant 0 : i32
        %dma_start3A_577 = tpu.memref_slice %dma_start3A_575[%squeeze3A_563, %squeeze3A_565, %dma_start3A_576] : memref<125000x8x64xf32, #tpu.memory_space<hbm>> -> memref<1x1x64xf32, #tpu.memory_space<hbm>>
        tpu.enqueue_dma source(%dma_start3A_577 : memref<1x1x64xf32, #tpu.memory_space<hbm>>) target(%dma_start3A_574 : memref<1x1x64xf32, #tpu.memory_space<vmem>>) target_semaphore(%arg15 : memref<!tpu.dma_semaphore, #tpu.memory_space<semaphore_mem>>)
        %slice3A_578 = vector.extract_strided_slice %select_n3A_105 {offsets = [7], sizes = [1], strides = [1]} : vector<16xi32> to vector<1xi32>
        %squeeze3A_579 = vector.extract %slice3A_578[0] : i32 from vector<1xi32>
        %slice3A_580 = vector.extract_strided_slice %select_n3A_127 {offsets = [7], sizes = [1], strides = [1]} : vector<16xi32> to vector<1xi32>
        %squeeze3A_581 = vector.extract %slice3A_580[0] : i32 from vector<1xi32>
        %dma_start3A_582 = arith.constant 0 : i32
        %dma_start3A_583 = arith.constant 0 : i32
        %dma_start3A_584 = tpu.memref_slice %arg12[%add3A_545, %dma_start3A_582, %dma_start3A_583] : memref<256x1x64xf32, #tpu.memory_space<vmem>> -> memref<1x1x64xf32, #tpu.memory_space<vmem>>
        %dma_start3A_585 = tpu.memref_reshape %arg6 : memref<1000x64xf32, #tpu.memory_space<hbm>> -> memref<125x8x64xf32, #tpu.memory_space<hbm>>
        %dma_start3A_586 = arith.constant 0 : i32
        %dma_start3A_587 = tpu.memref_slice %dma_start3A_585[%squeeze3A_579, %squeeze3A_581, %dma_start3A_586] : memref<125x8x64xf32, #tpu.memory_space<hbm>> -> memref<1x1x64xf32, #tpu.memory_space<hbm>>
        %dma_start3A_588 = arith.constant 0 : i32
        %dma_start3A_589 = arith.constant 0 : i32
        %dma_start3A_590 = tpu.memref_slice %arg12[%add3A_545, %dma_start3A_588, %dma_start3A_589] : memref<256x1x64xf32, #tpu.memory_space<vmem>> -> memref<1x1x64xf32, #tpu.memory_space<vmem>>
        %dma_start3A_591 = tpu.memref_reshape %arg6 : memref<1000x64xf32, #tpu.memory_space<hbm>> -> memref<125x8x64xf32, #tpu.memory_space<hbm>>
        %dma_start3A_592 = arith.constant 0 : i32
        %dma_start3A_593 = tpu.memref_slice %dma_start3A_591[%squeeze3A_579, %squeeze3A_581, %dma_start3A_592] : memref<125x8x64xf32, #tpu.memory_space<hbm>> -> memref<1x1x64xf32, #tpu.memory_space<hbm>>
        tpu.enqueue_dma source(%dma_start3A_593 : memref<1x1x64xf32, #tpu.memory_space<hbm>>) target(%dma_start3A_590 : memref<1x1x64xf32, #tpu.memory_space<vmem>>) target_semaphore(%arg15 : memref<!tpu.dma_semaphore, #tpu.memory_space<semaphore_mem>>)
        %mul3A_594 = arith.constant 16 : i32
        %mul3A_595 = arith.muli %scan3A_23, %mul3A_594 : i32
        %add3A_596 = arith.constant 8 : i32
        %add3A_597 = arith.addi %mul3A_595, %add3A_596 : i32
        %slice3A_598 = vector.extract_strided_slice %select_n3A {offsets = [8], sizes = [1], strides = [1]} : vector<16xi32> to vector<1xi32>
        %squeeze3A_599 = vector.extract %slice3A_598[0] : i32 from vector<1xi32>
        %slice3A_600 = vector.extract_strided_slice %select_n3A_74 {offsets = [8], sizes = [1], strides = [1]} : vector<16xi32> to vector<1xi32>
        %squeeze3A_601 = vector.extract %slice3A_600[0] : i32 from vector<1xi32>
        %dma_start3A_602 = arith.constant 0 : i32
        %dma_start3A_603 = arith.constant 0 : i32
        %dma_start3A_604 = tpu.memref_slice %arg11[%add3A_597, %dma_start3A_602, %dma_start3A_603] : memref<256x1x64xf32, #tpu.memory_space<vmem>> -> memref<1x1x64xf32, #tpu.memory_space<vmem>>
        %dma_start3A_605 = tpu.memref_reshape %arg5 : memref<1000000x64xf32, #tpu.memory_space<hbm>> -> memref<125000x8x64xf32, #tpu.memory_space<hbm>>
        %dma_start3A_606 = arith.constant 0 : i32
        %dma_start3A_607 = tpu.memref_slice %dma_start3A_605[%squeeze3A_599, %squeeze3A_601, %dma_start3A_606] : memref<125000x8x64xf32, #tpu.memory_space<hbm>> -> memref<1x1x64xf32, #tpu.memory_space<hbm>>
        %dma_start3A_608 = arith.constant 0 : i32
        %dma_start3A_609 = arith.constant 0 : i32
        %dma_start3A_610 = tpu.memref_slice %arg11[%add3A_597, %dma_start3A_608, %dma_start3A_609] : memref<256x1x64xf32, #tpu.memory_space<vmem>> -> memref<1x1x64xf32, #tpu.memory_space<vmem>>
        %dma_start3A_611 = tpu.memref_reshape %arg5 : memref<1000000x64xf32, #tpu.memory_space<hbm>> -> memref<125000x8x64xf32, #tpu.memory_space<hbm>>
        %dma_start3A_612 = arith.constant 0 : i32
        %dma_start3A_613 = tpu.memref_slice %dma_start3A_611[%squeeze3A_599, %squeeze3A_601, %dma_start3A_612] : memref<125000x8x64xf32, #tpu.memory_space<hbm>> -> memref<1x1x64xf32, #tpu.memory_space<hbm>>
        tpu.enqueue_dma source(%dma_start3A_613 : memref<1x1x64xf32, #tpu.memory_space<hbm>>) target(%dma_start3A_610 : memref<1x1x64xf32, #tpu.memory_space<vmem>>) target_semaphore(%arg15 : memref<!tpu.dma_semaphore, #tpu.memory_space<semaphore_mem>>)
        %slice3A_614 = vector.extract_strided_slice %select_n3A_158 {offsets = [8], sizes = [1], strides = [1]} : vector<16xi32> to vector<1xi32>
        %squeeze3A_615 = vector.extract %slice3A_614[0] : i32 from vector<1xi32>
        %slice3A_616 = vector.extract_strided_slice %select_n3A_180 {offsets = [8], sizes = [1], strides = [1]} : vector<16xi32> to vector<1xi32>
        %squeeze3A_617 = vector.extract %slice3A_616[0] : i32 from vector<1xi32>
        %dma_start3A_618 = arith.constant 0 : i32
        %dma_start3A_619 = arith.constant 0 : i32
        %dma_start3A_620 = tpu.memref_slice %arg13[%add3A_597, %dma_start3A_618, %dma_start3A_619] : memref<256x1x64xf32, #tpu.memory_space<vmem>> -> memref<1x1x64xf32, #tpu.memory_space<vmem>>
        %dma_start3A_621 = tpu.memref_reshape %arg5 : memref<1000000x64xf32, #tpu.memory_space<hbm>> -> memref<125000x8x64xf32, #tpu.memory_space<hbm>>
        %dma_start3A_622 = arith.constant 0 : i32
        %dma_start3A_623 = tpu.memref_slice %dma_start3A_621[%squeeze3A_615, %squeeze3A_617, %dma_start3A_622] : memref<125000x8x64xf32, #tpu.memory_space<hbm>> -> memref<1x1x64xf32, #tpu.memory_space<hbm>>
        %dma_start3A_624 = arith.constant 0 : i32
        %dma_start3A_625 = arith.constant 0 : i32
        %dma_start3A_626 = tpu.memref_slice %arg13[%add3A_597, %dma_start3A_624, %dma_start3A_625] : memref<256x1x64xf32, #tpu.memory_space<vmem>> -> memref<1x1x64xf32, #tpu.memory_space<vmem>>
        %dma_start3A_627 = tpu.memref_reshape %arg5 : memref<1000000x64xf32, #tpu.memory_space<hbm>> -> memref<125000x8x64xf32, #tpu.memory_space<hbm>>
        %dma_start3A_628 = arith.constant 0 : i32
        %dma_start3A_629 = tpu.memref_slice %dma_start3A_627[%squeeze3A_615, %squeeze3A_617, %dma_start3A_628] : memref<125000x8x64xf32, #tpu.memory_space<hbm>> -> memref<1x1x64xf32, #tpu.memory_space<hbm>>
        tpu.enqueue_dma source(%dma_start3A_629 : memref<1x1x64xf32, #tpu.memory_space<hbm>>) target(%dma_start3A_626 : memref<1x1x64xf32, #tpu.memory_space<vmem>>) target_semaphore(%arg15 : memref<!tpu.dma_semaphore, #tpu.memory_space<semaphore_mem>>)
        %slice3A_630 = vector.extract_strided_slice %select_n3A_105 {offsets = [8], sizes = [1], strides = [1]} : vector<16xi32> to vector<1xi32>
        %squeeze3A_631 = vector.extract %slice3A_630[0] : i32 from vector<1xi32>
        %slice3A_632 = vector.extract_strided_slice %select_n3A_127 {offsets = [8], sizes = [1], strides = [1]} : vector<16xi32> to vector<1xi32>
        %squeeze3A_633 = vector.extract %slice3A_632[0] : i32 from vector<1xi32>
        %dma_start3A_634 = arith.constant 0 : i32
        %dma_start3A_635 = arith.constant 0 : i32
        %dma_start3A_636 = tpu.memref_slice %arg12[%add3A_597, %dma_start3A_634, %dma_start3A_635] : memref<256x1x64xf32, #tpu.memory_space<vmem>> -> memref<1x1x64xf32, #tpu.memory_space<vmem>>
        %dma_start3A_637 = tpu.memref_reshape %arg6 : memref<1000x64xf32, #tpu.memory_space<hbm>> -> memref<125x8x64xf32, #tpu.memory_space<hbm>>
        %dma_start3A_638 = arith.constant 0 : i32
        %dma_start3A_639 = tpu.memref_slice %dma_start3A_637[%squeeze3A_631, %squeeze3A_633, %dma_start3A_638] : memref<125x8x64xf32, #tpu.memory_space<hbm>> -> memref<1x1x64xf32, #tpu.memory_space<hbm>>
        %dma_start3A_640 = arith.constant 0 : i32
        %dma_start3A_641 = arith.constant 0 : i32
        %dma_start3A_642 = tpu.memref_slice %arg12[%add3A_597, %dma_start3A_640, %dma_start3A_641] : memref<256x1x64xf32, #tpu.memory_space<vmem>> -> memref<1x1x64xf32, #tpu.memory_space<vmem>>
        %dma_start3A_643 = tpu.memref_reshape %arg6 : memref<1000x64xf32, #tpu.memory_space<hbm>> -> memref<125x8x64xf32, #tpu.memory_space<hbm>>
        %dma_start3A_644 = arith.constant 0 : i32
        %dma_start3A_645 = tpu.memref_slice %dma_start3A_643[%squeeze3A_631, %squeeze3A_633, %dma_start3A_644] : memref<125x8x64xf32, #tpu.memory_space<hbm>> -> memref<1x1x64xf32, #tpu.memory_space<hbm>>
        tpu.enqueue_dma source(%dma_start3A_645 : memref<1x1x64xf32, #tpu.memory_space<hbm>>) target(%dma_start3A_642 : memref<1x1x64xf32, #tpu.memory_space<vmem>>) target_semaphore(%arg15 : memref<!tpu.dma_semaphore, #tpu.memory_space<semaphore_mem>>)
        %mul3A_646 = arith.constant 16 : i32
        %mul3A_647 = arith.muli %scan3A_23, %mul3A_646 : i32
        %add3A_648 = arith.constant 9 : i32
        %add3A_649 = arith.addi %mul3A_647, %add3A_648 : i32
        %slice3A_650 = vector.extract_strided_slice %select_n3A {offsets = [9], sizes = [1], strides = [1]} : vector<16xi32> to vector<1xi32>
        %squeeze3A_651 = vector.extract %slice3A_650[0] : i32 from vector<1xi32>
        %slice3A_652 = vector.extract_strided_slice %select_n3A_74 {offsets = [9], sizes = [1], strides = [1]} : vector<16xi32> to vector<1xi32>
        %squeeze3A_653 = vector.extract %slice3A_652[0] : i32 from vector<1xi32>
        %dma_start3A_654 = arith.constant 0 : i32
        %dma_start3A_655 = arith.constant 0 : i32
        %dma_start3A_656 = tpu.memref_slice %arg11[%add3A_649, %dma_start3A_654, %dma_start3A_655] : memref<256x1x64xf32, #tpu.memory_space<vmem>> -> memref<1x1x64xf32, #tpu.memory_space<vmem>>
        %dma_start3A_657 = tpu.memref_reshape %arg5 : memref<1000000x64xf32, #tpu.memory_space<hbm>> -> memref<125000x8x64xf32, #tpu.memory_space<hbm>>
        %dma_start3A_658 = arith.constant 0 : i32
        %dma_start3A_659 = tpu.memref_slice %dma_start3A_657[%squeeze3A_651, %squeeze3A_653, %dma_start3A_658] : memref<125000x8x64xf32, #tpu.memory_space<hbm>> -> memref<1x1x64xf32, #tpu.memory_space<hbm>>
        %dma_start3A_660 = arith.constant 0 : i32
        %dma_start3A_661 = arith.constant 0 : i32
        %dma_start3A_662 = tpu.memref_slice %arg11[%add3A_649, %dma_start3A_660, %dma_start3A_661] : memref<256x1x64xf32, #tpu.memory_space<vmem>> -> memref<1x1x64xf32, #tpu.memory_space<vmem>>
        %dma_start3A_663 = tpu.memref_reshape %arg5 : memref<1000000x64xf32, #tpu.memory_space<hbm>> -> memref<125000x8x64xf32, #tpu.memory_space<hbm>>
        %dma_start3A_664 = arith.constant 0 : i32
        %dma_start3A_665 = tpu.memref_slice %dma_start3A_663[%squeeze3A_651, %squeeze3A_653, %dma_start3A_664] : memref<125000x8x64xf32, #tpu.memory_space<hbm>> -> memref<1x1x64xf32, #tpu.memory_space<hbm>>
        tpu.enqueue_dma source(%dma_start3A_665 : memref<1x1x64xf32, #tpu.memory_space<hbm>>) target(%dma_start3A_662 : memref<1x1x64xf32, #tpu.memory_space<vmem>>) target_semaphore(%arg15 : memref<!tpu.dma_semaphore, #tpu.memory_space<semaphore_mem>>)
        %slice3A_666 = vector.extract_strided_slice %select_n3A_158 {offsets = [9], sizes = [1], strides = [1]} : vector<16xi32> to vector<1xi32>
        %squeeze3A_667 = vector.extract %slice3A_666[0] : i32 from vector<1xi32>
        %slice3A_668 = vector.extract_strided_slice %select_n3A_180 {offsets = [9], sizes = [1], strides = [1]} : vector<16xi32> to vector<1xi32>
        %squeeze3A_669 = vector.extract %slice3A_668[0] : i32 from vector<1xi32>
        %dma_start3A_670 = arith.constant 0 : i32
        %dma_start3A_671 = arith.constant 0 : i32
        %dma_start3A_672 = tpu.memref_slice %arg13[%add3A_649, %dma_start3A_670, %dma_start3A_671] : memref<256x1x64xf32, #tpu.memory_space<vmem>> -> memref<1x1x64xf32, #tpu.memory_space<vmem>>
        %dma_start3A_673 = tpu.memref_reshape %arg5 : memref<1000000x64xf32, #tpu.memory_space<hbm>> -> memref<125000x8x64xf32, #tpu.memory_space<hbm>>
        %dma_start3A_674 = arith.constant 0 : i32
        %dma_start3A_675 = tpu.memref_slice %dma_start3A_673[%squeeze3A_667, %squeeze3A_669, %dma_start3A_674] : memref<125000x8x64xf32, #tpu.memory_space<hbm>> -> memref<1x1x64xf32, #tpu.memory_space<hbm>>
        %dma_start3A_676 = arith.constant 0 : i32
        %dma_start3A_677 = arith.constant 0 : i32
        %dma_start3A_678 = tpu.memref_slice %arg13[%add3A_649, %dma_start3A_676, %dma_start3A_677] : memref<256x1x64xf32, #tpu.memory_space<vmem>> -> memref<1x1x64xf32, #tpu.memory_space<vmem>>
        %dma_start3A_679 = tpu.memref_reshape %arg5 : memref<1000000x64xf32, #tpu.memory_space<hbm>> -> memref<125000x8x64xf32, #tpu.memory_space<hbm>>
        %dma_start3A_680 = arith.constant 0 : i32
        %dma_start3A_681 = tpu.memref_slice %dma_start3A_679[%squeeze3A_667, %squeeze3A_669, %dma_start3A_680] : memref<125000x8x64xf32, #tpu.memory_space<hbm>> -> memref<1x1x64xf32, #tpu.memory_space<hbm>>
        tpu.enqueue_dma source(%dma_start3A_681 : memref<1x1x64xf32, #tpu.memory_space<hbm>>) target(%dma_start3A_678 : memref<1x1x64xf32, #tpu.memory_space<vmem>>) target_semaphore(%arg15 : memref<!tpu.dma_semaphore, #tpu.memory_space<semaphore_mem>>)
        %slice3A_682 = vector.extract_strided_slice %select_n3A_105 {offsets = [9], sizes = [1], strides = [1]} : vector<16xi32> to vector<1xi32>
        %squeeze3A_683 = vector.extract %slice3A_682[0] : i32 from vector<1xi32>
        %slice3A_684 = vector.extract_strided_slice %select_n3A_127 {offsets = [9], sizes = [1], strides = [1]} : vector<16xi32> to vector<1xi32>
        %squeeze3A_685 = vector.extract %slice3A_684[0] : i32 from vector<1xi32>
        %dma_start3A_686 = arith.constant 0 : i32
        %dma_start3A_687 = arith.constant 0 : i32
        %dma_start3A_688 = tpu.memref_slice %arg12[%add3A_649, %dma_start3A_686, %dma_start3A_687] : memref<256x1x64xf32, #tpu.memory_space<vmem>> -> memref<1x1x64xf32, #tpu.memory_space<vmem>>
        %dma_start3A_689 = tpu.memref_reshape %arg6 : memref<1000x64xf32, #tpu.memory_space<hbm>> -> memref<125x8x64xf32, #tpu.memory_space<hbm>>
        %dma_start3A_690 = arith.constant 0 : i32
        %dma_start3A_691 = tpu.memref_slice %dma_start3A_689[%squeeze3A_683, %squeeze3A_685, %dma_start3A_690] : memref<125x8x64xf32, #tpu.memory_space<hbm>> -> memref<1x1x64xf32, #tpu.memory_space<hbm>>
        %dma_start3A_692 = arith.constant 0 : i32
        %dma_start3A_693 = arith.constant 0 : i32
        %dma_start3A_694 = tpu.memref_slice %arg12[%add3A_649, %dma_start3A_692, %dma_start3A_693] : memref<256x1x64xf32, #tpu.memory_space<vmem>> -> memref<1x1x64xf32, #tpu.memory_space<vmem>>
        %dma_start3A_695 = tpu.memref_reshape %arg6 : memref<1000x64xf32, #tpu.memory_space<hbm>> -> memref<125x8x64xf32, #tpu.memory_space<hbm>>
        %dma_start3A_696 = arith.constant 0 : i32
        %dma_start3A_697 = tpu.memref_slice %dma_start3A_695[%squeeze3A_683, %squeeze3A_685, %dma_start3A_696] : memref<125x8x64xf32, #tpu.memory_space<hbm>> -> memref<1x1x64xf32, #tpu.memory_space<hbm>>
        tpu.enqueue_dma source(%dma_start3A_697 : memref<1x1x64xf32, #tpu.memory_space<hbm>>) target(%dma_start3A_694 : memref<1x1x64xf32, #tpu.memory_space<vmem>>) target_semaphore(%arg15 : memref<!tpu.dma_semaphore, #tpu.memory_space<semaphore_mem>>)
        %mul3A_698 = arith.constant 16 : i32
        %mul3A_699 = arith.muli %scan3A_23, %mul3A_698 : i32
        %add3A_700 = arith.constant 10 : i32
        %add3A_701 = arith.addi %mul3A_699, %add3A_700 : i32
        %slice3A_702 = vector.extract_strided_slice %select_n3A {offsets = [10], sizes = [1], strides = [1]} : vector<16xi32> to vector<1xi32>
        %squeeze3A_703 = vector.extract %slice3A_702[0] : i32 from vector<1xi32>
        %slice3A_704 = vector.extract_strided_slice %select_n3A_74 {offsets = [10], sizes = [1], strides = [1]} : vector<16xi32> to vector<1xi32>
        %squeeze3A_705 = vector.extract %slice3A_704[0] : i32 from vector<1xi32>
        %dma_start3A_706 = arith.constant 0 : i32
        %dma_start3A_707 = arith.constant 0 : i32
        %dma_start3A_708 = tpu.memref_slice %arg11[%add3A_701, %dma_start3A_706, %dma_start3A_707] : memref<256x1x64xf32, #tpu.memory_space<vmem>> -> memref<1x1x64xf32, #tpu.memory_space<vmem>>
        %dma_start3A_709 = tpu.memref_reshape %arg5 : memref<1000000x64xf32, #tpu.memory_space<hbm>> -> memref<125000x8x64xf32, #tpu.memory_space<hbm>>
        %dma_start3A_710 = arith.constant 0 : i32
        %dma_start3A_711 = tpu.memref_slice %dma_start3A_709[%squeeze3A_703, %squeeze3A_705, %dma_start3A_710] : memref<125000x8x64xf32, #tpu.memory_space<hbm>> -> memref<1x1x64xf32, #tpu.memory_space<hbm>>
        %dma_start3A_712 = arith.constant 0 : i32
        %dma_start3A_713 = arith.constant 0 : i32
        %dma_start3A_714 = tpu.memref_slice %arg11[%add3A_701, %dma_start3A_712, %dma_start3A_713] : memref<256x1x64xf32, #tpu.memory_space<vmem>> -> memref<1x1x64xf32, #tpu.memory_space<vmem>>
        %dma_start3A_715 = tpu.memref_reshape %arg5 : memref<1000000x64xf32, #tpu.memory_space<hbm>> -> memref<125000x8x64xf32, #tpu.memory_space<hbm>>
        %dma_start3A_716 = arith.constant 0 : i32
        %dma_start3A_717 = tpu.memref_slice %dma_start3A_715[%squeeze3A_703, %squeeze3A_705, %dma_start3A_716] : memref<125000x8x64xf32, #tpu.memory_space<hbm>> -> memref<1x1x64xf32, #tpu.memory_space<hbm>>
        tpu.enqueue_dma source(%dma_start3A_717 : memref<1x1x64xf32, #tpu.memory_space<hbm>>) target(%dma_start3A_714 : memref<1x1x64xf32, #tpu.memory_space<vmem>>) target_semaphore(%arg15 : memref<!tpu.dma_semaphore, #tpu.memory_space<semaphore_mem>>)
        %slice3A_718 = vector.extract_strided_slice %select_n3A_158 {offsets = [10], sizes = [1], strides = [1]} : vector<16xi32> to vector<1xi32>
        %squeeze3A_719 = vector.extract %slice3A_718[0] : i32 from vector<1xi32>
        %slice3A_720 = vector.extract_strided_slice %select_n3A_180 {offsets = [10], sizes = [1], strides = [1]} : vector<16xi32> to vector<1xi32>
        %squeeze3A_721 = vector.extract %slice3A_720[0] : i32 from vector<1xi32>
        %dma_start3A_722 = arith.constant 0 : i32
        %dma_start3A_723 = arith.constant 0 : i32
        %dma_start3A_724 = tpu.memref_slice %arg13[%add3A_701, %dma_start3A_722, %dma_start3A_723] : memref<256x1x64xf32, #tpu.memory_space<vmem>> -> memref<1x1x64xf32, #tpu.memory_space<vmem>>
        %dma_start3A_725 = tpu.memref_reshape %arg5 : memref<1000000x64xf32, #tpu.memory_space<hbm>> -> memref<125000x8x64xf32, #tpu.memory_space<hbm>>
        %dma_start3A_726 = arith.constant 0 : i32
        %dma_start3A_727 = tpu.memref_slice %dma_start3A_725[%squeeze3A_719, %squeeze3A_721, %dma_start3A_726] : memref<125000x8x64xf32, #tpu.memory_space<hbm>> -> memref<1x1x64xf32, #tpu.memory_space<hbm>>
        %dma_start3A_728 = arith.constant 0 : i32
        %dma_start3A_729 = arith.constant 0 : i32
        %dma_start3A_730 = tpu.memref_slice %arg13[%add3A_701, %dma_start3A_728, %dma_start3A_729] : memref<256x1x64xf32, #tpu.memory_space<vmem>> -> memref<1x1x64xf32, #tpu.memory_space<vmem>>
        %dma_start3A_731 = tpu.memref_reshape %arg5 : memref<1000000x64xf32, #tpu.memory_space<hbm>> -> memref<125000x8x64xf32, #tpu.memory_space<hbm>>
        %dma_start3A_732 = arith.constant 0 : i32
        %dma_start3A_733 = tpu.memref_slice %dma_start3A_731[%squeeze3A_719, %squeeze3A_721, %dma_start3A_732] : memref<125000x8x64xf32, #tpu.memory_space<hbm>> -> memref<1x1x64xf32, #tpu.memory_space<hbm>>
        tpu.enqueue_dma source(%dma_start3A_733 : memref<1x1x64xf32, #tpu.memory_space<hbm>>) target(%dma_start3A_730 : memref<1x1x64xf32, #tpu.memory_space<vmem>>) target_semaphore(%arg15 : memref<!tpu.dma_semaphore, #tpu.memory_space<semaphore_mem>>)
        %slice3A_734 = vector.extract_strided_slice %select_n3A_105 {offsets = [10], sizes = [1], strides = [1]} : vector<16xi32> to vector<1xi32>
        %squeeze3A_735 = vector.extract %slice3A_734[0] : i32 from vector<1xi32>
        %slice3A_736 = vector.extract_strided_slice %select_n3A_127 {offsets = [10], sizes = [1], strides = [1]} : vector<16xi32> to vector<1xi32>
        %squeeze3A_737 = vector.extract %slice3A_736[0] : i32 from vector<1xi32>
        %dma_start3A_738 = arith.constant 0 : i32
        %dma_start3A_739 = arith.constant 0 : i32
        %dma_start3A_740 = tpu.memref_slice %arg12[%add3A_701, %dma_start3A_738, %dma_start3A_739] : memref<256x1x64xf32, #tpu.memory_space<vmem>> -> memref<1x1x64xf32, #tpu.memory_space<vmem>>
        %dma_start3A_741 = tpu.memref_reshape %arg6 : memref<1000x64xf32, #tpu.memory_space<hbm>> -> memref<125x8x64xf32, #tpu.memory_space<hbm>>
        %dma_start3A_742 = arith.constant 0 : i32
        %dma_start3A_743 = tpu.memref_slice %dma_start3A_741[%squeeze3A_735, %squeeze3A_737, %dma_start3A_742] : memref<125x8x64xf32, #tpu.memory_space<hbm>> -> memref<1x1x64xf32, #tpu.memory_space<hbm>>
        %dma_start3A_744 = arith.constant 0 : i32
        %dma_start3A_745 = arith.constant 0 : i32
        %dma_start3A_746 = tpu.memref_slice %arg12[%add3A_701, %dma_start3A_744, %dma_start3A_745] : memref<256x1x64xf32, #tpu.memory_space<vmem>> -> memref<1x1x64xf32, #tpu.memory_space<vmem>>
        %dma_start3A_747 = tpu.memref_reshape %arg6 : memref<1000x64xf32, #tpu.memory_space<hbm>> -> memref<125x8x64xf32, #tpu.memory_space<hbm>>
        %dma_start3A_748 = arith.constant 0 : i32
        %dma_start3A_749 = tpu.memref_slice %dma_start3A_747[%squeeze3A_735, %squeeze3A_737, %dma_start3A_748] : memref<125x8x64xf32, #tpu.memory_space<hbm>> -> memref<1x1x64xf32, #tpu.memory_space<hbm>>
        tpu.enqueue_dma source(%dma_start3A_749 : memref<1x1x64xf32, #tpu.memory_space<hbm>>) target(%dma_start3A_746 : memref<1x1x64xf32, #tpu.memory_space<vmem>>) target_semaphore(%arg15 : memref<!tpu.dma_semaphore, #tpu.memory_space<semaphore_mem>>)
        %mul3A_750 = arith.constant 16 : i32
        %mul3A_751 = arith.muli %scan3A_23, %mul3A_750 : i32
        %add3A_752 = arith.constant 11 : i32
        %add3A_753 = arith.addi %mul3A_751, %add3A_752 : i32
        %slice3A_754 = vector.extract_strided_slice %select_n3A {offsets = [11], sizes = [1], strides = [1]} : vector<16xi32> to vector<1xi32>
        %squeeze3A_755 = vector.extract %slice3A_754[0] : i32 from vector<1xi32>
        %slice3A_756 = vector.extract_strided_slice %select_n3A_74 {offsets = [11], sizes = [1], strides = [1]} : vector<16xi32> to vector<1xi32>
        %squeeze3A_757 = vector.extract %slice3A_756[0] : i32 from vector<1xi32>
        %dma_start3A_758 = arith.constant 0 : i32
        %dma_start3A_759 = arith.constant 0 : i32
        %dma_start3A_760 = tpu.memref_slice %arg11[%add3A_753, %dma_start3A_758, %dma_start3A_759] : memref<256x1x64xf32, #tpu.memory_space<vmem>> -> memref<1x1x64xf32, #tpu.memory_space<vmem>>
        %dma_start3A_761 = tpu.memref_reshape %arg5 : memref<1000000x64xf32, #tpu.memory_space<hbm>> -> memref<125000x8x64xf32, #tpu.memory_space<hbm>>
        %dma_start3A_762 = arith.constant 0 : i32
        %dma_start3A_763 = tpu.memref_slice %dma_start3A_761[%squeeze3A_755, %squeeze3A_757, %dma_start3A_762] : memref<125000x8x64xf32, #tpu.memory_space<hbm>> -> memref<1x1x64xf32, #tpu.memory_space<hbm>>
        %dma_start3A_764 = arith.constant 0 : i32
        %dma_start3A_765 = arith.constant 0 : i32
        %dma_start3A_766 = tpu.memref_slice %arg11[%add3A_753, %dma_start3A_764, %dma_start3A_765] : memref<256x1x64xf32, #tpu.memory_space<vmem>> -> memref<1x1x64xf32, #tpu.memory_space<vmem>>
        %dma_start3A_767 = tpu.memref_reshape %arg5 : memref<1000000x64xf32, #tpu.memory_space<hbm>> -> memref<125000x8x64xf32, #tpu.memory_space<hbm>>
        %dma_start3A_768 = arith.constant 0 : i32
        %dma_start3A_769 = tpu.memref_slice %dma_start3A_767[%squeeze3A_755, %squeeze3A_757, %dma_start3A_768] : memref<125000x8x64xf32, #tpu.memory_space<hbm>> -> memref<1x1x64xf32, #tpu.memory_space<hbm>>
        tpu.enqueue_dma source(%dma_start3A_769 : memref<1x1x64xf32, #tpu.memory_space<hbm>>) target(%dma_start3A_766 : memref<1x1x64xf32, #tpu.memory_space<vmem>>) target_semaphore(%arg15 : memref<!tpu.dma_semaphore, #tpu.memory_space<semaphore_mem>>)
        %slice3A_770 = vector.extract_strided_slice %select_n3A_158 {offsets = [11], sizes = [1], strides = [1]} : vector<16xi32> to vector<1xi32>
        %squeeze3A_771 = vector.extract %slice3A_770[0] : i32 from vector<1xi32>
        %slice3A_772 = vector.extract_strided_slice %select_n3A_180 {offsets = [11], sizes = [1], strides = [1]} : vector<16xi32> to vector<1xi32>
        %squeeze3A_773 = vector.extract %slice3A_772[0] : i32 from vector<1xi32>
        %dma_start3A_774 = arith.constant 0 : i32
        %dma_start3A_775 = arith.constant 0 : i32
        %dma_start3A_776 = tpu.memref_slice %arg13[%add3A_753, %dma_start3A_774, %dma_start3A_775] : memref<256x1x64xf32, #tpu.memory_space<vmem>> -> memref<1x1x64xf32, #tpu.memory_space<vmem>>
        %dma_start3A_777 = tpu.memref_reshape %arg5 : memref<1000000x64xf32, #tpu.memory_space<hbm>> -> memref<125000x8x64xf32, #tpu.memory_space<hbm>>
        %dma_start3A_778 = arith.constant 0 : i32
        %dma_start3A_779 = tpu.memref_slice %dma_start3A_777[%squeeze3A_771, %squeeze3A_773, %dma_start3A_778] : memref<125000x8x64xf32, #tpu.memory_space<hbm>> -> memref<1x1x64xf32, #tpu.memory_space<hbm>>
        %dma_start3A_780 = arith.constant 0 : i32
        %dma_start3A_781 = arith.constant 0 : i32
        %dma_start3A_782 = tpu.memref_slice %arg13[%add3A_753, %dma_start3A_780, %dma_start3A_781] : memref<256x1x64xf32, #tpu.memory_space<vmem>> -> memref<1x1x64xf32, #tpu.memory_space<vmem>>
        %dma_start3A_783 = tpu.memref_reshape %arg5 : memref<1000000x64xf32, #tpu.memory_space<hbm>> -> memref<125000x8x64xf32, #tpu.memory_space<hbm>>
        %dma_start3A_784 = arith.constant 0 : i32
        %dma_start3A_785 = tpu.memref_slice %dma_start3A_783[%squeeze3A_771, %squeeze3A_773, %dma_start3A_784] : memref<125000x8x64xf32, #tpu.memory_space<hbm>> -> memref<1x1x64xf32, #tpu.memory_space<hbm>>
        tpu.enqueue_dma source(%dma_start3A_785 : memref<1x1x64xf32, #tpu.memory_space<hbm>>) target(%dma_start3A_782 : memref<1x1x64xf32, #tpu.memory_space<vmem>>) target_semaphore(%arg15 : memref<!tpu.dma_semaphore, #tpu.memory_space<semaphore_mem>>)
        %slice3A_786 = vector.extract_strided_slice %select_n3A_105 {offsets = [11], sizes = [1], strides = [1]} : vector<16xi32> to vector<1xi32>
        %squeeze3A_787 = vector.extract %slice3A_786[0] : i32 from vector<1xi32>
        %slice3A_788 = vector.extract_strided_slice %select_n3A_127 {offsets = [11], sizes = [1], strides = [1]} : vector<16xi32> to vector<1xi32>
        %squeeze3A_789 = vector.extract %slice3A_788[0] : i32 from vector<1xi32>
        %dma_start3A_790 = arith.constant 0 : i32
        %dma_start3A_791 = arith.constant 0 : i32
        %dma_start3A_792 = tpu.memref_slice %arg12[%add3A_753, %dma_start3A_790, %dma_start3A_791] : memref<256x1x64xf32, #tpu.memory_space<vmem>> -> memref<1x1x64xf32, #tpu.memory_space<vmem>>
        %dma_start3A_793 = tpu.memref_reshape %arg6 : memref<1000x64xf32, #tpu.memory_space<hbm>> -> memref<125x8x64xf32, #tpu.memory_space<hbm>>
        %dma_start3A_794 = arith.constant 0 : i32
        %dma_start3A_795 = tpu.memref_slice %dma_start3A_793[%squeeze3A_787, %squeeze3A_789, %dma_start3A_794] : memref<125x8x64xf32, #tpu.memory_space<hbm>> -> memref<1x1x64xf32, #tpu.memory_space<hbm>>
        %dma_start3A_796 = arith.constant 0 : i32
        %dma_start3A_797 = arith.constant 0 : i32
        %dma_start3A_798 = tpu.memref_slice %arg12[%add3A_753, %dma_start3A_796, %dma_start3A_797] : memref<256x1x64xf32, #tpu.memory_space<vmem>> -> memref<1x1x64xf32, #tpu.memory_space<vmem>>
        %dma_start3A_799 = tpu.memref_reshape %arg6 : memref<1000x64xf32, #tpu.memory_space<hbm>> -> memref<125x8x64xf32, #tpu.memory_space<hbm>>
        %dma_start3A_800 = arith.constant 0 : i32
        %dma_start3A_801 = tpu.memref_slice %dma_start3A_799[%squeeze3A_787, %squeeze3A_789, %dma_start3A_800] : memref<125x8x64xf32, #tpu.memory_space<hbm>> -> memref<1x1x64xf32, #tpu.memory_space<hbm>>
        tpu.enqueue_dma source(%dma_start3A_801 : memref<1x1x64xf32, #tpu.memory_space<hbm>>) target(%dma_start3A_798 : memref<1x1x64xf32, #tpu.memory_space<vmem>>) target_semaphore(%arg15 : memref<!tpu.dma_semaphore, #tpu.memory_space<semaphore_mem>>)
        %mul3A_802 = arith.constant 16 : i32
        %mul3A_803 = arith.muli %scan3A_23, %mul3A_802 : i32
        %add3A_804 = arith.constant 12 : i32
        %add3A_805 = arith.addi %mul3A_803, %add3A_804 : i32
        %slice3A_806 = vector.extract_strided_slice %select_n3A {offsets = [12], sizes = [1], strides = [1]} : vector<16xi32> to vector<1xi32>
        %squeeze3A_807 = vector.extract %slice3A_806[0] : i32 from vector<1xi32>
        %slice3A_808 = vector.extract_strided_slice %select_n3A_74 {offsets = [12], sizes = [1], strides = [1]} : vector<16xi32> to vector<1xi32>
        %squeeze3A_809 = vector.extract %slice3A_808[0] : i32 from vector<1xi32>
        %dma_start3A_810 = arith.constant 0 : i32
        %dma_start3A_811 = arith.constant 0 : i32
        %dma_start3A_812 = tpu.memref_slice %arg11[%add3A_805, %dma_start3A_810, %dma_start3A_811] : memref<256x1x64xf32, #tpu.memory_space<vmem>> -> memref<1x1x64xf32, #tpu.memory_space<vmem>>
        %dma_start3A_813 = tpu.memref_reshape %arg5 : memref<1000000x64xf32, #tpu.memory_space<hbm>> -> memref<125000x8x64xf32, #tpu.memory_space<hbm>>
        %dma_start3A_814 = arith.constant 0 : i32
        %dma_start3A_815 = tpu.memref_slice %dma_start3A_813[%squeeze3A_807, %squeeze3A_809, %dma_start3A_814] : memref<125000x8x64xf32, #tpu.memory_space<hbm>> -> memref<1x1x64xf32, #tpu.memory_space<hbm>>
        %dma_start3A_816 = arith.constant 0 : i32
        %dma_start3A_817 = arith.constant 0 : i32
        %dma_start3A_818 = tpu.memref_slice %arg11[%add3A_805, %dma_start3A_816, %dma_start3A_817] : memref<256x1x64xf32, #tpu.memory_space<vmem>> -> memref<1x1x64xf32, #tpu.memory_space<vmem>>
        %dma_start3A_819 = tpu.memref_reshape %arg5 : memref<1000000x64xf32, #tpu.memory_space<hbm>> -> memref<125000x8x64xf32, #tpu.memory_space<hbm>>
        %dma_start3A_820 = arith.constant 0 : i32
        %dma_start3A_821 = tpu.memref_slice %dma_start3A_819[%squeeze3A_807, %squeeze3A_809, %dma_start3A_820] : memref<125000x8x64xf32, #tpu.memory_space<hbm>> -> memref<1x1x64xf32, #tpu.memory_space<hbm>>
        tpu.enqueue_dma source(%dma_start3A_821 : memref<1x1x64xf32, #tpu.memory_space<hbm>>) target(%dma_start3A_818 : memref<1x1x64xf32, #tpu.memory_space<vmem>>) target_semaphore(%arg15 : memref<!tpu.dma_semaphore, #tpu.memory_space<semaphore_mem>>)
        %slice3A_822 = vector.extract_strided_slice %select_n3A_158 {offsets = [12], sizes = [1], strides = [1]} : vector<16xi32> to vector<1xi32>
        %squeeze3A_823 = vector.extract %slice3A_822[0] : i32 from vector<1xi32>
        %slice3A_824 = vector.extract_strided_slice %select_n3A_180 {offsets = [12], sizes = [1], strides = [1]} : vector<16xi32> to vector<1xi32>
        %squeeze3A_825 = vector.extract %slice3A_824[0] : i32 from vector<1xi32>
        %dma_start3A_826 = arith.constant 0 : i32
        %dma_start3A_827 = arith.constant 0 : i32
        %dma_start3A_828 = tpu.memref_slice %arg13[%add3A_805, %dma_start3A_826, %dma_start3A_827] : memref<256x1x64xf32, #tpu.memory_space<vmem>> -> memref<1x1x64xf32, #tpu.memory_space<vmem>>
        %dma_start3A_829 = tpu.memref_reshape %arg5 : memref<1000000x64xf32, #tpu.memory_space<hbm>> -> memref<125000x8x64xf32, #tpu.memory_space<hbm>>
        %dma_start3A_830 = arith.constant 0 : i32
        %dma_start3A_831 = tpu.memref_slice %dma_start3A_829[%squeeze3A_823, %squeeze3A_825, %dma_start3A_830] : memref<125000x8x64xf32, #tpu.memory_space<hbm>> -> memref<1x1x64xf32, #tpu.memory_space<hbm>>
        %dma_start3A_832 = arith.constant 0 : i32
        %dma_start3A_833 = arith.constant 0 : i32
        %dma_start3A_834 = tpu.memref_slice %arg13[%add3A_805, %dma_start3A_832, %dma_start3A_833] : memref<256x1x64xf32, #tpu.memory_space<vmem>> -> memref<1x1x64xf32, #tpu.memory_space<vmem>>
        %dma_start3A_835 = tpu.memref_reshape %arg5 : memref<1000000x64xf32, #tpu.memory_space<hbm>> -> memref<125000x8x64xf32, #tpu.memory_space<hbm>>
        %dma_start3A_836 = arith.constant 0 : i32
        %dma_start3A_837 = tpu.memref_slice %dma_start3A_835[%squeeze3A_823, %squeeze3A_825, %dma_start3A_836] : memref<125000x8x64xf32, #tpu.memory_space<hbm>> -> memref<1x1x64xf32, #tpu.memory_space<hbm>>
        tpu.enqueue_dma source(%dma_start3A_837 : memref<1x1x64xf32, #tpu.memory_space<hbm>>) target(%dma_start3A_834 : memref<1x1x64xf32, #tpu.memory_space<vmem>>) target_semaphore(%arg15 : memref<!tpu.dma_semaphore, #tpu.memory_space<semaphore_mem>>)
        %slice3A_838 = vector.extract_strided_slice %select_n3A_105 {offsets = [12], sizes = [1], strides = [1]} : vector<16xi32> to vector<1xi32>
        %squeeze3A_839 = vector.extract %slice3A_838[0] : i32 from vector<1xi32>
        %slice3A_840 = vector.extract_strided_slice %select_n3A_127 {offsets = [12], sizes = [1], strides = [1]} : vector<16xi32> to vector<1xi32>
        %squeeze3A_841 = vector.extract %slice3A_840[0] : i32 from vector<1xi32>
        %dma_start3A_842 = arith.constant 0 : i32
        %dma_start3A_843 = arith.constant 0 : i32
        %dma_start3A_844 = tpu.memref_slice %arg12[%add3A_805, %dma_start3A_842, %dma_start3A_843] : memref<256x1x64xf32, #tpu.memory_space<vmem>> -> memref<1x1x64xf32, #tpu.memory_space<vmem>>
        %dma_start3A_845 = tpu.memref_reshape %arg6 : memref<1000x64xf32, #tpu.memory_space<hbm>> -> memref<125x8x64xf32, #tpu.memory_space<hbm>>
        %dma_start3A_846 = arith.constant 0 : i32
        %dma_start3A_847 = tpu.memref_slice %dma_start3A_845[%squeeze3A_839, %squeeze3A_841, %dma_start3A_846] : memref<125x8x64xf32, #tpu.memory_space<hbm>> -> memref<1x1x64xf32, #tpu.memory_space<hbm>>
        %dma_start3A_848 = arith.constant 0 : i32
        %dma_start3A_849 = arith.constant 0 : i32
        %dma_start3A_850 = tpu.memref_slice %arg12[%add3A_805, %dma_start3A_848, %dma_start3A_849] : memref<256x1x64xf32, #tpu.memory_space<vmem>> -> memref<1x1x64xf32, #tpu.memory_space<vmem>>
        %dma_start3A_851 = tpu.memref_reshape %arg6 : memref<1000x64xf32, #tpu.memory_space<hbm>> -> memref<125x8x64xf32, #tpu.memory_space<hbm>>
        %dma_start3A_852 = arith.constant 0 : i32
        %dma_start3A_853 = tpu.memref_slice %dma_start3A_851[%squeeze3A_839, %squeeze3A_841, %dma_start3A_852] : memref<125x8x64xf32, #tpu.memory_space<hbm>> -> memref<1x1x64xf32, #tpu.memory_space<hbm>>
        tpu.enqueue_dma source(%dma_start3A_853 : memref<1x1x64xf32, #tpu.memory_space<hbm>>) target(%dma_start3A_850 : memref<1x1x64xf32, #tpu.memory_space<vmem>>) target_semaphore(%arg15 : memref<!tpu.dma_semaphore, #tpu.memory_space<semaphore_mem>>)
        %mul3A_854 = arith.constant 16 : i32
        %mul3A_855 = arith.muli %scan3A_23, %mul3A_854 : i32
        %add3A_856 = arith.constant 13 : i32
        %add3A_857 = arith.addi %mul3A_855, %add3A_856 : i32
        %slice3A_858 = vector.extract_strided_slice %select_n3A {offsets = [13], sizes = [1], strides = [1]} : vector<16xi32> to vector<1xi32>
        %squeeze3A_859 = vector.extract %slice3A_858[0] : i32 from vector<1xi32>
        %slice3A_860 = vector.extract_strided_slice %select_n3A_74 {offsets = [13], sizes = [1], strides = [1]} : vector<16xi32> to vector<1xi32>
        %squeeze3A_861 = vector.extract %slice3A_860[0] : i32 from vector<1xi32>
        %dma_start3A_862 = arith.constant 0 : i32
        %dma_start3A_863 = arith.constant 0 : i32
        %dma_start3A_864 = tpu.memref_slice %arg11[%add3A_857, %dma_start3A_862, %dma_start3A_863] : memref<256x1x64xf32, #tpu.memory_space<vmem>> -> memref<1x1x64xf32, #tpu.memory_space<vmem>>
        %dma_start3A_865 = tpu.memref_reshape %arg5 : memref<1000000x64xf32, #tpu.memory_space<hbm>> -> memref<125000x8x64xf32, #tpu.memory_space<hbm>>
        %dma_start3A_866 = arith.constant 0 : i32
        %dma_start3A_867 = tpu.memref_slice %dma_start3A_865[%squeeze3A_859, %squeeze3A_861, %dma_start3A_866] : memref<125000x8x64xf32, #tpu.memory_space<hbm>> -> memref<1x1x64xf32, #tpu.memory_space<hbm>>
        %dma_start3A_868 = arith.constant 0 : i32
        %dma_start3A_869 = arith.constant 0 : i32
        %dma_start3A_870 = tpu.memref_slice %arg11[%add3A_857, %dma_start3A_868, %dma_start3A_869] : memref<256x1x64xf32, #tpu.memory_space<vmem>> -> memref<1x1x64xf32, #tpu.memory_space<vmem>>
        %dma_start3A_871 = tpu.memref_reshape %arg5 : memref<1000000x64xf32, #tpu.memory_space<hbm>> -> memref<125000x8x64xf32, #tpu.memory_space<hbm>>
        %dma_start3A_872 = arith.constant 0 : i32
        %dma_start3A_873 = tpu.memref_slice %dma_start3A_871[%squeeze3A_859, %squeeze3A_861, %dma_start3A_872] : memref<125000x8x64xf32, #tpu.memory_space<hbm>> -> memref<1x1x64xf32, #tpu.memory_space<hbm>>
        tpu.enqueue_dma source(%dma_start3A_873 : memref<1x1x64xf32, #tpu.memory_space<hbm>>) target(%dma_start3A_870 : memref<1x1x64xf32, #tpu.memory_space<vmem>>) target_semaphore(%arg15 : memref<!tpu.dma_semaphore, #tpu.memory_space<semaphore_mem>>)
        %slice3A_874 = vector.extract_strided_slice %select_n3A_158 {offsets = [13], sizes = [1], strides = [1]} : vector<16xi32> to vector<1xi32>
        %squeeze3A_875 = vector.extract %slice3A_874[0] : i32 from vector<1xi32>
        %slice3A_876 = vector.extract_strided_slice %select_n3A_180 {offsets = [13], sizes = [1], strides = [1]} : vector<16xi32> to vector<1xi32>
        %squeeze3A_877 = vector.extract %slice3A_876[0] : i32 from vector<1xi32>
        %dma_start3A_878 = arith.constant 0 : i32
        %dma_start3A_879 = arith.constant 0 : i32
        %dma_start3A_880 = tpu.memref_slice %arg13[%add3A_857, %dma_start3A_878, %dma_start3A_879] : memref<256x1x64xf32, #tpu.memory_space<vmem>> -> memref<1x1x64xf32, #tpu.memory_space<vmem>>
        %dma_start3A_881 = tpu.memref_reshape %arg5 : memref<1000000x64xf32, #tpu.memory_space<hbm>> -> memref<125000x8x64xf32, #tpu.memory_space<hbm>>
        %dma_start3A_882 = arith.constant 0 : i32
        %dma_start3A_883 = tpu.memref_slice %dma_start3A_881[%squeeze3A_875, %squeeze3A_877, %dma_start3A_882] : memref<125000x8x64xf32, #tpu.memory_space<hbm>> -> memref<1x1x64xf32, #tpu.memory_space<hbm>>
        %dma_start3A_884 = arith.constant 0 : i32
        %dma_start3A_885 = arith.constant 0 : i32
        %dma_start3A_886 = tpu.memref_slice %arg13[%add3A_857, %dma_start3A_884, %dma_start3A_885] : memref<256x1x64xf32, #tpu.memory_space<vmem>> -> memref<1x1x64xf32, #tpu.memory_space<vmem>>
        %dma_start3A_887 = tpu.memref_reshape %arg5 : memref<1000000x64xf32, #tpu.memory_space<hbm>> -> memref<125000x8x64xf32, #tpu.memory_space<hbm>>
        %dma_start3A_888 = arith.constant 0 : i32
        %dma_start3A_889 = tpu.memref_slice %dma_start3A_887[%squeeze3A_875, %squeeze3A_877, %dma_start3A_888] : memref<125000x8x64xf32, #tpu.memory_space<hbm>> -> memref<1x1x64xf32, #tpu.memory_space<hbm>>
        tpu.enqueue_dma source(%dma_start3A_889 : memref<1x1x64xf32, #tpu.memory_space<hbm>>) target(%dma_start3A_886 : memref<1x1x64xf32, #tpu.memory_space<vmem>>) target_semaphore(%arg15 : memref<!tpu.dma_semaphore, #tpu.memory_space<semaphore_mem>>)
        %slice3A_890 = vector.extract_strided_slice %select_n3A_105 {offsets = [13], sizes = [1], strides = [1]} : vector<16xi32> to vector<1xi32>
        %squeeze3A_891 = vector.extract %slice3A_890[0] : i32 from vector<1xi32>
        %slice3A_892 = vector.extract_strided_slice %select_n3A_127 {offsets = [13], sizes = [1], strides = [1]} : vector<16xi32> to vector<1xi32>
        %squeeze3A_893 = vector.extract %slice3A_892[0] : i32 from vector<1xi32>
        %dma_start3A_894 = arith.constant 0 : i32
        %dma_start3A_895 = arith.constant 0 : i32
        %dma_start3A_896 = tpu.memref_slice %arg12[%add3A_857, %dma_start3A_894, %dma_start3A_895] : memref<256x1x64xf32, #tpu.memory_space<vmem>> -> memref<1x1x64xf32, #tpu.memory_space<vmem>>
        %dma_start3A_897 = tpu.memref_reshape %arg6 : memref<1000x64xf32, #tpu.memory_space<hbm>> -> memref<125x8x64xf32, #tpu.memory_space<hbm>>
        %dma_start3A_898 = arith.constant 0 : i32
        %dma_start3A_899 = tpu.memref_slice %dma_start3A_897[%squeeze3A_891, %squeeze3A_893, %dma_start3A_898] : memref<125x8x64xf32, #tpu.memory_space<hbm>> -> memref<1x1x64xf32, #tpu.memory_space<hbm>>
        %dma_start3A_900 = arith.constant 0 : i32
        %dma_start3A_901 = arith.constant 0 : i32
        %dma_start3A_902 = tpu.memref_slice %arg12[%add3A_857, %dma_start3A_900, %dma_start3A_901] : memref<256x1x64xf32, #tpu.memory_space<vmem>> -> memref<1x1x64xf32, #tpu.memory_space<vmem>>
        %dma_start3A_903 = tpu.memref_reshape %arg6 : memref<1000x64xf32, #tpu.memory_space<hbm>> -> memref<125x8x64xf32, #tpu.memory_space<hbm>>
        %dma_start3A_904 = arith.constant 0 : i32
        %dma_start3A_905 = tpu.memref_slice %dma_start3A_903[%squeeze3A_891, %squeeze3A_893, %dma_start3A_904] : memref<125x8x64xf32, #tpu.memory_space<hbm>> -> memref<1x1x64xf32, #tpu.memory_space<hbm>>
        tpu.enqueue_dma source(%dma_start3A_905 : memref<1x1x64xf32, #tpu.memory_space<hbm>>) target(%dma_start3A_902 : memref<1x1x64xf32, #tpu.memory_space<vmem>>) target_semaphore(%arg15 : memref<!tpu.dma_semaphore, #tpu.memory_space<semaphore_mem>>)
        %mul3A_906 = arith.constant 16 : i32
        %mul3A_907 = arith.muli %scan3A_23, %mul3A_906 : i32
        %add3A_908 = arith.constant 14 : i32
        %add3A_909 = arith.addi %mul3A_907, %add3A_908 : i32
        %slice3A_910 = vector.extract_strided_slice %select_n3A {offsets = [14], sizes = [1], strides = [1]} : vector<16xi32> to vector<1xi32>
        %squeeze3A_911 = vector.extract %slice3A_910[0] : i32 from vector<1xi32>
        %slice3A_912 = vector.extract_strided_slice %select_n3A_74 {offsets = [14], sizes = [1], strides = [1]} : vector<16xi32> to vector<1xi32>
        %squeeze3A_913 = vector.extract %slice3A_912[0] : i32 from vector<1xi32>
        %dma_start3A_914 = arith.constant 0 : i32
        %dma_start3A_915 = arith.constant 0 : i32
        %dma_start3A_916 = tpu.memref_slice %arg11[%add3A_909, %dma_start3A_914, %dma_start3A_915] : memref<256x1x64xf32, #tpu.memory_space<vmem>> -> memref<1x1x64xf32, #tpu.memory_space<vmem>>
        %dma_start3A_917 = tpu.memref_reshape %arg5 : memref<1000000x64xf32, #tpu.memory_space<hbm>> -> memref<125000x8x64xf32, #tpu.memory_space<hbm>>
        %dma_start3A_918 = arith.constant 0 : i32
        %dma_start3A_919 = tpu.memref_slice %dma_start3A_917[%squeeze3A_911, %squeeze3A_913, %dma_start3A_918] : memref<125000x8x64xf32, #tpu.memory_space<hbm>> -> memref<1x1x64xf32, #tpu.memory_space<hbm>>
        %dma_start3A_920 = arith.constant 0 : i32
        %dma_start3A_921 = arith.constant 0 : i32
        %dma_start3A_922 = tpu.memref_slice %arg11[%add3A_909, %dma_start3A_920, %dma_start3A_921] : memref<256x1x64xf32, #tpu.memory_space<vmem>> -> memref<1x1x64xf32, #tpu.memory_space<vmem>>
        %dma_start3A_923 = tpu.memref_reshape %arg5 : memref<1000000x64xf32, #tpu.memory_space<hbm>> -> memref<125000x8x64xf32, #tpu.memory_space<hbm>>
        %dma_start3A_924 = arith.constant 0 : i32
        %dma_start3A_925 = tpu.memref_slice %dma_start3A_923[%squeeze3A_911, %squeeze3A_913, %dma_start3A_924] : memref<125000x8x64xf32, #tpu.memory_space<hbm>> -> memref<1x1x64xf32, #tpu.memory_space<hbm>>
        tpu.enqueue_dma source(%dma_start3A_925 : memref<1x1x64xf32, #tpu.memory_space<hbm>>) target(%dma_start3A_922 : memref<1x1x64xf32, #tpu.memory_space<vmem>>) target_semaphore(%arg15 : memref<!tpu.dma_semaphore, #tpu.memory_space<semaphore_mem>>)
        %slice3A_926 = vector.extract_strided_slice %select_n3A_158 {offsets = [14], sizes = [1], strides = [1]} : vector<16xi32> to vector<1xi32>
        %squeeze3A_927 = vector.extract %slice3A_926[0] : i32 from vector<1xi32>
        %slice3A_928 = vector.extract_strided_slice %select_n3A_180 {offsets = [14], sizes = [1], strides = [1]} : vector<16xi32> to vector<1xi32>
        %squeeze3A_929 = vector.extract %slice3A_928[0] : i32 from vector<1xi32>
        %dma_start3A_930 = arith.constant 0 : i32
        %dma_start3A_931 = arith.constant 0 : i32
        %dma_start3A_932 = tpu.memref_slice %arg13[%add3A_909, %dma_start3A_930, %dma_start3A_931] : memref<256x1x64xf32, #tpu.memory_space<vmem>> -> memref<1x1x64xf32, #tpu.memory_space<vmem>>
        %dma_start3A_933 = tpu.memref_reshape %arg5 : memref<1000000x64xf32, #tpu.memory_space<hbm>> -> memref<125000x8x64xf32, #tpu.memory_space<hbm>>
        %dma_start3A_934 = arith.constant 0 : i32
        %dma_start3A_935 = tpu.memref_slice %dma_start3A_933[%squeeze3A_927, %squeeze3A_929, %dma_start3A_934] : memref<125000x8x64xf32, #tpu.memory_space<hbm>> -> memref<1x1x64xf32, #tpu.memory_space<hbm>>
        %dma_start3A_936 = arith.constant 0 : i32
        %dma_start3A_937 = arith.constant 0 : i32
        %dma_start3A_938 = tpu.memref_slice %arg13[%add3A_909, %dma_start3A_936, %dma_start3A_937] : memref<256x1x64xf32, #tpu.memory_space<vmem>> -> memref<1x1x64xf32, #tpu.memory_space<vmem>>
        %dma_start3A_939 = tpu.memref_reshape %arg5 : memref<1000000x64xf32, #tpu.memory_space<hbm>> -> memref<125000x8x64xf32, #tpu.memory_space<hbm>>
        %dma_start3A_940 = arith.constant 0 : i32
        %dma_start3A_941 = tpu.memref_slice %dma_start3A_939[%squeeze3A_927, %squeeze3A_929, %dma_start3A_940] : memref<125000x8x64xf32, #tpu.memory_space<hbm>> -> memref<1x1x64xf32, #tpu.memory_space<hbm>>
        tpu.enqueue_dma source(%dma_start3A_941 : memref<1x1x64xf32, #tpu.memory_space<hbm>>) target(%dma_start3A_938 : memref<1x1x64xf32, #tpu.memory_space<vmem>>) target_semaphore(%arg15 : memref<!tpu.dma_semaphore, #tpu.memory_space<semaphore_mem>>)
        %slice3A_942 = vector.extract_strided_slice %select_n3A_105 {offsets = [14], sizes = [1], strides = [1]} : vector<16xi32> to vector<1xi32>
        %squeeze3A_943 = vector.extract %slice3A_942[0] : i32 from vector<1xi32>
        %slice3A_944 = vector.extract_strided_slice %select_n3A_127 {offsets = [14], sizes = [1], strides = [1]} : vector<16xi32> to vector<1xi32>
        %squeeze3A_945 = vector.extract %slice3A_944[0] : i32 from vector<1xi32>
        %dma_start3A_946 = arith.constant 0 : i32
        %dma_start3A_947 = arith.constant 0 : i32
        %dma_start3A_948 = tpu.memref_slice %arg12[%add3A_909, %dma_start3A_946, %dma_start3A_947] : memref<256x1x64xf32, #tpu.memory_space<vmem>> -> memref<1x1x64xf32, #tpu.memory_space<vmem>>
        %dma_start3A_949 = tpu.memref_reshape %arg6 : memref<1000x64xf32, #tpu.memory_space<hbm>> -> memref<125x8x64xf32, #tpu.memory_space<hbm>>
        %dma_start3A_950 = arith.constant 0 : i32
        %dma_start3A_951 = tpu.memref_slice %dma_start3A_949[%squeeze3A_943, %squeeze3A_945, %dma_start3A_950] : memref<125x8x64xf32, #tpu.memory_space<hbm>> -> memref<1x1x64xf32, #tpu.memory_space<hbm>>
        %dma_start3A_952 = arith.constant 0 : i32
        %dma_start3A_953 = arith.constant 0 : i32
        %dma_start3A_954 = tpu.memref_slice %arg12[%add3A_909, %dma_start3A_952, %dma_start3A_953] : memref<256x1x64xf32, #tpu.memory_space<vmem>> -> memref<1x1x64xf32, #tpu.memory_space<vmem>>
        %dma_start3A_955 = tpu.memref_reshape %arg6 : memref<1000x64xf32, #tpu.memory_space<hbm>> -> memref<125x8x64xf32, #tpu.memory_space<hbm>>
        %dma_start3A_956 = arith.constant 0 : i32
        %dma_start3A_957 = tpu.memref_slice %dma_start3A_955[%squeeze3A_943, %squeeze3A_945, %dma_start3A_956] : memref<125x8x64xf32, #tpu.memory_space<hbm>> -> memref<1x1x64xf32, #tpu.memory_space<hbm>>
        tpu.enqueue_dma source(%dma_start3A_957 : memref<1x1x64xf32, #tpu.memory_space<hbm>>) target(%dma_start3A_954 : memref<1x1x64xf32, #tpu.memory_space<vmem>>) target_semaphore(%arg15 : memref<!tpu.dma_semaphore, #tpu.memory_space<semaphore_mem>>)
        %mul3A_958 = arith.constant 16 : i32
        %mul3A_959 = arith.muli %scan3A_23, %mul3A_958 : i32
        %add3A_960 = arith.constant 15 : i32
        %add3A_961 = arith.addi %mul3A_959, %add3A_960 : i32
        %slice3A_962 = vector.extract_strided_slice %select_n3A {offsets = [15], sizes = [1], strides = [1]} : vector<16xi32> to vector<1xi32>
        %squeeze3A_963 = vector.extract %slice3A_962[0] : i32 from vector<1xi32>
        %slice3A_964 = vector.extract_strided_slice %select_n3A_74 {offsets = [15], sizes = [1], strides = [1]} : vector<16xi32> to vector<1xi32>
        %squeeze3A_965 = vector.extract %slice3A_964[0] : i32 from vector<1xi32>
        %dma_start3A_966 = arith.constant 0 : i32
        %dma_start3A_967 = arith.constant 0 : i32
        %dma_start3A_968 = tpu.memref_slice %arg11[%add3A_961, %dma_start3A_966, %dma_start3A_967] : memref<256x1x64xf32, #tpu.memory_space<vmem>> -> memref<1x1x64xf32, #tpu.memory_space<vmem>>
        %dma_start3A_969 = tpu.memref_reshape %arg5 : memref<1000000x64xf32, #tpu.memory_space<hbm>> -> memref<125000x8x64xf32, #tpu.memory_space<hbm>>
        %dma_start3A_970 = arith.constant 0 : i32
        %dma_start3A_971 = tpu.memref_slice %dma_start3A_969[%squeeze3A_963, %squeeze3A_965, %dma_start3A_970] : memref<125000x8x64xf32, #tpu.memory_space<hbm>> -> memref<1x1x64xf32, #tpu.memory_space<hbm>>
        %dma_start3A_972 = arith.constant 0 : i32
        %dma_start3A_973 = arith.constant 0 : i32
        %dma_start3A_974 = tpu.memref_slice %arg11[%add3A_961, %dma_start3A_972, %dma_start3A_973] : memref<256x1x64xf32, #tpu.memory_space<vmem>> -> memref<1x1x64xf32, #tpu.memory_space<vmem>>
        %dma_start3A_975 = tpu.memref_reshape %arg5 : memref<1000000x64xf32, #tpu.memory_space<hbm>> -> memref<125000x8x64xf32, #tpu.memory_space<hbm>>
        %dma_start3A_976 = arith.constant 0 : i32
        %dma_start3A_977 = tpu.memref_slice %dma_start3A_975[%squeeze3A_963, %squeeze3A_965, %dma_start3A_976] : memref<125000x8x64xf32, #tpu.memory_space<hbm>> -> memref<1x1x64xf32, #tpu.memory_space<hbm>>
        tpu.enqueue_dma source(%dma_start3A_977 : memref<1x1x64xf32, #tpu.memory_space<hbm>>) target(%dma_start3A_974 : memref<1x1x64xf32, #tpu.memory_space<vmem>>) target_semaphore(%arg15 : memref<!tpu.dma_semaphore, #tpu.memory_space<semaphore_mem>>)
        %slice3A_978 = vector.extract_strided_slice %select_n3A_158 {offsets = [15], sizes = [1], strides = [1]} : vector<16xi32> to vector<1xi32>
        %squeeze3A_979 = vector.extract %slice3A_978[0] : i32 from vector<1xi32>
        %slice3A_980 = vector.extract_strided_slice %select_n3A_180 {offsets = [15], sizes = [1], strides = [1]} : vector<16xi32> to vector<1xi32>
        %squeeze3A_981 = vector.extract %slice3A_980[0] : i32 from vector<1xi32>
        %dma_start3A_982 = arith.constant 0 : i32
        %dma_start3A_983 = arith.constant 0 : i32
        %dma_start3A_984 = tpu.memref_slice %arg13[%add3A_961, %dma_start3A_982, %dma_start3A_983] : memref<256x1x64xf32, #tpu.memory_space<vmem>> -> memref<1x1x64xf32, #tpu.memory_space<vmem>>
        %dma_start3A_985 = tpu.memref_reshape %arg5 : memref<1000000x64xf32, #tpu.memory_space<hbm>> -> memref<125000x8x64xf32, #tpu.memory_space<hbm>>
        %dma_start3A_986 = arith.constant 0 : i32
        %dma_start3A_987 = tpu.memref_slice %dma_start3A_985[%squeeze3A_979, %squeeze3A_981, %dma_start3A_986] : memref<125000x8x64xf32, #tpu.memory_space<hbm>> -> memref<1x1x64xf32, #tpu.memory_space<hbm>>
        %dma_start3A_988 = arith.constant 0 : i32
        %dma_start3A_989 = arith.constant 0 : i32
        %dma_start3A_990 = tpu.memref_slice %arg13[%add3A_961, %dma_start3A_988, %dma_start3A_989] : memref<256x1x64xf32, #tpu.memory_space<vmem>> -> memref<1x1x64xf32, #tpu.memory_space<vmem>>
        %dma_start3A_991 = tpu.memref_reshape %arg5 : memref<1000000x64xf32, #tpu.memory_space<hbm>> -> memref<125000x8x64xf32, #tpu.memory_space<hbm>>
        %dma_start3A_992 = arith.constant 0 : i32
        %dma_start3A_993 = tpu.memref_slice %dma_start3A_991[%squeeze3A_979, %squeeze3A_981, %dma_start3A_992] : memref<125000x8x64xf32, #tpu.memory_space<hbm>> -> memref<1x1x64xf32, #tpu.memory_space<hbm>>
        tpu.enqueue_dma source(%dma_start3A_993 : memref<1x1x64xf32, #tpu.memory_space<hbm>>) target(%dma_start3A_990 : memref<1x1x64xf32, #tpu.memory_space<vmem>>) target_semaphore(%arg15 : memref<!tpu.dma_semaphore, #tpu.memory_space<semaphore_mem>>)
        %slice3A_994 = vector.extract_strided_slice %select_n3A_105 {offsets = [15], sizes = [1], strides = [1]} : vector<16xi32> to vector<1xi32>
        %squeeze3A_995 = vector.extract %slice3A_994[0] : i32 from vector<1xi32>
        %slice3A_996 = vector.extract_strided_slice %select_n3A_127 {offsets = [15], sizes = [1], strides = [1]} : vector<16xi32> to vector<1xi32>
        %squeeze3A_997 = vector.extract %slice3A_996[0] : i32 from vector<1xi32>
        %dma_start3A_998 = arith.constant 0 : i32
        %dma_start3A_999 = arith.constant 0 : i32
        %dma_start3A_1000 = tpu.memref_slice %arg12[%add3A_961, %dma_start3A_998, %dma_start3A_999] : memref<256x1x64xf32, #tpu.memory_space<vmem>> -> memref<1x1x64xf32, #tpu.memory_space<vmem>>
        %dma_start3A_1001 = tpu.memref_reshape %arg6 : memref<1000x64xf32, #tpu.memory_space<hbm>> -> memref<125x8x64xf32, #tpu.memory_space<hbm>>
        %dma_start3A_1002 = arith.constant 0 : i32
        %dma_start3A_1003 = tpu.memref_slice %dma_start3A_1001[%squeeze3A_995, %squeeze3A_997, %dma_start3A_1002] : memref<125x8x64xf32, #tpu.memory_space<hbm>> -> memref<1x1x64xf32, #tpu.memory_space<hbm>>
        %dma_start3A_1004 = arith.constant 0 : i32
        %dma_start3A_1005 = arith.constant 0 : i32
        %dma_start3A_1006 = tpu.memref_slice %arg12[%add3A_961, %dma_start3A_1004, %dma_start3A_1005] : memref<256x1x64xf32, #tpu.memory_space<vmem>> -> memref<1x1x64xf32, #tpu.memory_space<vmem>>
        %dma_start3A_1007 = tpu.memref_reshape %arg6 : memref<1000x64xf32, #tpu.memory_space<hbm>> -> memref<125x8x64xf32, #tpu.memory_space<hbm>>
        %dma_start3A_1008 = arith.constant 0 : i32
        %dma_start3A_1009 = tpu.memref_slice %dma_start3A_1007[%squeeze3A_995, %squeeze3A_997, %dma_start3A_1008] : memref<125x8x64xf32, #tpu.memory_space<hbm>> -> memref<1x1x64xf32, #tpu.memory_space<hbm>>
        tpu.enqueue_dma source(%dma_start3A_1009 : memref<1x1x64xf32, #tpu.memory_space<hbm>>) target(%dma_start3A_1006 : memref<1x1x64xf32, #tpu.memory_space<vmem>>) target_semaphore(%arg15 : memref<!tpu.dma_semaphore, #tpu.memory_space<semaphore_mem>>)
        %dma_wait3A = arith.constant 0 : i32
        %dma_wait3A_1010 = arith.constant 0 : i32
        %dma_wait3A_1011 = tpu.memref_slice %arg11[%add3A_184, %dma_wait3A, %dma_wait3A_1010] : memref<256x1x64xf32, #tpu.memory_space<vmem>> -> memref<1x1x64xf32, #tpu.memory_space<vmem>>
        %dma_wait3A_1012 = tpu.memref_reshape %arg5 : memref<1000000x64xf32, #tpu.memory_space<hbm>> -> memref<125000x8x64xf32, #tpu.memory_space<hbm>>
        %dma_wait3A_1013 = arith.constant 0 : i32
        %dma_wait3A_1014 = tpu.memref_slice %dma_wait3A_1012[%squeeze3A, %squeeze3A_186, %dma_wait3A_1013] : memref<125000x8x64xf32, #tpu.memory_space<hbm>> -> memref<1x1x64xf32, #tpu.memory_space<hbm>>
        %dma_wait3A_1015 = arith.constant 0 : i32
        %dma_wait3A_1016 = arith.constant 0 : i32
        %dma_wait3A_1017 = tpu.memref_slice %arg11[%add3A_184, %dma_wait3A_1015, %dma_wait3A_1016] : memref<256x1x64xf32, #tpu.memory_space<vmem>> -> memref<1x1x64xf32, #tpu.memory_space<vmem>>
        %dma_wait3A_1018 = tpu.memref_reshape %arg5 : memref<1000000x64xf32, #tpu.memory_space<hbm>> -> memref<125000x8x64xf32, #tpu.memory_space<hbm>>
        %dma_wait3A_1019 = arith.constant 0 : i32
        %dma_wait3A_1020 = tpu.memref_slice %dma_wait3A_1018[%squeeze3A, %squeeze3A_186, %dma_wait3A_1019] : memref<125000x8x64xf32, #tpu.memory_space<hbm>> -> memref<1x1x64xf32, #tpu.memory_space<hbm>>
        tpu.wait_dma2 semaphore(%arg15 : memref<!tpu.dma_semaphore, #tpu.memory_space<semaphore_mem>>) src(%dma_wait3A_1020 : memref<1x1x64xf32, #tpu.memory_space<hbm>>) dst(%dma_wait3A_1017 : memref<1x1x64xf32, #tpu.memory_space<vmem>>)
        %dma_wait3A_1021 = arith.constant 0 : i32
        %dma_wait3A_1022 = arith.constant 0 : i32
        %dma_wait3A_1023 = tpu.memref_slice %arg13[%add3A_184, %dma_wait3A_1021, %dma_wait3A_1022] : memref<256x1x64xf32, #tpu.memory_space<vmem>> -> memref<1x1x64xf32, #tpu.memory_space<vmem>>
        %dma_wait3A_1024 = tpu.memref_reshape %arg5 : memref<1000000x64xf32, #tpu.memory_space<hbm>> -> memref<125000x8x64xf32, #tpu.memory_space<hbm>>
        %dma_wait3A_1025 = arith.constant 0 : i32
        %dma_wait3A_1026 = tpu.memref_slice %dma_wait3A_1024[%squeeze3A_199, %squeeze3A_201, %dma_wait3A_1025] : memref<125000x8x64xf32, #tpu.memory_space<hbm>> -> memref<1x1x64xf32, #tpu.memory_space<hbm>>
        %dma_wait3A_1027 = arith.constant 0 : i32
        %dma_wait3A_1028 = arith.constant 0 : i32
        %dma_wait3A_1029 = tpu.memref_slice %arg13[%add3A_184, %dma_wait3A_1027, %dma_wait3A_1028] : memref<256x1x64xf32, #tpu.memory_space<vmem>> -> memref<1x1x64xf32, #tpu.memory_space<vmem>>
        %dma_wait3A_1030 = tpu.memref_reshape %arg5 : memref<1000000x64xf32, #tpu.memory_space<hbm>> -> memref<125000x8x64xf32, #tpu.memory_space<hbm>>
        %dma_wait3A_1031 = arith.constant 0 : i32
        %dma_wait3A_1032 = tpu.memref_slice %dma_wait3A_1030[%squeeze3A_199, %squeeze3A_201, %dma_wait3A_1031] : memref<125000x8x64xf32, #tpu.memory_space<hbm>> -> memref<1x1x64xf32, #tpu.memory_space<hbm>>
        tpu.wait_dma2 semaphore(%arg15 : memref<!tpu.dma_semaphore, #tpu.memory_space<semaphore_mem>>) src(%dma_wait3A_1032 : memref<1x1x64xf32, #tpu.memory_space<hbm>>) dst(%dma_wait3A_1029 : memref<1x1x64xf32, #tpu.memory_space<vmem>>)
        %dma_wait3A_1033 = arith.constant 0 : i32
        %dma_wait3A_1034 = arith.constant 0 : i32
        %dma_wait3A_1035 = tpu.memref_slice %arg12[%add3A_184, %dma_wait3A_1033, %dma_wait3A_1034] : memref<256x1x64xf32, #tpu.memory_space<vmem>> -> memref<1x1x64xf32, #tpu.memory_space<vmem>>
        %dma_wait3A_1036 = tpu.memref_reshape %arg6 : memref<1000x64xf32, #tpu.memory_space<hbm>> -> memref<125x8x64xf32, #tpu.memory_space<hbm>>
        %dma_wait3A_1037 = arith.constant 0 : i32
        %dma_wait3A_1038 = tpu.memref_slice %dma_wait3A_1036[%squeeze3A_215, %squeeze3A_217, %dma_wait3A_1037] : memref<125x8x64xf32, #tpu.memory_space<hbm>> -> memref<1x1x64xf32, #tpu.memory_space<hbm>>
        %dma_wait3A_1039 = arith.constant 0 : i32
        %dma_wait3A_1040 = arith.constant 0 : i32
        %dma_wait3A_1041 = tpu.memref_slice %arg12[%add3A_184, %dma_wait3A_1039, %dma_wait3A_1040] : memref<256x1x64xf32, #tpu.memory_space<vmem>> -> memref<1x1x64xf32, #tpu.memory_space<vmem>>
        %dma_wait3A_1042 = tpu.memref_reshape %arg6 : memref<1000x64xf32, #tpu.memory_space<hbm>> -> memref<125x8x64xf32, #tpu.memory_space<hbm>>
        %dma_wait3A_1043 = arith.constant 0 : i32
        %dma_wait3A_1044 = tpu.memref_slice %dma_wait3A_1042[%squeeze3A_215, %squeeze3A_217, %dma_wait3A_1043] : memref<125x8x64xf32, #tpu.memory_space<hbm>> -> memref<1x1x64xf32, #tpu.memory_space<hbm>>
        tpu.wait_dma2 semaphore(%arg15 : memref<!tpu.dma_semaphore, #tpu.memory_space<semaphore_mem>>) src(%dma_wait3A_1044 : memref<1x1x64xf32, #tpu.memory_space<hbm>>) dst(%dma_wait3A_1041 : memref<1x1x64xf32, #tpu.memory_space<vmem>>)
        %dma_wait3A_1045 = arith.constant 0 : i32
        %dma_wait3A_1046 = arith.constant 0 : i32
        %dma_wait3A_1047 = tpu.memref_slice %arg11[%add3A_233, %dma_wait3A_1045, %dma_wait3A_1046] : memref<256x1x64xf32, #tpu.memory_space<vmem>> -> memref<1x1x64xf32, #tpu.memory_space<vmem>>
        %dma_wait3A_1048 = tpu.memref_reshape %arg5 : memref<1000000x64xf32, #tpu.memory_space<hbm>> -> memref<125000x8x64xf32, #tpu.memory_space<hbm>>
        %dma_wait3A_1049 = arith.constant 0 : i32
        %dma_wait3A_1050 = tpu.memref_slice %dma_wait3A_1048[%squeeze3A_235, %squeeze3A_237, %dma_wait3A_1049] : memref<125000x8x64xf32, #tpu.memory_space<hbm>> -> memref<1x1x64xf32, #tpu.memory_space<hbm>>
        %dma_wait3A_1051 = arith.constant 0 : i32
        %dma_wait3A_1052 = arith.constant 0 : i32
        %dma_wait3A_1053 = tpu.memref_slice %arg11[%add3A_233, %dma_wait3A_1051, %dma_wait3A_1052] : memref<256x1x64xf32, #tpu.memory_space<vmem>> -> memref<1x1x64xf32, #tpu.memory_space<vmem>>
        %dma_wait3A_1054 = tpu.memref_reshape %arg5 : memref<1000000x64xf32, #tpu.memory_space<hbm>> -> memref<125000x8x64xf32, #tpu.memory_space<hbm>>
        %dma_wait3A_1055 = arith.constant 0 : i32
        %dma_wait3A_1056 = tpu.memref_slice %dma_wait3A_1054[%squeeze3A_235, %squeeze3A_237, %dma_wait3A_1055] : memref<125000x8x64xf32, #tpu.memory_space<hbm>> -> memref<1x1x64xf32, #tpu.memory_space<hbm>>
        tpu.wait_dma2 semaphore(%arg15 : memref<!tpu.dma_semaphore, #tpu.memory_space<semaphore_mem>>) src(%dma_wait3A_1056 : memref<1x1x64xf32, #tpu.memory_space<hbm>>) dst(%dma_wait3A_1053 : memref<1x1x64xf32, #tpu.memory_space<vmem>>)
        %dma_wait3A_1057 = arith.constant 0 : i32
        %dma_wait3A_1058 = arith.constant 0 : i32
        %dma_wait3A_1059 = tpu.memref_slice %arg13[%add3A_233, %dma_wait3A_1057, %dma_wait3A_1058] : memref<256x1x64xf32, #tpu.memory_space<vmem>> -> memref<1x1x64xf32, #tpu.memory_space<vmem>>
        %dma_wait3A_1060 = tpu.memref_reshape %arg5 : memref<1000000x64xf32, #tpu.memory_space<hbm>> -> memref<125000x8x64xf32, #tpu.memory_space<hbm>>
        %dma_wait3A_1061 = arith.constant 0 : i32
        %dma_wait3A_1062 = tpu.memref_slice %dma_wait3A_1060[%squeeze3A_251, %squeeze3A_253, %dma_wait3A_1061] : memref<125000x8x64xf32, #tpu.memory_space<hbm>> -> memref<1x1x64xf32, #tpu.memory_space<hbm>>
        %dma_wait3A_1063 = arith.constant 0 : i32
        %dma_wait3A_1064 = arith.constant 0 : i32
        %dma_wait3A_1065 = tpu.memref_slice %arg13[%add3A_233, %dma_wait3A_1063, %dma_wait3A_1064] : memref<256x1x64xf32, #tpu.memory_space<vmem>> -> memref<1x1x64xf32, #tpu.memory_space<vmem>>
        %dma_wait3A_1066 = tpu.memref_reshape %arg5 : memref<1000000x64xf32, #tpu.memory_space<hbm>> -> memref<125000x8x64xf32, #tpu.memory_space<hbm>>
        %dma_wait3A_1067 = arith.constant 0 : i32
        %dma_wait3A_1068 = tpu.memref_slice %dma_wait3A_1066[%squeeze3A_251, %squeeze3A_253, %dma_wait3A_1067] : memref<125000x8x64xf32, #tpu.memory_space<hbm>> -> memref<1x1x64xf32, #tpu.memory_space<hbm>>
        tpu.wait_dma2 semaphore(%arg15 : memref<!tpu.dma_semaphore, #tpu.memory_space<semaphore_mem>>) src(%dma_wait3A_1068 : memref<1x1x64xf32, #tpu.memory_space<hbm>>) dst(%dma_wait3A_1065 : memref<1x1x64xf32, #tpu.memory_space<vmem>>)
        %dma_wait3A_1069 = arith.constant 0 : i32
        %dma_wait3A_1070 = arith.constant 0 : i32
        %dma_wait3A_1071 = tpu.memref_slice %arg12[%add3A_233, %dma_wait3A_1069, %dma_wait3A_1070] : memref<256x1x64xf32, #tpu.memory_space<vmem>> -> memref<1x1x64xf32, #tpu.memory_space<vmem>>
        %dma_wait3A_1072 = tpu.memref_reshape %arg6 : memref<1000x64xf32, #tpu.memory_space<hbm>> -> memref<125x8x64xf32, #tpu.memory_space<hbm>>
        %dma_wait3A_1073 = arith.constant 0 : i32
        %dma_wait3A_1074 = tpu.memref_slice %dma_wait3A_1072[%squeeze3A_267, %squeeze3A_269, %dma_wait3A_1073] : memref<125x8x64xf32, #tpu.memory_space<hbm>> -> memref<1x1x64xf32, #tpu.memory_space<hbm>>
        %dma_wait3A_1075 = arith.constant 0 : i32
        %dma_wait3A_1076 = arith.constant 0 : i32
        %dma_wait3A_1077 = tpu.memref_slice %arg12[%add3A_233, %dma_wait3A_1075, %dma_wait3A_1076] : memref<256x1x64xf32, #tpu.memory_space<vmem>> -> memref<1x1x64xf32, #tpu.memory_space<vmem>>
        %dma_wait3A_1078 = tpu.memref_reshape %arg6 : memref<1000x64xf32, #tpu.memory_space<hbm>> -> memref<125x8x64xf32, #tpu.memory_space<hbm>>
        %dma_wait3A_1079 = arith.constant 0 : i32
        %dma_wait3A_1080 = tpu.memref_slice %dma_wait3A_1078[%squeeze3A_267, %squeeze3A_269, %dma_wait3A_1079] : memref<125x8x64xf32, #tpu.memory_space<hbm>> -> memref<1x1x64xf32, #tpu.memory_space<hbm>>
        tpu.wait_dma2 semaphore(%arg15 : memref<!tpu.dma_semaphore, #tpu.memory_space<semaphore_mem>>) src(%dma_wait3A_1080 : memref<1x1x64xf32, #tpu.memory_space<hbm>>) dst(%dma_wait3A_1077 : memref<1x1x64xf32, #tpu.memory_space<vmem>>)
        %dma_wait3A_1081 = arith.constant 0 : i32
        %dma_wait3A_1082 = arith.constant 0 : i32
        %dma_wait3A_1083 = tpu.memref_slice %arg11[%add3A_285, %dma_wait3A_1081, %dma_wait3A_1082] : memref<256x1x64xf32, #tpu.memory_space<vmem>> -> memref<1x1x64xf32, #tpu.memory_space<vmem>>
        %dma_wait3A_1084 = tpu.memref_reshape %arg5 : memref<1000000x64xf32, #tpu.memory_space<hbm>> -> memref<125000x8x64xf32, #tpu.memory_space<hbm>>
        %dma_wait3A_1085 = arith.constant 0 : i32
        %dma_wait3A_1086 = tpu.memref_slice %dma_wait3A_1084[%squeeze3A_287, %squeeze3A_289, %dma_wait3A_1085] : memref<125000x8x64xf32, #tpu.memory_space<hbm>> -> memref<1x1x64xf32, #tpu.memory_space<hbm>>
        %dma_wait3A_1087 = arith.constant 0 : i32
        %dma_wait3A_1088 = arith.constant 0 : i32
        %dma_wait3A_1089 = tpu.memref_slice %arg11[%add3A_285, %dma_wait3A_1087, %dma_wait3A_1088] : memref<256x1x64xf32, #tpu.memory_space<vmem>> -> memref<1x1x64xf32, #tpu.memory_space<vmem>>
        %dma_wait3A_1090 = tpu.memref_reshape %arg5 : memref<1000000x64xf32, #tpu.memory_space<hbm>> -> memref<125000x8x64xf32, #tpu.memory_space<hbm>>
        %dma_wait3A_1091 = arith.constant 0 : i32
        %dma_wait3A_1092 = tpu.memref_slice %dma_wait3A_1090[%squeeze3A_287, %squeeze3A_289, %dma_wait3A_1091] : memref<125000x8x64xf32, #tpu.memory_space<hbm>> -> memref<1x1x64xf32, #tpu.memory_space<hbm>>
        tpu.wait_dma2 semaphore(%arg15 : memref<!tpu.dma_semaphore, #tpu.memory_space<semaphore_mem>>) src(%dma_wait3A_1092 : memref<1x1x64xf32, #tpu.memory_space<hbm>>) dst(%dma_wait3A_1089 : memref<1x1x64xf32, #tpu.memory_space<vmem>>)
        %dma_wait3A_1093 = arith.constant 0 : i32
        %dma_wait3A_1094 = arith.constant 0 : i32
        %dma_wait3A_1095 = tpu.memref_slice %arg13[%add3A_285, %dma_wait3A_1093, %dma_wait3A_1094] : memref<256x1x64xf32, #tpu.memory_space<vmem>> -> memref<1x1x64xf32, #tpu.memory_space<vmem>>
        %dma_wait3A_1096 = tpu.memref_reshape %arg5 : memref<1000000x64xf32, #tpu.memory_space<hbm>> -> memref<125000x8x64xf32, #tpu.memory_space<hbm>>
        %dma_wait3A_1097 = arith.constant 0 : i32
        %dma_wait3A_1098 = tpu.memref_slice %dma_wait3A_1096[%squeeze3A_303, %squeeze3A_305, %dma_wait3A_1097] : memref<125000x8x64xf32, #tpu.memory_space<hbm>> -> memref<1x1x64xf32, #tpu.memory_space<hbm>>
        %dma_wait3A_1099 = arith.constant 0 : i32
        %dma_wait3A_1100 = arith.constant 0 : i32
        %dma_wait3A_1101 = tpu.memref_slice %arg13[%add3A_285, %dma_wait3A_1099, %dma_wait3A_1100] : memref<256x1x64xf32, #tpu.memory_space<vmem>> -> memref<1x1x64xf32, #tpu.memory_space<vmem>>
        %dma_wait3A_1102 = tpu.memref_reshape %arg5 : memref<1000000x64xf32, #tpu.memory_space<hbm>> -> memref<125000x8x64xf32, #tpu.memory_space<hbm>>
        %dma_wait3A_1103 = arith.constant 0 : i32
        %dma_wait3A_1104 = tpu.memref_slice %dma_wait3A_1102[%squeeze3A_303, %squeeze3A_305, %dma_wait3A_1103] : memref<125000x8x64xf32, #tpu.memory_space<hbm>> -> memref<1x1x64xf32, #tpu.memory_space<hbm>>
        tpu.wait_dma2 semaphore(%arg15 : memref<!tpu.dma_semaphore, #tpu.memory_space<semaphore_mem>>) src(%dma_wait3A_1104 : memref<1x1x64xf32, #tpu.memory_space<hbm>>) dst(%dma_wait3A_1101 : memref<1x1x64xf32, #tpu.memory_space<vmem>>)
        %dma_wait3A_1105 = arith.constant 0 : i32
        %dma_wait3A_1106 = arith.constant 0 : i32
        %dma_wait3A_1107 = tpu.memref_slice %arg12[%add3A_285, %dma_wait3A_1105, %dma_wait3A_1106] : memref<256x1x64xf32, #tpu.memory_space<vmem>> -> memref<1x1x64xf32, #tpu.memory_space<vmem>>
        %dma_wait3A_1108 = tpu.memref_reshape %arg6 : memref<1000x64xf32, #tpu.memory_space<hbm>> -> memref<125x8x64xf32, #tpu.memory_space<hbm>>
        %dma_wait3A_1109 = arith.constant 0 : i32
        %dma_wait3A_1110 = tpu.memref_slice %dma_wait3A_1108[%squeeze3A_319, %squeeze3A_321, %dma_wait3A_1109] : memref<125x8x64xf32, #tpu.memory_space<hbm>> -> memref<1x1x64xf32, #tpu.memory_space<hbm>>
        %dma_wait3A_1111 = arith.constant 0 : i32
        %dma_wait3A_1112 = arith.constant 0 : i32
        %dma_wait3A_1113 = tpu.memref_slice %arg12[%add3A_285, %dma_wait3A_1111, %dma_wait3A_1112] : memref<256x1x64xf32, #tpu.memory_space<vmem>> -> memref<1x1x64xf32, #tpu.memory_space<vmem>>
        %dma_wait3A_1114 = tpu.memref_reshape %arg6 : memref<1000x64xf32, #tpu.memory_space<hbm>> -> memref<125x8x64xf32, #tpu.memory_space<hbm>>
        %dma_wait3A_1115 = arith.constant 0 : i32
        %dma_wait3A_1116 = tpu.memref_slice %dma_wait3A_1114[%squeeze3A_319, %squeeze3A_321, %dma_wait3A_1115] : memref<125x8x64xf32, #tpu.memory_space<hbm>> -> memref<1x1x64xf32, #tpu.memory_space<hbm>>
        tpu.wait_dma2 semaphore(%arg15 : memref<!tpu.dma_semaphore, #tpu.memory_space<semaphore_mem>>) src(%dma_wait3A_1116 : memref<1x1x64xf32, #tpu.memory_space<hbm>>) dst(%dma_wait3A_1113 : memref<1x1x64xf32, #tpu.memory_space<vmem>>)
        %dma_wait3A_1117 = arith.constant 0 : i32
        %dma_wait3A_1118 = arith.constant 0 : i32
        %dma_wait3A_1119 = tpu.memref_slice %arg11[%add3A_337, %dma_wait3A_1117, %dma_wait3A_1118] : memref<256x1x64xf32, #tpu.memory_space<vmem>> -> memref<1x1x64xf32, #tpu.memory_space<vmem>>
        %dma_wait3A_1120 = tpu.memref_reshape %arg5 : memref<1000000x64xf32, #tpu.memory_space<hbm>> -> memref<125000x8x64xf32, #tpu.memory_space<hbm>>
        %dma_wait3A_1121 = arith.constant 0 : i32
        %dma_wait3A_1122 = tpu.memref_slice %dma_wait3A_1120[%squeeze3A_339, %squeeze3A_341, %dma_wait3A_1121] : memref<125000x8x64xf32, #tpu.memory_space<hbm>> -> memref<1x1x64xf32, #tpu.memory_space<hbm>>
        %dma_wait3A_1123 = arith.constant 0 : i32
        %dma_wait3A_1124 = arith.constant 0 : i32
        %dma_wait3A_1125 = tpu.memref_slice %arg11[%add3A_337, %dma_wait3A_1123, %dma_wait3A_1124] : memref<256x1x64xf32, #tpu.memory_space<vmem>> -> memref<1x1x64xf32, #tpu.memory_space<vmem>>
        %dma_wait3A_1126 = tpu.memref_reshape %arg5 : memref<1000000x64xf32, #tpu.memory_space<hbm>> -> memref<125000x8x64xf32, #tpu.memory_space<hbm>>
        %dma_wait3A_1127 = arith.constant 0 : i32
        %dma_wait3A_1128 = tpu.memref_slice %dma_wait3A_1126[%squeeze3A_339, %squeeze3A_341, %dma_wait3A_1127] : memref<125000x8x64xf32, #tpu.memory_space<hbm>> -> memref<1x1x64xf32, #tpu.memory_space<hbm>>
        tpu.wait_dma2 semaphore(%arg15 : memref<!tpu.dma_semaphore, #tpu.memory_space<semaphore_mem>>) src(%dma_wait3A_1128 : memref<1x1x64xf32, #tpu.memory_space<hbm>>) dst(%dma_wait3A_1125 : memref<1x1x64xf32, #tpu.memory_space<vmem>>)
        %dma_wait3A_1129 = arith.constant 0 : i32
        %dma_wait3A_1130 = arith.constant 0 : i32
        %dma_wait3A_1131 = tpu.memref_slice %arg13[%add3A_337, %dma_wait3A_1129, %dma_wait3A_1130] : memref<256x1x64xf32, #tpu.memory_space<vmem>> -> memref<1x1x64xf32, #tpu.memory_space<vmem>>
        %dma_wait3A_1132 = tpu.memref_reshape %arg5 : memref<1000000x64xf32, #tpu.memory_space<hbm>> -> memref<125000x8x64xf32, #tpu.memory_space<hbm>>
        %dma_wait3A_1133 = arith.constant 0 : i32
        %dma_wait3A_1134 = tpu.memref_slice %dma_wait3A_1132[%squeeze3A_355, %squeeze3A_357, %dma_wait3A_1133] : memref<125000x8x64xf32, #tpu.memory_space<hbm>> -> memref<1x1x64xf32, #tpu.memory_space<hbm>>
        %dma_wait3A_1135 = arith.constant 0 : i32
        %dma_wait3A_1136 = arith.constant 0 : i32
        %dma_wait3A_1137 = tpu.memref_slice %arg13[%add3A_337, %dma_wait3A_1135, %dma_wait3A_1136] : memref<256x1x64xf32, #tpu.memory_space<vmem>> -> memref<1x1x64xf32, #tpu.memory_space<vmem>>
        %dma_wait3A_1138 = tpu.memref_reshape %arg5 : memref<1000000x64xf32, #tpu.memory_space<hbm>> -> memref<125000x8x64xf32, #tpu.memory_space<hbm>>
        %dma_wait3A_1139 = arith.constant 0 : i32
        %dma_wait3A_1140 = tpu.memref_slice %dma_wait3A_1138[%squeeze3A_355, %squeeze3A_357, %dma_wait3A_1139] : memref<125000x8x64xf32, #tpu.memory_space<hbm>> -> memref<1x1x64xf32, #tpu.memory_space<hbm>>
        tpu.wait_dma2 semaphore(%arg15 : memref<!tpu.dma_semaphore, #tpu.memory_space<semaphore_mem>>) src(%dma_wait3A_1140 : memref<1x1x64xf32, #tpu.memory_space<hbm>>) dst(%dma_wait3A_1137 : memref<1x1x64xf32, #tpu.memory_space<vmem>>)
        %dma_wait3A_1141 = arith.constant 0 : i32
        %dma_wait3A_1142 = arith.constant 0 : i32
        %dma_wait3A_1143 = tpu.memref_slice %arg12[%add3A_337, %dma_wait3A_1141, %dma_wait3A_1142] : memref<256x1x64xf32, #tpu.memory_space<vmem>> -> memref<1x1x64xf32, #tpu.memory_space<vmem>>
        %dma_wait3A_1144 = tpu.memref_reshape %arg6 : memref<1000x64xf32, #tpu.memory_space<hbm>> -> memref<125x8x64xf32, #tpu.memory_space<hbm>>
        %dma_wait3A_1145 = arith.constant 0 : i32
        %dma_wait3A_1146 = tpu.memref_slice %dma_wait3A_1144[%squeeze3A_371, %squeeze3A_373, %dma_wait3A_1145] : memref<125x8x64xf32, #tpu.memory_space<hbm>> -> memref<1x1x64xf32, #tpu.memory_space<hbm>>
        %dma_wait3A_1147 = arith.constant 0 : i32
        %dma_wait3A_1148 = arith.constant 0 : i32
        %dma_wait3A_1149 = tpu.memref_slice %arg12[%add3A_337, %dma_wait3A_1147, %dma_wait3A_1148] : memref<256x1x64xf32, #tpu.memory_space<vmem>> -> memref<1x1x64xf32, #tpu.memory_space<vmem>>
        %dma_wait3A_1150 = tpu.memref_reshape %arg6 : memref<1000x64xf32, #tpu.memory_space<hbm>> -> memref<125x8x64xf32, #tpu.memory_space<hbm>>
        %dma_wait3A_1151 = arith.constant 0 : i32
        %dma_wait3A_1152 = tpu.memref_slice %dma_wait3A_1150[%squeeze3A_371, %squeeze3A_373, %dma_wait3A_1151] : memref<125x8x64xf32, #tpu.memory_space<hbm>> -> memref<1x1x64xf32, #tpu.memory_space<hbm>>
        tpu.wait_dma2 semaphore(%arg15 : memref<!tpu.dma_semaphore, #tpu.memory_space<semaphore_mem>>) src(%dma_wait3A_1152 : memref<1x1x64xf32, #tpu.memory_space<hbm>>) dst(%dma_wait3A_1149 : memref<1x1x64xf32, #tpu.memory_space<vmem>>)
        %dma_wait3A_1153 = arith.constant 0 : i32
        %dma_wait3A_1154 = arith.constant 0 : i32
        %dma_wait3A_1155 = tpu.memref_slice %arg11[%add3A_389, %dma_wait3A_1153, %dma_wait3A_1154] : memref<256x1x64xf32, #tpu.memory_space<vmem>> -> memref<1x1x64xf32, #tpu.memory_space<vmem>>
        %dma_wait3A_1156 = tpu.memref_reshape %arg5 : memref<1000000x64xf32, #tpu.memory_space<hbm>> -> memref<125000x8x64xf32, #tpu.memory_space<hbm>>
        %dma_wait3A_1157 = arith.constant 0 : i32
        %dma_wait3A_1158 = tpu.memref_slice %dma_wait3A_1156[%squeeze3A_391, %squeeze3A_393, %dma_wait3A_1157] : memref<125000x8x64xf32, #tpu.memory_space<hbm>> -> memref<1x1x64xf32, #tpu.memory_space<hbm>>
        %dma_wait3A_1159 = arith.constant 0 : i32
        %dma_wait3A_1160 = arith.constant 0 : i32
        %dma_wait3A_1161 = tpu.memref_slice %arg11[%add3A_389, %dma_wait3A_1159, %dma_wait3A_1160] : memref<256x1x64xf32, #tpu.memory_space<vmem>> -> memref<1x1x64xf32, #tpu.memory_space<vmem>>
        %dma_wait3A_1162 = tpu.memref_reshape %arg5 : memref<1000000x64xf32, #tpu.memory_space<hbm>> -> memref<125000x8x64xf32, #tpu.memory_space<hbm>>
        %dma_wait3A_1163 = arith.constant 0 : i32
        %dma_wait3A_1164 = tpu.memref_slice %dma_wait3A_1162[%squeeze3A_391, %squeeze3A_393, %dma_wait3A_1163] : memref<125000x8x64xf32, #tpu.memory_space<hbm>> -> memref<1x1x64xf32, #tpu.memory_space<hbm>>
        tpu.wait_dma2 semaphore(%arg15 : memref<!tpu.dma_semaphore, #tpu.memory_space<semaphore_mem>>) src(%dma_wait3A_1164 : memref<1x1x64xf32, #tpu.memory_space<hbm>>) dst(%dma_wait3A_1161 : memref<1x1x64xf32, #tpu.memory_space<vmem>>)
        %dma_wait3A_1165 = arith.constant 0 : i32
        %dma_wait3A_1166 = arith.constant 0 : i32
        %dma_wait3A_1167 = tpu.memref_slice %arg13[%add3A_389, %dma_wait3A_1165, %dma_wait3A_1166] : memref<256x1x64xf32, #tpu.memory_space<vmem>> -> memref<1x1x64xf32, #tpu.memory_space<vmem>>
        %dma_wait3A_1168 = tpu.memref_reshape %arg5 : memref<1000000x64xf32, #tpu.memory_space<hbm>> -> memref<125000x8x64xf32, #tpu.memory_space<hbm>>
        %dma_wait3A_1169 = arith.constant 0 : i32
        %dma_wait3A_1170 = tpu.memref_slice %dma_wait3A_1168[%squeeze3A_407, %squeeze3A_409, %dma_wait3A_1169] : memref<125000x8x64xf32, #tpu.memory_space<hbm>> -> memref<1x1x64xf32, #tpu.memory_space<hbm>>
        %dma_wait3A_1171 = arith.constant 0 : i32
        %dma_wait3A_1172 = arith.constant 0 : i32
        %dma_wait3A_1173 = tpu.memref_slice %arg13[%add3A_389, %dma_wait3A_1171, %dma_wait3A_1172] : memref<256x1x64xf32, #tpu.memory_space<vmem>> -> memref<1x1x64xf32, #tpu.memory_space<vmem>>
        %dma_wait3A_1174 = tpu.memref_reshape %arg5 : memref<1000000x64xf32, #tpu.memory_space<hbm>> -> memref<125000x8x64xf32, #tpu.memory_space<hbm>>
        %dma_wait3A_1175 = arith.constant 0 : i32
        %dma_wait3A_1176 = tpu.memref_slice %dma_wait3A_1174[%squeeze3A_407, %squeeze3A_409, %dma_wait3A_1175] : memref<125000x8x64xf32, #tpu.memory_space<hbm>> -> memref<1x1x64xf32, #tpu.memory_space<hbm>>
        tpu.wait_dma2 semaphore(%arg15 : memref<!tpu.dma_semaphore, #tpu.memory_space<semaphore_mem>>) src(%dma_wait3A_1176 : memref<1x1x64xf32, #tpu.memory_space<hbm>>) dst(%dma_wait3A_1173 : memref<1x1x64xf32, #tpu.memory_space<vmem>>)
        %dma_wait3A_1177 = arith.constant 0 : i32
        %dma_wait3A_1178 = arith.constant 0 : i32
        %dma_wait3A_1179 = tpu.memref_slice %arg12[%add3A_389, %dma_wait3A_1177, %dma_wait3A_1178] : memref<256x1x64xf32, #tpu.memory_space<vmem>> -> memref<1x1x64xf32, #tpu.memory_space<vmem>>
        %dma_wait3A_1180 = tpu.memref_reshape %arg6 : memref<1000x64xf32, #tpu.memory_space<hbm>> -> memref<125x8x64xf32, #tpu.memory_space<hbm>>
        %dma_wait3A_1181 = arith.constant 0 : i32
        %dma_wait3A_1182 = tpu.memref_slice %dma_wait3A_1180[%squeeze3A_423, %squeeze3A_425, %dma_wait3A_1181] : memref<125x8x64xf32, #tpu.memory_space<hbm>> -> memref<1x1x64xf32, #tpu.memory_space<hbm>>
        %dma_wait3A_1183 = arith.constant 0 : i32
        %dma_wait3A_1184 = arith.constant 0 : i32
        %dma_wait3A_1185 = tpu.memref_slice %arg12[%add3A_389, %dma_wait3A_1183, %dma_wait3A_1184] : memref<256x1x64xf32, #tpu.memory_space<vmem>> -> memref<1x1x64xf32, #tpu.memory_space<vmem>>
        %dma_wait3A_1186 = tpu.memref_reshape %arg6 : memref<1000x64xf32, #tpu.memory_space<hbm>> -> memref<125x8x64xf32, #tpu.memory_space<hbm>>
        %dma_wait3A_1187 = arith.constant 0 : i32
        %dma_wait3A_1188 = tpu.memref_slice %dma_wait3A_1186[%squeeze3A_423, %squeeze3A_425, %dma_wait3A_1187] : memref<125x8x64xf32, #tpu.memory_space<hbm>> -> memref<1x1x64xf32, #tpu.memory_space<hbm>>
        tpu.wait_dma2 semaphore(%arg15 : memref<!tpu.dma_semaphore, #tpu.memory_space<semaphore_mem>>) src(%dma_wait3A_1188 : memref<1x1x64xf32, #tpu.memory_space<hbm>>) dst(%dma_wait3A_1185 : memref<1x1x64xf32, #tpu.memory_space<vmem>>)
        %dma_wait3A_1189 = arith.constant 0 : i32
        %dma_wait3A_1190 = arith.constant 0 : i32
        %dma_wait3A_1191 = tpu.memref_slice %arg11[%add3A_441, %dma_wait3A_1189, %dma_wait3A_1190] : memref<256x1x64xf32, #tpu.memory_space<vmem>> -> memref<1x1x64xf32, #tpu.memory_space<vmem>>
        %dma_wait3A_1192 = tpu.memref_reshape %arg5 : memref<1000000x64xf32, #tpu.memory_space<hbm>> -> memref<125000x8x64xf32, #tpu.memory_space<hbm>>
        %dma_wait3A_1193 = arith.constant 0 : i32
        %dma_wait3A_1194 = tpu.memref_slice %dma_wait3A_1192[%squeeze3A_443, %squeeze3A_445, %dma_wait3A_1193] : memref<125000x8x64xf32, #tpu.memory_space<hbm>> -> memref<1x1x64xf32, #tpu.memory_space<hbm>>
        %dma_wait3A_1195 = arith.constant 0 : i32
        %dma_wait3A_1196 = arith.constant 0 : i32
        %dma_wait3A_1197 = tpu.memref_slice %arg11[%add3A_441, %dma_wait3A_1195, %dma_wait3A_1196] : memref<256x1x64xf32, #tpu.memory_space<vmem>> -> memref<1x1x64xf32, #tpu.memory_space<vmem>>
        %dma_wait3A_1198 = tpu.memref_reshape %arg5 : memref<1000000x64xf32, #tpu.memory_space<hbm>> -> memref<125000x8x64xf32, #tpu.memory_space<hbm>>
        %dma_wait3A_1199 = arith.constant 0 : i32
        %dma_wait3A_1200 = tpu.memref_slice %dma_wait3A_1198[%squeeze3A_443, %squeeze3A_445, %dma_wait3A_1199] : memref<125000x8x64xf32, #tpu.memory_space<hbm>> -> memref<1x1x64xf32, #tpu.memory_space<hbm>>
        tpu.wait_dma2 semaphore(%arg15 : memref<!tpu.dma_semaphore, #tpu.memory_space<semaphore_mem>>) src(%dma_wait3A_1200 : memref<1x1x64xf32, #tpu.memory_space<hbm>>) dst(%dma_wait3A_1197 : memref<1x1x64xf32, #tpu.memory_space<vmem>>)
        %dma_wait3A_1201 = arith.constant 0 : i32
        %dma_wait3A_1202 = arith.constant 0 : i32
        %dma_wait3A_1203 = tpu.memref_slice %arg13[%add3A_441, %dma_wait3A_1201, %dma_wait3A_1202] : memref<256x1x64xf32, #tpu.memory_space<vmem>> -> memref<1x1x64xf32, #tpu.memory_space<vmem>>
        %dma_wait3A_1204 = tpu.memref_reshape %arg5 : memref<1000000x64xf32, #tpu.memory_space<hbm>> -> memref<125000x8x64xf32, #tpu.memory_space<hbm>>
        %dma_wait3A_1205 = arith.constant 0 : i32
        %dma_wait3A_1206 = tpu.memref_slice %dma_wait3A_1204[%squeeze3A_459, %squeeze3A_461, %dma_wait3A_1205] : memref<125000x8x64xf32, #tpu.memory_space<hbm>> -> memref<1x1x64xf32, #tpu.memory_space<hbm>>
        %dma_wait3A_1207 = arith.constant 0 : i32
        %dma_wait3A_1208 = arith.constant 0 : i32
        %dma_wait3A_1209 = tpu.memref_slice %arg13[%add3A_441, %dma_wait3A_1207, %dma_wait3A_1208] : memref<256x1x64xf32, #tpu.memory_space<vmem>> -> memref<1x1x64xf32, #tpu.memory_space<vmem>>
        %dma_wait3A_1210 = tpu.memref_reshape %arg5 : memref<1000000x64xf32, #tpu.memory_space<hbm>> -> memref<125000x8x64xf32, #tpu.memory_space<hbm>>
        %dma_wait3A_1211 = arith.constant 0 : i32
        %dma_wait3A_1212 = tpu.memref_slice %dma_wait3A_1210[%squeeze3A_459, %squeeze3A_461, %dma_wait3A_1211] : memref<125000x8x64xf32, #tpu.memory_space<hbm>> -> memref<1x1x64xf32, #tpu.memory_space<hbm>>
        tpu.wait_dma2 semaphore(%arg15 : memref<!tpu.dma_semaphore, #tpu.memory_space<semaphore_mem>>) src(%dma_wait3A_1212 : memref<1x1x64xf32, #tpu.memory_space<hbm>>) dst(%dma_wait3A_1209 : memref<1x1x64xf32, #tpu.memory_space<vmem>>)
        %dma_wait3A_1213 = arith.constant 0 : i32
        %dma_wait3A_1214 = arith.constant 0 : i32
        %dma_wait3A_1215 = tpu.memref_slice %arg12[%add3A_441, %dma_wait3A_1213, %dma_wait3A_1214] : memref<256x1x64xf32, #tpu.memory_space<vmem>> -> memref<1x1x64xf32, #tpu.memory_space<vmem>>
        %dma_wait3A_1216 = tpu.memref_reshape %arg6 : memref<1000x64xf32, #tpu.memory_space<hbm>> -> memref<125x8x64xf32, #tpu.memory_space<hbm>>
        %dma_wait3A_1217 = arith.constant 0 : i32
        %dma_wait3A_1218 = tpu.memref_slice %dma_wait3A_1216[%squeeze3A_475, %squeeze3A_477, %dma_wait3A_1217] : memref<125x8x64xf32, #tpu.memory_space<hbm>> -> memref<1x1x64xf32, #tpu.memory_space<hbm>>
        %dma_wait3A_1219 = arith.constant 0 : i32
        %dma_wait3A_1220 = arith.constant 0 : i32
        %dma_wait3A_1221 = tpu.memref_slice %arg12[%add3A_441, %dma_wait3A_1219, %dma_wait3A_1220] : memref<256x1x64xf32, #tpu.memory_space<vmem>> -> memref<1x1x64xf32, #tpu.memory_space<vmem>>
        %dma_wait3A_1222 = tpu.memref_reshape %arg6 : memref<1000x64xf32, #tpu.memory_space<hbm>> -> memref<125x8x64xf32, #tpu.memory_space<hbm>>
        %dma_wait3A_1223 = arith.constant 0 : i32
        %dma_wait3A_1224 = tpu.memref_slice %dma_wait3A_1222[%squeeze3A_475, %squeeze3A_477, %dma_wait3A_1223] : memref<125x8x64xf32, #tpu.memory_space<hbm>> -> memref<1x1x64xf32, #tpu.memory_space<hbm>>
        tpu.wait_dma2 semaphore(%arg15 : memref<!tpu.dma_semaphore, #tpu.memory_space<semaphore_mem>>) src(%dma_wait3A_1224 : memref<1x1x64xf32, #tpu.memory_space<hbm>>) dst(%dma_wait3A_1221 : memref<1x1x64xf32, #tpu.memory_space<vmem>>)
        %dma_wait3A_1225 = arith.constant 0 : i32
        %dma_wait3A_1226 = arith.constant 0 : i32
        %dma_wait3A_1227 = tpu.memref_slice %arg11[%add3A_493, %dma_wait3A_1225, %dma_wait3A_1226] : memref<256x1x64xf32, #tpu.memory_space<vmem>> -> memref<1x1x64xf32, #tpu.memory_space<vmem>>
        %dma_wait3A_1228 = tpu.memref_reshape %arg5 : memref<1000000x64xf32, #tpu.memory_space<hbm>> -> memref<125000x8x64xf32, #tpu.memory_space<hbm>>
        %dma_wait3A_1229 = arith.constant 0 : i32
        %dma_wait3A_1230 = tpu.memref_slice %dma_wait3A_1228[%squeeze3A_495, %squeeze3A_497, %dma_wait3A_1229] : memref<125000x8x64xf32, #tpu.memory_space<hbm>> -> memref<1x1x64xf32, #tpu.memory_space<hbm>>
        %dma_wait3A_1231 = arith.constant 0 : i32
        %dma_wait3A_1232 = arith.constant 0 : i32
        %dma_wait3A_1233 = tpu.memref_slice %arg11[%add3A_493, %dma_wait3A_1231, %dma_wait3A_1232] : memref<256x1x64xf32, #tpu.memory_space<vmem>> -> memref<1x1x64xf32, #tpu.memory_space<vmem>>
        %dma_wait3A_1234 = tpu.memref_reshape %arg5 : memref<1000000x64xf32, #tpu.memory_space<hbm>> -> memref<125000x8x64xf32, #tpu.memory_space<hbm>>
        %dma_wait3A_1235 = arith.constant 0 : i32
        %dma_wait3A_1236 = tpu.memref_slice %dma_wait3A_1234[%squeeze3A_495, %squeeze3A_497, %dma_wait3A_1235] : memref<125000x8x64xf32, #tpu.memory_space<hbm>> -> memref<1x1x64xf32, #tpu.memory_space<hbm>>
        tpu.wait_dma2 semaphore(%arg15 : memref<!tpu.dma_semaphore, #tpu.memory_space<semaphore_mem>>) src(%dma_wait3A_1236 : memref<1x1x64xf32, #tpu.memory_space<hbm>>) dst(%dma_wait3A_1233 : memref<1x1x64xf32, #tpu.memory_space<vmem>>)
        %dma_wait3A_1237 = arith.constant 0 : i32
        %dma_wait3A_1238 = arith.constant 0 : i32
        %dma_wait3A_1239 = tpu.memref_slice %arg13[%add3A_493, %dma_wait3A_1237, %dma_wait3A_1238] : memref<256x1x64xf32, #tpu.memory_space<vmem>> -> memref<1x1x64xf32, #tpu.memory_space<vmem>>
        %dma_wait3A_1240 = tpu.memref_reshape %arg5 : memref<1000000x64xf32, #tpu.memory_space<hbm>> -> memref<125000x8x64xf32, #tpu.memory_space<hbm>>
        %dma_wait3A_1241 = arith.constant 0 : i32
        %dma_wait3A_1242 = tpu.memref_slice %dma_wait3A_1240[%squeeze3A_511, %squeeze3A_513, %dma_wait3A_1241] : memref<125000x8x64xf32, #tpu.memory_space<hbm>> -> memref<1x1x64xf32, #tpu.memory_space<hbm>>
        %dma_wait3A_1243 = arith.constant 0 : i32
        %dma_wait3A_1244 = arith.constant 0 : i32
        %dma_wait3A_1245 = tpu.memref_slice %arg13[%add3A_493, %dma_wait3A_1243, %dma_wait3A_1244] : memref<256x1x64xf32, #tpu.memory_space<vmem>> -> memref<1x1x64xf32, #tpu.memory_space<vmem>>
        %dma_wait3A_1246 = tpu.memref_reshape %arg5 : memref<1000000x64xf32, #tpu.memory_space<hbm>> -> memref<125000x8x64xf32, #tpu.memory_space<hbm>>
        %dma_wait3A_1247 = arith.constant 0 : i32
        %dma_wait3A_1248 = tpu.memref_slice %dma_wait3A_1246[%squeeze3A_511, %squeeze3A_513, %dma_wait3A_1247] : memref<125000x8x64xf32, #tpu.memory_space<hbm>> -> memref<1x1x64xf32, #tpu.memory_space<hbm>>
        tpu.wait_dma2 semaphore(%arg15 : memref<!tpu.dma_semaphore, #tpu.memory_space<semaphore_mem>>) src(%dma_wait3A_1248 : memref<1x1x64xf32, #tpu.memory_space<hbm>>) dst(%dma_wait3A_1245 : memref<1x1x64xf32, #tpu.memory_space<vmem>>)
        %dma_wait3A_1249 = arith.constant 0 : i32
        %dma_wait3A_1250 = arith.constant 0 : i32
        %dma_wait3A_1251 = tpu.memref_slice %arg12[%add3A_493, %dma_wait3A_1249, %dma_wait3A_1250] : memref<256x1x64xf32, #tpu.memory_space<vmem>> -> memref<1x1x64xf32, #tpu.memory_space<vmem>>
        %dma_wait3A_1252 = tpu.memref_reshape %arg6 : memref<1000x64xf32, #tpu.memory_space<hbm>> -> memref<125x8x64xf32, #tpu.memory_space<hbm>>
        %dma_wait3A_1253 = arith.constant 0 : i32
        %dma_wait3A_1254 = tpu.memref_slice %dma_wait3A_1252[%squeeze3A_527, %squeeze3A_529, %dma_wait3A_1253] : memref<125x8x64xf32, #tpu.memory_space<hbm>> -> memref<1x1x64xf32, #tpu.memory_space<hbm>>
        %dma_wait3A_1255 = arith.constant 0 : i32
        %dma_wait3A_1256 = arith.constant 0 : i32
        %dma_wait3A_1257 = tpu.memref_slice %arg12[%add3A_493, %dma_wait3A_1255, %dma_wait3A_1256] : memref<256x1x64xf32, #tpu.memory_space<vmem>> -> memref<1x1x64xf32, #tpu.memory_space<vmem>>
        %dma_wait3A_1258 = tpu.memref_reshape %arg6 : memref<1000x64xf32, #tpu.memory_space<hbm>> -> memref<125x8x64xf32, #tpu.memory_space<hbm>>
        %dma_wait3A_1259 = arith.constant 0 : i32
        %dma_wait3A_1260 = tpu.memref_slice %dma_wait3A_1258[%squeeze3A_527, %squeeze3A_529, %dma_wait3A_1259] : memref<125x8x64xf32, #tpu.memory_space<hbm>> -> memref<1x1x64xf32, #tpu.memory_space<hbm>>
        tpu.wait_dma2 semaphore(%arg15 : memref<!tpu.dma_semaphore, #tpu.memory_space<semaphore_mem>>) src(%dma_wait3A_1260 : memref<1x1x64xf32, #tpu.memory_space<hbm>>) dst(%dma_wait3A_1257 : memref<1x1x64xf32, #tpu.memory_space<vmem>>)
        %dma_wait3A_1261 = arith.constant 0 : i32
        %dma_wait3A_1262 = arith.constant 0 : i32
        %dma_wait3A_1263 = tpu.memref_slice %arg11[%add3A_545, %dma_wait3A_1261, %dma_wait3A_1262] : memref<256x1x64xf32, #tpu.memory_space<vmem>> -> memref<1x1x64xf32, #tpu.memory_space<vmem>>
        %dma_wait3A_1264 = tpu.memref_reshape %arg5 : memref<1000000x64xf32, #tpu.memory_space<hbm>> -> memref<125000x8x64xf32, #tpu.memory_space<hbm>>
        %dma_wait3A_1265 = arith.constant 0 : i32
        %dma_wait3A_1266 = tpu.memref_slice %dma_wait3A_1264[%squeeze3A_547, %squeeze3A_549, %dma_wait3A_1265] : memref<125000x8x64xf32, #tpu.memory_space<hbm>> -> memref<1x1x64xf32, #tpu.memory_space<hbm>>
        %dma_wait3A_1267 = arith.constant 0 : i32
        %dma_wait3A_1268 = arith.constant 0 : i32
        %dma_wait3A_1269 = tpu.memref_slice %arg11[%add3A_545, %dma_wait3A_1267, %dma_wait3A_1268] : memref<256x1x64xf32, #tpu.memory_space<vmem>> -> memref<1x1x64xf32, #tpu.memory_space<vmem>>
        %dma_wait3A_1270 = tpu.memref_reshape %arg5 : memref<1000000x64xf32, #tpu.memory_space<hbm>> -> memref<125000x8x64xf32, #tpu.memory_space<hbm>>
        %dma_wait3A_1271 = arith.constant 0 : i32
        %dma_wait3A_1272 = tpu.memref_slice %dma_wait3A_1270[%squeeze3A_547, %squeeze3A_549, %dma_wait3A_1271] : memref<125000x8x64xf32, #tpu.memory_space<hbm>> -> memref<1x1x64xf32, #tpu.memory_space<hbm>>
        tpu.wait_dma2 semaphore(%arg15 : memref<!tpu.dma_semaphore, #tpu.memory_space<semaphore_mem>>) src(%dma_wait3A_1272 : memref<1x1x64xf32, #tpu.memory_space<hbm>>) dst(%dma_wait3A_1269 : memref<1x1x64xf32, #tpu.memory_space<vmem>>)
        %dma_wait3A_1273 = arith.constant 0 : i32
        %dma_wait3A_1274 = arith.constant 0 : i32
        %dma_wait3A_1275 = tpu.memref_slice %arg13[%add3A_545, %dma_wait3A_1273, %dma_wait3A_1274] : memref<256x1x64xf32, #tpu.memory_space<vmem>> -> memref<1x1x64xf32, #tpu.memory_space<vmem>>
        %dma_wait3A_1276 = tpu.memref_reshape %arg5 : memref<1000000x64xf32, #tpu.memory_space<hbm>> -> memref<125000x8x64xf32, #tpu.memory_space<hbm>>
        %dma_wait3A_1277 = arith.constant 0 : i32
        %dma_wait3A_1278 = tpu.memref_slice %dma_wait3A_1276[%squeeze3A_563, %squeeze3A_565, %dma_wait3A_1277] : memref<125000x8x64xf32, #tpu.memory_space<hbm>> -> memref<1x1x64xf32, #tpu.memory_space<hbm>>
        %dma_wait3A_1279 = arith.constant 0 : i32
        %dma_wait3A_1280 = arith.constant 0 : i32
        %dma_wait3A_1281 = tpu.memref_slice %arg13[%add3A_545, %dma_wait3A_1279, %dma_wait3A_1280] : memref<256x1x64xf32, #tpu.memory_space<vmem>> -> memref<1x1x64xf32, #tpu.memory_space<vmem>>
        %dma_wait3A_1282 = tpu.memref_reshape %arg5 : memref<1000000x64xf32, #tpu.memory_space<hbm>> -> memref<125000x8x64xf32, #tpu.memory_space<hbm>>
        %dma_wait3A_1283 = arith.constant 0 : i32
        %dma_wait3A_1284 = tpu.memref_slice %dma_wait3A_1282[%squeeze3A_563, %squeeze3A_565, %dma_wait3A_1283] : memref<125000x8x64xf32, #tpu.memory_space<hbm>> -> memref<1x1x64xf32, #tpu.memory_space<hbm>>
        tpu.wait_dma2 semaphore(%arg15 : memref<!tpu.dma_semaphore, #tpu.memory_space<semaphore_mem>>) src(%dma_wait3A_1284 : memref<1x1x64xf32, #tpu.memory_space<hbm>>) dst(%dma_wait3A_1281 : memref<1x1x64xf32, #tpu.memory_space<vmem>>)
        %dma_wait3A_1285 = arith.constant 0 : i32
        %dma_wait3A_1286 = arith.constant 0 : i32
        %dma_wait3A_1287 = tpu.memref_slice %arg12[%add3A_545, %dma_wait3A_1285, %dma_wait3A_1286] : memref<256x1x64xf32, #tpu.memory_space<vmem>> -> memref<1x1x64xf32, #tpu.memory_space<vmem>>
        %dma_wait3A_1288 = tpu.memref_reshape %arg6 : memref<1000x64xf32, #tpu.memory_space<hbm>> -> memref<125x8x64xf32, #tpu.memory_space<hbm>>
        %dma_wait3A_1289 = arith.constant 0 : i32
        %dma_wait3A_1290 = tpu.memref_slice %dma_wait3A_1288[%squeeze3A_579, %squeeze3A_581, %dma_wait3A_1289] : memref<125x8x64xf32, #tpu.memory_space<hbm>> -> memref<1x1x64xf32, #tpu.memory_space<hbm>>
        %dma_wait3A_1291 = arith.constant 0 : i32
        %dma_wait3A_1292 = arith.constant 0 : i32
        %dma_wait3A_1293 = tpu.memref_slice %arg12[%add3A_545, %dma_wait3A_1291, %dma_wait3A_1292] : memref<256x1x64xf32, #tpu.memory_space<vmem>> -> memref<1x1x64xf32, #tpu.memory_space<vmem>>
        %dma_wait3A_1294 = tpu.memref_reshape %arg6 : memref<1000x64xf32, #tpu.memory_space<hbm>> -> memref<125x8x64xf32, #tpu.memory_space<hbm>>
        %dma_wait3A_1295 = arith.constant 0 : i32
        %dma_wait3A_1296 = tpu.memref_slice %dma_wait3A_1294[%squeeze3A_579, %squeeze3A_581, %dma_wait3A_1295] : memref<125x8x64xf32, #tpu.memory_space<hbm>> -> memref<1x1x64xf32, #tpu.memory_space<hbm>>
        tpu.wait_dma2 semaphore(%arg15 : memref<!tpu.dma_semaphore, #tpu.memory_space<semaphore_mem>>) src(%dma_wait3A_1296 : memref<1x1x64xf32, #tpu.memory_space<hbm>>) dst(%dma_wait3A_1293 : memref<1x1x64xf32, #tpu.memory_space<vmem>>)
        %dma_wait3A_1297 = arith.constant 0 : i32
        %dma_wait3A_1298 = arith.constant 0 : i32
        %dma_wait3A_1299 = tpu.memref_slice %arg11[%add3A_597, %dma_wait3A_1297, %dma_wait3A_1298] : memref<256x1x64xf32, #tpu.memory_space<vmem>> -> memref<1x1x64xf32, #tpu.memory_space<vmem>>
        %dma_wait3A_1300 = tpu.memref_reshape %arg5 : memref<1000000x64xf32, #tpu.memory_space<hbm>> -> memref<125000x8x64xf32, #tpu.memory_space<hbm>>
        %dma_wait3A_1301 = arith.constant 0 : i32
        %dma_wait3A_1302 = tpu.memref_slice %dma_wait3A_1300[%squeeze3A_599, %squeeze3A_601, %dma_wait3A_1301] : memref<125000x8x64xf32, #tpu.memory_space<hbm>> -> memref<1x1x64xf32, #tpu.memory_space<hbm>>
        %dma_wait3A_1303 = arith.constant 0 : i32
        %dma_wait3A_1304 = arith.constant 0 : i32
        %dma_wait3A_1305 = tpu.memref_slice %arg11[%add3A_597, %dma_wait3A_1303, %dma_wait3A_1304] : memref<256x1x64xf32, #tpu.memory_space<vmem>> -> memref<1x1x64xf32, #tpu.memory_space<vmem>>
        %dma_wait3A_1306 = tpu.memref_reshape %arg5 : memref<1000000x64xf32, #tpu.memory_space<hbm>> -> memref<125000x8x64xf32, #tpu.memory_space<hbm>>
        %dma_wait3A_1307 = arith.constant 0 : i32
        %dma_wait3A_1308 = tpu.memref_slice %dma_wait3A_1306[%squeeze3A_599, %squeeze3A_601, %dma_wait3A_1307] : memref<125000x8x64xf32, #tpu.memory_space<hbm>> -> memref<1x1x64xf32, #tpu.memory_space<hbm>>
        tpu.wait_dma2 semaphore(%arg15 : memref<!tpu.dma_semaphore, #tpu.memory_space<semaphore_mem>>) src(%dma_wait3A_1308 : memref<1x1x64xf32, #tpu.memory_space<hbm>>) dst(%dma_wait3A_1305 : memref<1x1x64xf32, #tpu.memory_space<vmem>>)
        %dma_wait3A_1309 = arith.constant 0 : i32
        %dma_wait3A_1310 = arith.constant 0 : i32
        %dma_wait3A_1311 = tpu.memref_slice %arg13[%add3A_597, %dma_wait3A_1309, %dma_wait3A_1310] : memref<256x1x64xf32, #tpu.memory_space<vmem>> -> memref<1x1x64xf32, #tpu.memory_space<vmem>>
        %dma_wait3A_1312 = tpu.memref_reshape %arg5 : memref<1000000x64xf32, #tpu.memory_space<hbm>> -> memref<125000x8x64xf32, #tpu.memory_space<hbm>>
        %dma_wait3A_1313 = arith.constant 0 : i32
        %dma_wait3A_1314 = tpu.memref_slice %dma_wait3A_1312[%squeeze3A_615, %squeeze3A_617, %dma_wait3A_1313] : memref<125000x8x64xf32, #tpu.memory_space<hbm>> -> memref<1x1x64xf32, #tpu.memory_space<hbm>>
        %dma_wait3A_1315 = arith.constant 0 : i32
        %dma_wait3A_1316 = arith.constant 0 : i32
        %dma_wait3A_1317 = tpu.memref_slice %arg13[%add3A_597, %dma_wait3A_1315, %dma_wait3A_1316] : memref<256x1x64xf32, #tpu.memory_space<vmem>> -> memref<1x1x64xf32, #tpu.memory_space<vmem>>
        %dma_wait3A_1318 = tpu.memref_reshape %arg5 : memref<1000000x64xf32, #tpu.memory_space<hbm>> -> memref<125000x8x64xf32, #tpu.memory_space<hbm>>
        %dma_wait3A_1319 = arith.constant 0 : i32
        %dma_wait3A_1320 = tpu.memref_slice %dma_wait3A_1318[%squeeze3A_615, %squeeze3A_617, %dma_wait3A_1319] : memref<125000x8x64xf32, #tpu.memory_space<hbm>> -> memref<1x1x64xf32, #tpu.memory_space<hbm>>
        tpu.wait_dma2 semaphore(%arg15 : memref<!tpu.dma_semaphore, #tpu.memory_space<semaphore_mem>>) src(%dma_wait3A_1320 : memref<1x1x64xf32, #tpu.memory_space<hbm>>) dst(%dma_wait3A_1317 : memref<1x1x64xf32, #tpu.memory_space<vmem>>)
        %dma_wait3A_1321 = arith.constant 0 : i32
        %dma_wait3A_1322 = arith.constant 0 : i32
        %dma_wait3A_1323 = tpu.memref_slice %arg12[%add3A_597, %dma_wait3A_1321, %dma_wait3A_1322] : memref<256x1x64xf32, #tpu.memory_space<vmem>> -> memref<1x1x64xf32, #tpu.memory_space<vmem>>
        %dma_wait3A_1324 = tpu.memref_reshape %arg6 : memref<1000x64xf32, #tpu.memory_space<hbm>> -> memref<125x8x64xf32, #tpu.memory_space<hbm>>
        %dma_wait3A_1325 = arith.constant 0 : i32
        %dma_wait3A_1326 = tpu.memref_slice %dma_wait3A_1324[%squeeze3A_631, %squeeze3A_633, %dma_wait3A_1325] : memref<125x8x64xf32, #tpu.memory_space<hbm>> -> memref<1x1x64xf32, #tpu.memory_space<hbm>>
        %dma_wait3A_1327 = arith.constant 0 : i32
        %dma_wait3A_1328 = arith.constant 0 : i32
        %dma_wait3A_1329 = tpu.memref_slice %arg12[%add3A_597, %dma_wait3A_1327, %dma_wait3A_1328] : memref<256x1x64xf32, #tpu.memory_space<vmem>> -> memref<1x1x64xf32, #tpu.memory_space<vmem>>
        %dma_wait3A_1330 = tpu.memref_reshape %arg6 : memref<1000x64xf32, #tpu.memory_space<hbm>> -> memref<125x8x64xf32, #tpu.memory_space<hbm>>
        %dma_wait3A_1331 = arith.constant 0 : i32
        %dma_wait3A_1332 = tpu.memref_slice %dma_wait3A_1330[%squeeze3A_631, %squeeze3A_633, %dma_wait3A_1331] : memref<125x8x64xf32, #tpu.memory_space<hbm>> -> memref<1x1x64xf32, #tpu.memory_space<hbm>>
        tpu.wait_dma2 semaphore(%arg15 : memref<!tpu.dma_semaphore, #tpu.memory_space<semaphore_mem>>) src(%dma_wait3A_1332 : memref<1x1x64xf32, #tpu.memory_space<hbm>>) dst(%dma_wait3A_1329 : memref<1x1x64xf32, #tpu.memory_space<vmem>>)
        %dma_wait3A_1333 = arith.constant 0 : i32
        %dma_wait3A_1334 = arith.constant 0 : i32
        %dma_wait3A_1335 = tpu.memref_slice %arg11[%add3A_649, %dma_wait3A_1333, %dma_wait3A_1334] : memref<256x1x64xf32, #tpu.memory_space<vmem>> -> memref<1x1x64xf32, #tpu.memory_space<vmem>>
        %dma_wait3A_1336 = tpu.memref_reshape %arg5 : memref<1000000x64xf32, #tpu.memory_space<hbm>> -> memref<125000x8x64xf32, #tpu.memory_space<hbm>>
        %dma_wait3A_1337 = arith.constant 0 : i32
        %dma_wait3A_1338 = tpu.memref_slice %dma_wait3A_1336[%squeeze3A_651, %squeeze3A_653, %dma_wait3A_1337] : memref<125000x8x64xf32, #tpu.memory_space<hbm>> -> memref<1x1x64xf32, #tpu.memory_space<hbm>>
        %dma_wait3A_1339 = arith.constant 0 : i32
        %dma_wait3A_1340 = arith.constant 0 : i32
        %dma_wait3A_1341 = tpu.memref_slice %arg11[%add3A_649, %dma_wait3A_1339, %dma_wait3A_1340] : memref<256x1x64xf32, #tpu.memory_space<vmem>> -> memref<1x1x64xf32, #tpu.memory_space<vmem>>
        %dma_wait3A_1342 = tpu.memref_reshape %arg5 : memref<1000000x64xf32, #tpu.memory_space<hbm>> -> memref<125000x8x64xf32, #tpu.memory_space<hbm>>
        %dma_wait3A_1343 = arith.constant 0 : i32
        %dma_wait3A_1344 = tpu.memref_slice %dma_wait3A_1342[%squeeze3A_651, %squeeze3A_653, %dma_wait3A_1343] : memref<125000x8x64xf32, #tpu.memory_space<hbm>> -> memref<1x1x64xf32, #tpu.memory_space<hbm>>
        tpu.wait_dma2 semaphore(%arg15 : memref<!tpu.dma_semaphore, #tpu.memory_space<semaphore_mem>>) src(%dma_wait3A_1344 : memref<1x1x64xf32, #tpu.memory_space<hbm>>) dst(%dma_wait3A_1341 : memref<1x1x64xf32, #tpu.memory_space<vmem>>)
        %dma_wait3A_1345 = arith.constant 0 : i32
        %dma_wait3A_1346 = arith.constant 0 : i32
        %dma_wait3A_1347 = tpu.memref_slice %arg13[%add3A_649, %dma_wait3A_1345, %dma_wait3A_1346] : memref<256x1x64xf32, #tpu.memory_space<vmem>> -> memref<1x1x64xf32, #tpu.memory_space<vmem>>
        %dma_wait3A_1348 = tpu.memref_reshape %arg5 : memref<1000000x64xf32, #tpu.memory_space<hbm>> -> memref<125000x8x64xf32, #tpu.memory_space<hbm>>
        %dma_wait3A_1349 = arith.constant 0 : i32
        %dma_wait3A_1350 = tpu.memref_slice %dma_wait3A_1348[%squeeze3A_667, %squeeze3A_669, %dma_wait3A_1349] : memref<125000x8x64xf32, #tpu.memory_space<hbm>> -> memref<1x1x64xf32, #tpu.memory_space<hbm>>
        %dma_wait3A_1351 = arith.constant 0 : i32
        %dma_wait3A_1352 = arith.constant 0 : i32
        %dma_wait3A_1353 = tpu.memref_slice %arg13[%add3A_649, %dma_wait3A_1351, %dma_wait3A_1352] : memref<256x1x64xf32, #tpu.memory_space<vmem>> -> memref<1x1x64xf32, #tpu.memory_space<vmem>>
        %dma_wait3A_1354 = tpu.memref_reshape %arg5 : memref<1000000x64xf32, #tpu.memory_space<hbm>> -> memref<125000x8x64xf32, #tpu.memory_space<hbm>>
        %dma_wait3A_1355 = arith.constant 0 : i32
        %dma_wait3A_1356 = tpu.memref_slice %dma_wait3A_1354[%squeeze3A_667, %squeeze3A_669, %dma_wait3A_1355] : memref<125000x8x64xf32, #tpu.memory_space<hbm>> -> memref<1x1x64xf32, #tpu.memory_space<hbm>>
        tpu.wait_dma2 semaphore(%arg15 : memref<!tpu.dma_semaphore, #tpu.memory_space<semaphore_mem>>) src(%dma_wait3A_1356 : memref<1x1x64xf32, #tpu.memory_space<hbm>>) dst(%dma_wait3A_1353 : memref<1x1x64xf32, #tpu.memory_space<vmem>>)
        %dma_wait3A_1357 = arith.constant 0 : i32
        %dma_wait3A_1358 = arith.constant 0 : i32
        %dma_wait3A_1359 = tpu.memref_slice %arg12[%add3A_649, %dma_wait3A_1357, %dma_wait3A_1358] : memref<256x1x64xf32, #tpu.memory_space<vmem>> -> memref<1x1x64xf32, #tpu.memory_space<vmem>>
        %dma_wait3A_1360 = tpu.memref_reshape %arg6 : memref<1000x64xf32, #tpu.memory_space<hbm>> -> memref<125x8x64xf32, #tpu.memory_space<hbm>>
        %dma_wait3A_1361 = arith.constant 0 : i32
        %dma_wait3A_1362 = tpu.memref_slice %dma_wait3A_1360[%squeeze3A_683, %squeeze3A_685, %dma_wait3A_1361] : memref<125x8x64xf32, #tpu.memory_space<hbm>> -> memref<1x1x64xf32, #tpu.memory_space<hbm>>
        %dma_wait3A_1363 = arith.constant 0 : i32
        %dma_wait3A_1364 = arith.constant 0 : i32
        %dma_wait3A_1365 = tpu.memref_slice %arg12[%add3A_649, %dma_wait3A_1363, %dma_wait3A_1364] : memref<256x1x64xf32, #tpu.memory_space<vmem>> -> memref<1x1x64xf32, #tpu.memory_space<vmem>>
        %dma_wait3A_1366 = tpu.memref_reshape %arg6 : memref<1000x64xf32, #tpu.memory_space<hbm>> -> memref<125x8x64xf32, #tpu.memory_space<hbm>>
        %dma_wait3A_1367 = arith.constant 0 : i32
        %dma_wait3A_1368 = tpu.memref_slice %dma_wait3A_1366[%squeeze3A_683, %squeeze3A_685, %dma_wait3A_1367] : memref<125x8x64xf32, #tpu.memory_space<hbm>> -> memref<1x1x64xf32, #tpu.memory_space<hbm>>
        tpu.wait_dma2 semaphore(%arg15 : memref<!tpu.dma_semaphore, #tpu.memory_space<semaphore_mem>>) src(%dma_wait3A_1368 : memref<1x1x64xf32, #tpu.memory_space<hbm>>) dst(%dma_wait3A_1365 : memref<1x1x64xf32, #tpu.memory_space<vmem>>)
        %dma_wait3A_1369 = arith.constant 0 : i32
        %dma_wait3A_1370 = arith.constant 0 : i32
        %dma_wait3A_1371 = tpu.memref_slice %arg11[%add3A_701, %dma_wait3A_1369, %dma_wait3A_1370] : memref<256x1x64xf32, #tpu.memory_space<vmem>> -> memref<1x1x64xf32, #tpu.memory_space<vmem>>
        %dma_wait3A_1372 = tpu.memref_reshape %arg5 : memref<1000000x64xf32, #tpu.memory_space<hbm>> -> memref<125000x8x64xf32, #tpu.memory_space<hbm>>
        %dma_wait3A_1373 = arith.constant 0 : i32
        %dma_wait3A_1374 = tpu.memref_slice %dma_wait3A_1372[%squeeze3A_703, %squeeze3A_705, %dma_wait3A_1373] : memref<125000x8x64xf32, #tpu.memory_space<hbm>> -> memref<1x1x64xf32, #tpu.memory_space<hbm>>
        %dma_wait3A_1375 = arith.constant 0 : i32
        %dma_wait3A_1376 = arith.constant 0 : i32
        %dma_wait3A_1377 = tpu.memref_slice %arg11[%add3A_701, %dma_wait3A_1375, %dma_wait3A_1376] : memref<256x1x64xf32, #tpu.memory_space<vmem>> -> memref<1x1x64xf32, #tpu.memory_space<vmem>>
        %dma_wait3A_1378 = tpu.memref_reshape %arg5 : memref<1000000x64xf32, #tpu.memory_space<hbm>> -> memref<125000x8x64xf32, #tpu.memory_space<hbm>>
        %dma_wait3A_1379 = arith.constant 0 : i32
        %dma_wait3A_1380 = tpu.memref_slice %dma_wait3A_1378[%squeeze3A_703, %squeeze3A_705, %dma_wait3A_1379] : memref<125000x8x64xf32, #tpu.memory_space<hbm>> -> memref<1x1x64xf32, #tpu.memory_space<hbm>>
        tpu.wait_dma2 semaphore(%arg15 : memref<!tpu.dma_semaphore, #tpu.memory_space<semaphore_mem>>) src(%dma_wait3A_1380 : memref<1x1x64xf32, #tpu.memory_space<hbm>>) dst(%dma_wait3A_1377 : memref<1x1x64xf32, #tpu.memory_space<vmem>>)
        %dma_wait3A_1381 = arith.constant 0 : i32
        %dma_wait3A_1382 = arith.constant 0 : i32
        %dma_wait3A_1383 = tpu.memref_slice %arg13[%add3A_701, %dma_wait3A_1381, %dma_wait3A_1382] : memref<256x1x64xf32, #tpu.memory_space<vmem>> -> memref<1x1x64xf32, #tpu.memory_space<vmem>>
        %dma_wait3A_1384 = tpu.memref_reshape %arg5 : memref<1000000x64xf32, #tpu.memory_space<hbm>> -> memref<125000x8x64xf32, #tpu.memory_space<hbm>>
        %dma_wait3A_1385 = arith.constant 0 : i32
        %dma_wait3A_1386 = tpu.memref_slice %dma_wait3A_1384[%squeeze3A_719, %squeeze3A_721, %dma_wait3A_1385] : memref<125000x8x64xf32, #tpu.memory_space<hbm>> -> memref<1x1x64xf32, #tpu.memory_space<hbm>>
        %dma_wait3A_1387 = arith.constant 0 : i32
        %dma_wait3A_1388 = arith.constant 0 : i32
        %dma_wait3A_1389 = tpu.memref_slice %arg13[%add3A_701, %dma_wait3A_1387, %dma_wait3A_1388] : memref<256x1x64xf32, #tpu.memory_space<vmem>> -> memref<1x1x64xf32, #tpu.memory_space<vmem>>
        %dma_wait3A_1390 = tpu.memref_reshape %arg5 : memref<1000000x64xf32, #tpu.memory_space<hbm>> -> memref<125000x8x64xf32, #tpu.memory_space<hbm>>
        %dma_wait3A_1391 = arith.constant 0 : i32
        %dma_wait3A_1392 = tpu.memref_slice %dma_wait3A_1390[%squeeze3A_719, %squeeze3A_721, %dma_wait3A_1391] : memref<125000x8x64xf32, #tpu.memory_space<hbm>> -> memref<1x1x64xf32, #tpu.memory_space<hbm>>
        tpu.wait_dma2 semaphore(%arg15 : memref<!tpu.dma_semaphore, #tpu.memory_space<semaphore_mem>>) src(%dma_wait3A_1392 : memref<1x1x64xf32, #tpu.memory_space<hbm>>) dst(%dma_wait3A_1389 : memref<1x1x64xf32, #tpu.memory_space<vmem>>)
        %dma_wait3A_1393 = arith.constant 0 : i32
        %dma_wait3A_1394 = arith.constant 0 : i32
        %dma_wait3A_1395 = tpu.memref_slice %arg12[%add3A_701, %dma_wait3A_1393, %dma_wait3A_1394] : memref<256x1x64xf32, #tpu.memory_space<vmem>> -> memref<1x1x64xf32, #tpu.memory_space<vmem>>
        %dma_wait3A_1396 = tpu.memref_reshape %arg6 : memref<1000x64xf32, #tpu.memory_space<hbm>> -> memref<125x8x64xf32, #tpu.memory_space<hbm>>
        %dma_wait3A_1397 = arith.constant 0 : i32
        %dma_wait3A_1398 = tpu.memref_slice %dma_wait3A_1396[%squeeze3A_735, %squeeze3A_737, %dma_wait3A_1397] : memref<125x8x64xf32, #tpu.memory_space<hbm>> -> memref<1x1x64xf32, #tpu.memory_space<hbm>>
        %dma_wait3A_1399 = arith.constant 0 : i32
        %dma_wait3A_1400 = arith.constant 0 : i32
        %dma_wait3A_1401 = tpu.memref_slice %arg12[%add3A_701, %dma_wait3A_1399, %dma_wait3A_1400] : memref<256x1x64xf32, #tpu.memory_space<vmem>> -> memref<1x1x64xf32, #tpu.memory_space<vmem>>
        %dma_wait3A_1402 = tpu.memref_reshape %arg6 : memref<1000x64xf32, #tpu.memory_space<hbm>> -> memref<125x8x64xf32, #tpu.memory_space<hbm>>
        %dma_wait3A_1403 = arith.constant 0 : i32
        %dma_wait3A_1404 = tpu.memref_slice %dma_wait3A_1402[%squeeze3A_735, %squeeze3A_737, %dma_wait3A_1403] : memref<125x8x64xf32, #tpu.memory_space<hbm>> -> memref<1x1x64xf32, #tpu.memory_space<hbm>>
        tpu.wait_dma2 semaphore(%arg15 : memref<!tpu.dma_semaphore, #tpu.memory_space<semaphore_mem>>) src(%dma_wait3A_1404 : memref<1x1x64xf32, #tpu.memory_space<hbm>>) dst(%dma_wait3A_1401 : memref<1x1x64xf32, #tpu.memory_space<vmem>>)
        %dma_wait3A_1405 = arith.constant 0 : i32
        %dma_wait3A_1406 = arith.constant 0 : i32
        %dma_wait3A_1407 = tpu.memref_slice %arg11[%add3A_753, %dma_wait3A_1405, %dma_wait3A_1406] : memref<256x1x64xf32, #tpu.memory_space<vmem>> -> memref<1x1x64xf32, #tpu.memory_space<vmem>>
        %dma_wait3A_1408 = tpu.memref_reshape %arg5 : memref<1000000x64xf32, #tpu.memory_space<hbm>> -> memref<125000x8x64xf32, #tpu.memory_space<hbm>>
        %dma_wait3A_1409 = arith.constant 0 : i32
        %dma_wait3A_1410 = tpu.memref_slice %dma_wait3A_1408[%squeeze3A_755, %squeeze3A_757, %dma_wait3A_1409] : memref<125000x8x64xf32, #tpu.memory_space<hbm>> -> memref<1x1x64xf32, #tpu.memory_space<hbm>>
        %dma_wait3A_1411 = arith.constant 0 : i32
        %dma_wait3A_1412 = arith.constant 0 : i32
        %dma_wait3A_1413 = tpu.memref_slice %arg11[%add3A_753, %dma_wait3A_1411, %dma_wait3A_1412] : memref<256x1x64xf32, #tpu.memory_space<vmem>> -> memref<1x1x64xf32, #tpu.memory_space<vmem>>
        %dma_wait3A_1414 = tpu.memref_reshape %arg5 : memref<1000000x64xf32, #tpu.memory_space<hbm>> -> memref<125000x8x64xf32, #tpu.memory_space<hbm>>
        %dma_wait3A_1415 = arith.constant 0 : i32
        %dma_wait3A_1416 = tpu.memref_slice %dma_wait3A_1414[%squeeze3A_755, %squeeze3A_757, %dma_wait3A_1415] : memref<125000x8x64xf32, #tpu.memory_space<hbm>> -> memref<1x1x64xf32, #tpu.memory_space<hbm>>
        tpu.wait_dma2 semaphore(%arg15 : memref<!tpu.dma_semaphore, #tpu.memory_space<semaphore_mem>>) src(%dma_wait3A_1416 : memref<1x1x64xf32, #tpu.memory_space<hbm>>) dst(%dma_wait3A_1413 : memref<1x1x64xf32, #tpu.memory_space<vmem>>)
        %dma_wait3A_1417 = arith.constant 0 : i32
        %dma_wait3A_1418 = arith.constant 0 : i32
        %dma_wait3A_1419 = tpu.memref_slice %arg13[%add3A_753, %dma_wait3A_1417, %dma_wait3A_1418] : memref<256x1x64xf32, #tpu.memory_space<vmem>> -> memref<1x1x64xf32, #tpu.memory_space<vmem>>
        %dma_wait3A_1420 = tpu.memref_reshape %arg5 : memref<1000000x64xf32, #tpu.memory_space<hbm>> -> memref<125000x8x64xf32, #tpu.memory_space<hbm>>
        %dma_wait3A_1421 = arith.constant 0 : i32
        %dma_wait3A_1422 = tpu.memref_slice %dma_wait3A_1420[%squeeze3A_771, %squeeze3A_773, %dma_wait3A_1421] : memref<125000x8x64xf32, #tpu.memory_space<hbm>> -> memref<1x1x64xf32, #tpu.memory_space<hbm>>
        %dma_wait3A_1423 = arith.constant 0 : i32
        %dma_wait3A_1424 = arith.constant 0 : i32
        %dma_wait3A_1425 = tpu.memref_slice %arg13[%add3A_753, %dma_wait3A_1423, %dma_wait3A_1424] : memref<256x1x64xf32, #tpu.memory_space<vmem>> -> memref<1x1x64xf32, #tpu.memory_space<vmem>>
        %dma_wait3A_1426 = tpu.memref_reshape %arg5 : memref<1000000x64xf32, #tpu.memory_space<hbm>> -> memref<125000x8x64xf32, #tpu.memory_space<hbm>>
        %dma_wait3A_1427 = arith.constant 0 : i32
        %dma_wait3A_1428 = tpu.memref_slice %dma_wait3A_1426[%squeeze3A_771, %squeeze3A_773, %dma_wait3A_1427] : memref<125000x8x64xf32, #tpu.memory_space<hbm>> -> memref<1x1x64xf32, #tpu.memory_space<hbm>>
        tpu.wait_dma2 semaphore(%arg15 : memref<!tpu.dma_semaphore, #tpu.memory_space<semaphore_mem>>) src(%dma_wait3A_1428 : memref<1x1x64xf32, #tpu.memory_space<hbm>>) dst(%dma_wait3A_1425 : memref<1x1x64xf32, #tpu.memory_space<vmem>>)
        %dma_wait3A_1429 = arith.constant 0 : i32
        %dma_wait3A_1430 = arith.constant 0 : i32
        %dma_wait3A_1431 = tpu.memref_slice %arg12[%add3A_753, %dma_wait3A_1429, %dma_wait3A_1430] : memref<256x1x64xf32, #tpu.memory_space<vmem>> -> memref<1x1x64xf32, #tpu.memory_space<vmem>>
        %dma_wait3A_1432 = tpu.memref_reshape %arg6 : memref<1000x64xf32, #tpu.memory_space<hbm>> -> memref<125x8x64xf32, #tpu.memory_space<hbm>>
        %dma_wait3A_1433 = arith.constant 0 : i32
        %dma_wait3A_1434 = tpu.memref_slice %dma_wait3A_1432[%squeeze3A_787, %squeeze3A_789, %dma_wait3A_1433] : memref<125x8x64xf32, #tpu.memory_space<hbm>> -> memref<1x1x64xf32, #tpu.memory_space<hbm>>
        %dma_wait3A_1435 = arith.constant 0 : i32
        %dma_wait3A_1436 = arith.constant 0 : i32
        %dma_wait3A_1437 = tpu.memref_slice %arg12[%add3A_753, %dma_wait3A_1435, %dma_wait3A_1436] : memref<256x1x64xf32, #tpu.memory_space<vmem>> -> memref<1x1x64xf32, #tpu.memory_space<vmem>>
        %dma_wait3A_1438 = tpu.memref_reshape %arg6 : memref<1000x64xf32, #tpu.memory_space<hbm>> -> memref<125x8x64xf32, #tpu.memory_space<hbm>>
        %dma_wait3A_1439 = arith.constant 0 : i32
        %dma_wait3A_1440 = tpu.memref_slice %dma_wait3A_1438[%squeeze3A_787, %squeeze3A_789, %dma_wait3A_1439] : memref<125x8x64xf32, #tpu.memory_space<hbm>> -> memref<1x1x64xf32, #tpu.memory_space<hbm>>
        tpu.wait_dma2 semaphore(%arg15 : memref<!tpu.dma_semaphore, #tpu.memory_space<semaphore_mem>>) src(%dma_wait3A_1440 : memref<1x1x64xf32, #tpu.memory_space<hbm>>) dst(%dma_wait3A_1437 : memref<1x1x64xf32, #tpu.memory_space<vmem>>)
        %dma_wait3A_1441 = arith.constant 0 : i32
        %dma_wait3A_1442 = arith.constant 0 : i32
        %dma_wait3A_1443 = tpu.memref_slice %arg11[%add3A_805, %dma_wait3A_1441, %dma_wait3A_1442] : memref<256x1x64xf32, #tpu.memory_space<vmem>> -> memref<1x1x64xf32, #tpu.memory_space<vmem>>
        %dma_wait3A_1444 = tpu.memref_reshape %arg5 : memref<1000000x64xf32, #tpu.memory_space<hbm>> -> memref<125000x8x64xf32, #tpu.memory_space<hbm>>
        %dma_wait3A_1445 = arith.constant 0 : i32
        %dma_wait3A_1446 = tpu.memref_slice %dma_wait3A_1444[%squeeze3A_807, %squeeze3A_809, %dma_wait3A_1445] : memref<125000x8x64xf32, #tpu.memory_space<hbm>> -> memref<1x1x64xf32, #tpu.memory_space<hbm>>
        %dma_wait3A_1447 = arith.constant 0 : i32
        %dma_wait3A_1448 = arith.constant 0 : i32
        %dma_wait3A_1449 = tpu.memref_slice %arg11[%add3A_805, %dma_wait3A_1447, %dma_wait3A_1448] : memref<256x1x64xf32, #tpu.memory_space<vmem>> -> memref<1x1x64xf32, #tpu.memory_space<vmem>>
        %dma_wait3A_1450 = tpu.memref_reshape %arg5 : memref<1000000x64xf32, #tpu.memory_space<hbm>> -> memref<125000x8x64xf32, #tpu.memory_space<hbm>>
        %dma_wait3A_1451 = arith.constant 0 : i32
        %dma_wait3A_1452 = tpu.memref_slice %dma_wait3A_1450[%squeeze3A_807, %squeeze3A_809, %dma_wait3A_1451] : memref<125000x8x64xf32, #tpu.memory_space<hbm>> -> memref<1x1x64xf32, #tpu.memory_space<hbm>>
        tpu.wait_dma2 semaphore(%arg15 : memref<!tpu.dma_semaphore, #tpu.memory_space<semaphore_mem>>) src(%dma_wait3A_1452 : memref<1x1x64xf32, #tpu.memory_space<hbm>>) dst(%dma_wait3A_1449 : memref<1x1x64xf32, #tpu.memory_space<vmem>>)
        %dma_wait3A_1453 = arith.constant 0 : i32
        %dma_wait3A_1454 = arith.constant 0 : i32
        %dma_wait3A_1455 = tpu.memref_slice %arg13[%add3A_805, %dma_wait3A_1453, %dma_wait3A_1454] : memref<256x1x64xf32, #tpu.memory_space<vmem>> -> memref<1x1x64xf32, #tpu.memory_space<vmem>>
        %dma_wait3A_1456 = tpu.memref_reshape %arg5 : memref<1000000x64xf32, #tpu.memory_space<hbm>> -> memref<125000x8x64xf32, #tpu.memory_space<hbm>>
        %dma_wait3A_1457 = arith.constant 0 : i32
        %dma_wait3A_1458 = tpu.memref_slice %dma_wait3A_1456[%squeeze3A_823, %squeeze3A_825, %dma_wait3A_1457] : memref<125000x8x64xf32, #tpu.memory_space<hbm>> -> memref<1x1x64xf32, #tpu.memory_space<hbm>>
        %dma_wait3A_1459 = arith.constant 0 : i32
        %dma_wait3A_1460 = arith.constant 0 : i32
        %dma_wait3A_1461 = tpu.memref_slice %arg13[%add3A_805, %dma_wait3A_1459, %dma_wait3A_1460] : memref<256x1x64xf32, #tpu.memory_space<vmem>> -> memref<1x1x64xf32, #tpu.memory_space<vmem>>
        %dma_wait3A_1462 = tpu.memref_reshape %arg5 : memref<1000000x64xf32, #tpu.memory_space<hbm>> -> memref<125000x8x64xf32, #tpu.memory_space<hbm>>
        %dma_wait3A_1463 = arith.constant 0 : i32
        %dma_wait3A_1464 = tpu.memref_slice %dma_wait3A_1462[%squeeze3A_823, %squeeze3A_825, %dma_wait3A_1463] : memref<125000x8x64xf32, #tpu.memory_space<hbm>> -> memref<1x1x64xf32, #tpu.memory_space<hbm>>
        tpu.wait_dma2 semaphore(%arg15 : memref<!tpu.dma_semaphore, #tpu.memory_space<semaphore_mem>>) src(%dma_wait3A_1464 : memref<1x1x64xf32, #tpu.memory_space<hbm>>) dst(%dma_wait3A_1461 : memref<1x1x64xf32, #tpu.memory_space<vmem>>)
        %dma_wait3A_1465 = arith.constant 0 : i32
        %dma_wait3A_1466 = arith.constant 0 : i32
        %dma_wait3A_1467 = tpu.memref_slice %arg12[%add3A_805, %dma_wait3A_1465, %dma_wait3A_1466] : memref<256x1x64xf32, #tpu.memory_space<vmem>> -> memref<1x1x64xf32, #tpu.memory_space<vmem>>
        %dma_wait3A_1468 = tpu.memref_reshape %arg6 : memref<1000x64xf32, #tpu.memory_space<hbm>> -> memref<125x8x64xf32, #tpu.memory_space<hbm>>
        %dma_wait3A_1469 = arith.constant 0 : i32
        %dma_wait3A_1470 = tpu.memref_slice %dma_wait3A_1468[%squeeze3A_839, %squeeze3A_841, %dma_wait3A_1469] : memref<125x8x64xf32, #tpu.memory_space<hbm>> -> memref<1x1x64xf32, #tpu.memory_space<hbm>>
        %dma_wait3A_1471 = arith.constant 0 : i32
        %dma_wait3A_1472 = arith.constant 0 : i32
        %dma_wait3A_1473 = tpu.memref_slice %arg12[%add3A_805, %dma_wait3A_1471, %dma_wait3A_1472] : memref<256x1x64xf32, #tpu.memory_space<vmem>> -> memref<1x1x64xf32, #tpu.memory_space<vmem>>
        %dma_wait3A_1474 = tpu.memref_reshape %arg6 : memref<1000x64xf32, #tpu.memory_space<hbm>> -> memref<125x8x64xf32, #tpu.memory_space<hbm>>
        %dma_wait3A_1475 = arith.constant 0 : i32
        %dma_wait3A_1476 = tpu.memref_slice %dma_wait3A_1474[%squeeze3A_839, %squeeze3A_841, %dma_wait3A_1475] : memref<125x8x64xf32, #tpu.memory_space<hbm>> -> memref<1x1x64xf32, #tpu.memory_space<hbm>>
        tpu.wait_dma2 semaphore(%arg15 : memref<!tpu.dma_semaphore, #tpu.memory_space<semaphore_mem>>) src(%dma_wait3A_1476 : memref<1x1x64xf32, #tpu.memory_space<hbm>>) dst(%dma_wait3A_1473 : memref<1x1x64xf32, #tpu.memory_space<vmem>>)
        %dma_wait3A_1477 = arith.constant 0 : i32
        %dma_wait3A_1478 = arith.constant 0 : i32
        %dma_wait3A_1479 = tpu.memref_slice %arg11[%add3A_857, %dma_wait3A_1477, %dma_wait3A_1478] : memref<256x1x64xf32, #tpu.memory_space<vmem>> -> memref<1x1x64xf32, #tpu.memory_space<vmem>>
        %dma_wait3A_1480 = tpu.memref_reshape %arg5 : memref<1000000x64xf32, #tpu.memory_space<hbm>> -> memref<125000x8x64xf32, #tpu.memory_space<hbm>>
        %dma_wait3A_1481 = arith.constant 0 : i32
        %dma_wait3A_1482 = tpu.memref_slice %dma_wait3A_1480[%squeeze3A_859, %squeeze3A_861, %dma_wait3A_1481] : memref<125000x8x64xf32, #tpu.memory_space<hbm>> -> memref<1x1x64xf32, #tpu.memory_space<hbm>>
        %dma_wait3A_1483 = arith.constant 0 : i32
        %dma_wait3A_1484 = arith.constant 0 : i32
        %dma_wait3A_1485 = tpu.memref_slice %arg11[%add3A_857, %dma_wait3A_1483, %dma_wait3A_1484] : memref<256x1x64xf32, #tpu.memory_space<vmem>> -> memref<1x1x64xf32, #tpu.memory_space<vmem>>
        %dma_wait3A_1486 = tpu.memref_reshape %arg5 : memref<1000000x64xf32, #tpu.memory_space<hbm>> -> memref<125000x8x64xf32, #tpu.memory_space<hbm>>
        %dma_wait3A_1487 = arith.constant 0 : i32
        %dma_wait3A_1488 = tpu.memref_slice %dma_wait3A_1486[%squeeze3A_859, %squeeze3A_861, %dma_wait3A_1487] : memref<125000x8x64xf32, #tpu.memory_space<hbm>> -> memref<1x1x64xf32, #tpu.memory_space<hbm>>
        tpu.wait_dma2 semaphore(%arg15 : memref<!tpu.dma_semaphore, #tpu.memory_space<semaphore_mem>>) src(%dma_wait3A_1488 : memref<1x1x64xf32, #tpu.memory_space<hbm>>) dst(%dma_wait3A_1485 : memref<1x1x64xf32, #tpu.memory_space<vmem>>)
        %dma_wait3A_1489 = arith.constant 0 : i32
        %dma_wait3A_1490 = arith.constant 0 : i32
        %dma_wait3A_1491 = tpu.memref_slice %arg13[%add3A_857, %dma_wait3A_1489, %dma_wait3A_1490] : memref<256x1x64xf32, #tpu.memory_space<vmem>> -> memref<1x1x64xf32, #tpu.memory_space<vmem>>
        %dma_wait3A_1492 = tpu.memref_reshape %arg5 : memref<1000000x64xf32, #tpu.memory_space<hbm>> -> memref<125000x8x64xf32, #tpu.memory_space<hbm>>
        %dma_wait3A_1493 = arith.constant 0 : i32
        %dma_wait3A_1494 = tpu.memref_slice %dma_wait3A_1492[%squeeze3A_875, %squeeze3A_877, %dma_wait3A_1493] : memref<125000x8x64xf32, #tpu.memory_space<hbm>> -> memref<1x1x64xf32, #tpu.memory_space<hbm>>
        %dma_wait3A_1495 = arith.constant 0 : i32
        %dma_wait3A_1496 = arith.constant 0 : i32
        %dma_wait3A_1497 = tpu.memref_slice %arg13[%add3A_857, %dma_wait3A_1495, %dma_wait3A_1496] : memref<256x1x64xf32, #tpu.memory_space<vmem>> -> memref<1x1x64xf32, #tpu.memory_space<vmem>>
        %dma_wait3A_1498 = tpu.memref_reshape %arg5 : memref<1000000x64xf32, #tpu.memory_space<hbm>> -> memref<125000x8x64xf32, #tpu.memory_space<hbm>>
        %dma_wait3A_1499 = arith.constant 0 : i32
        %dma_wait3A_1500 = tpu.memref_slice %dma_wait3A_1498[%squeeze3A_875, %squeeze3A_877, %dma_wait3A_1499] : memref<125000x8x64xf32, #tpu.memory_space<hbm>> -> memref<1x1x64xf32, #tpu.memory_space<hbm>>
        tpu.wait_dma2 semaphore(%arg15 : memref<!tpu.dma_semaphore, #tpu.memory_space<semaphore_mem>>) src(%dma_wait3A_1500 : memref<1x1x64xf32, #tpu.memory_space<hbm>>) dst(%dma_wait3A_1497 : memref<1x1x64xf32, #tpu.memory_space<vmem>>)
        %dma_wait3A_1501 = arith.constant 0 : i32
        %dma_wait3A_1502 = arith.constant 0 : i32
        %dma_wait3A_1503 = tpu.memref_slice %arg12[%add3A_857, %dma_wait3A_1501, %dma_wait3A_1502] : memref<256x1x64xf32, #tpu.memory_space<vmem>> -> memref<1x1x64xf32, #tpu.memory_space<vmem>>
        %dma_wait3A_1504 = tpu.memref_reshape %arg6 : memref<1000x64xf32, #tpu.memory_space<hbm>> -> memref<125x8x64xf32, #tpu.memory_space<hbm>>
        %dma_wait3A_1505 = arith.constant 0 : i32
        %dma_wait3A_1506 = tpu.memref_slice %dma_wait3A_1504[%squeeze3A_891, %squeeze3A_893, %dma_wait3A_1505] : memref<125x8x64xf32, #tpu.memory_space<hbm>> -> memref<1x1x64xf32, #tpu.memory_space<hbm>>
        %dma_wait3A_1507 = arith.constant 0 : i32
        %dma_wait3A_1508 = arith.constant 0 : i32
        %dma_wait3A_1509 = tpu.memref_slice %arg12[%add3A_857, %dma_wait3A_1507, %dma_wait3A_1508] : memref<256x1x64xf32, #tpu.memory_space<vmem>> -> memref<1x1x64xf32, #tpu.memory_space<vmem>>
        %dma_wait3A_1510 = tpu.memref_reshape %arg6 : memref<1000x64xf32, #tpu.memory_space<hbm>> -> memref<125x8x64xf32, #tpu.memory_space<hbm>>
        %dma_wait3A_1511 = arith.constant 0 : i32
        %dma_wait3A_1512 = tpu.memref_slice %dma_wait3A_1510[%squeeze3A_891, %squeeze3A_893, %dma_wait3A_1511] : memref<125x8x64xf32, #tpu.memory_space<hbm>> -> memref<1x1x64xf32, #tpu.memory_space<hbm>>
        tpu.wait_dma2 semaphore(%arg15 : memref<!tpu.dma_semaphore, #tpu.memory_space<semaphore_mem>>) src(%dma_wait3A_1512 : memref<1x1x64xf32, #tpu.memory_space<hbm>>) dst(%dma_wait3A_1509 : memref<1x1x64xf32, #tpu.memory_space<vmem>>)
        %dma_wait3A_1513 = arith.constant 0 : i32
        %dma_wait3A_1514 = arith.constant 0 : i32
        %dma_wait3A_1515 = tpu.memref_slice %arg11[%add3A_909, %dma_wait3A_1513, %dma_wait3A_1514] : memref<256x1x64xf32, #tpu.memory_space<vmem>> -> memref<1x1x64xf32, #tpu.memory_space<vmem>>
        %dma_wait3A_1516 = tpu.memref_reshape %arg5 : memref<1000000x64xf32, #tpu.memory_space<hbm>> -> memref<125000x8x64xf32, #tpu.memory_space<hbm>>
        %dma_wait3A_1517 = arith.constant 0 : i32
        %dma_wait3A_1518 = tpu.memref_slice %dma_wait3A_1516[%squeeze3A_911, %squeeze3A_913, %dma_wait3A_1517] : memref<125000x8x64xf32, #tpu.memory_space<hbm>> -> memref<1x1x64xf32, #tpu.memory_space<hbm>>
        %dma_wait3A_1519 = arith.constant 0 : i32
        %dma_wait3A_1520 = arith.constant 0 : i32
        %dma_wait3A_1521 = tpu.memref_slice %arg11[%add3A_909, %dma_wait3A_1519, %dma_wait3A_1520] : memref<256x1x64xf32, #tpu.memory_space<vmem>> -> memref<1x1x64xf32, #tpu.memory_space<vmem>>
        %dma_wait3A_1522 = tpu.memref_reshape %arg5 : memref<1000000x64xf32, #tpu.memory_space<hbm>> -> memref<125000x8x64xf32, #tpu.memory_space<hbm>>
        %dma_wait3A_1523 = arith.constant 0 : i32
        %dma_wait3A_1524 = tpu.memref_slice %dma_wait3A_1522[%squeeze3A_911, %squeeze3A_913, %dma_wait3A_1523] : memref<125000x8x64xf32, #tpu.memory_space<hbm>> -> memref<1x1x64xf32, #tpu.memory_space<hbm>>
        tpu.wait_dma2 semaphore(%arg15 : memref<!tpu.dma_semaphore, #tpu.memory_space<semaphore_mem>>) src(%dma_wait3A_1524 : memref<1x1x64xf32, #tpu.memory_space<hbm>>) dst(%dma_wait3A_1521 : memref<1x1x64xf32, #tpu.memory_space<vmem>>)
        %dma_wait3A_1525 = arith.constant 0 : i32
        %dma_wait3A_1526 = arith.constant 0 : i32
        %dma_wait3A_1527 = tpu.memref_slice %arg13[%add3A_909, %dma_wait3A_1525, %dma_wait3A_1526] : memref<256x1x64xf32, #tpu.memory_space<vmem>> -> memref<1x1x64xf32, #tpu.memory_space<vmem>>
        %dma_wait3A_1528 = tpu.memref_reshape %arg5 : memref<1000000x64xf32, #tpu.memory_space<hbm>> -> memref<125000x8x64xf32, #tpu.memory_space<hbm>>
        %dma_wait3A_1529 = arith.constant 0 : i32
        %dma_wait3A_1530 = tpu.memref_slice %dma_wait3A_1528[%squeeze3A_927, %squeeze3A_929, %dma_wait3A_1529] : memref<125000x8x64xf32, #tpu.memory_space<hbm>> -> memref<1x1x64xf32, #tpu.memory_space<hbm>>
        %dma_wait3A_1531 = arith.constant 0 : i32
        %dma_wait3A_1532 = arith.constant 0 : i32
        %dma_wait3A_1533 = tpu.memref_slice %arg13[%add3A_909, %dma_wait3A_1531, %dma_wait3A_1532] : memref<256x1x64xf32, #tpu.memory_space<vmem>> -> memref<1x1x64xf32, #tpu.memory_space<vmem>>
        %dma_wait3A_1534 = tpu.memref_reshape %arg5 : memref<1000000x64xf32, #tpu.memory_space<hbm>> -> memref<125000x8x64xf32, #tpu.memory_space<hbm>>
        %dma_wait3A_1535 = arith.constant 0 : i32
        %dma_wait3A_1536 = tpu.memref_slice %dma_wait3A_1534[%squeeze3A_927, %squeeze3A_929, %dma_wait3A_1535] : memref<125000x8x64xf32, #tpu.memory_space<hbm>> -> memref<1x1x64xf32, #tpu.memory_space<hbm>>
        tpu.wait_dma2 semaphore(%arg15 : memref<!tpu.dma_semaphore, #tpu.memory_space<semaphore_mem>>) src(%dma_wait3A_1536 : memref<1x1x64xf32, #tpu.memory_space<hbm>>) dst(%dma_wait3A_1533 : memref<1x1x64xf32, #tpu.memory_space<vmem>>)
        %dma_wait3A_1537 = arith.constant 0 : i32
        %dma_wait3A_1538 = arith.constant 0 : i32
        %dma_wait3A_1539 = tpu.memref_slice %arg12[%add3A_909, %dma_wait3A_1537, %dma_wait3A_1538] : memref<256x1x64xf32, #tpu.memory_space<vmem>> -> memref<1x1x64xf32, #tpu.memory_space<vmem>>
        %dma_wait3A_1540 = tpu.memref_reshape %arg6 : memref<1000x64xf32, #tpu.memory_space<hbm>> -> memref<125x8x64xf32, #tpu.memory_space<hbm>>
        %dma_wait3A_1541 = arith.constant 0 : i32
        %dma_wait3A_1542 = tpu.memref_slice %dma_wait3A_1540[%squeeze3A_943, %squeeze3A_945, %dma_wait3A_1541] : memref<125x8x64xf32, #tpu.memory_space<hbm>> -> memref<1x1x64xf32, #tpu.memory_space<hbm>>
        %dma_wait3A_1543 = arith.constant 0 : i32
        %dma_wait3A_1544 = arith.constant 0 : i32
        %dma_wait3A_1545 = tpu.memref_slice %arg12[%add3A_909, %dma_wait3A_1543, %dma_wait3A_1544] : memref<256x1x64xf32, #tpu.memory_space<vmem>> -> memref<1x1x64xf32, #tpu.memory_space<vmem>>
        %dma_wait3A_1546 = tpu.memref_reshape %arg6 : memref<1000x64xf32, #tpu.memory_space<hbm>> -> memref<125x8x64xf32, #tpu.memory_space<hbm>>
        %dma_wait3A_1547 = arith.constant 0 : i32
        %dma_wait3A_1548 = tpu.memref_slice %dma_wait3A_1546[%squeeze3A_943, %squeeze3A_945, %dma_wait3A_1547] : memref<125x8x64xf32, #tpu.memory_space<hbm>> -> memref<1x1x64xf32, #tpu.memory_space<hbm>>
        tpu.wait_dma2 semaphore(%arg15 : memref<!tpu.dma_semaphore, #tpu.memory_space<semaphore_mem>>) src(%dma_wait3A_1548 : memref<1x1x64xf32, #tpu.memory_space<hbm>>) dst(%dma_wait3A_1545 : memref<1x1x64xf32, #tpu.memory_space<vmem>>)
        %dma_wait3A_1549 = arith.constant 0 : i32
        %dma_wait3A_1550 = arith.constant 0 : i32
        %dma_wait3A_1551 = tpu.memref_slice %arg11[%add3A_961, %dma_wait3A_1549, %dma_wait3A_1550] : memref<256x1x64xf32, #tpu.memory_space<vmem>> -> memref<1x1x64xf32, #tpu.memory_space<vmem>>
        %dma_wait3A_1552 = tpu.memref_reshape %arg5 : memref<1000000x64xf32, #tpu.memory_space<hbm>> -> memref<125000x8x64xf32, #tpu.memory_space<hbm>>
        %dma_wait3A_1553 = arith.constant 0 : i32
        %dma_wait3A_1554 = tpu.memref_slice %dma_wait3A_1552[%squeeze3A_963, %squeeze3A_965, %dma_wait3A_1553] : memref<125000x8x64xf32, #tpu.memory_space<hbm>> -> memref<1x1x64xf32, #tpu.memory_space<hbm>>
        %dma_wait3A_1555 = arith.constant 0 : i32
        %dma_wait3A_1556 = arith.constant 0 : i32
        %dma_wait3A_1557 = tpu.memref_slice %arg11[%add3A_961, %dma_wait3A_1555, %dma_wait3A_1556] : memref<256x1x64xf32, #tpu.memory_space<vmem>> -> memref<1x1x64xf32, #tpu.memory_space<vmem>>
        %dma_wait3A_1558 = tpu.memref_reshape %arg5 : memref<1000000x64xf32, #tpu.memory_space<hbm>> -> memref<125000x8x64xf32, #tpu.memory_space<hbm>>
        %dma_wait3A_1559 = arith.constant 0 : i32
        %dma_wait3A_1560 = tpu.memref_slice %dma_wait3A_1558[%squeeze3A_963, %squeeze3A_965, %dma_wait3A_1559] : memref<125000x8x64xf32, #tpu.memory_space<hbm>> -> memref<1x1x64xf32, #tpu.memory_space<hbm>>
        tpu.wait_dma2 semaphore(%arg15 : memref<!tpu.dma_semaphore, #tpu.memory_space<semaphore_mem>>) src(%dma_wait3A_1560 : memref<1x1x64xf32, #tpu.memory_space<hbm>>) dst(%dma_wait3A_1557 : memref<1x1x64xf32, #tpu.memory_space<vmem>>)
        %dma_wait3A_1561 = arith.constant 0 : i32
        %dma_wait3A_1562 = arith.constant 0 : i32
        %dma_wait3A_1563 = tpu.memref_slice %arg13[%add3A_961, %dma_wait3A_1561, %dma_wait3A_1562] : memref<256x1x64xf32, #tpu.memory_space<vmem>> -> memref<1x1x64xf32, #tpu.memory_space<vmem>>
        %dma_wait3A_1564 = tpu.memref_reshape %arg5 : memref<1000000x64xf32, #tpu.memory_space<hbm>> -> memref<125000x8x64xf32, #tpu.memory_space<hbm>>
        %dma_wait3A_1565 = arith.constant 0 : i32
        %dma_wait3A_1566 = tpu.memref_slice %dma_wait3A_1564[%squeeze3A_979, %squeeze3A_981, %dma_wait3A_1565] : memref<125000x8x64xf32, #tpu.memory_space<hbm>> -> memref<1x1x64xf32, #tpu.memory_space<hbm>>
        %dma_wait3A_1567 = arith.constant 0 : i32
        %dma_wait3A_1568 = arith.constant 0 : i32
        %dma_wait3A_1569 = tpu.memref_slice %arg13[%add3A_961, %dma_wait3A_1567, %dma_wait3A_1568] : memref<256x1x64xf32, #tpu.memory_space<vmem>> -> memref<1x1x64xf32, #tpu.memory_space<vmem>>
        %dma_wait3A_1570 = tpu.memref_reshape %arg5 : memref<1000000x64xf32, #tpu.memory_space<hbm>> -> memref<125000x8x64xf32, #tpu.memory_space<hbm>>
        %dma_wait3A_1571 = arith.constant 0 : i32
        %dma_wait3A_1572 = tpu.memref_slice %dma_wait3A_1570[%squeeze3A_979, %squeeze3A_981, %dma_wait3A_1571] : memref<125000x8x64xf32, #tpu.memory_space<hbm>> -> memref<1x1x64xf32, #tpu.memory_space<hbm>>
        tpu.wait_dma2 semaphore(%arg15 : memref<!tpu.dma_semaphore, #tpu.memory_space<semaphore_mem>>) src(%dma_wait3A_1572 : memref<1x1x64xf32, #tpu.memory_space<hbm>>) dst(%dma_wait3A_1569 : memref<1x1x64xf32, #tpu.memory_space<vmem>>)
        %dma_wait3A_1573 = arith.constant 0 : i32
        %dma_wait3A_1574 = arith.constant 0 : i32
        %dma_wait3A_1575 = tpu.memref_slice %arg12[%add3A_961, %dma_wait3A_1573, %dma_wait3A_1574] : memref<256x1x64xf32, #tpu.memory_space<vmem>> -> memref<1x1x64xf32, #tpu.memory_space<vmem>>
        %dma_wait3A_1576 = tpu.memref_reshape %arg6 : memref<1000x64xf32, #tpu.memory_space<hbm>> -> memref<125x8x64xf32, #tpu.memory_space<hbm>>
        %dma_wait3A_1577 = arith.constant 0 : i32
        %dma_wait3A_1578 = tpu.memref_slice %dma_wait3A_1576[%squeeze3A_995, %squeeze3A_997, %dma_wait3A_1577] : memref<125x8x64xf32, #tpu.memory_space<hbm>> -> memref<1x1x64xf32, #tpu.memory_space<hbm>>
        %dma_wait3A_1579 = arith.constant 0 : i32
        %dma_wait3A_1580 = arith.constant 0 : i32
        %dma_wait3A_1581 = tpu.memref_slice %arg12[%add3A_961, %dma_wait3A_1579, %dma_wait3A_1580] : memref<256x1x64xf32, #tpu.memory_space<vmem>> -> memref<1x1x64xf32, #tpu.memory_space<vmem>>
        %dma_wait3A_1582 = tpu.memref_reshape %arg6 : memref<1000x64xf32, #tpu.memory_space<hbm>> -> memref<125x8x64xf32, #tpu.memory_space<hbm>>
        %dma_wait3A_1583 = arith.constant 0 : i32
        %dma_wait3A_1584 = tpu.memref_slice %dma_wait3A_1582[%squeeze3A_995, %squeeze3A_997, %dma_wait3A_1583] : memref<125x8x64xf32, #tpu.memory_space<hbm>> -> memref<1x1x64xf32, #tpu.memory_space<hbm>>
        tpu.wait_dma2 semaphore(%arg15 : memref<!tpu.dma_semaphore, #tpu.memory_space<semaphore_mem>>) src(%dma_wait3A_1584 : memref<1x1x64xf32, #tpu.memory_space<hbm>>) dst(%dma_wait3A_1581 : memref<1x1x64xf32, #tpu.memory_space<vmem>>)
      }
      %scan3A_16 = arith.constant 16 : i32
      %scan3A_17 = arith.constant 0 : i32
      %scan3A_18 = arith.constant 0 : i32
      %scan3A_19 = arith.constant 16 : i32
      %scan3A_20 = arith.addi %scan3A_18, %scan3A_19 : i32
      %scan3A_21 = arith.constant 1 : i32
      scf.for %scan3A_23 = %scan3A_18 to %scan3A_20 step %scan3A_21  : i32 {
        %mul3A_24 = arith.constant 16 : i32
        %mul3A_25 = arith.muli %scan3A_23, %mul3A_24 : i32
        %add3A_26 = arith.addi %mul3A_10, %mul3A_25 : i32
        %mul3A_27 = arith.constant 16 : i32
        %mul3A_28 = arith.muli %scan3A_23, %mul3A_27 : i32
        %add3A_29 = vector.broadcast %mul3A_28 : i32 to vector<16xi32>
        %add3A_30 = arith.addi %add3A_29, %iota3A : vector<16xi32>
        %broadcast_in_dim3A = arith.constant 0 : i32
        %broadcast_in_dim3A_31 = vector.broadcast %broadcast_in_dim3A : i32 to vector<16xi32>
        %broadcast_in_dim3A_32 = arith.constant 0.000000e+00 : f32
        %broadcast_in_dim3A_33 = vector.broadcast %broadcast_in_dim3A_32 : f32 to vector<16xf32>
        %broadcast_in_dim3A_34 = arith.constant 0 : i32
        %broadcast_in_dim3A_35 = vector.broadcast %broadcast_in_dim3A_34 : i32 to vector<16xi32>
        %gather3A = tpu.vector_load_idx %arg11[%add3A_30, %broadcast_in_dim3A_31, %broadcast_in_dim3A_35] : memref<256x1x64xf32, #tpu.memory_space<vmem>>[vector<16xi32>, vector<16xi32>, vector<16xi32>], vector<16xf32>,
        %gather3A_36 = tpu.vector_load_idx %arg12[%add3A_30, %broadcast_in_dim3A_31, %broadcast_in_dim3A_35] : memref<256x1x64xf32, #tpu.memory_space<vmem>>[vector<16xi32>, vector<16xi32>, vector<16xi32>], vector<16xf32>,
        %gather3A_37 = tpu.vector_load_idx %arg13[%add3A_30, %broadcast_in_dim3A_31, %broadcast_in_dim3A_35] : memref<256x1x64xf32, #tpu.memory_space<vmem>>[vector<16xi32>, vector<16xi32>, vector<16xi32>], vector<16xf32>,
        %add3A_38 = arith.addf %gather3A, %gather3A_36 : vector<16xf32>
        %sub3A = arith.subf %add3A_38, %gather3A_37 : vector<16xf32>
        %abs3A = math.absf %sub3A : vector<16xf32>
        %add3A_39 = arith.addf %broadcast_in_dim3A_33, %abs3A : vector<16xf32>
        %broadcast_in_dim3A_40 = arith.constant 1 : i32
        %broadcast_in_dim3A_41 = vector.broadcast %broadcast_in_dim3A_40 : i32 to vector<16xi32>
        %gather3A_42 = tpu.vector_load_idx %arg11[%add3A_30, %broadcast_in_dim3A_31, %broadcast_in_dim3A_41] : memref<256x1x64xf32, #tpu.memory_space<vmem>>[vector<16xi32>, vector<16xi32>, vector<16xi32>], vector<16xf32>,
        %gather3A_43 = tpu.vector_load_idx %arg12[%add3A_30, %broadcast_in_dim3A_31, %broadcast_in_dim3A_41] : memref<256x1x64xf32, #tpu.memory_space<vmem>>[vector<16xi32>, vector<16xi32>, vector<16xi32>], vector<16xf32>,
        %gather3A_44 = tpu.vector_load_idx %arg13[%add3A_30, %broadcast_in_dim3A_31, %broadcast_in_dim3A_41] : memref<256x1x64xf32, #tpu.memory_space<vmem>>[vector<16xi32>, vector<16xi32>, vector<16xi32>], vector<16xf32>,
        %add3A_45 = arith.addf %gather3A_42, %gather3A_43 : vector<16xf32>
        %sub3A_46 = arith.subf %add3A_45, %gather3A_44 : vector<16xf32>
        %abs3A_47 = math.absf %sub3A_46 : vector<16xf32>
        %add3A_48 = arith.addf %add3A_39, %abs3A_47 : vector<16xf32>
        %broadcast_in_dim3A_49 = arith.constant 2 : i32
        %broadcast_in_dim3A_50 = vector.broadcast %broadcast_in_dim3A_49 : i32 to vector<16xi32>
        %gather3A_51 = tpu.vector_load_idx %arg11[%add3A_30, %broadcast_in_dim3A_31, %broadcast_in_dim3A_50] : memref<256x1x64xf32, #tpu.memory_space<vmem>>[vector<16xi32>, vector<16xi32>, vector<16xi32>], vector<16xf32>,
        %gather3A_52 = tpu.vector_load_idx %arg12[%add3A_30, %broadcast_in_dim3A_31, %broadcast_in_dim3A_50] : memref<256x1x64xf32, #tpu.memory_space<vmem>>[vector<16xi32>, vector<16xi32>, vector<16xi32>], vector<16xf32>,
        %gather3A_53 = tpu.vector_load_idx %arg13[%add3A_30, %broadcast_in_dim3A_31, %broadcast_in_dim3A_50] : memref<256x1x64xf32, #tpu.memory_space<vmem>>[vector<16xi32>, vector<16xi32>, vector<16xi32>], vector<16xf32>,
        %add3A_54 = arith.addf %gather3A_51, %gather3A_52 : vector<16xf32>
        %sub3A_55 = arith.subf %add3A_54, %gather3A_53 : vector<16xf32>
        %abs3A_56 = math.absf %sub3A_55 : vector<16xf32>
        %add3A_57 = arith.addf %add3A_48, %abs3A_56 : vector<16xf32>
        %broadcast_in_dim3A_58 = arith.constant 3 : i32
        %broadcast_in_dim3A_59 = vector.broadcast %broadcast_in_dim3A_58 : i32 to vector<16xi32>
        %gather3A_60 = tpu.vector_load_idx %arg11[%add3A_30, %broadcast_in_dim3A_31, %broadcast_in_dim3A_59] : memref<256x1x64xf32, #tpu.memory_space<vmem>>[vector<16xi32>, vector<16xi32>, vector<16xi32>], vector<16xf32>,
        %gather3A_61 = tpu.vector_load_idx %arg12[%add3A_30, %broadcast_in_dim3A_31, %broadcast_in_dim3A_59] : memref<256x1x64xf32, #tpu.memory_space<vmem>>[vector<16xi32>, vector<16xi32>, vector<16xi32>], vector<16xf32>,
        %gather3A_62 = tpu.vector_load_idx %arg13[%add3A_30, %broadcast_in_dim3A_31, %broadcast_in_dim3A_59] : memref<256x1x64xf32, #tpu.memory_space<vmem>>[vector<16xi32>, vector<16xi32>, vector<16xi32>], vector<16xf32>,
        %add3A_63 = arith.addf %gather3A_60, %gather3A_61 : vector<16xf32>
        %sub3A_64 = arith.subf %add3A_63, %gather3A_62 : vector<16xf32>
        %abs3A_65 = math.absf %sub3A_64 : vector<16xf32>
        %add3A_66 = arith.addf %add3A_57, %abs3A_65 : vector<16xf32>
        %broadcast_in_dim3A_67 = arith.constant 4 : i32
        %broadcast_in_dim3A_68 = vector.broadcast %broadcast_in_dim3A_67 : i32 to vector<16xi32>
        %gather3A_69 = tpu.vector_load_idx %arg11[%add3A_30, %broadcast_in_dim3A_31, %broadcast_in_dim3A_68] : memref<256x1x64xf32, #tpu.memory_space<vmem>>[vector<16xi32>, vector<16xi32>, vector<16xi32>], vector<16xf32>,
        %gather3A_70 = tpu.vector_load_idx %arg12[%add3A_30, %broadcast_in_dim3A_31, %broadcast_in_dim3A_68] : memref<256x1x64xf32, #tpu.memory_space<vmem>>[vector<16xi32>, vector<16xi32>, vector<16xi32>], vector<16xf32>,
        %gather3A_71 = tpu.vector_load_idx %arg13[%add3A_30, %broadcast_in_dim3A_31, %broadcast_in_dim3A_68] : memref<256x1x64xf32, #tpu.memory_space<vmem>>[vector<16xi32>, vector<16xi32>, vector<16xi32>], vector<16xf32>,
        %add3A_72 = arith.addf %gather3A_69, %gather3A_70 : vector<16xf32>
        %sub3A_73 = arith.subf %add3A_72, %gather3A_71 : vector<16xf32>
        %abs3A_74 = math.absf %sub3A_73 : vector<16xf32>
        %add3A_75 = arith.addf %add3A_66, %abs3A_74 : vector<16xf32>
        %broadcast_in_dim3A_76 = arith.constant 5 : i32
        %broadcast_in_dim3A_77 = vector.broadcast %broadcast_in_dim3A_76 : i32 to vector<16xi32>
        %gather3A_78 = tpu.vector_load_idx %arg11[%add3A_30, %broadcast_in_dim3A_31, %broadcast_in_dim3A_77] : memref<256x1x64xf32, #tpu.memory_space<vmem>>[vector<16xi32>, vector<16xi32>, vector<16xi32>], vector<16xf32>,
        %gather3A_79 = tpu.vector_load_idx %arg12[%add3A_30, %broadcast_in_dim3A_31, %broadcast_in_dim3A_77] : memref<256x1x64xf32, #tpu.memory_space<vmem>>[vector<16xi32>, vector<16xi32>, vector<16xi32>], vector<16xf32>,
        %gather3A_80 = tpu.vector_load_idx %arg13[%add3A_30, %broadcast_in_dim3A_31, %broadcast_in_dim3A_77] : memref<256x1x64xf32, #tpu.memory_space<vmem>>[vector<16xi32>, vector<16xi32>, vector<16xi32>], vector<16xf32>,
        %add3A_81 = arith.addf %gather3A_78, %gather3A_79 : vector<16xf32>
        %sub3A_82 = arith.subf %add3A_81, %gather3A_80 : vector<16xf32>
        %abs3A_83 = math.absf %sub3A_82 : vector<16xf32>
        %add3A_84 = arith.addf %add3A_75, %abs3A_83 : vector<16xf32>
        %broadcast_in_dim3A_85 = arith.constant 6 : i32
        %broadcast_in_dim3A_86 = vector.broadcast %broadcast_in_dim3A_85 : i32 to vector<16xi32>
        %gather3A_87 = tpu.vector_load_idx %arg11[%add3A_30, %broadcast_in_dim3A_31, %broadcast_in_dim3A_86] : memref<256x1x64xf32, #tpu.memory_space<vmem>>[vector<16xi32>, vector<16xi32>, vector<16xi32>], vector<16xf32>,
        %gather3A_88 = tpu.vector_load_idx %arg12[%add3A_30, %broadcast_in_dim3A_31, %broadcast_in_dim3A_86] : memref<256x1x64xf32, #tpu.memory_space<vmem>>[vector<16xi32>, vector<16xi32>, vector<16xi32>], vector<16xf32>,
        %gather3A_89 = tpu.vector_load_idx %arg13[%add3A_30, %broadcast_in_dim3A_31, %broadcast_in_dim3A_86] : memref<256x1x64xf32, #tpu.memory_space<vmem>>[vector<16xi32>, vector<16xi32>, vector<16xi32>], vector<16xf32>,
        %add3A_90 = arith.addf %gather3A_87, %gather3A_88 : vector<16xf32>
        %sub3A_91 = arith.subf %add3A_90, %gather3A_89 : vector<16xf32>
        %abs3A_92 = math.absf %sub3A_91 : vector<16xf32>
        %add3A_93 = arith.addf %add3A_84, %abs3A_92 : vector<16xf32>
        %broadcast_in_dim3A_94 = arith.constant 7 : i32
        %broadcast_in_dim3A_95 = vector.broadcast %broadcast_in_dim3A_94 : i32 to vector<16xi32>
        %gather3A_96 = tpu.vector_load_idx %arg11[%add3A_30, %broadcast_in_dim3A_31, %broadcast_in_dim3A_95] : memref<256x1x64xf32, #tpu.memory_space<vmem>>[vector<16xi32>, vector<16xi32>, vector<16xi32>], vector<16xf32>,
        %gather3A_97 = tpu.vector_load_idx %arg12[%add3A_30, %broadcast_in_dim3A_31, %broadcast_in_dim3A_95] : memref<256x1x64xf32, #tpu.memory_space<vmem>>[vector<16xi32>, vector<16xi32>, vector<16xi32>], vector<16xf32>,
        %gather3A_98 = tpu.vector_load_idx %arg13[%add3A_30, %broadcast_in_dim3A_31, %broadcast_in_dim3A_95] : memref<256x1x64xf32, #tpu.memory_space<vmem>>[vector<16xi32>, vector<16xi32>, vector<16xi32>], vector<16xf32>,
        %add3A_99 = arith.addf %gather3A_96, %gather3A_97 : vector<16xf32>
        %sub3A_100 = arith.subf %add3A_99, %gather3A_98 : vector<16xf32>
        %abs3A_101 = math.absf %sub3A_100 : vector<16xf32>
        %add3A_102 = arith.addf %add3A_93, %abs3A_101 : vector<16xf32>
        %broadcast_in_dim3A_103 = arith.constant 8 : i32
        %broadcast_in_dim3A_104 = vector.broadcast %broadcast_in_dim3A_103 : i32 to vector<16xi32>
        %gather3A_105 = tpu.vector_load_idx %arg11[%add3A_30, %broadcast_in_dim3A_31, %broadcast_in_dim3A_104] : memref<256x1x64xf32, #tpu.memory_space<vmem>>[vector<16xi32>, vector<16xi32>, vector<16xi32>], vector<16xf32>,
        %gather3A_106 = tpu.vector_load_idx %arg12[%add3A_30, %broadcast_in_dim3A_31, %broadcast_in_dim3A_104] : memref<256x1x64xf32, #tpu.memory_space<vmem>>[vector<16xi32>, vector<16xi32>, vector<16xi32>], vector<16xf32>,
        %gather3A_107 = tpu.vector_load_idx %arg13[%add3A_30, %broadcast_in_dim3A_31, %broadcast_in_dim3A_104] : memref<256x1x64xf32, #tpu.memory_space<vmem>>[vector<16xi32>, vector<16xi32>, vector<16xi32>], vector<16xf32>,
        %add3A_108 = arith.addf %gather3A_105, %gather3A_106 : vector<16xf32>
        %sub3A_109 = arith.subf %add3A_108, %gather3A_107 : vector<16xf32>
        %abs3A_110 = math.absf %sub3A_109 : vector<16xf32>
        %add3A_111 = arith.addf %add3A_102, %abs3A_110 : vector<16xf32>
        %broadcast_in_dim3A_112 = arith.constant 9 : i32
        %broadcast_in_dim3A_113 = vector.broadcast %broadcast_in_dim3A_112 : i32 to vector<16xi32>
        %gather3A_114 = tpu.vector_load_idx %arg11[%add3A_30, %broadcast_in_dim3A_31, %broadcast_in_dim3A_113] : memref<256x1x64xf32, #tpu.memory_space<vmem>>[vector<16xi32>, vector<16xi32>, vector<16xi32>], vector<16xf32>,
        %gather3A_115 = tpu.vector_load_idx %arg12[%add3A_30, %broadcast_in_dim3A_31, %broadcast_in_dim3A_113] : memref<256x1x64xf32, #tpu.memory_space<vmem>>[vector<16xi32>, vector<16xi32>, vector<16xi32>], vector<16xf32>,
        %gather3A_116 = tpu.vector_load_idx %arg13[%add3A_30, %broadcast_in_dim3A_31, %broadcast_in_dim3A_113] : memref<256x1x64xf32, #tpu.memory_space<vmem>>[vector<16xi32>, vector<16xi32>, vector<16xi32>], vector<16xf32>,
        %add3A_117 = arith.addf %gather3A_114, %gather3A_115 : vector<16xf32>
        %sub3A_118 = arith.subf %add3A_117, %gather3A_116 : vector<16xf32>
        %abs3A_119 = math.absf %sub3A_118 : vector<16xf32>
        %add3A_120 = arith.addf %add3A_111, %abs3A_119 : vector<16xf32>
        %broadcast_in_dim3A_121 = arith.constant 10 : i32
        %broadcast_in_dim3A_122 = vector.broadcast %broadcast_in_dim3A_121 : i32 to vector<16xi32>
        %gather3A_123 = tpu.vector_load_idx %arg11[%add3A_30, %broadcast_in_dim3A_31, %broadcast_in_dim3A_122] : memref<256x1x64xf32, #tpu.memory_space<vmem>>[vector<16xi32>, vector<16xi32>, vector<16xi32>], vector<16xf32>,
        %gather3A_124 = tpu.vector_load_idx %arg12[%add3A_30, %broadcast_in_dim3A_31, %broadcast_in_dim3A_122] : memref<256x1x64xf32, #tpu.memory_space<vmem>>[vector<16xi32>, vector<16xi32>, vector<16xi32>], vector<16xf32>,
        %gather3A_125 = tpu.vector_load_idx %arg13[%add3A_30, %broadcast_in_dim3A_31, %broadcast_in_dim3A_122] : memref<256x1x64xf32, #tpu.memory_space<vmem>>[vector<16xi32>, vector<16xi32>, vector<16xi32>], vector<16xf32>,
        %add3A_126 = arith.addf %gather3A_123, %gather3A_124 : vector<16xf32>
        %sub3A_127 = arith.subf %add3A_126, %gather3A_125 : vector<16xf32>
        %abs3A_128 = math.absf %sub3A_127 : vector<16xf32>
        %add3A_129 = arith.addf %add3A_120, %abs3A_128 : vector<16xf32>
        %broadcast_in_dim3A_130 = arith.constant 11 : i32
        %broadcast_in_dim3A_131 = vector.broadcast %broadcast_in_dim3A_130 : i32 to vector<16xi32>
        %gather3A_132 = tpu.vector_load_idx %arg11[%add3A_30, %broadcast_in_dim3A_31, %broadcast_in_dim3A_131] : memref<256x1x64xf32, #tpu.memory_space<vmem>>[vector<16xi32>, vector<16xi32>, vector<16xi32>], vector<16xf32>,
        %gather3A_133 = tpu.vector_load_idx %arg12[%add3A_30, %broadcast_in_dim3A_31, %broadcast_in_dim3A_131] : memref<256x1x64xf32, #tpu.memory_space<vmem>>[vector<16xi32>, vector<16xi32>, vector<16xi32>], vector<16xf32>,
        %gather3A_134 = tpu.vector_load_idx %arg13[%add3A_30, %broadcast_in_dim3A_31, %broadcast_in_dim3A_131] : memref<256x1x64xf32, #tpu.memory_space<vmem>>[vector<16xi32>, vector<16xi32>, vector<16xi32>], vector<16xf32>,
        %add3A_135 = arith.addf %gather3A_132, %gather3A_133 : vector<16xf32>
        %sub3A_136 = arith.subf %add3A_135, %gather3A_134 : vector<16xf32>
        %abs3A_137 = math.absf %sub3A_136 : vector<16xf32>
        %add3A_138 = arith.addf %add3A_129, %abs3A_137 : vector<16xf32>
        %broadcast_in_dim3A_139 = arith.constant 12 : i32
        %broadcast_in_dim3A_140 = vector.broadcast %broadcast_in_dim3A_139 : i32 to vector<16xi32>
        %gather3A_141 = tpu.vector_load_idx %arg11[%add3A_30, %broadcast_in_dim3A_31, %broadcast_in_dim3A_140] : memref<256x1x64xf32, #tpu.memory_space<vmem>>[vector<16xi32>, vector<16xi32>, vector<16xi32>], vector<16xf32>,
        %gather3A_142 = tpu.vector_load_idx %arg12[%add3A_30, %broadcast_in_dim3A_31, %broadcast_in_dim3A_140] : memref<256x1x64xf32, #tpu.memory_space<vmem>>[vector<16xi32>, vector<16xi32>, vector<16xi32>], vector<16xf32>,
        %gather3A_143 = tpu.vector_load_idx %arg13[%add3A_30, %broadcast_in_dim3A_31, %broadcast_in_dim3A_140] : memref<256x1x64xf32, #tpu.memory_space<vmem>>[vector<16xi32>, vector<16xi32>, vector<16xi32>], vector<16xf32>,
        %add3A_144 = arith.addf %gather3A_141, %gather3A_142 : vector<16xf32>
        %sub3A_145 = arith.subf %add3A_144, %gather3A_143 : vector<16xf32>
        %abs3A_146 = math.absf %sub3A_145 : vector<16xf32>
        %add3A_147 = arith.addf %add3A_138, %abs3A_146 : vector<16xf32>
        %broadcast_in_dim3A_148 = arith.constant 13 : i32
        %broadcast_in_dim3A_149 = vector.broadcast %broadcast_in_dim3A_148 : i32 to vector<16xi32>
        %gather3A_150 = tpu.vector_load_idx %arg11[%add3A_30, %broadcast_in_dim3A_31, %broadcast_in_dim3A_149] : memref<256x1x64xf32, #tpu.memory_space<vmem>>[vector<16xi32>, vector<16xi32>, vector<16xi32>], vector<16xf32>,
        %gather3A_151 = tpu.vector_load_idx %arg12[%add3A_30, %broadcast_in_dim3A_31, %broadcast_in_dim3A_149] : memref<256x1x64xf32, #tpu.memory_space<vmem>>[vector<16xi32>, vector<16xi32>, vector<16xi32>], vector<16xf32>,
        %gather3A_152 = tpu.vector_load_idx %arg13[%add3A_30, %broadcast_in_dim3A_31, %broadcast_in_dim3A_149] : memref<256x1x64xf32, #tpu.memory_space<vmem>>[vector<16xi32>, vector<16xi32>, vector<16xi32>], vector<16xf32>,
        %add3A_153 = arith.addf %gather3A_150, %gather3A_151 : vector<16xf32>
        %sub3A_154 = arith.subf %add3A_153, %gather3A_152 : vector<16xf32>
        %abs3A_155 = math.absf %sub3A_154 : vector<16xf32>
        %add3A_156 = arith.addf %add3A_147, %abs3A_155 : vector<16xf32>
        %broadcast_in_dim3A_157 = arith.constant 14 : i32
        %broadcast_in_dim3A_158 = vector.broadcast %broadcast_in_dim3A_157 : i32 to vector<16xi32>
        %gather3A_159 = tpu.vector_load_idx %arg11[%add3A_30, %broadcast_in_dim3A_31, %broadcast_in_dim3A_158] : memref<256x1x64xf32, #tpu.memory_space<vmem>>[vector<16xi32>, vector<16xi32>, vector<16xi32>], vector<16xf32>,
        %gather3A_160 = tpu.vector_load_idx %arg12[%add3A_30, %broadcast_in_dim3A_31, %broadcast_in_dim3A_158] : memref<256x1x64xf32, #tpu.memory_space<vmem>>[vector<16xi32>, vector<16xi32>, vector<16xi32>], vector<16xf32>,
        %gather3A_161 = tpu.vector_load_idx %arg13[%add3A_30, %broadcast_in_dim3A_31, %broadcast_in_dim3A_158] : memref<256x1x64xf32, #tpu.memory_space<vmem>>[vector<16xi32>, vector<16xi32>, vector<16xi32>], vector<16xf32>,
        %add3A_162 = arith.addf %gather3A_159, %gather3A_160 : vector<16xf32>
        %sub3A_163 = arith.subf %add3A_162, %gather3A_161 : vector<16xf32>
        %abs3A_164 = math.absf %sub3A_163 : vector<16xf32>
        %add3A_165 = arith.addf %add3A_156, %abs3A_164 : vector<16xf32>
        %broadcast_in_dim3A_166 = arith.constant 15 : i32
        %broadcast_in_dim3A_167 = vector.broadcast %broadcast_in_dim3A_166 : i32 to vector<16xi32>
        %gather3A_168 = tpu.vector_load_idx %arg11[%add3A_30, %broadcast_in_dim3A_31, %broadcast_in_dim3A_167] : memref<256x1x64xf32, #tpu.memory_space<vmem>>[vector<16xi32>, vector<16xi32>, vector<16xi32>], vector<16xf32>,
        %gather3A_169 = tpu.vector_load_idx %arg12[%add3A_30, %broadcast_in_dim3A_31, %broadcast_in_dim3A_167] : memref<256x1x64xf32, #tpu.memory_space<vmem>>[vector<16xi32>, vector<16xi32>, vector<16xi32>], vector<16xf32>,
        %gather3A_170 = tpu.vector_load_idx %arg13[%add3A_30, %broadcast_in_dim3A_31, %broadcast_in_dim3A_167] : memref<256x1x64xf32, #tpu.memory_space<vmem>>[vector<16xi32>, vector<16xi32>, vector<16xi32>], vector<16xf32>,
        %add3A_171 = arith.addf %gather3A_168, %gather3A_169 : vector<16xf32>
        %sub3A_172 = arith.subf %add3A_171, %gather3A_170 : vector<16xf32>
        %abs3A_173 = math.absf %sub3A_172 : vector<16xf32>
        %add3A_174 = arith.addf %add3A_165, %abs3A_173 : vector<16xf32>
        %broadcast_in_dim3A_175 = arith.constant 16 : i32
        %broadcast_in_dim3A_176 = vector.broadcast %broadcast_in_dim3A_175 : i32 to vector<16xi32>
        %gather3A_177 = tpu.vector_load_idx %arg11[%add3A_30, %broadcast_in_dim3A_31, %broadcast_in_dim3A_176] : memref<256x1x64xf32, #tpu.memory_space<vmem>>[vector<16xi32>, vector<16xi32>, vector<16xi32>], vector<16xf32>,
        %gather3A_178 = tpu.vector_load_idx %arg12[%add3A_30, %broadcast_in_dim3A_31, %broadcast_in_dim3A_176] : memref<256x1x64xf32, #tpu.memory_space<vmem>>[vector<16xi32>, vector<16xi32>, vector<16xi32>], vector<16xf32>,
        %gather3A_179 = tpu.vector_load_idx %arg13[%add3A_30, %broadcast_in_dim3A_31, %broadcast_in_dim3A_176] : memref<256x1x64xf32, #tpu.memory_space<vmem>>[vector<16xi32>, vector<16xi32>, vector<16xi32>], vector<16xf32>,
        %add3A_180 = arith.addf %gather3A_177, %gather3A_178 : vector<16xf32>
        %sub3A_181 = arith.subf %add3A_180, %gather3A_179 : vector<16xf32>
        %abs3A_182 = math.absf %sub3A_181 : vector<16xf32>
        %add3A_183 = arith.addf %add3A_174, %abs3A_182 : vector<16xf32>
        %broadcast_in_dim3A_184 = arith.constant 17 : i32
        %broadcast_in_dim3A_185 = vector.broadcast %broadcast_in_dim3A_184 : i32 to vector<16xi32>
        %gather3A_186 = tpu.vector_load_idx %arg11[%add3A_30, %broadcast_in_dim3A_31, %broadcast_in_dim3A_185] : memref<256x1x64xf32, #tpu.memory_space<vmem>>[vector<16xi32>, vector<16xi32>, vector<16xi32>], vector<16xf32>,
        %gather3A_187 = tpu.vector_load_idx %arg12[%add3A_30, %broadcast_in_dim3A_31, %broadcast_in_dim3A_185] : memref<256x1x64xf32, #tpu.memory_space<vmem>>[vector<16xi32>, vector<16xi32>, vector<16xi32>], vector<16xf32>,
        %gather3A_188 = tpu.vector_load_idx %arg13[%add3A_30, %broadcast_in_dim3A_31, %broadcast_in_dim3A_185] : memref<256x1x64xf32, #tpu.memory_space<vmem>>[vector<16xi32>, vector<16xi32>, vector<16xi32>], vector<16xf32>,
        %add3A_189 = arith.addf %gather3A_186, %gather3A_187 : vector<16xf32>
        %sub3A_190 = arith.subf %add3A_189, %gather3A_188 : vector<16xf32>
        %abs3A_191 = math.absf %sub3A_190 : vector<16xf32>
        %add3A_192 = arith.addf %add3A_183, %abs3A_191 : vector<16xf32>
        %broadcast_in_dim3A_193 = arith.constant 18 : i32
        %broadcast_in_dim3A_194 = vector.broadcast %broadcast_in_dim3A_193 : i32 to vector<16xi32>
        %gather3A_195 = tpu.vector_load_idx %arg11[%add3A_30, %broadcast_in_dim3A_31, %broadcast_in_dim3A_194] : memref<256x1x64xf32, #tpu.memory_space<vmem>>[vector<16xi32>, vector<16xi32>, vector<16xi32>], vector<16xf32>,
        %gather3A_196 = tpu.vector_load_idx %arg12[%add3A_30, %broadcast_in_dim3A_31, %broadcast_in_dim3A_194] : memref<256x1x64xf32, #tpu.memory_space<vmem>>[vector<16xi32>, vector<16xi32>, vector<16xi32>], vector<16xf32>,
        %gather3A_197 = tpu.vector_load_idx %arg13[%add3A_30, %broadcast_in_dim3A_31, %broadcast_in_dim3A_194] : memref<256x1x64xf32, #tpu.memory_space<vmem>>[vector<16xi32>, vector<16xi32>, vector<16xi32>], vector<16xf32>,
        %add3A_198 = arith.addf %gather3A_195, %gather3A_196 : vector<16xf32>
        %sub3A_199 = arith.subf %add3A_198, %gather3A_197 : vector<16xf32>
        %abs3A_200 = math.absf %sub3A_199 : vector<16xf32>
        %add3A_201 = arith.addf %add3A_192, %abs3A_200 : vector<16xf32>
        %broadcast_in_dim3A_202 = arith.constant 19 : i32
        %broadcast_in_dim3A_203 = vector.broadcast %broadcast_in_dim3A_202 : i32 to vector<16xi32>
        %gather3A_204 = tpu.vector_load_idx %arg11[%add3A_30, %broadcast_in_dim3A_31, %broadcast_in_dim3A_203] : memref<256x1x64xf32, #tpu.memory_space<vmem>>[vector<16xi32>, vector<16xi32>, vector<16xi32>], vector<16xf32>,
        %gather3A_205 = tpu.vector_load_idx %arg12[%add3A_30, %broadcast_in_dim3A_31, %broadcast_in_dim3A_203] : memref<256x1x64xf32, #tpu.memory_space<vmem>>[vector<16xi32>, vector<16xi32>, vector<16xi32>], vector<16xf32>,
        %gather3A_206 = tpu.vector_load_idx %arg13[%add3A_30, %broadcast_in_dim3A_31, %broadcast_in_dim3A_203] : memref<256x1x64xf32, #tpu.memory_space<vmem>>[vector<16xi32>, vector<16xi32>, vector<16xi32>], vector<16xf32>,
        %add3A_207 = arith.addf %gather3A_204, %gather3A_205 : vector<16xf32>
        %sub3A_208 = arith.subf %add3A_207, %gather3A_206 : vector<16xf32>
        %abs3A_209 = math.absf %sub3A_208 : vector<16xf32>
        %add3A_210 = arith.addf %add3A_201, %abs3A_209 : vector<16xf32>
        %broadcast_in_dim3A_211 = arith.constant 20 : i32
        %broadcast_in_dim3A_212 = vector.broadcast %broadcast_in_dim3A_211 : i32 to vector<16xi32>
        %gather3A_213 = tpu.vector_load_idx %arg11[%add3A_30, %broadcast_in_dim3A_31, %broadcast_in_dim3A_212] : memref<256x1x64xf32, #tpu.memory_space<vmem>>[vector<16xi32>, vector<16xi32>, vector<16xi32>], vector<16xf32>,
        %gather3A_214 = tpu.vector_load_idx %arg12[%add3A_30, %broadcast_in_dim3A_31, %broadcast_in_dim3A_212] : memref<256x1x64xf32, #tpu.memory_space<vmem>>[vector<16xi32>, vector<16xi32>, vector<16xi32>], vector<16xf32>,
        %gather3A_215 = tpu.vector_load_idx %arg13[%add3A_30, %broadcast_in_dim3A_31, %broadcast_in_dim3A_212] : memref<256x1x64xf32, #tpu.memory_space<vmem>>[vector<16xi32>, vector<16xi32>, vector<16xi32>], vector<16xf32>,
        %add3A_216 = arith.addf %gather3A_213, %gather3A_214 : vector<16xf32>
        %sub3A_217 = arith.subf %add3A_216, %gather3A_215 : vector<16xf32>
        %abs3A_218 = math.absf %sub3A_217 : vector<16xf32>
        %add3A_219 = arith.addf %add3A_210, %abs3A_218 : vector<16xf32>
        %broadcast_in_dim3A_220 = arith.constant 21 : i32
        %broadcast_in_dim3A_221 = vector.broadcast %broadcast_in_dim3A_220 : i32 to vector<16xi32>
        %gather3A_222 = tpu.vector_load_idx %arg11[%add3A_30, %broadcast_in_dim3A_31, %broadcast_in_dim3A_221] : memref<256x1x64xf32, #tpu.memory_space<vmem>>[vector<16xi32>, vector<16xi32>, vector<16xi32>], vector<16xf32>,
        %gather3A_223 = tpu.vector_load_idx %arg12[%add3A_30, %broadcast_in_dim3A_31, %broadcast_in_dim3A_221] : memref<256x1x64xf32, #tpu.memory_space<vmem>>[vector<16xi32>, vector<16xi32>, vector<16xi32>], vector<16xf32>,
        %gather3A_224 = tpu.vector_load_idx %arg13[%add3A_30, %broadcast_in_dim3A_31, %broadcast_in_dim3A_221] : memref<256x1x64xf32, #tpu.memory_space<vmem>>[vector<16xi32>, vector<16xi32>, vector<16xi32>], vector<16xf32>,
        %add3A_225 = arith.addf %gather3A_222, %gather3A_223 : vector<16xf32>
        %sub3A_226 = arith.subf %add3A_225, %gather3A_224 : vector<16xf32>
        %abs3A_227 = math.absf %sub3A_226 : vector<16xf32>
        %add3A_228 = arith.addf %add3A_219, %abs3A_227 : vector<16xf32>
        %broadcast_in_dim3A_229 = arith.constant 22 : i32
        %broadcast_in_dim3A_230 = vector.broadcast %broadcast_in_dim3A_229 : i32 to vector<16xi32>
        %gather3A_231 = tpu.vector_load_idx %arg11[%add3A_30, %broadcast_in_dim3A_31, %broadcast_in_dim3A_230] : memref<256x1x64xf32, #tpu.memory_space<vmem>>[vector<16xi32>, vector<16xi32>, vector<16xi32>], vector<16xf32>,
        %gather3A_232 = tpu.vector_load_idx %arg12[%add3A_30, %broadcast_in_dim3A_31, %broadcast_in_dim3A_230] : memref<256x1x64xf32, #tpu.memory_space<vmem>>[vector<16xi32>, vector<16xi32>, vector<16xi32>], vector<16xf32>,
        %gather3A_233 = tpu.vector_load_idx %arg13[%add3A_30, %broadcast_in_dim3A_31, %broadcast_in_dim3A_230] : memref<256x1x64xf32, #tpu.memory_space<vmem>>[vector<16xi32>, vector<16xi32>, vector<16xi32>], vector<16xf32>,
        %add3A_234 = arith.addf %gather3A_231, %gather3A_232 : vector<16xf32>
        %sub3A_235 = arith.subf %add3A_234, %gather3A_233 : vector<16xf32>
        %abs3A_236 = math.absf %sub3A_235 : vector<16xf32>
        %add3A_237 = arith.addf %add3A_228, %abs3A_236 : vector<16xf32>
        %broadcast_in_dim3A_238 = arith.constant 23 : i32
        %broadcast_in_dim3A_239 = vector.broadcast %broadcast_in_dim3A_238 : i32 to vector<16xi32>
        %gather3A_240 = tpu.vector_load_idx %arg11[%add3A_30, %broadcast_in_dim3A_31, %broadcast_in_dim3A_239] : memref<256x1x64xf32, #tpu.memory_space<vmem>>[vector<16xi32>, vector<16xi32>, vector<16xi32>], vector<16xf32>,
        %gather3A_241 = tpu.vector_load_idx %arg12[%add3A_30, %broadcast_in_dim3A_31, %broadcast_in_dim3A_239] : memref<256x1x64xf32, #tpu.memory_space<vmem>>[vector<16xi32>, vector<16xi32>, vector<16xi32>], vector<16xf32>,
        %gather3A_242 = tpu.vector_load_idx %arg13[%add3A_30, %broadcast_in_dim3A_31, %broadcast_in_dim3A_239] : memref<256x1x64xf32, #tpu.memory_space<vmem>>[vector<16xi32>, vector<16xi32>, vector<16xi32>], vector<16xf32>,
        %add3A_243 = arith.addf %gather3A_240, %gather3A_241 : vector<16xf32>
        %sub3A_244 = arith.subf %add3A_243, %gather3A_242 : vector<16xf32>
        %abs3A_245 = math.absf %sub3A_244 : vector<16xf32>
        %add3A_246 = arith.addf %add3A_237, %abs3A_245 : vector<16xf32>
        %broadcast_in_dim3A_247 = arith.constant 24 : i32
        %broadcast_in_dim3A_248 = vector.broadcast %broadcast_in_dim3A_247 : i32 to vector<16xi32>
        %gather3A_249 = tpu.vector_load_idx %arg11[%add3A_30, %broadcast_in_dim3A_31, %broadcast_in_dim3A_248] : memref<256x1x64xf32, #tpu.memory_space<vmem>>[vector<16xi32>, vector<16xi32>, vector<16xi32>], vector<16xf32>,
        %gather3A_250 = tpu.vector_load_idx %arg12[%add3A_30, %broadcast_in_dim3A_31, %broadcast_in_dim3A_248] : memref<256x1x64xf32, #tpu.memory_space<vmem>>[vector<16xi32>, vector<16xi32>, vector<16xi32>], vector<16xf32>,
        %gather3A_251 = tpu.vector_load_idx %arg13[%add3A_30, %broadcast_in_dim3A_31, %broadcast_in_dim3A_248] : memref<256x1x64xf32, #tpu.memory_space<vmem>>[vector<16xi32>, vector<16xi32>, vector<16xi32>], vector<16xf32>,
        %add3A_252 = arith.addf %gather3A_249, %gather3A_250 : vector<16xf32>
        %sub3A_253 = arith.subf %add3A_252, %gather3A_251 : vector<16xf32>
        %abs3A_254 = math.absf %sub3A_253 : vector<16xf32>
        %add3A_255 = arith.addf %add3A_246, %abs3A_254 : vector<16xf32>
        %broadcast_in_dim3A_256 = arith.constant 25 : i32
        %broadcast_in_dim3A_257 = vector.broadcast %broadcast_in_dim3A_256 : i32 to vector<16xi32>
        %gather3A_258 = tpu.vector_load_idx %arg11[%add3A_30, %broadcast_in_dim3A_31, %broadcast_in_dim3A_257] : memref<256x1x64xf32, #tpu.memory_space<vmem>>[vector<16xi32>, vector<16xi32>, vector<16xi32>], vector<16xf32>,
        %gather3A_259 = tpu.vector_load_idx %arg12[%add3A_30, %broadcast_in_dim3A_31, %broadcast_in_dim3A_257] : memref<256x1x64xf32, #tpu.memory_space<vmem>>[vector<16xi32>, vector<16xi32>, vector<16xi32>], vector<16xf32>,
        %gather3A_260 = tpu.vector_load_idx %arg13[%add3A_30, %broadcast_in_dim3A_31, %broadcast_in_dim3A_257] : memref<256x1x64xf32, #tpu.memory_space<vmem>>[vector<16xi32>, vector<16xi32>, vector<16xi32>], vector<16xf32>,
        %add3A_261 = arith.addf %gather3A_258, %gather3A_259 : vector<16xf32>
        %sub3A_262 = arith.subf %add3A_261, %gather3A_260 : vector<16xf32>
        %abs3A_263 = math.absf %sub3A_262 : vector<16xf32>
        %add3A_264 = arith.addf %add3A_255, %abs3A_263 : vector<16xf32>
        %broadcast_in_dim3A_265 = arith.constant 26 : i32
        %broadcast_in_dim3A_266 = vector.broadcast %broadcast_in_dim3A_265 : i32 to vector<16xi32>
        %gather3A_267 = tpu.vector_load_idx %arg11[%add3A_30, %broadcast_in_dim3A_31, %broadcast_in_dim3A_266] : memref<256x1x64xf32, #tpu.memory_space<vmem>>[vector<16xi32>, vector<16xi32>, vector<16xi32>], vector<16xf32>,
        %gather3A_268 = tpu.vector_load_idx %arg12[%add3A_30, %broadcast_in_dim3A_31, %broadcast_in_dim3A_266] : memref<256x1x64xf32, #tpu.memory_space<vmem>>[vector<16xi32>, vector<16xi32>, vector<16xi32>], vector<16xf32>,
        %gather3A_269 = tpu.vector_load_idx %arg13[%add3A_30, %broadcast_in_dim3A_31, %broadcast_in_dim3A_266] : memref<256x1x64xf32, #tpu.memory_space<vmem>>[vector<16xi32>, vector<16xi32>, vector<16xi32>], vector<16xf32>,
        %add3A_270 = arith.addf %gather3A_267, %gather3A_268 : vector<16xf32>
        %sub3A_271 = arith.subf %add3A_270, %gather3A_269 : vector<16xf32>
        %abs3A_272 = math.absf %sub3A_271 : vector<16xf32>
        %add3A_273 = arith.addf %add3A_264, %abs3A_272 : vector<16xf32>
        %broadcast_in_dim3A_274 = arith.constant 27 : i32
        %broadcast_in_dim3A_275 = vector.broadcast %broadcast_in_dim3A_274 : i32 to vector<16xi32>
        %gather3A_276 = tpu.vector_load_idx %arg11[%add3A_30, %broadcast_in_dim3A_31, %broadcast_in_dim3A_275] : memref<256x1x64xf32, #tpu.memory_space<vmem>>[vector<16xi32>, vector<16xi32>, vector<16xi32>], vector<16xf32>,
        %gather3A_277 = tpu.vector_load_idx %arg12[%add3A_30, %broadcast_in_dim3A_31, %broadcast_in_dim3A_275] : memref<256x1x64xf32, #tpu.memory_space<vmem>>[vector<16xi32>, vector<16xi32>, vector<16xi32>], vector<16xf32>,
        %gather3A_278 = tpu.vector_load_idx %arg13[%add3A_30, %broadcast_in_dim3A_31, %broadcast_in_dim3A_275] : memref<256x1x64xf32, #tpu.memory_space<vmem>>[vector<16xi32>, vector<16xi32>, vector<16xi32>], vector<16xf32>,
        %add3A_279 = arith.addf %gather3A_276, %gather3A_277 : vector<16xf32>
        %sub3A_280 = arith.subf %add3A_279, %gather3A_278 : vector<16xf32>
        %abs3A_281 = math.absf %sub3A_280 : vector<16xf32>
        %add3A_282 = arith.addf %add3A_273, %abs3A_281 : vector<16xf32>
        %broadcast_in_dim3A_283 = arith.constant 28 : i32
        %broadcast_in_dim3A_284 = vector.broadcast %broadcast_in_dim3A_283 : i32 to vector<16xi32>
        %gather3A_285 = tpu.vector_load_idx %arg11[%add3A_30, %broadcast_in_dim3A_31, %broadcast_in_dim3A_284] : memref<256x1x64xf32, #tpu.memory_space<vmem>>[vector<16xi32>, vector<16xi32>, vector<16xi32>], vector<16xf32>,
        %gather3A_286 = tpu.vector_load_idx %arg12[%add3A_30, %broadcast_in_dim3A_31, %broadcast_in_dim3A_284] : memref<256x1x64xf32, #tpu.memory_space<vmem>>[vector<16xi32>, vector<16xi32>, vector<16xi32>], vector<16xf32>,
        %gather3A_287 = tpu.vector_load_idx %arg13[%add3A_30, %broadcast_in_dim3A_31, %broadcast_in_dim3A_284] : memref<256x1x64xf32, #tpu.memory_space<vmem>>[vector<16xi32>, vector<16xi32>, vector<16xi32>], vector<16xf32>,
        %add3A_288 = arith.addf %gather3A_285, %gather3A_286 : vector<16xf32>
        %sub3A_289 = arith.subf %add3A_288, %gather3A_287 : vector<16xf32>
        %abs3A_290 = math.absf %sub3A_289 : vector<16xf32>
        %add3A_291 = arith.addf %add3A_282, %abs3A_290 : vector<16xf32>
        %broadcast_in_dim3A_292 = arith.constant 29 : i32
        %broadcast_in_dim3A_293 = vector.broadcast %broadcast_in_dim3A_292 : i32 to vector<16xi32>
        %gather3A_294 = tpu.vector_load_idx %arg11[%add3A_30, %broadcast_in_dim3A_31, %broadcast_in_dim3A_293] : memref<256x1x64xf32, #tpu.memory_space<vmem>>[vector<16xi32>, vector<16xi32>, vector<16xi32>], vector<16xf32>,
        %gather3A_295 = tpu.vector_load_idx %arg12[%add3A_30, %broadcast_in_dim3A_31, %broadcast_in_dim3A_293] : memref<256x1x64xf32, #tpu.memory_space<vmem>>[vector<16xi32>, vector<16xi32>, vector<16xi32>], vector<16xf32>,
        %gather3A_296 = tpu.vector_load_idx %arg13[%add3A_30, %broadcast_in_dim3A_31, %broadcast_in_dim3A_293] : memref<256x1x64xf32, #tpu.memory_space<vmem>>[vector<16xi32>, vector<16xi32>, vector<16xi32>], vector<16xf32>,
        %add3A_297 = arith.addf %gather3A_294, %gather3A_295 : vector<16xf32>
        %sub3A_298 = arith.subf %add3A_297, %gather3A_296 : vector<16xf32>
        %abs3A_299 = math.absf %sub3A_298 : vector<16xf32>
        %add3A_300 = arith.addf %add3A_291, %abs3A_299 : vector<16xf32>
        %broadcast_in_dim3A_301 = arith.constant 30 : i32
        %broadcast_in_dim3A_302 = vector.broadcast %broadcast_in_dim3A_301 : i32 to vector<16xi32>
        %gather3A_303 = tpu.vector_load_idx %arg11[%add3A_30, %broadcast_in_dim3A_31, %broadcast_in_dim3A_302] : memref<256x1x64xf32, #tpu.memory_space<vmem>>[vector<16xi32>, vector<16xi32>, vector<16xi32>], vector<16xf32>,
        %gather3A_304 = tpu.vector_load_idx %arg12[%add3A_30, %broadcast_in_dim3A_31, %broadcast_in_dim3A_302] : memref<256x1x64xf32, #tpu.memory_space<vmem>>[vector<16xi32>, vector<16xi32>, vector<16xi32>], vector<16xf32>,
        %gather3A_305 = tpu.vector_load_idx %arg13[%add3A_30, %broadcast_in_dim3A_31, %broadcast_in_dim3A_302] : memref<256x1x64xf32, #tpu.memory_space<vmem>>[vector<16xi32>, vector<16xi32>, vector<16xi32>], vector<16xf32>,
        %add3A_306 = arith.addf %gather3A_303, %gather3A_304 : vector<16xf32>
        %sub3A_307 = arith.subf %add3A_306, %gather3A_305 : vector<16xf32>
        %abs3A_308 = math.absf %sub3A_307 : vector<16xf32>
        %add3A_309 = arith.addf %add3A_300, %abs3A_308 : vector<16xf32>
        %broadcast_in_dim3A_310 = arith.constant 31 : i32
        %broadcast_in_dim3A_311 = vector.broadcast %broadcast_in_dim3A_310 : i32 to vector<16xi32>
        %gather3A_312 = tpu.vector_load_idx %arg11[%add3A_30, %broadcast_in_dim3A_31, %broadcast_in_dim3A_311] : memref<256x1x64xf32, #tpu.memory_space<vmem>>[vector<16xi32>, vector<16xi32>, vector<16xi32>], vector<16xf32>,
        %gather3A_313 = tpu.vector_load_idx %arg12[%add3A_30, %broadcast_in_dim3A_31, %broadcast_in_dim3A_311] : memref<256x1x64xf32, #tpu.memory_space<vmem>>[vector<16xi32>, vector<16xi32>, vector<16xi32>], vector<16xf32>,
        %gather3A_314 = tpu.vector_load_idx %arg13[%add3A_30, %broadcast_in_dim3A_31, %broadcast_in_dim3A_311] : memref<256x1x64xf32, #tpu.memory_space<vmem>>[vector<16xi32>, vector<16xi32>, vector<16xi32>], vector<16xf32>,
        %add3A_315 = arith.addf %gather3A_312, %gather3A_313 : vector<16xf32>
        %sub3A_316 = arith.subf %add3A_315, %gather3A_314 : vector<16xf32>
        %abs3A_317 = math.absf %sub3A_316 : vector<16xf32>
        %add3A_318 = arith.addf %add3A_309, %abs3A_317 : vector<16xf32>
        %broadcast_in_dim3A_319 = arith.constant 32 : i32
        %broadcast_in_dim3A_320 = vector.broadcast %broadcast_in_dim3A_319 : i32 to vector<16xi32>
        %gather3A_321 = tpu.vector_load_idx %arg11[%add3A_30, %broadcast_in_dim3A_31, %broadcast_in_dim3A_320] : memref<256x1x64xf32, #tpu.memory_space<vmem>>[vector<16xi32>, vector<16xi32>, vector<16xi32>], vector<16xf32>,
        %gather3A_322 = tpu.vector_load_idx %arg12[%add3A_30, %broadcast_in_dim3A_31, %broadcast_in_dim3A_320] : memref<256x1x64xf32, #tpu.memory_space<vmem>>[vector<16xi32>, vector<16xi32>, vector<16xi32>], vector<16xf32>,
        %gather3A_323 = tpu.vector_load_idx %arg13[%add3A_30, %broadcast_in_dim3A_31, %broadcast_in_dim3A_320] : memref<256x1x64xf32, #tpu.memory_space<vmem>>[vector<16xi32>, vector<16xi32>, vector<16xi32>], vector<16xf32>,
        %add3A_324 = arith.addf %gather3A_321, %gather3A_322 : vector<16xf32>
        %sub3A_325 = arith.subf %add3A_324, %gather3A_323 : vector<16xf32>
        %abs3A_326 = math.absf %sub3A_325 : vector<16xf32>
        %add3A_327 = arith.addf %add3A_318, %abs3A_326 : vector<16xf32>
        %broadcast_in_dim3A_328 = arith.constant 33 : i32
        %broadcast_in_dim3A_329 = vector.broadcast %broadcast_in_dim3A_328 : i32 to vector<16xi32>
        %gather3A_330 = tpu.vector_load_idx %arg11[%add3A_30, %broadcast_in_dim3A_31, %broadcast_in_dim3A_329] : memref<256x1x64xf32, #tpu.memory_space<vmem>>[vector<16xi32>, vector<16xi32>, vector<16xi32>], vector<16xf32>,
        %gather3A_331 = tpu.vector_load_idx %arg12[%add3A_30, %broadcast_in_dim3A_31, %broadcast_in_dim3A_329] : memref<256x1x64xf32, #tpu.memory_space<vmem>>[vector<16xi32>, vector<16xi32>, vector<16xi32>], vector<16xf32>,
        %gather3A_332 = tpu.vector_load_idx %arg13[%add3A_30, %broadcast_in_dim3A_31, %broadcast_in_dim3A_329] : memref<256x1x64xf32, #tpu.memory_space<vmem>>[vector<16xi32>, vector<16xi32>, vector<16xi32>], vector<16xf32>,
        %add3A_333 = arith.addf %gather3A_330, %gather3A_331 : vector<16xf32>
        %sub3A_334 = arith.subf %add3A_333, %gather3A_332 : vector<16xf32>
        %abs3A_335 = math.absf %sub3A_334 : vector<16xf32>
        %add3A_336 = arith.addf %add3A_327, %abs3A_335 : vector<16xf32>
        %broadcast_in_dim3A_337 = arith.constant 34 : i32
        %broadcast_in_dim3A_338 = vector.broadcast %broadcast_in_dim3A_337 : i32 to vector<16xi32>
        %gather3A_339 = tpu.vector_load_idx %arg11[%add3A_30, %broadcast_in_dim3A_31, %broadcast_in_dim3A_338] : memref<256x1x64xf32, #tpu.memory_space<vmem>>[vector<16xi32>, vector<16xi32>, vector<16xi32>], vector<16xf32>,
        %gather3A_340 = tpu.vector_load_idx %arg12[%add3A_30, %broadcast_in_dim3A_31, %broadcast_in_dim3A_338] : memref<256x1x64xf32, #tpu.memory_space<vmem>>[vector<16xi32>, vector<16xi32>, vector<16xi32>], vector<16xf32>,
        %gather3A_341 = tpu.vector_load_idx %arg13[%add3A_30, %broadcast_in_dim3A_31, %broadcast_in_dim3A_338] : memref<256x1x64xf32, #tpu.memory_space<vmem>>[vector<16xi32>, vector<16xi32>, vector<16xi32>], vector<16xf32>,
        %add3A_342 = arith.addf %gather3A_339, %gather3A_340 : vector<16xf32>
        %sub3A_343 = arith.subf %add3A_342, %gather3A_341 : vector<16xf32>
        %abs3A_344 = math.absf %sub3A_343 : vector<16xf32>
        %add3A_345 = arith.addf %add3A_336, %abs3A_344 : vector<16xf32>
        %broadcast_in_dim3A_346 = arith.constant 35 : i32
        %broadcast_in_dim3A_347 = vector.broadcast %broadcast_in_dim3A_346 : i32 to vector<16xi32>
        %gather3A_348 = tpu.vector_load_idx %arg11[%add3A_30, %broadcast_in_dim3A_31, %broadcast_in_dim3A_347] : memref<256x1x64xf32, #tpu.memory_space<vmem>>[vector<16xi32>, vector<16xi32>, vector<16xi32>], vector<16xf32>,
        %gather3A_349 = tpu.vector_load_idx %arg12[%add3A_30, %broadcast_in_dim3A_31, %broadcast_in_dim3A_347] : memref<256x1x64xf32, #tpu.memory_space<vmem>>[vector<16xi32>, vector<16xi32>, vector<16xi32>], vector<16xf32>,
        %gather3A_350 = tpu.vector_load_idx %arg13[%add3A_30, %broadcast_in_dim3A_31, %broadcast_in_dim3A_347] : memref<256x1x64xf32, #tpu.memory_space<vmem>>[vector<16xi32>, vector<16xi32>, vector<16xi32>], vector<16xf32>,
        %add3A_351 = arith.addf %gather3A_348, %gather3A_349 : vector<16xf32>
        %sub3A_352 = arith.subf %add3A_351, %gather3A_350 : vector<16xf32>
        %abs3A_353 = math.absf %sub3A_352 : vector<16xf32>
        %add3A_354 = arith.addf %add3A_345, %abs3A_353 : vector<16xf32>
        %broadcast_in_dim3A_355 = arith.constant 36 : i32
        %broadcast_in_dim3A_356 = vector.broadcast %broadcast_in_dim3A_355 : i32 to vector<16xi32>
        %gather3A_357 = tpu.vector_load_idx %arg11[%add3A_30, %broadcast_in_dim3A_31, %broadcast_in_dim3A_356] : memref<256x1x64xf32, #tpu.memory_space<vmem>>[vector<16xi32>, vector<16xi32>, vector<16xi32>], vector<16xf32>,
        %gather3A_358 = tpu.vector_load_idx %arg12[%add3A_30, %broadcast_in_dim3A_31, %broadcast_in_dim3A_356] : memref<256x1x64xf32, #tpu.memory_space<vmem>>[vector<16xi32>, vector<16xi32>, vector<16xi32>], vector<16xf32>,
        %gather3A_359 = tpu.vector_load_idx %arg13[%add3A_30, %broadcast_in_dim3A_31, %broadcast_in_dim3A_356] : memref<256x1x64xf32, #tpu.memory_space<vmem>>[vector<16xi32>, vector<16xi32>, vector<16xi32>], vector<16xf32>,
        %add3A_360 = arith.addf %gather3A_357, %gather3A_358 : vector<16xf32>
        %sub3A_361 = arith.subf %add3A_360, %gather3A_359 : vector<16xf32>
        %abs3A_362 = math.absf %sub3A_361 : vector<16xf32>
        %add3A_363 = arith.addf %add3A_354, %abs3A_362 : vector<16xf32>
        %broadcast_in_dim3A_364 = arith.constant 37 : i32
        %broadcast_in_dim3A_365 = vector.broadcast %broadcast_in_dim3A_364 : i32 to vector<16xi32>
        %gather3A_366 = tpu.vector_load_idx %arg11[%add3A_30, %broadcast_in_dim3A_31, %broadcast_in_dim3A_365] : memref<256x1x64xf32, #tpu.memory_space<vmem>>[vector<16xi32>, vector<16xi32>, vector<16xi32>], vector<16xf32>,
        %gather3A_367 = tpu.vector_load_idx %arg12[%add3A_30, %broadcast_in_dim3A_31, %broadcast_in_dim3A_365] : memref<256x1x64xf32, #tpu.memory_space<vmem>>[vector<16xi32>, vector<16xi32>, vector<16xi32>], vector<16xf32>,
        %gather3A_368 = tpu.vector_load_idx %arg13[%add3A_30, %broadcast_in_dim3A_31, %broadcast_in_dim3A_365] : memref<256x1x64xf32, #tpu.memory_space<vmem>>[vector<16xi32>, vector<16xi32>, vector<16xi32>], vector<16xf32>,
        %add3A_369 = arith.addf %gather3A_366, %gather3A_367 : vector<16xf32>
        %sub3A_370 = arith.subf %add3A_369, %gather3A_368 : vector<16xf32>
        %abs3A_371 = math.absf %sub3A_370 : vector<16xf32>
        %add3A_372 = arith.addf %add3A_363, %abs3A_371 : vector<16xf32>
        %broadcast_in_dim3A_373 = arith.constant 38 : i32
        %broadcast_in_dim3A_374 = vector.broadcast %broadcast_in_dim3A_373 : i32 to vector<16xi32>
        %gather3A_375 = tpu.vector_load_idx %arg11[%add3A_30, %broadcast_in_dim3A_31, %broadcast_in_dim3A_374] : memref<256x1x64xf32, #tpu.memory_space<vmem>>[vector<16xi32>, vector<16xi32>, vector<16xi32>], vector<16xf32>,
        %gather3A_376 = tpu.vector_load_idx %arg12[%add3A_30, %broadcast_in_dim3A_31, %broadcast_in_dim3A_374] : memref<256x1x64xf32, #tpu.memory_space<vmem>>[vector<16xi32>, vector<16xi32>, vector<16xi32>], vector<16xf32>,
        %gather3A_377 = tpu.vector_load_idx %arg13[%add3A_30, %broadcast_in_dim3A_31, %broadcast_in_dim3A_374] : memref<256x1x64xf32, #tpu.memory_space<vmem>>[vector<16xi32>, vector<16xi32>, vector<16xi32>], vector<16xf32>,
        %add3A_378 = arith.addf %gather3A_375, %gather3A_376 : vector<16xf32>
        %sub3A_379 = arith.subf %add3A_378, %gather3A_377 : vector<16xf32>
        %abs3A_380 = math.absf %sub3A_379 : vector<16xf32>
        %add3A_381 = arith.addf %add3A_372, %abs3A_380 : vector<16xf32>
        %broadcast_in_dim3A_382 = arith.constant 39 : i32
        %broadcast_in_dim3A_383 = vector.broadcast %broadcast_in_dim3A_382 : i32 to vector<16xi32>
        %gather3A_384 = tpu.vector_load_idx %arg11[%add3A_30, %broadcast_in_dim3A_31, %broadcast_in_dim3A_383] : memref<256x1x64xf32, #tpu.memory_space<vmem>>[vector<16xi32>, vector<16xi32>, vector<16xi32>], vector<16xf32>,
        %gather3A_385 = tpu.vector_load_idx %arg12[%add3A_30, %broadcast_in_dim3A_31, %broadcast_in_dim3A_383] : memref<256x1x64xf32, #tpu.memory_space<vmem>>[vector<16xi32>, vector<16xi32>, vector<16xi32>], vector<16xf32>,
        %gather3A_386 = tpu.vector_load_idx %arg13[%add3A_30, %broadcast_in_dim3A_31, %broadcast_in_dim3A_383] : memref<256x1x64xf32, #tpu.memory_space<vmem>>[vector<16xi32>, vector<16xi32>, vector<16xi32>], vector<16xf32>,
        %add3A_387 = arith.addf %gather3A_384, %gather3A_385 : vector<16xf32>
        %sub3A_388 = arith.subf %add3A_387, %gather3A_386 : vector<16xf32>
        %abs3A_389 = math.absf %sub3A_388 : vector<16xf32>
        %add3A_390 = arith.addf %add3A_381, %abs3A_389 : vector<16xf32>
        %broadcast_in_dim3A_391 = arith.constant 40 : i32
        %broadcast_in_dim3A_392 = vector.broadcast %broadcast_in_dim3A_391 : i32 to vector<16xi32>
        %gather3A_393 = tpu.vector_load_idx %arg11[%add3A_30, %broadcast_in_dim3A_31, %broadcast_in_dim3A_392] : memref<256x1x64xf32, #tpu.memory_space<vmem>>[vector<16xi32>, vector<16xi32>, vector<16xi32>], vector<16xf32>,
        %gather3A_394 = tpu.vector_load_idx %arg12[%add3A_30, %broadcast_in_dim3A_31, %broadcast_in_dim3A_392] : memref<256x1x64xf32, #tpu.memory_space<vmem>>[vector<16xi32>, vector<16xi32>, vector<16xi32>], vector<16xf32>,
        %gather3A_395 = tpu.vector_load_idx %arg13[%add3A_30, %broadcast_in_dim3A_31, %broadcast_in_dim3A_392] : memref<256x1x64xf32, #tpu.memory_space<vmem>>[vector<16xi32>, vector<16xi32>, vector<16xi32>], vector<16xf32>,
        %add3A_396 = arith.addf %gather3A_393, %gather3A_394 : vector<16xf32>
        %sub3A_397 = arith.subf %add3A_396, %gather3A_395 : vector<16xf32>
        %abs3A_398 = math.absf %sub3A_397 : vector<16xf32>
        %add3A_399 = arith.addf %add3A_390, %abs3A_398 : vector<16xf32>
        %broadcast_in_dim3A_400 = arith.constant 41 : i32
        %broadcast_in_dim3A_401 = vector.broadcast %broadcast_in_dim3A_400 : i32 to vector<16xi32>
        %gather3A_402 = tpu.vector_load_idx %arg11[%add3A_30, %broadcast_in_dim3A_31, %broadcast_in_dim3A_401] : memref<256x1x64xf32, #tpu.memory_space<vmem>>[vector<16xi32>, vector<16xi32>, vector<16xi32>], vector<16xf32>,
        %gather3A_403 = tpu.vector_load_idx %arg12[%add3A_30, %broadcast_in_dim3A_31, %broadcast_in_dim3A_401] : memref<256x1x64xf32, #tpu.memory_space<vmem>>[vector<16xi32>, vector<16xi32>, vector<16xi32>], vector<16xf32>,
        %gather3A_404 = tpu.vector_load_idx %arg13[%add3A_30, %broadcast_in_dim3A_31, %broadcast_in_dim3A_401] : memref<256x1x64xf32, #tpu.memory_space<vmem>>[vector<16xi32>, vector<16xi32>, vector<16xi32>], vector<16xf32>,
        %add3A_405 = arith.addf %gather3A_402, %gather3A_403 : vector<16xf32>
        %sub3A_406 = arith.subf %add3A_405, %gather3A_404 : vector<16xf32>
        %abs3A_407 = math.absf %sub3A_406 : vector<16xf32>
        %add3A_408 = arith.addf %add3A_399, %abs3A_407 : vector<16xf32>
        %broadcast_in_dim3A_409 = arith.constant 42 : i32
        %broadcast_in_dim3A_410 = vector.broadcast %broadcast_in_dim3A_409 : i32 to vector<16xi32>
        %gather3A_411 = tpu.vector_load_idx %arg11[%add3A_30, %broadcast_in_dim3A_31, %broadcast_in_dim3A_410] : memref<256x1x64xf32, #tpu.memory_space<vmem>>[vector<16xi32>, vector<16xi32>, vector<16xi32>], vector<16xf32>,
        %gather3A_412 = tpu.vector_load_idx %arg12[%add3A_30, %broadcast_in_dim3A_31, %broadcast_in_dim3A_410] : memref<256x1x64xf32, #tpu.memory_space<vmem>>[vector<16xi32>, vector<16xi32>, vector<16xi32>], vector<16xf32>,
        %gather3A_413 = tpu.vector_load_idx %arg13[%add3A_30, %broadcast_in_dim3A_31, %broadcast_in_dim3A_410] : memref<256x1x64xf32, #tpu.memory_space<vmem>>[vector<16xi32>, vector<16xi32>, vector<16xi32>], vector<16xf32>,
        %add3A_414 = arith.addf %gather3A_411, %gather3A_412 : vector<16xf32>
        %sub3A_415 = arith.subf %add3A_414, %gather3A_413 : vector<16xf32>
        %abs3A_416 = math.absf %sub3A_415 : vector<16xf32>
        %add3A_417 = arith.addf %add3A_408, %abs3A_416 : vector<16xf32>
        %broadcast_in_dim3A_418 = arith.constant 43 : i32
        %broadcast_in_dim3A_419 = vector.broadcast %broadcast_in_dim3A_418 : i32 to vector<16xi32>
        %gather3A_420 = tpu.vector_load_idx %arg11[%add3A_30, %broadcast_in_dim3A_31, %broadcast_in_dim3A_419] : memref<256x1x64xf32, #tpu.memory_space<vmem>>[vector<16xi32>, vector<16xi32>, vector<16xi32>], vector<16xf32>,
        %gather3A_421 = tpu.vector_load_idx %arg12[%add3A_30, %broadcast_in_dim3A_31, %broadcast_in_dim3A_419] : memref<256x1x64xf32, #tpu.memory_space<vmem>>[vector<16xi32>, vector<16xi32>, vector<16xi32>], vector<16xf32>,
        %gather3A_422 = tpu.vector_load_idx %arg13[%add3A_30, %broadcast_in_dim3A_31, %broadcast_in_dim3A_419] : memref<256x1x64xf32, #tpu.memory_space<vmem>>[vector<16xi32>, vector<16xi32>, vector<16xi32>], vector<16xf32>,
        %add3A_423 = arith.addf %gather3A_420, %gather3A_421 : vector<16xf32>
        %sub3A_424 = arith.subf %add3A_423, %gather3A_422 : vector<16xf32>
        %abs3A_425 = math.absf %sub3A_424 : vector<16xf32>
        %add3A_426 = arith.addf %add3A_417, %abs3A_425 : vector<16xf32>
        %broadcast_in_dim3A_427 = arith.constant 44 : i32
        %broadcast_in_dim3A_428 = vector.broadcast %broadcast_in_dim3A_427 : i32 to vector<16xi32>
        %gather3A_429 = tpu.vector_load_idx %arg11[%add3A_30, %broadcast_in_dim3A_31, %broadcast_in_dim3A_428] : memref<256x1x64xf32, #tpu.memory_space<vmem>>[vector<16xi32>, vector<16xi32>, vector<16xi32>], vector<16xf32>,
        %gather3A_430 = tpu.vector_load_idx %arg12[%add3A_30, %broadcast_in_dim3A_31, %broadcast_in_dim3A_428] : memref<256x1x64xf32, #tpu.memory_space<vmem>>[vector<16xi32>, vector<16xi32>, vector<16xi32>], vector<16xf32>,
        %gather3A_431 = tpu.vector_load_idx %arg13[%add3A_30, %broadcast_in_dim3A_31, %broadcast_in_dim3A_428] : memref<256x1x64xf32, #tpu.memory_space<vmem>>[vector<16xi32>, vector<16xi32>, vector<16xi32>], vector<16xf32>,
        %add3A_432 = arith.addf %gather3A_429, %gather3A_430 : vector<16xf32>
        %sub3A_433 = arith.subf %add3A_432, %gather3A_431 : vector<16xf32>
        %abs3A_434 = math.absf %sub3A_433 : vector<16xf32>
        %add3A_435 = arith.addf %add3A_426, %abs3A_434 : vector<16xf32>
        %broadcast_in_dim3A_436 = arith.constant 45 : i32
        %broadcast_in_dim3A_437 = vector.broadcast %broadcast_in_dim3A_436 : i32 to vector<16xi32>
        %gather3A_438 = tpu.vector_load_idx %arg11[%add3A_30, %broadcast_in_dim3A_31, %broadcast_in_dim3A_437] : memref<256x1x64xf32, #tpu.memory_space<vmem>>[vector<16xi32>, vector<16xi32>, vector<16xi32>], vector<16xf32>,
        %gather3A_439 = tpu.vector_load_idx %arg12[%add3A_30, %broadcast_in_dim3A_31, %broadcast_in_dim3A_437] : memref<256x1x64xf32, #tpu.memory_space<vmem>>[vector<16xi32>, vector<16xi32>, vector<16xi32>], vector<16xf32>,
        %gather3A_440 = tpu.vector_load_idx %arg13[%add3A_30, %broadcast_in_dim3A_31, %broadcast_in_dim3A_437] : memref<256x1x64xf32, #tpu.memory_space<vmem>>[vector<16xi32>, vector<16xi32>, vector<16xi32>], vector<16xf32>,
        %add3A_441 = arith.addf %gather3A_438, %gather3A_439 : vector<16xf32>
        %sub3A_442 = arith.subf %add3A_441, %gather3A_440 : vector<16xf32>
        %abs3A_443 = math.absf %sub3A_442 : vector<16xf32>
        %add3A_444 = arith.addf %add3A_435, %abs3A_443 : vector<16xf32>
        %broadcast_in_dim3A_445 = arith.constant 46 : i32
        %broadcast_in_dim3A_446 = vector.broadcast %broadcast_in_dim3A_445 : i32 to vector<16xi32>
        %gather3A_447 = tpu.vector_load_idx %arg11[%add3A_30, %broadcast_in_dim3A_31, %broadcast_in_dim3A_446] : memref<256x1x64xf32, #tpu.memory_space<vmem>>[vector<16xi32>, vector<16xi32>, vector<16xi32>], vector<16xf32>,
        %gather3A_448 = tpu.vector_load_idx %arg12[%add3A_30, %broadcast_in_dim3A_31, %broadcast_in_dim3A_446] : memref<256x1x64xf32, #tpu.memory_space<vmem>>[vector<16xi32>, vector<16xi32>, vector<16xi32>], vector<16xf32>,
        %gather3A_449 = tpu.vector_load_idx %arg13[%add3A_30, %broadcast_in_dim3A_31, %broadcast_in_dim3A_446] : memref<256x1x64xf32, #tpu.memory_space<vmem>>[vector<16xi32>, vector<16xi32>, vector<16xi32>], vector<16xf32>,
        %add3A_450 = arith.addf %gather3A_447, %gather3A_448 : vector<16xf32>
        %sub3A_451 = arith.subf %add3A_450, %gather3A_449 : vector<16xf32>
        %abs3A_452 = math.absf %sub3A_451 : vector<16xf32>
        %add3A_453 = arith.addf %add3A_444, %abs3A_452 : vector<16xf32>
        %broadcast_in_dim3A_454 = arith.constant 47 : i32
        %broadcast_in_dim3A_455 = vector.broadcast %broadcast_in_dim3A_454 : i32 to vector<16xi32>
        %gather3A_456 = tpu.vector_load_idx %arg11[%add3A_30, %broadcast_in_dim3A_31, %broadcast_in_dim3A_455] : memref<256x1x64xf32, #tpu.memory_space<vmem>>[vector<16xi32>, vector<16xi32>, vector<16xi32>], vector<16xf32>,
        %gather3A_457 = tpu.vector_load_idx %arg12[%add3A_30, %broadcast_in_dim3A_31, %broadcast_in_dim3A_455] : memref<256x1x64xf32, #tpu.memory_space<vmem>>[vector<16xi32>, vector<16xi32>, vector<16xi32>], vector<16xf32>,
        %gather3A_458 = tpu.vector_load_idx %arg13[%add3A_30, %broadcast_in_dim3A_31, %broadcast_in_dim3A_455] : memref<256x1x64xf32, #tpu.memory_space<vmem>>[vector<16xi32>, vector<16xi32>, vector<16xi32>], vector<16xf32>,
        %add3A_459 = arith.addf %gather3A_456, %gather3A_457 : vector<16xf32>
        %sub3A_460 = arith.subf %add3A_459, %gather3A_458 : vector<16xf32>
        %abs3A_461 = math.absf %sub3A_460 : vector<16xf32>
        %add3A_462 = arith.addf %add3A_453, %abs3A_461 : vector<16xf32>
        %broadcast_in_dim3A_463 = arith.constant 48 : i32
        %broadcast_in_dim3A_464 = vector.broadcast %broadcast_in_dim3A_463 : i32 to vector<16xi32>
        %gather3A_465 = tpu.vector_load_idx %arg11[%add3A_30, %broadcast_in_dim3A_31, %broadcast_in_dim3A_464] : memref<256x1x64xf32, #tpu.memory_space<vmem>>[vector<16xi32>, vector<16xi32>, vector<16xi32>], vector<16xf32>,
        %gather3A_466 = tpu.vector_load_idx %arg12[%add3A_30, %broadcast_in_dim3A_31, %broadcast_in_dim3A_464] : memref<256x1x64xf32, #tpu.memory_space<vmem>>[vector<16xi32>, vector<16xi32>, vector<16xi32>], vector<16xf32>,
        %gather3A_467 = tpu.vector_load_idx %arg13[%add3A_30, %broadcast_in_dim3A_31, %broadcast_in_dim3A_464] : memref<256x1x64xf32, #tpu.memory_space<vmem>>[vector<16xi32>, vector<16xi32>, vector<16xi32>], vector<16xf32>,
        %add3A_468 = arith.addf %gather3A_465, %gather3A_466 : vector<16xf32>
        %sub3A_469 = arith.subf %add3A_468, %gather3A_467 : vector<16xf32>
        %abs3A_470 = math.absf %sub3A_469 : vector<16xf32>
        %add3A_471 = arith.addf %add3A_462, %abs3A_470 : vector<16xf32>
        %broadcast_in_dim3A_472 = arith.constant 49 : i32
        %broadcast_in_dim3A_473 = vector.broadcast %broadcast_in_dim3A_472 : i32 to vector<16xi32>
        %gather3A_474 = tpu.vector_load_idx %arg11[%add3A_30, %broadcast_in_dim3A_31, %broadcast_in_dim3A_473] : memref<256x1x64xf32, #tpu.memory_space<vmem>>[vector<16xi32>, vector<16xi32>, vector<16xi32>], vector<16xf32>,
        %gather3A_475 = tpu.vector_load_idx %arg12[%add3A_30, %broadcast_in_dim3A_31, %broadcast_in_dim3A_473] : memref<256x1x64xf32, #tpu.memory_space<vmem>>[vector<16xi32>, vector<16xi32>, vector<16xi32>], vector<16xf32>,
        %gather3A_476 = tpu.vector_load_idx %arg13[%add3A_30, %broadcast_in_dim3A_31, %broadcast_in_dim3A_473] : memref<256x1x64xf32, #tpu.memory_space<vmem>>[vector<16xi32>, vector<16xi32>, vector<16xi32>], vector<16xf32>,
        %add3A_477 = arith.addf %gather3A_474, %gather3A_475 : vector<16xf32>
        %sub3A_478 = arith.subf %add3A_477, %gather3A_476 : vector<16xf32>
        %abs3A_479 = math.absf %sub3A_478 : vector<16xf32>
        %add3A_480 = arith.addf %add3A_471, %abs3A_479 : vector<16xf32>
        %broadcast_in_dim3A_481 = arith.constant 50 : i32
        %broadcast_in_dim3A_482 = vector.broadcast %broadcast_in_dim3A_481 : i32 to vector<16xi32>
        %gather3A_483 = tpu.vector_load_idx %arg11[%add3A_30, %broadcast_in_dim3A_31, %broadcast_in_dim3A_482] : memref<256x1x64xf32, #tpu.memory_space<vmem>>[vector<16xi32>, vector<16xi32>, vector<16xi32>], vector<16xf32>,
        %gather3A_484 = tpu.vector_load_idx %arg12[%add3A_30, %broadcast_in_dim3A_31, %broadcast_in_dim3A_482] : memref<256x1x64xf32, #tpu.memory_space<vmem>>[vector<16xi32>, vector<16xi32>, vector<16xi32>], vector<16xf32>,
        %gather3A_485 = tpu.vector_load_idx %arg13[%add3A_30, %broadcast_in_dim3A_31, %broadcast_in_dim3A_482] : memref<256x1x64xf32, #tpu.memory_space<vmem>>[vector<16xi32>, vector<16xi32>, vector<16xi32>], vector<16xf32>,
        %add3A_486 = arith.addf %gather3A_483, %gather3A_484 : vector<16xf32>
        %sub3A_487 = arith.subf %add3A_486, %gather3A_485 : vector<16xf32>
        %abs3A_488 = math.absf %sub3A_487 : vector<16xf32>
        %add3A_489 = arith.addf %add3A_480, %abs3A_488 : vector<16xf32>
        %broadcast_in_dim3A_490 = arith.constant 51 : i32
        %broadcast_in_dim3A_491 = vector.broadcast %broadcast_in_dim3A_490 : i32 to vector<16xi32>
        %gather3A_492 = tpu.vector_load_idx %arg11[%add3A_30, %broadcast_in_dim3A_31, %broadcast_in_dim3A_491] : memref<256x1x64xf32, #tpu.memory_space<vmem>>[vector<16xi32>, vector<16xi32>, vector<16xi32>], vector<16xf32>,
        %gather3A_493 = tpu.vector_load_idx %arg12[%add3A_30, %broadcast_in_dim3A_31, %broadcast_in_dim3A_491] : memref<256x1x64xf32, #tpu.memory_space<vmem>>[vector<16xi32>, vector<16xi32>, vector<16xi32>], vector<16xf32>,
        %gather3A_494 = tpu.vector_load_idx %arg13[%add3A_30, %broadcast_in_dim3A_31, %broadcast_in_dim3A_491] : memref<256x1x64xf32, #tpu.memory_space<vmem>>[vector<16xi32>, vector<16xi32>, vector<16xi32>], vector<16xf32>,
        %add3A_495 = arith.addf %gather3A_492, %gather3A_493 : vector<16xf32>
        %sub3A_496 = arith.subf %add3A_495, %gather3A_494 : vector<16xf32>
        %abs3A_497 = math.absf %sub3A_496 : vector<16xf32>
        %add3A_498 = arith.addf %add3A_489, %abs3A_497 : vector<16xf32>
        %broadcast_in_dim3A_499 = arith.constant 52 : i32
        %broadcast_in_dim3A_500 = vector.broadcast %broadcast_in_dim3A_499 : i32 to vector<16xi32>
        %gather3A_501 = tpu.vector_load_idx %arg11[%add3A_30, %broadcast_in_dim3A_31, %broadcast_in_dim3A_500] : memref<256x1x64xf32, #tpu.memory_space<vmem>>[vector<16xi32>, vector<16xi32>, vector<16xi32>], vector<16xf32>,
        %gather3A_502 = tpu.vector_load_idx %arg12[%add3A_30, %broadcast_in_dim3A_31, %broadcast_in_dim3A_500] : memref<256x1x64xf32, #tpu.memory_space<vmem>>[vector<16xi32>, vector<16xi32>, vector<16xi32>], vector<16xf32>,
        %gather3A_503 = tpu.vector_load_idx %arg13[%add3A_30, %broadcast_in_dim3A_31, %broadcast_in_dim3A_500] : memref<256x1x64xf32, #tpu.memory_space<vmem>>[vector<16xi32>, vector<16xi32>, vector<16xi32>], vector<16xf32>,
        %add3A_504 = arith.addf %gather3A_501, %gather3A_502 : vector<16xf32>
        %sub3A_505 = arith.subf %add3A_504, %gather3A_503 : vector<16xf32>
        %abs3A_506 = math.absf %sub3A_505 : vector<16xf32>
        %add3A_507 = arith.addf %add3A_498, %abs3A_506 : vector<16xf32>
        %broadcast_in_dim3A_508 = arith.constant 53 : i32
        %broadcast_in_dim3A_509 = vector.broadcast %broadcast_in_dim3A_508 : i32 to vector<16xi32>
        %gather3A_510 = tpu.vector_load_idx %arg11[%add3A_30, %broadcast_in_dim3A_31, %broadcast_in_dim3A_509] : memref<256x1x64xf32, #tpu.memory_space<vmem>>[vector<16xi32>, vector<16xi32>, vector<16xi32>], vector<16xf32>,
        %gather3A_511 = tpu.vector_load_idx %arg12[%add3A_30, %broadcast_in_dim3A_31, %broadcast_in_dim3A_509] : memref<256x1x64xf32, #tpu.memory_space<vmem>>[vector<16xi32>, vector<16xi32>, vector<16xi32>], vector<16xf32>,
        %gather3A_512 = tpu.vector_load_idx %arg13[%add3A_30, %broadcast_in_dim3A_31, %broadcast_in_dim3A_509] : memref<256x1x64xf32, #tpu.memory_space<vmem>>[vector<16xi32>, vector<16xi32>, vector<16xi32>], vector<16xf32>,
        %add3A_513 = arith.addf %gather3A_510, %gather3A_511 : vector<16xf32>
        %sub3A_514 = arith.subf %add3A_513, %gather3A_512 : vector<16xf32>
        %abs3A_515 = math.absf %sub3A_514 : vector<16xf32>
        %add3A_516 = arith.addf %add3A_507, %abs3A_515 : vector<16xf32>
        %broadcast_in_dim3A_517 = arith.constant 54 : i32
        %broadcast_in_dim3A_518 = vector.broadcast %broadcast_in_dim3A_517 : i32 to vector<16xi32>
        %gather3A_519 = tpu.vector_load_idx %arg11[%add3A_30, %broadcast_in_dim3A_31, %broadcast_in_dim3A_518] : memref<256x1x64xf32, #tpu.memory_space<vmem>>[vector<16xi32>, vector<16xi32>, vector<16xi32>], vector<16xf32>,
        %gather3A_520 = tpu.vector_load_idx %arg12[%add3A_30, %broadcast_in_dim3A_31, %broadcast_in_dim3A_518] : memref<256x1x64xf32, #tpu.memory_space<vmem>>[vector<16xi32>, vector<16xi32>, vector<16xi32>], vector<16xf32>,
        %gather3A_521 = tpu.vector_load_idx %arg13[%add3A_30, %broadcast_in_dim3A_31, %broadcast_in_dim3A_518] : memref<256x1x64xf32, #tpu.memory_space<vmem>>[vector<16xi32>, vector<16xi32>, vector<16xi32>], vector<16xf32>,
        %add3A_522 = arith.addf %gather3A_519, %gather3A_520 : vector<16xf32>
        %sub3A_523 = arith.subf %add3A_522, %gather3A_521 : vector<16xf32>
        %abs3A_524 = math.absf %sub3A_523 : vector<16xf32>
        %add3A_525 = arith.addf %add3A_516, %abs3A_524 : vector<16xf32>
        %broadcast_in_dim3A_526 = arith.constant 55 : i32
        %broadcast_in_dim3A_527 = vector.broadcast %broadcast_in_dim3A_526 : i32 to vector<16xi32>
        %gather3A_528 = tpu.vector_load_idx %arg11[%add3A_30, %broadcast_in_dim3A_31, %broadcast_in_dim3A_527] : memref<256x1x64xf32, #tpu.memory_space<vmem>>[vector<16xi32>, vector<16xi32>, vector<16xi32>], vector<16xf32>,
        %gather3A_529 = tpu.vector_load_idx %arg12[%add3A_30, %broadcast_in_dim3A_31, %broadcast_in_dim3A_527] : memref<256x1x64xf32, #tpu.memory_space<vmem>>[vector<16xi32>, vector<16xi32>, vector<16xi32>], vector<16xf32>,
        %gather3A_530 = tpu.vector_load_idx %arg13[%add3A_30, %broadcast_in_dim3A_31, %broadcast_in_dim3A_527] : memref<256x1x64xf32, #tpu.memory_space<vmem>>[vector<16xi32>, vector<16xi32>, vector<16xi32>], vector<16xf32>,
        %add3A_531 = arith.addf %gather3A_528, %gather3A_529 : vector<16xf32>
        %sub3A_532 = arith.subf %add3A_531, %gather3A_530 : vector<16xf32>
        %abs3A_533 = math.absf %sub3A_532 : vector<16xf32>
        %add3A_534 = arith.addf %add3A_525, %abs3A_533 : vector<16xf32>
        %broadcast_in_dim3A_535 = arith.constant 56 : i32
        %broadcast_in_dim3A_536 = vector.broadcast %broadcast_in_dim3A_535 : i32 to vector<16xi32>
        %gather3A_537 = tpu.vector_load_idx %arg11[%add3A_30, %broadcast_in_dim3A_31, %broadcast_in_dim3A_536] : memref<256x1x64xf32, #tpu.memory_space<vmem>>[vector<16xi32>, vector<16xi32>, vector<16xi32>], vector<16xf32>,
        %gather3A_538 = tpu.vector_load_idx %arg12[%add3A_30, %broadcast_in_dim3A_31, %broadcast_in_dim3A_536] : memref<256x1x64xf32, #tpu.memory_space<vmem>>[vector<16xi32>, vector<16xi32>, vector<16xi32>], vector<16xf32>,
        %gather3A_539 = tpu.vector_load_idx %arg13[%add3A_30, %broadcast_in_dim3A_31, %broadcast_in_dim3A_536] : memref<256x1x64xf32, #tpu.memory_space<vmem>>[vector<16xi32>, vector<16xi32>, vector<16xi32>], vector<16xf32>,
        %add3A_540 = arith.addf %gather3A_537, %gather3A_538 : vector<16xf32>
        %sub3A_541 = arith.subf %add3A_540, %gather3A_539 : vector<16xf32>
        %abs3A_542 = math.absf %sub3A_541 : vector<16xf32>
        %add3A_543 = arith.addf %add3A_534, %abs3A_542 : vector<16xf32>
        %broadcast_in_dim3A_544 = arith.constant 57 : i32
        %broadcast_in_dim3A_545 = vector.broadcast %broadcast_in_dim3A_544 : i32 to vector<16xi32>
        %gather3A_546 = tpu.vector_load_idx %arg11[%add3A_30, %broadcast_in_dim3A_31, %broadcast_in_dim3A_545] : memref<256x1x64xf32, #tpu.memory_space<vmem>>[vector<16xi32>, vector<16xi32>, vector<16xi32>], vector<16xf32>,
        %gather3A_547 = tpu.vector_load_idx %arg12[%add3A_30, %broadcast_in_dim3A_31, %broadcast_in_dim3A_545] : memref<256x1x64xf32, #tpu.memory_space<vmem>>[vector<16xi32>, vector<16xi32>, vector<16xi32>], vector<16xf32>,
        %gather3A_548 = tpu.vector_load_idx %arg13[%add3A_30, %broadcast_in_dim3A_31, %broadcast_in_dim3A_545] : memref<256x1x64xf32, #tpu.memory_space<vmem>>[vector<16xi32>, vector<16xi32>, vector<16xi32>], vector<16xf32>,
        %add3A_549 = arith.addf %gather3A_546, %gather3A_547 : vector<16xf32>
        %sub3A_550 = arith.subf %add3A_549, %gather3A_548 : vector<16xf32>
        %abs3A_551 = math.absf %sub3A_550 : vector<16xf32>
        %add3A_552 = arith.addf %add3A_543, %abs3A_551 : vector<16xf32>
        %broadcast_in_dim3A_553 = arith.constant 58 : i32
        %broadcast_in_dim3A_554 = vector.broadcast %broadcast_in_dim3A_553 : i32 to vector<16xi32>
        %gather3A_555 = tpu.vector_load_idx %arg11[%add3A_30, %broadcast_in_dim3A_31, %broadcast_in_dim3A_554] : memref<256x1x64xf32, #tpu.memory_space<vmem>>[vector<16xi32>, vector<16xi32>, vector<16xi32>], vector<16xf32>,
        %gather3A_556 = tpu.vector_load_idx %arg12[%add3A_30, %broadcast_in_dim3A_31, %broadcast_in_dim3A_554] : memref<256x1x64xf32, #tpu.memory_space<vmem>>[vector<16xi32>, vector<16xi32>, vector<16xi32>], vector<16xf32>,
        %gather3A_557 = tpu.vector_load_idx %arg13[%add3A_30, %broadcast_in_dim3A_31, %broadcast_in_dim3A_554] : memref<256x1x64xf32, #tpu.memory_space<vmem>>[vector<16xi32>, vector<16xi32>, vector<16xi32>], vector<16xf32>,
        %add3A_558 = arith.addf %gather3A_555, %gather3A_556 : vector<16xf32>
        %sub3A_559 = arith.subf %add3A_558, %gather3A_557 : vector<16xf32>
        %abs3A_560 = math.absf %sub3A_559 : vector<16xf32>
        %add3A_561 = arith.addf %add3A_552, %abs3A_560 : vector<16xf32>
        %broadcast_in_dim3A_562 = arith.constant 59 : i32
        %broadcast_in_dim3A_563 = vector.broadcast %broadcast_in_dim3A_562 : i32 to vector<16xi32>
        %gather3A_564 = tpu.vector_load_idx %arg11[%add3A_30, %broadcast_in_dim3A_31, %broadcast_in_dim3A_563] : memref<256x1x64xf32, #tpu.memory_space<vmem>>[vector<16xi32>, vector<16xi32>, vector<16xi32>], vector<16xf32>,
        %gather3A_565 = tpu.vector_load_idx %arg12[%add3A_30, %broadcast_in_dim3A_31, %broadcast_in_dim3A_563] : memref<256x1x64xf32, #tpu.memory_space<vmem>>[vector<16xi32>, vector<16xi32>, vector<16xi32>], vector<16xf32>,
        %gather3A_566 = tpu.vector_load_idx %arg13[%add3A_30, %broadcast_in_dim3A_31, %broadcast_in_dim3A_563] : memref<256x1x64xf32, #tpu.memory_space<vmem>>[vector<16xi32>, vector<16xi32>, vector<16xi32>], vector<16xf32>,
        %add3A_567 = arith.addf %gather3A_564, %gather3A_565 : vector<16xf32>
        %sub3A_568 = arith.subf %add3A_567, %gather3A_566 : vector<16xf32>
        %abs3A_569 = math.absf %sub3A_568 : vector<16xf32>
        %add3A_570 = arith.addf %add3A_561, %abs3A_569 : vector<16xf32>
        %broadcast_in_dim3A_571 = arith.constant 60 : i32
        %broadcast_in_dim3A_572 = vector.broadcast %broadcast_in_dim3A_571 : i32 to vector<16xi32>
        %gather3A_573 = tpu.vector_load_idx %arg11[%add3A_30, %broadcast_in_dim3A_31, %broadcast_in_dim3A_572] : memref<256x1x64xf32, #tpu.memory_space<vmem>>[vector<16xi32>, vector<16xi32>, vector<16xi32>], vector<16xf32>,
        %gather3A_574 = tpu.vector_load_idx %arg12[%add3A_30, %broadcast_in_dim3A_31, %broadcast_in_dim3A_572] : memref<256x1x64xf32, #tpu.memory_space<vmem>>[vector<16xi32>, vector<16xi32>, vector<16xi32>], vector<16xf32>,
        %gather3A_575 = tpu.vector_load_idx %arg13[%add3A_30, %broadcast_in_dim3A_31, %broadcast_in_dim3A_572] : memref<256x1x64xf32, #tpu.memory_space<vmem>>[vector<16xi32>, vector<16xi32>, vector<16xi32>], vector<16xf32>,
        %add3A_576 = arith.addf %gather3A_573, %gather3A_574 : vector<16xf32>
        %sub3A_577 = arith.subf %add3A_576, %gather3A_575 : vector<16xf32>
        %abs3A_578 = math.absf %sub3A_577 : vector<16xf32>
        %add3A_579 = arith.addf %add3A_570, %abs3A_578 : vector<16xf32>
        %broadcast_in_dim3A_580 = arith.constant 61 : i32
        %broadcast_in_dim3A_581 = vector.broadcast %broadcast_in_dim3A_580 : i32 to vector<16xi32>
        %gather3A_582 = tpu.vector_load_idx %arg11[%add3A_30, %broadcast_in_dim3A_31, %broadcast_in_dim3A_581] : memref<256x1x64xf32, #tpu.memory_space<vmem>>[vector<16xi32>, vector<16xi32>, vector<16xi32>], vector<16xf32>,
        %gather3A_583 = tpu.vector_load_idx %arg12[%add3A_30, %broadcast_in_dim3A_31, %broadcast_in_dim3A_581] : memref<256x1x64xf32, #tpu.memory_space<vmem>>[vector<16xi32>, vector<16xi32>, vector<16xi32>], vector<16xf32>,
        %gather3A_584 = tpu.vector_load_idx %arg13[%add3A_30, %broadcast_in_dim3A_31, %broadcast_in_dim3A_581] : memref<256x1x64xf32, #tpu.memory_space<vmem>>[vector<16xi32>, vector<16xi32>, vector<16xi32>], vector<16xf32>,
        %add3A_585 = arith.addf %gather3A_582, %gather3A_583 : vector<16xf32>
        %sub3A_586 = arith.subf %add3A_585, %gather3A_584 : vector<16xf32>
        %abs3A_587 = math.absf %sub3A_586 : vector<16xf32>
        %add3A_588 = arith.addf %add3A_579, %abs3A_587 : vector<16xf32>
        %broadcast_in_dim3A_589 = arith.constant 62 : i32
        %broadcast_in_dim3A_590 = vector.broadcast %broadcast_in_dim3A_589 : i32 to vector<16xi32>
        %gather3A_591 = tpu.vector_load_idx %arg11[%add3A_30, %broadcast_in_dim3A_31, %broadcast_in_dim3A_590] : memref<256x1x64xf32, #tpu.memory_space<vmem>>[vector<16xi32>, vector<16xi32>, vector<16xi32>], vector<16xf32>,
        %gather3A_592 = tpu.vector_load_idx %arg12[%add3A_30, %broadcast_in_dim3A_31, %broadcast_in_dim3A_590] : memref<256x1x64xf32, #tpu.memory_space<vmem>>[vector<16xi32>, vector<16xi32>, vector<16xi32>], vector<16xf32>,
        %gather3A_593 = tpu.vector_load_idx %arg13[%add3A_30, %broadcast_in_dim3A_31, %broadcast_in_dim3A_590] : memref<256x1x64xf32, #tpu.memory_space<vmem>>[vector<16xi32>, vector<16xi32>, vector<16xi32>], vector<16xf32>,
        %add3A_594 = arith.addf %gather3A_591, %gather3A_592 : vector<16xf32>
        %sub3A_595 = arith.subf %add3A_594, %gather3A_593 : vector<16xf32>
        %abs3A_596 = math.absf %sub3A_595 : vector<16xf32>
        %add3A_597 = arith.addf %add3A_588, %abs3A_596 : vector<16xf32>
        %broadcast_in_dim3A_598 = arith.constant 63 : i32
        %broadcast_in_dim3A_599 = vector.broadcast %broadcast_in_dim3A_598 : i32 to vector<16xi32>
        %gather3A_600 = tpu.vector_load_idx %arg11[%add3A_30, %broadcast_in_dim3A_31, %broadcast_in_dim3A_599] : memref<256x1x64xf32, #tpu.memory_space<vmem>>[vector<16xi32>, vector<16xi32>, vector<16xi32>], vector<16xf32>,
        %gather3A_601 = tpu.vector_load_idx %arg12[%add3A_30, %broadcast_in_dim3A_31, %broadcast_in_dim3A_599] : memref<256x1x64xf32, #tpu.memory_space<vmem>>[vector<16xi32>, vector<16xi32>, vector<16xi32>], vector<16xf32>,
        %gather3A_602 = tpu.vector_load_idx %arg13[%add3A_30, %broadcast_in_dim3A_31, %broadcast_in_dim3A_599] : memref<256x1x64xf32, #tpu.memory_space<vmem>>[vector<16xi32>, vector<16xi32>, vector<16xi32>], vector<16xf32>,
        %add3A_603 = arith.addf %gather3A_600, %gather3A_601 : vector<16xf32>
        %sub3A_604 = arith.subf %add3A_603, %gather3A_602 : vector<16xf32>
        %abs3A_605 = math.absf %sub3A_604 : vector<16xf32>
        %add3A_606 = arith.addf %add3A_597, %abs3A_605 : vector<16xf32>
        %neg3A = arith.constant 0.000000e+00 : f32
        %neg3A_607 = vector.broadcast %neg3A : f32 to vector<16xf32>
        %neg3A_608 = arith.subf %neg3A_607, %add3A_606 : vector<16xf32>
        %swap3A = arith.index_cast %add3A_26 : i32 to index
        %swap3A_609 = tpu.vector_load %arg14[%swap3A] {strides = array<i32>} : memref<512xf32, #tpu.memory_space<vmem>>, vector<16xf32>,
        tpu.vector_store %arg14[%swap3A], %neg3A_608 {strides = array<i32>} : memref<512xf32, #tpu.memory_space<vmem>>, vector<16xf32>,
      }
      %scan3A_22 = arith.constant 16 : i32
    }
    %scan3A_7 = arith.constant 2 : i32
    "tpu.region"() ({
      %run_scoped3A = tpu.sem_alloc : memref<!tpu.dma_semaphore, #tpu.memory_space<semaphore_mem>>
      %dma_start3A = tpu.memref_slice %arg7[%mul3A_2] : memref<16384xf32, #tpu.memory_space<hbm>> -> memref<512xf32, #tpu.memory_space<hbm>>
      %dma_start3A_8 = tpu.memref_slice %arg7[%mul3A_2] : memref<16384xf32, #tpu.memory_space<hbm>> -> memref<512xf32, #tpu.memory_space<hbm>>
      tpu.enqueue_dma source(%arg14 : memref<512xf32, #tpu.memory_space<vmem>>) target(%dma_start3A_8 : memref<512xf32, #tpu.memory_space<hbm>>) target_semaphore(%run_scoped3A : memref<!tpu.dma_semaphore, #tpu.memory_space<semaphore_mem>>)
      %dma_wait3A = tpu.memref_slice %arg7[%mul3A_2] : memref<16384xf32, #tpu.memory_space<hbm>> -> memref<512xf32, #tpu.memory_space<hbm>>
      %dma_wait3A_9 = tpu.memref_slice %arg7[%mul3A_2] : memref<16384xf32, #tpu.memory_space<hbm>> -> memref<512xf32, #tpu.memory_space<hbm>>
      tpu.wait_dma2 semaphore(%run_scoped3A : memref<!tpu.dma_semaphore, #tpu.memory_space<semaphore_mem>>) src(%arg14 : memref<512xf32, #tpu.memory_space<vmem>>) dst(%dma_wait3A_9 : memref<512xf32, #tpu.memory_space<hbm>>)
      tpu.yield
    }) : () -> ()
    return
  }
}

</mosaic_0001>

<sc_bundles>
// kernel: _sc_score.3.cloned.1.call-start
scs
__scs_entry_jumppad:
0x0: {  	(pc) =	sbr.rel $0x88, $3  }
0x1: {  	(tag) =	ssettag $0x0;
	lr =	simm.s32 $0x1  }
0x2: {  	[smem:$0x3F9C] =	sst lr;
	_ =	strace $0xD0000000  }
0x3: {  	_ = 	snop  }
0x4: {  	_ = 	snop  }
0x5: {  	_ = 	snop  }
0x6: {  	_ = 	snop  }
0x7: {  	_ = 	snop  }
__scs_overlays_trampoline_lowered:
0x8: {  	[smem:$0x3FAB] =	sst s0  }
0x9: {  	[smem:$0x3FAC] =	sst s1  }
0xa: {  	[smem:$0x3FAD] =	sst s2  }
0xb: {  	[smem:$0x3FAE] =	sst s3  }
0xc: {  	[smem:$0x3FAF] =	sst s4  }
0xd: {  	[smem:$0x3FB0] =	sst s5  }
0xe: {  	[smem:$0x3FB1] =	sst s6  }
0xf: {  	[smem:$0x3FB2] =	sst s7  }
0x10: {  	[smem:$0x3FB3] =	sst s8  }
0x11: {  	[smem:$0x3FB4] =	sst s9;
	s0 =	simm.s32 @!p0 $0x0  }
0x12: {  	s1 =	sld [smem:$0x3F9A];
	s0 =	simm.s32 @p0 $0x1  }
0x13: {  	[smem:$0x3FB5] =	sst s0;
	s0 =	simm.s32 @!p1 $0x0  }
0x14: {  	s2 =	sld [smem:$0x3F99];
	s0 =	simm.s32 @p1 $0x1  }
0x15: {  	[smem:$0x3FB6] =	sst s0;
	s0 =	simm.s32 @!p2 $0x0  }
0x16: {  	s3 =	sld [smem:$0x3FDB];
	s0 =	simm.s32 @p2 $0x1  }
0x17: {  	s4 =	simm.s32 $0x1BF5;
	[smem:$0x3FB8] =	sst s0  }
0x18: {  	s0 =	sld [smem:$0x3F9B];
	_ =	swait.ge [sflag:s4], $0x0  }
0x19: {  	s7 =	sld [smem:$0x3F9C]  }
0x1a: {  	s8 =	sadd.s32 $0xFFFFE003, lr  }
0x1b: {  	s9 =	sadd.s32 $0xFFFFFEF7, lr;
	s5 =	simm.s32 $0xFFFFFFFF;
	p2 =	slt.u32 s8, $0xFFFFF086  }
0x1c: {  	p1 =	slt.u32 s9, $0xF7A;
	s5 =	simm.s32 @!p2 $0x0  }
0x1d: {  	s5 =	simm.s32 @p1 $0x1;
	p0 =	seq.s32 s7, s2  }
0x1e: {  	s7 =	smul.u32 @!p0 $0xF7A, s2;
	p2 =	seq.s32 @!p0 s5, $0x0  }
0x1f: {  	s9 =	smul.u32 $0xF7A, s1;
	s8 =	simm.s32 @!p0 $0x1BF5;
	p2 =	por !p2, p0  }
0x20: {  	[sflag:s8] =	ssyncset.s32 @!p0 $0xFFFFF086;
	s6 =	sadd.s32 @!p0 s3, s7;
	s7 =	simm.s32 @!p0 $0x108  }
0x21: {  	s3 =	sadd.s32 s3, s9;
	s6 =	sadd.s32 @!p0 $0x88, s6;
	s7 =	simm.s32 @p2 $0x1082  }
0x22: {  	[simem:s7], [sflag:s8] =	dma.local @!p0 [hbm:s6], $0xF7A  }
0x23: {  	s9 =	sor.u32 $0xD0000000, s2;
	s6 =	simm.s32 $0x108;
	_ =	swait.ge @!p0 [sflag:s8], $0x0  }
0x24: {  	s3 =	sadd.s32 $0x88, s3;
	s6 =	simm.s32 @!p1 $0x1082;
	[sflag:s4] =	ssyncset.s32 $0xFFFFF086  }
0x25: {  	[simem:s6], [sflag:s4] =	dma.local [hbm:s3], $0xF7A  }
0x26: {  	[smem:$0x3F9C] =	sst s1;
	(tag) =	ssettag s2;
	_ =	strace s9  }
0x27: {  	s1 =	sld [smem:$0x3FAC]  }
0x28: {  	s2 =	sld [smem:$0x3FAD]  }
0x29: {  	s4 =	sld [smem:$0x3FAF]  }
0x2a: {  	p0 =	seq.s32 s5, $0x0;
	s5 =	sld [smem:$0x3FB0]  }
0x2b: {  	s6 =	sld [smem:$0x3FB1]  }
0x2c: {  	s7 =	sld [smem:$0x3FB2]  }
0x2d: {  	s3 =	simm.s32 $0x108;
	s8 =	sld [smem:$0x3FB3]  }
0x2e: {  	s3 =	simm.s32 @!p0 $0x1082;
	s9 =	sld [smem:$0x3FB4]  }
0x2f: {  	lr =	sadd.s32 s0, s3;
	s0 =	sld [smem:$0x3FAB]  }
0x30: {  	s3 =	sld [smem:$0x3FAE]  }
0x31: {  	[smem:$0x3FB7] =	sst s10  }
0x32: {  	s10 =	sld [smem:$0x3FB5];
	_ =	sdelay $0x3  }
0x33: {  	p0 =	seq.s32 s10, $0x1;
	s10 =	sld [smem:$0x3FB7];
	_ =	sdelay $0x3  }
0x34: {  	[smem:$0x3FB7] =	sst s10  }
0x35: {  	s10 =	sld [smem:$0x3FB6];
	_ =	sdelay $0x3  }
0x36: {  	p1 =	seq.s32 s10, $0x1;
	s10 =	sld [smem:$0x3FB7];
	_ =	sdelay $0x3  }
0x37: {  	[smem:$0x3FB7] =	sst s10  }
0x38: {  	s10 =	sld [smem:$0x3FB8]  }
0x39: {  	_ = 	snop;
	(pc) =	sbr.ind lr, $3  }
0x3a: {  	_ = 	snop  }
0x3b: {  	_ = 	snop  }
0x3c: {  	p2 =	seq.s32 s10, $0x1;
	s10 =	sld [smem:$0x3FB7]  }
0x3d: {  	_ =	shalt  }
0x3e: {  	_ =	shalt  }
0x3f: {  	_ =	shalt  }
0x40: {  	_ =	shalt  }
0x41: {  	_ =	shalt  }
0x42: {  	_ =	shalt  }
0x43: {  	_ =	shalt  }
0x44: {  	_ =	shalt  }
0x45: {  	_ =	shalt  }
0x46: {  	_ =	shalt  }
0x47: {  	_ =	shalt  }
0x48: {  	_ =	shalt  }
0x49: {  	_ =	shalt  }
0x4a: {  	_ =	shalt  }
0x4b: {  	_ =	shalt  }
0x4c: {  	_ =	shalt  }
0x4d: {  	_ =	shalt  }
0x4e: {  	_ =	shalt  }
0x4f: {  	_ =	shalt  }
0x50: {  	_ =	shalt  }
0x51: {  	_ =	shalt  }
0x52: {  	_ =	shalt  }
0x53: {  	_ =	shalt  }
0x54: {  	_ =	shalt  }
0x55: {  	_ =	shalt  }
0x56: {  	_ =	shalt  }
0x57: {  	_ =	shalt  }
0x58: {  	_ =	shalt  }
0x59: {  	_ =	shalt  }
0x5a: {  	_ =	shalt  }
0x5b: {  	_ =	shalt  }
0x5c: {  	_ =	shalt  }
0x5d: {  	_ =	shalt  }
0x5e: {  	_ =	shalt  }
0x5f: {  	_ =	shalt  }
0x60: {  	_ =	shalt  }
0x61: {  	_ =	shalt  }
0x62: {  	_ =	shalt  }
0x63: {  	_ =	shalt  }
0x64: {  	_ =	shalt  }
0x65: {  	_ =	shalt  }
0x66: {  	_ =	shalt  }
0x67: {  	_ =	shalt  }
0x68: {  	_ =	shalt  }
0x69: {  	_ =	shalt  }
0x6a: {  	_ =	shalt  }
0x6b: {  	_ =	shalt  }
0x6c: {  	_ =	shalt  }
0x6d: {  	_ =	shalt  }
0x6e: {  	_ =	shalt  }
0x6f: {  	_ =	shalt  }
0x70: {  	_ =	shalt  }
0x71: {  	_ =	shalt  }
0x72: {  	_ =	shalt  }
0x73: {  	_ =	shalt  }
0x74: {  	_ =	shalt  }
0x75: {  	_ =	shalt  }
0x76: {  	_ =	shalt  }
0x77: {  	_ =	shalt  }
0x78: {  	_ =	shalt  }
0x79: {  	_ =	shalt  }
0x7a: {  	_ =	shalt  }
0x7b: {  	_ =	shalt  }
0x7c: {  	_ =	shalt  }
0x7d: {  	_ =	shalt  }
0x7e: {  	_ =	shalt  }
0x7f: {  	_ =	shalt  }
0x80: {  	_ =	shalt  }
0x81: {  	_ =	shalt  }
0x82: {  	_ =	shalt  }
0x83: {  	_ =	shalt  }
0x84: {  	_ =	shalt  }
0x85: {  	_ =	shalt  }
0x86: {  	_ =	shalt  }
0x87: {  	_ =	shalt  }
.Lfunc_end0:
.L_simem_size_0:
called_computation_lowered:
.L_overlay_start_0:
0x88: {  	s2 =	sld [smem:$0x3FD9]  }
0x89: {  	s3 =	sld [smem:$0x3FFE];
	_ =	sdelay $0x1  }
0x8a: {  	s1 =	srdreg.scid  }
0x8b: {  	s0 =	sand.u32 $0x1, s1  }
0x8c: {  	s17 =	sshll.u32 s0, $0xA;
	s2 =	sadd.s32 s3, s2  }
0x8d: {  	s2 =	sadd.s32 s2, s17  }
0x8e: {  	[smem:$0x3FC3] =	sst s2  }
0x8f: {  	_ = 	snop  }
0x90: {  	s2 =	sld [smem:$0x3FC9]  }
0x91: {  	s18 =	sld [smem:$0x3FC8]  }
0x92: {  	s4 =	sld [smem:$0x3FC7]  }
0x93: {  	s5 =	sld [smem:$0x3FD0];
	(tm) =	ssettm $0x1  }
0x94: {  	s6 =	sld [smem:$0x3FFB];
	_ =	sdelay $0x3  }
0x95: {  	_ =	strace s6  }
0x96: {  	s6 =	sld [smem:$0x3FFC];
	_ =	sdelay $0x3  }
0x97: {  	_ =	strace s6  }
0x98: {  	s6 =	sld [smem:$0x3FFD];
	_ =	sdelay $0x3  }
0x99: {  	_ =	strace s6  }
0x9a: {  	_ =	strace $0x8FFFFFFF  }
0x9b: {  	s19 =	sld [smem:$0x3FDB];
	_ =	sdelay $0x1  }
0x9c: {  	s7 =	simm.s32 $_scs_section_size  }
0x9d: {  	s8 =	simm.s32 $_size__tile_overlayer_lowered;
	s9 =	simm.s32 $_tile_overlayer_lowered  }
0x9e: {  	s22 =	simm.s32 $0x1BFF;
	s21 =	sshll.u32 s9, $0x1;
	s6 =	sadd.s32 s7, s19  }
0x9f: {  	s10 =	simm.s32 $0x0;
	s20 =	sshll.u32 s8, $0x1;
	s8 =	sadd.s32 s21, s6  }
0xa0: {  	[timem:s10], [sflag:s22] =	dma.local [hbm:s8], s20  }
0xa1: {  	_ =	swait.ge [sflag:s22], s20  }
0xa2: {  	s7 =	ssub.s32 $0x0, s20;
	[sflag:s22] =	ssyncset.done $0x0  }
0xa3: {  	[sflag:s22] =	ssyncadd.s32 s7;
	_ =	sdelay $0x1  }
0xa4: {  	s23 =	simm.s32 $0x1B8B  }
0xa5: {  	_ =	swait.ge [sflag:s23], $0x1  }
0xa6: {  	[sflag:s23] =	ssyncset.done $0x0  }
0xa7: {  	s25 =	simm.s32 $0x1B8E;
	s24 =	sld [smem:$0x3FFE];
	[sflag:s23] =	ssyncadd.s32 $0xFFFFFFFF  }
0xa8: {  	s26 =	simm.s32 $execute0_lowered;
	[smem:$0x3FD2] =	sst s25  }
0xa9: {  	s8 =	sshll.u32 s26, $0x1;
	_ =	strace $0x80000046;
	[dreg:$0x1] =	wrdreg $0xFFFFFFFF  }
0xaa: {  	s28 =	simm.s32 $_size_execute0_lowered;
	s6 =	sadd.s32 s6, s8;
	[dreg:$0x0] =	wrdreg $0x0  }
0xab: {  	s8 =	sshll.u32 s28, $0x1;
	[dreg:$0x2] =	wrdreg s6  }
0xac: {  	[dreg:$0x3] =	wrdreg s8  }
0xad: {  	[dreg:$0x4] =	wrdreg $0xC0  }
0xae: {  	_ =	task [dreg:s10], $0x5FFFF  }
0xaf: {  	[dreg:$0x1] =	wrdreg $0xFFFFFFFF  }
0xb0: {  	[dreg:$0x0] =	wrdreg $0x60  }
0xb1: {  	[dreg:$0x2] =	wrdreg s2  }
0xb2: {  	[dreg:$0x3] =	wrdreg s18  }
0xb3: {  	[dreg:$0x4] =	wrdreg s4  }
0xb4: {  	[dreg:$0x5] =	wrdreg s24  }
0xb5: {  	[dreg:$0x6] =	wrdreg s5  }
0xb6: {  	[dreg:$0x7] =	wrdreg $0x9  }
0xb7: {  	_ =	task.clear_ibuf [dreg:s10], $0x8FFFF;
	_ =	strace $0x90000046  }
0xb8: {  	s29 =	simm.s32 $0x9;
	_ =	strace $0x80000048  }
0xb9: {  	_ =	swait.ge [sflag:s29], $0x1  }
0xba: {  	[sflag:s29] =	ssyncadd.s32 $0xFFFFFFFF  }
0xbb: {  	_ =	strace $0x90000048  }
0xbc: {  	_ =	sfence  }
0xbd: {  	s30 =	sld [smem:$0x0];
	_ =	sdelay $0x2  }
0xbe: {  	s31 =	sshll.u32 s1, $0xD;
	s1 =	sshrl.u32 s1, $0x2  }
0xbf: {  	s3 =	sand.u32 $0x4000, s31;
	s1 =	sadd.s32 s1, s30  }
0xc0: {  	s0 =	sor.u32 s3, s0;
	s1 =	sshll.u32 s1, $0x11  }
0xc1: {  	s0 =	sor.u32 s1, s0  }
0xc2: {  	s0 =	sadd.s32 $0x8F2B, s0  }
0xc3: {  	[sflag:s0] =	ssyncadd.remote.s32 $0x1  }
0xc4: {  	_ =	sfence.sel $0xFFFF  }
0xc5: {  	[dreg:$0x0] =	wrdreg $0xFFFFFFFF;
	(pc) =	sbr.abs _section_cstart, $3  }
0xc6: {  	[dreg:$0x1] =	wrdreg $0xFFFFFFFF  }
0xc7: {  	_ =	task.clear_ibuf [dreg:s10], $0x2FFFF;
	_ =	strace $0x9FFFFFFF  }
0xc8: {  	(tm) =	ssettm $0x7FFFFFFF  }
0xc9: {  	_ =	shalt  }
tec
execute0_lowered:
.L_overlay_start_1:
0x0: {  	(tag) =	ssettag $0x1  }
0x1: {  	s5 =	rddreg [dreg:$0x0]  }
0x2: {  	s6 =	rddreg [dreg:$0x1]  }
0x3: {  	s7 =	rddreg [dreg:$0x2]  }
0x4: {  	s4 =	rddreg [dreg:$0x3]  }
0x5: {  	s8 =	rddreg [dreg:$0x4]  }
0x6: {  	s0 =	rddreg [dreg:$0x5];
	s1 =	simm.s32 $0x0  }
0x7: {  	s9 =	srdreg.scid;
	s2 =	stileid.u32;
	s13 =	simm.s32 $0x1  }
0x8: {  	s14 =	simm.s32 $0x600;
	s15 =	simm.s32 $0x8600;
	s16 =	simm.s32 $0x10600  }
0x9: {  	s17 =	simm.s32 $0x18600;
	s18 =	simm.s32 $0x0;
	[smem:$0x7FF] =	sst s1  }
0xa: {  	s3 =	sadd.s32 $0x4400, s4;
	s9 =	sand.u32 $0x1, s9;
	s11 =	sshll.u32 s2, $0x7  }
0xb: {  	s4 =	sadd.s32 $0x400, s4;
	s10 =	ssub.s32 $0x2, s9;
	s9 =	sshll.u32 s9, $0x6  }
0xc: {  	_ =	strace $0x80000047;
	s12 =	sshrl.u32 s10, $0x1;
	s9 =	sor.u32 s9, s11  }
0xd: {  	s11 =	simm.s32 $0x200;
	s10 =	ssub.s32 s10, s12;
	s5 =	sadd.s32 s5, s9  }
0xe: {  	v0 =	vlaneseq.u32;
	s6 =	sadd.s32 s6, s9;
	s7 =	sadd.s32 s7, s9;
	s8 =	sadd.s32 s8, s9  }
0xf: {  	v8 =	vimm.s32 $0x0;
	v57 =	vmul.u32 $0x80, v0;
	s12 =	simm.s32 $0x400;
	s9 =	smax.u32 s10, $0x1;
	s10 =	simm.s32 $0x2  }
.LBB2_1:
0x10: {  	[tilespmem:s1], [sflag:$0x2] =	stream.linear.gather [hbm4b:s5+s1], $0x200, $0x38;
	[tilespmem:$0x18800] =	vst v63  }
0x11: {  	_ =	swait.ge [sflag:s10], $0x200  }
0x12: {  	[sflag:s10] =	ssyncset.done $0x0  }
0x13: {  	[sflag:s10] =	ssyncadd.s32 $0xFFFFFE00  }
0x14: {  	[tilespmem:s11], [sflag:$0x2] =	stream.linear.gather [hbm4b:s6+s1], $0x200, $0x38;
	[tilespmem:$0x18800] =	vst v63  }
0x15: {  	_ =	swait.ge [sflag:s10], $0x200  }
0x16: {  	[sflag:s10] =	ssyncset.done $0x0  }
0x17: {  	[sflag:s10] =	ssyncadd.s32 $0xFFFFFE00  }
0x18: {  	[tilespmem:s12], [sflag:$0x2] =	stream.linear.gather [hbm4b:s7+s1], $0x200, $0x38;
	[tilespmem:$0x18800] =	vst v63  }
0x19: {  	_ =	swait.ge [sflag:s10], $0x200  }
0x1a: {  	[sflag:s10] =	ssyncset.done $0x0  }
0x1b: {  	p1 =	por $0x1, $0x1;
	s19 =	simm.s32 $0x0;
	[sflag:s10] =	ssyncadd.s32 $0xFFFFFE00  }
.LBB2_2:
0x1c: {  	s20 =	sshll.u32 s19, $0x2  }
0x1d: {  	p0 =	por p1, p1;
	s20 =	sshra.s32 s20, $0x2  }
0x1e: {  	s23 =	simm.s32 $0x0;
	s21 =	sadd.s32 $0x200, s20;
	s22 =	sadd.s32 $0x400, s20  }
.LBB2_3:
0x1f: {  	v0 =	vld [tilespmem:s20+$0x0];
	_ =	sdelay $0x4  }
0x20: {  	v1 =	vshra.s32 v0, $0x1F  }
0x21: {  	v1 =	vshrl.u32 v1, $0x1D  }
0x22: {  	v2 =	vld [tilespmem:s22+$0x0];
	v1 =	vadd.s32 v1, v0  }
0x23: {  	v1 =	vshra.s32 v1, $0x3  }
0x24: {  	v5 =	vld [tilespmem:s21+$0x0];
	v3 =	vshll.u32 v1, $0x3  }
0x25: {  	vm0 =	vlt.s32 v0, $0x1;
	vm1 =	vne.s32 v0, v3  }
0x26: {  	vm0 =	vmand vm0, vm1  }
0x27: {  	v4 =	vshra.s32 v2, $0x1F;
	v55 =	vand.u32 $0x7, v0;
	v53 =	vsel vm0, $0xFFFFFFFF, v8  }
0x28: {  	vm12 =	vlt.s32 v2, $0x1;
	v54 =	vshrl.u32 v4, $0x1D;
	v1 =	vadd.s32 v53, v1  }
0x29: {  	v59 =	vshra.s32 v5, $0x1F;
	v3 =	vadd.s32 v54, v2;
	v56 =	vshll.u32 v1, $0xA  }
0x2a: {  	v58 =	vshll.u32 v55, $0x7;
	v6 =	vand.u32 $0xFFFFFFF8, v3;
	(v2sf) =	vpush v56, $0x0  }
0x2b: {  	v4 =	vshrl.u32 v59, $0x1D;
	vm13 =	vne.s32 v2, v6;
	(v2sf) =	vpush v58, $0x0  }
0x2c: {  	vm14 =	vlt.s32 v5, $0x1;
	v4 =	vadd.s32 v4, v5;
	vm0 =	vmand vm12, vm13  }
0x2d: {  	v7 =	vand.u32 $0xFFFFFFF8, v4;
	v3 =	vshrl.u32 v3, $0x3;
	v6 =	vsel vm0, $0xFFFFFFFF, v8  }
0x2e: {  	v4 =	vshrl.u32 v4, $0x3;
	vm15 =	vne.s32 v5, v7;
	v3 =	vadd.s32 v6, v3  }
0x2f: {  	vm0 =	vmand vm14, vm15;
	v6 =	vand.u32 $0x7, v2;
	v60 =	vshll.u32 v3, $0xA  }
0x30: {  	v61 =	vshll.u32 v6, $0x7;
	v6 =	vsel vm0, $0xFFFFFFFF, v8;
	(v2sf) =	vpush v60, $0x0  }
0x31: {  	v4 =	vadd.s32 v6, v4;
	(v2sf) =	vpush v61, $0x0  }
0x32: {  	v6 =	vand.u32 $0x7, v5;
	v62 =	vshll.u32 v4, $0xA  }
0x33: {  	v63 =	vshll.u32 v6, $0x7;
	(v2sf) =	vpush v62, $0x0  }
0x34: {  	(v2sf) =	vpush v63, $0x0;
	_ =	sdelay $0x4  }
0x35: {  	s24 =	spop (v2sf)  }
0x36: {  	(v2sf) =	vpush v56, $0x1;
	s25 =	spop (v2sf)  }
0x37: {  	(v2sf) =	vpush v58, $0x1;
	s25 =	sor.u32 s25, s24  }
0x38: {  	s24 =	sshra.s32 s23, $0x2;
	s25 =	sshrl.u32 s25, $0x3  }
0x39: {  	s26 =	sadd.s32 $0x600, s24;
	s25 =	sadd.s32 s3, s25  }
0x3a: {  	[tilespmem:s26], [sflag:$0x1] =	stream.linear.gather [hbm4b:s25+s1], $0x80, $0x38;
	[tilespmem:$0x18800] =	vst v63  }
0x3b: {  	s26 =	spop (v2sf)  }
0x3c: {  	(v2sf) =	vpush v60, $0x1;
	s28 =	spop (v2sf)  }
0x3d: {  	(v2sf) =	vpush v61, $0x1;
	s25 =	sor.u32 s28, s26  }
0x3e: {  	s30 =	spop (v2sf);
	s25 =	sshrl.u32 s25, $0x3  }
0x3f: {  	s29 =	sadd.s32 $0x10600, s24;
	(v2sf) =	vpush v62, $0x1;
	s31 =	spop (v2sf);
	s25 =	sadd.s32 s3, s25  }
0x40: {  	(v2sf) =	vpush v63, $0x1;
	[tilespmem:s29], [sflag:$0x1] =	stream.linear.gather [hbm4b:s25+s1], $0x80, $0x38;
	[tilespmem:$0x18800] =	vst v63  }
0x41: {  	s25 =	sor.u32 s31, s30  }
0x42: {  	s25 =	sshrl.u32 s25, $0x3  }
0x43: {  	s28 =	sadd.s32 $0x8600, s24;
	s25 =	sadd.s32 s4, s25  }
0x44: {  	[tilespmem:s28], [sflag:$0x1] =	stream.linear.gather [hbm4b:s25+s1], $0x80, $0x38;
	[tilespmem:$0x18800] =	vst v63  }
0x45: {  	s29 =	spop (v2sf)  }
0x46: {  	(v2sf) =	vpush v56, $0x2;
	s30 =	spop (v2sf)  }
0x47: {  	(v2sf) =	vpush v58, $0x2;
	s25 =	sor.u32 s30, s29  }
0x48: {  	s25 =	sshrl.u32 s25, $0x3  }
0x49: {  	s31 =	sadd.s32 $0x680, s24;
	s25 =	sadd.s32 s3, s25  }
0x4a: {  	[tilespmem:s31], [sflag:$0x1] =	stream.linear.gather [hbm4b:s25+s1], $0x80, $0x38;
	[tilespmem:$0x18800] =	vst v63  }
0x4b: {  	s26 =	spop (v2sf)  }
0x4c: {  	(v2sf) =	vpush v60, $0x2;
	s28 =	spop (v2sf)  }
0x4d: {  	(v2sf) =	vpush v61, $0x2;
	s25 =	sor.u32 s28, s26  }
0x4e: {  	s30 =	spop (v2sf);
	s25 =	sshrl.u32 s25, $0x3  }
0x4f: {  	s29 =	sadd.s32 $0x10680, s24;
	(v2sf) =	vpush v62, $0x2;
	s31 =	spop (v2sf);
	s25 =	sadd.s32 s3, s25  }
0x50: {  	(v2sf) =	vpush v63, $0x2;
	[tilespmem:s29], [sflag:$0x1] =	stream.linear.gather [hbm4b:s25+s1], $0x80, $0x38;
	[tilespmem:$0x18800] =	vst v63  }
0x51: {  	s25 =	sor.u32 s31, s30  }
0x52: {  	s25 =	sshrl.u32 s25, $0x3  }
0x53: {  	s28 =	sadd.s32 $0x8680, s24;
	s25 =	sadd.s32 s4, s25  }
0x54: {  	[tilespmem:s28], [sflag:$0x1] =	stream.linear.gather [hbm4b:s25+s1], $0x80, $0x38;
	[tilespmem:$0x18800] =	vst v63  }
0x55: {  	s29 =	spop (v2sf)  }
0x56: {  	(v2sf) =	vpush v56, $0x3;
	s30 =	spop (v2sf)  }
0x57: {  	(v2sf) =	vpush v58, $0x3;
	s25 =	sor.u32 s30, s29  }
0x58: {  	s25 =	sshrl.u32 s25, $0x3  }
0x59: {  	s31 =	sadd.s32 $0x700, s24;
	s25 =	sadd.s32 s3, s25  }
0x5a: {  	[tilespmem:s31], [sflag:$0x1] =	stream.linear.gather [hbm4b:s25+s1], $0x80, $0x38;
	[tilespmem:$0x18800] =	vst v63  }
0x5b: {  	s26 =	spop (v2sf)  }
0x5c: {  	(v2sf) =	vpush v60, $0x3;
	s28 =	spop (v2sf)  }
0x5d: {  	(v2sf) =	vpush v61, $0x3;
	s25 =	sor.u32 s28, s26  }
0x5e: {  	s30 =	spop (v2sf);
	s25 =	sshrl.u32 s25, $0x3  }
0x5f: {  	s29 =	sadd.s32 $0x10700, s24;
	(v2sf) =	vpush v62, $0x3;
	s31 =	spop (v2sf);
	s25 =	sadd.s32 s3, s25  }
0x60: {  	(v2sf) =	vpush v63, $0x3;
	[tilespmem:s29], [sflag:$0x1] =	stream.linear.gather [hbm4b:s25+s1], $0x80, $0x38;
	[tilespmem:$0x18800] =	vst v63  }
0x61: {  	s25 =	sor.u32 s31, s30  }
0x62: {  	s25 =	sshrl.u32 s25, $0x3  }
0x63: {  	s28 =	sadd.s32 $0x8700, s24;
	s25 =	sadd.s32 s4, s25  }
0x64: {  	[tilespmem:s28], [sflag:$0x1] =	stream.linear.gather [hbm4b:s25+s1], $0x80, $0x38;
	[tilespmem:$0x18800] =	vst v63  }
0x65: {  	s29 =	spop (v2sf)  }
0x66: {  	(v2sf) =	vpush v56, $0x4;
	s30 =	spop (v2sf)  }
0x67: {  	(v2sf) =	vpush v58, $0x4;
	s25 =	sor.u32 s30, s29  }
0x68: {  	s25 =	sshrl.u32 s25, $0x3  }
0x69: {  	s31 =	sadd.s32 $0x780, s24;
	s25 =	sadd.s32 s3, s25  }
0x6a: {  	[tilespmem:s31], [sflag:$0x1] =	stream.linear.gather [hbm4b:s25+s1], $0x80, $0x38;
	[tilespmem:$0x18800] =	vst v63  }
0x6b: {  	s26 =	spop (v2sf)  }
0x6c: {  	(v2sf) =	vpush v60, $0x4;
	s28 =	spop (v2sf)  }
0x6d: {  	(v2sf) =	vpush v61, $0x4;
	s25 =	sor.u32 s28, s26  }
0x6e: {  	s30 =	spop (v2sf);
	s25 =	sshrl.u32 s25, $0x3  }
0x6f: {  	s29 =	sadd.s32 $0x10780, s24;
	(v2sf) =	vpush v62, $0x4;
	s31 =	spop (v2sf);
	s25 =	sadd.s32 s3, s25  }
0x70: {  	(v2sf) =	vpush v63, $0x4;
	[tilespmem:s29], [sflag:$0x1] =	stream.linear.gather [hbm4b:s25+s1], $0x80, $0x38;
	[tilespmem:$0x18800] =	vst v63  }
0x71: {  	s25 =	sor.u32 s31, s30  }
0x72: {  	s25 =	sshrl.u32 s25, $0x3  }
0x73: {  	s28 =	sadd.s32 $0x8780, s24;
	s25 =	sadd.s32 s4, s25  }
0x74: {  	[tilespmem:s28], [sflag:$0x1] =	stream.linear.gather [hbm4b:s25+s1], $0x80, $0x38;
	[tilespmem:$0x18800] =	vst v63  }
0x75: {  	s29 =	spop (v2sf)  }
0x76: {  	(v2sf) =	vpush v56, $0x5;
	s30 =	spop (v2sf)  }
0x77: {  	(v2sf) =	vpush v58, $0x5;
	s25 =	sor.u32 s30, s29  }
0x78: {  	s25 =	sshrl.u32 s25, $0x3  }
0x79: {  	s31 =	sadd.s32 $0x800, s24;
	s25 =	sadd.s32 s3, s25  }
0x7a: {  	[tilespmem:s31], [sflag:$0x1] =	stream.linear.gather [hbm4b:s25+s1], $0x80, $0x38;
	[tilespmem:$0x18800] =	vst v63  }
0x7b: {  	s26 =	spop (v2sf)  }
0x7c: {  	(v2sf) =	vpush v60, $0x5;
	s28 =	spop (v2sf)  }
0x7d: {  	(v2sf) =	vpush v61, $0x5;
	s25 =	sor.u32 s28, s26  }
0x7e: {  	s30 =	spop (v2sf);
	s25 =	sshrl.u32 s25, $0x3  }
0x7f: {  	s29 =	sadd.s32 $0x10800, s24;
	(v2sf) =	vpush v62, $0x5;
	s31 =	spop (v2sf);
	s25 =	sadd.s32 s3, s25  }
0x80: {  	(v2sf) =	vpush v63, $0x5;
	[tilespmem:s29], [sflag:$0x1] =	stream.linear.gather [hbm4b:s25+s1], $0x80, $0x38;
	[tilespmem:$0x18800] =	vst v63  }
0x81: {  	s25 =	sor.u32 s31, s30  }
0x82: {  	s25 =	sshrl.u32 s25, $0x3  }
0x83: {  	s28 =	sadd.s32 $0x8800, s24;
	s25 =	sadd.s32 s4, s25  }
0x84: {  	[tilespmem:s28], [sflag:$0x1] =	stream.linear.gather [hbm4b:s25+s1], $0x80, $0x38;
	[tilespmem:$0x18800] =	vst v63  }
0x85: {  	s29 =	spop (v2sf)  }
0x86: {  	(v2sf) =	vpush v56, $0x6;
	s30 =	spop (v2sf)  }
0x87: {  	(v2sf) =	vpush v58, $0x6;
	s25 =	sor.u32 s30, s29  }
0x88: {  	s25 =	sshrl.u32 s25, $0x3  }
0x89: {  	s31 =	sadd.s32 $0x880, s24;
	s25 =	sadd.s32 s3, s25  }
0x8a: {  	[tilespmem:s31], [sflag:$0x1] =	stream.linear.gather [hbm4b:s25+s1], $0x80, $0x38;
	[tilespmem:$0x18800] =	vst v63  }
0x8b: {  	s26 =	spop (v2sf)  }
0x8c: {  	(v2sf) =	vpush v60, $0x6;
	s28 =	spop (v2sf)  }
0x8d: {  	(v2sf) =	vpush v61, $0x6;
	s25 =	sor.u32 s28, s26  }
0x8e: {  	s30 =	spop (v2sf);
	s25 =	sshrl.u32 s25, $0x3  }
0x8f: {  	s29 =	sadd.s32 $0x10880, s24;
	(v2sf) =	vpush v62, $0x6;
	s31 =	spop (v2sf);
	s25 =	sadd.s32 s3, s25  }
0x90: {  	(v2sf) =	vpush v63, $0x6;
	[tilespmem:s29], [sflag:$0x1] =	stream.linear.gather [hbm4b:s25+s1], $0x80, $0x38;
	[tilespmem:$0x18800] =	vst v63  }
0x91: {  	s25 =	sor.u32 s31, s30  }
0x92: {  	s25 =	sshrl.u32 s25, $0x3  }
0x93: {  	s28 =	sadd.s32 $0x8880, s24;
	s25 =	sadd.s32 s4, s25  }
0x94: {  	[tilespmem:s28], [sflag:$0x1] =	stream.linear.gather [hbm4b:s25+s1], $0x80, $0x38;
	[tilespmem:$0x18800] =	vst v63  }
0x95: {  	s29 =	spop (v2sf)  }
0x96: {  	(v2sf) =	vpush v56, $0x7;
	s30 =	spop (v2sf)  }
0x97: {  	(v2sf) =	vpush v58, $0x7;
	s25 =	sor.u32 s30, s29  }
0x98: {  	s25 =	sshrl.u32 s25, $0x3  }
0x99: {  	s31 =	sadd.s32 $0x900, s24;
	s25 =	sadd.s32 s3, s25  }
0x9a: {  	[tilespmem:s31], [sflag:$0x1] =	stream.linear.gather [hbm4b:s25+s1], $0x80, $0x38;
	[tilespmem:$0x18800] =	vst v63  }
0x9b: {  	s26 =	spop (v2sf)  }
0x9c: {  	(v2sf) =	vpush v60, $0x7;
	s28 =	spop (v2sf)  }
0x9d: {  	(v2sf) =	vpush v61, $0x7;
	s25 =	sor.u32 s28, s26  }
0x9e: {  	s30 =	spop (v2sf);
	s25 =	sshrl.u32 s25, $0x3  }
0x9f: {  	s29 =	sadd.s32 $0x10900, s24;
	(v2sf) =	vpush v62, $0x7;
	s31 =	spop (v2sf);
	s25 =	sadd.s32 s3, s25  }
0xa0: {  	(v2sf) =	vpush v63, $0x7;
	[tilespmem:s29], [sflag:$0x1] =	stream.linear.gather [hbm4b:s25+s1], $0x80, $0x38;
	[tilespmem:$0x18800] =	vst v63  }
0xa1: {  	s25 =	sor.u32 s31, s30  }
0xa2: {  	s25 =	sshrl.u32 s25, $0x3  }
0xa3: {  	s28 =	sadd.s32 $0x8900, s24;
	s25 =	sadd.s32 s4, s25  }
0xa4: {  	[tilespmem:s28], [sflag:$0x1] =	stream.linear.gather [hbm4b:s25+s1], $0x80, $0x38;
	[tilespmem:$0x18800] =	vst v63  }
0xa5: {  	s29 =	spop (v2sf)  }
0xa6: {  	(v2sf) =	vpush v56, $0x8;
	s30 =	spop (v2sf)  }
0xa7: {  	(v2sf) =	vpush v58, $0x8;
	s25 =	sor.u32 s30, s29  }
0xa8: {  	s25 =	sshrl.u32 s25, $0x3  }
0xa9: {  	s31 =	sadd.s32 $0x980, s24;
	s25 =	sadd.s32 s3, s25  }
0xaa: {  	[tilespmem:s31], [sflag:$0x1] =	stream.linear.gather [hbm4b:s25+s1], $0x80, $0x38;
	[tilespmem:$0x18800] =	vst v63  }
0xab: {  	s26 =	spop (v2sf)  }
0xac: {  	(v2sf) =	vpush v60, $0x8;
	s28 =	spop (v2sf)  }
0xad: {  	(v2sf) =	vpush v61, $0x8;
	s25 =	sor.u32 s28, s26  }
0xae: {  	s30 =	spop (v2sf);
	s25 =	sshrl.u32 s25, $0x3  }
0xaf: {  	s29 =	sadd.s32 $0x10980, s24;
	(v2sf) =	vpush v62, $0x8;
	s31 =	spop (v2sf);
	s25 =	sadd.s32 s3, s25  }
0xb0: {  	(v2sf) =	vpush v63, $0x8;
	[tilespmem:s29], [sflag:$0x1] =	stream.linear.gather [hbm4b:s25+s1], $0x80, $0x38;
	[tilespmem:$0x18800] =	vst v63  }
0xb1: {  	s25 =	sor.u32 s31, s30  }
0xb2: {  	s25 =	sshrl.u32 s25, $0x3  }
0xb3: {  	s28 =	sadd.s32 $0x8980, s24;
	s25 =	sadd.s32 s4, s25  }
0xb4: {  	[tilespmem:s28], [sflag:$0x1] =	stream.linear.gather [hbm4b:s25+s1], $0x80, $0x38;
	[tilespmem:$0x18800] =	vst v63  }
0xb5: {  	s29 =	spop (v2sf)  }
0xb6: {  	(v2sf) =	vpush v56, $0x9;
	s30 =	spop (v2sf)  }
0xb7: {  	(v2sf) =	vpush v58, $0x9;
	s25 =	sor.u32 s30, s29  }
0xb8: {  	s25 =	sshrl.u32 s25, $0x3  }
0xb9: {  	s31 =	sadd.s32 $0xA00, s24;
	s25 =	sadd.s32 s3, s25  }
0xba: {  	[tilespmem:s31], [sflag:$0x1] =	stream.linear.gather [hbm4b:s25+s1], $0x80, $0x38;
	[tilespmem:$0x18800] =	vst v63  }
0xbb: {  	s26 =	spop (v2sf)  }
0xbc: {  	(v2sf) =	vpush v60, $0x9;
	s28 =	spop (v2sf)  }
0xbd: {  	(v2sf) =	vpush v61, $0x9;
	s25 =	sor.u32 s28, s26  }
0xbe: {  	s30 =	spop (v2sf);
	s25 =	sshrl.u32 s25, $0x3  }
0xbf: {  	s29 =	sadd.s32 $0x10A00, s24;
	(v2sf) =	vpush v62, $0x9;
	s31 =	spop (v2sf);
	s25 =	sadd.s32 s3, s25  }
0xc0: {  	(v2sf) =	vpush v63, $0x9;
	[tilespmem:s29], [sflag:$0x1] =	stream.linear.gather [hbm4b:s25+s1], $0x80, $0x38;
	[tilespmem:$0x18800] =	vst v63  }
0xc1: {  	s25 =	sor.u32 s31, s30  }
0xc2: {  	s25 =	sshrl.u32 s25, $0x3  }
0xc3: {  	s28 =	sadd.s32 $0x8A00, s24;
	s25 =	sadd.s32 s4, s25  }
0xc4: {  	[tilespmem:s28], [sflag:$0x1] =	stream.linear.gather [hbm4b:s25+s1], $0x80, $0x38;
	[tilespmem:$0x18800] =	vst v63  }
0xc5: {  	s29 =	spop (v2sf)  }
0xc6: {  	(v2sf) =	vpush v56, $0xA;
	s30 =	spop (v2sf)  }
0xc7: {  	(v2sf) =	vpush v58, $0xA;
	s25 =	sor.u32 s30, s29  }
0xc8: {  	s25 =	sshrl.u32 s25, $0x3  }
0xc9: {  	s31 =	sadd.s32 $0xA80, s24;
	s25 =	sadd.s32 s3, s25  }
0xca: {  	[tilespmem:s31], [sflag:$0x1] =	stream.linear.gather [hbm4b:s25+s1], $0x80, $0x38;
	[tilespmem:$0x18800] =	vst v63  }
0xcb: {  	s26 =	spop (v2sf)  }
0xcc: {  	(v2sf) =	vpush v60, $0xA;
	s28 =	spop (v2sf)  }
0xcd: {  	(v2sf) =	vpush v61, $0xA;
	s25 =	sor.u32 s28, s26  }
0xce: {  	s30 =	spop (v2sf);
	s25 =	sshrl.u32 s25, $0x3  }
0xcf: {  	s29 =	sadd.s32 $0x10A80, s24;
	(v2sf) =	vpush v62, $0xA;
	s31 =	spop (v2sf);
	s25 =	sadd.s32 s3, s25  }
0xd0: {  	(v2sf) =	vpush v63, $0xA;
	[tilespmem:s29], [sflag:$0x1] =	stream.linear.gather [hbm4b:s25+s1], $0x80, $0x38;
	[tilespmem:$0x18800] =	vst v63  }
0xd1: {  	s25 =	sor.u32 s31, s30  }
0xd2: {  	s25 =	sshrl.u32 s25, $0x3  }
0xd3: {  	s28 =	sadd.s32 $0x8A80, s24;
	s25 =	sadd.s32 s4, s25  }
0xd4: {  	[tilespmem:s28], [sflag:$0x1] =	stream.linear.gather [hbm4b:s25+s1], $0x80, $0x38;
	[tilespmem:$0x18800] =	vst v63  }
0xd5: {  	s29 =	spop (v2sf)  }
0xd6: {  	(v2sf) =	vpush v56, $0xB;
	s30 =	spop (v2sf)  }
0xd7: {  	(v2sf) =	vpush v58, $0xB;
	s25 =	sor.u32 s30, s29  }
0xd8: {  	s25 =	sshrl.u32 s25, $0x3  }
0xd9: {  	s31 =	sadd.s32 $0xB00, s24;
	s25 =	sadd.s32 s3, s25  }
0xda: {  	[tilespmem:s31], [sflag:$0x1] =	stream.linear.gather [hbm4b:s25+s1], $0x80, $0x38;
	[tilespmem:$0x18800] =	vst v63  }
0xdb: {  	s26 =	spop (v2sf)  }
0xdc: {  	(v2sf) =	vpush v60, $0xB;
	s28 =	spop (v2sf)  }
0xdd: {  	(v2sf) =	vpush v61, $0xB;
	s25 =	sor.u32 s28, s26  }
0xde: {  	s30 =	spop (v2sf);
	s25 =	sshrl.u32 s25, $0x3  }
0xdf: {  	s29 =	sadd.s32 $0x10B00, s24;
	(v2sf) =	vpush v62, $0xB;
	s31 =	spop (v2sf);
	s25 =	sadd.s32 s3, s25  }
0xe0: {  	(v2sf) =	vpush v63, $0xB;
	[tilespmem:s29], [sflag:$0x1] =	stream.linear.gather [hbm4b:s25+s1], $0x80, $0x38;
	[tilespmem:$0x18800] =	vst v63  }
0xe1: {  	s25 =	sor.u32 s31, s30  }
0xe2: {  	s25 =	sshrl.u32 s25, $0x3  }
0xe3: {  	s28 =	sadd.s32 $0x8B00, s24;
	s25 =	sadd.s32 s4, s25  }
0xe4: {  	[tilespmem:s28], [sflag:$0x1] =	stream.linear.gather [hbm4b:s25+s1], $0x80, $0x38;
	[tilespmem:$0x18800] =	vst v63  }
0xe5: {  	s29 =	spop (v2sf)  }
0xe6: {  	(v2sf) =	vpush v56, $0xC;
	s30 =	spop (v2sf)  }
0xe7: {  	(v2sf) =	vpush v58, $0xC;
	s25 =	sor.u32 s30, s29  }
0xe8: {  	s25 =	sshrl.u32 s25, $0x3  }
0xe9: {  	s31 =	sadd.s32 $0xB80, s24;
	s25 =	sadd.s32 s3, s25  }
0xea: {  	[tilespmem:s31], [sflag:$0x1] =	stream.linear.gather [hbm4b:s25+s1], $0x80, $0x38;
	[tilespmem:$0x18800] =	vst v63  }
0xeb: {  	s26 =	spop (v2sf)  }
0xec: {  	(v2sf) =	vpush v60, $0xC;
	s28 =	spop (v2sf)  }
0xed: {  	(v2sf) =	vpush v61, $0xC;
	s25 =	sor.u32 s28, s26  }
0xee: {  	s30 =	spop (v2sf);
	s25 =	sshrl.u32 s25, $0x3  }
0xef: {  	s29 =	sadd.s32 $0x10B80, s24;
	(v2sf) =	vpush v62, $0xC;
	s31 =	spop (v2sf);
	s25 =	sadd.s32 s3, s25  }
0xf0: {  	(v2sf) =	vpush v63, $0xC;
	[tilespmem:s29], [sflag:$0x1] =	stream.linear.gather [hbm4b:s25+s1], $0x80, $0x38;
	[tilespmem:$0x18800] =	vst v63  }
0xf1: {  	s25 =	sor.u32 s31, s30  }
0xf2: {  	s25 =	sshrl.u32 s25, $0x3  }
0xf3: {  	s28 =	sadd.s32 $0x8B80, s24;
	s25 =	sadd.s32 s4, s25  }
0xf4: {  	[tilespmem:s28], [sflag:$0x1] =	stream.linear.gather [hbm4b:s25+s1], $0x80, $0x38;
	[tilespmem:$0x18800] =	vst v63  }
0xf5: {  	s29 =	spop (v2sf)  }
0xf6: {  	(v2sf) =	vpush v56, $0xD;
	s30 =	spop (v2sf)  }
0xf7: {  	(v2sf) =	vpush v58, $0xD;
	s25 =	sor.u32 s30, s29  }
0xf8: {  	s25 =	sshrl.u32 s25, $0x3  }
0xf9: {  	s31 =	sadd.s32 $0xC00, s24;
	s25 =	sadd.s32 s3, s25  }
0xfa: {  	[tilespmem:s31], [sflag:$0x1] =	stream.linear.gather [hbm4b:s25+s1], $0x80, $0x38;
	[tilespmem:$0x18800] =	vst v63  }
0xfb: {  	s26 =	spop (v2sf)  }
0xfc: {  	(v2sf) =	vpush v60, $0xD;
	s28 =	spop (v2sf)  }
0xfd: {  	(v2sf) =	vpush v61, $0xD;
	s25 =	sor.u32 s28, s26  }
0xfe: {  	s30 =	spop (v2sf);
	s25 =	sshrl.u32 s25, $0x3  }
0xff: {  	s29 =	sadd.s32 $0x10C00, s24;
	(v2sf) =	vpush v62, $0xD;
	s31 =	spop (v2sf);
	s25 =	sadd.s32 s3, s25  }
0x100: {  	(v2sf) =	vpush v63, $0xD;
	[tilespmem:s29], [sflag:$0x1] =	stream.linear.gather [hbm4b:s25+s1], $0x80, $0x38;
	[tilespmem:$0x18800] =	vst v63  }
0x101: {  	s25 =	sor.u32 s31, s30  }
0x102: {  	s25 =	sshrl.u32 s25, $0x3  }
0x103: {  	s28 =	sadd.s32 $0x8C00, s24;
	s25 =	sadd.s32 s4, s25  }
0x104: {  	[tilespmem:s28], [sflag:$0x1] =	stream.linear.gather [hbm4b:s25+s1], $0x80, $0x38;
	[tilespmem:$0x18800] =	vst v63  }
0x105: {  	s29 =	spop (v2sf)  }
0x106: {  	(v2sf) =	vpush v56, $0xE;
	s30 =	spop (v2sf)  }
0x107: {  	(v2sf) =	vpush v58, $0xE;
	s25 =	sor.u32 s30, s29  }
0x108: {  	s25 =	sshrl.u32 s25, $0x3  }
0x109: {  	s31 =	sadd.s32 $0xC80, s24;
	s25 =	sadd.s32 s3, s25  }
0x10a: {  	[tilespmem:s31], [sflag:$0x1] =	stream.linear.gather [hbm4b:s25+s1], $0x80, $0x38;
	[tilespmem:$0x18800] =	vst v63  }
0x10b: {  	s26 =	spop (v2sf)  }
0x10c: {  	(v2sf) =	vpush v60, $0xE;
	s28 =	spop (v2sf)  }
0x10d: {  	(v2sf) =	vpush v61, $0xE;
	s25 =	sor.u32 s28, s26  }
0x10e: {  	s30 =	spop (v2sf);
	s25 =	sshrl.u32 s25, $0x3  }
0x10f: {  	s29 =	sadd.s32 $0x10C80, s24;
	(v2sf) =	vpush v62, $0xE;
	s31 =	spop (v2sf);
	s25 =	sadd.s32 s3, s25  }
0x110: {  	(v2sf) =	vpush v63, $0xE;
	[tilespmem:s29], [sflag:$0x1] =	stream.linear.gather [hbm4b:s25+s1], $0x80, $0x38;
	[tilespmem:$0x18800] =	vst v63  }
0x111: {  	s25 =	sor.u32 s31, s30  }
0x112: {  	s25 =	sshrl.u32 s25, $0x3  }
0x113: {  	s28 =	sadd.s32 $0x8C80, s24;
	s25 =	sadd.s32 s4, s25  }
0x114: {  	[tilespmem:s28], [sflag:$0x1] =	stream.linear.gather [hbm4b:s25+s1], $0x80, $0x38;
	[tilespmem:$0x18800] =	vst v63  }
0x115: {  	s29 =	spop (v2sf)  }
0x116: {  	(v2sf) =	vpush v56, $0xF;
	s30 =	spop (v2sf)  }
0x117: {  	(v2sf) =	vpush v58, $0xF;
	s25 =	sor.u32 s30, s29  }
0x118: {  	s25 =	sshrl.u32 s25, $0x3  }
0x119: {  	s31 =	sadd.s32 $0xD00, s24;
	s25 =	sadd.s32 s3, s25  }
0x11a: {  	[tilespmem:s31], [sflag:$0x1] =	stream.linear.gather [hbm4b:s25+s1], $0x80, $0x38;
	[tilespmem:$0x18800] =	vst v63  }
0x11b: {  	s26 =	spop (v2sf)  }
0x11c: {  	(v2sf) =	vpush v60, $0xF;
	s28 =	spop (v2sf)  }
0x11d: {  	(v2sf) =	vpush v61, $0xF;
	s25 =	sor.u32 s28, s26  }
0x11e: {  	s30 =	spop (v2sf);
	s25 =	sshrl.u32 s25, $0x3  }
0x11f: {  	s29 =	sadd.s32 $0x10D00, s24;
	(v2sf) =	vpush v62, $0xF;
	s31 =	spop (v2sf);
	s25 =	sadd.s32 s3, s25  }
0x120: {  	(v2sf) =	vpush v63, $0xF;
	[tilespmem:s29], [sflag:$0x1] =	stream.linear.gather [hbm4b:s25+s1], $0x80, $0x38;
	[tilespmem:$0x18800] =	vst v63  }
0x121: {  	s25 =	sor.u32 s31, s30  }
0x122: {  	s25 =	sshrl.u32 s25, $0x3  }
0x123: {  	s28 =	sadd.s32 $0x8D00, s24;
	s25 =	sadd.s32 s4, s25  }
0x124: {  	[tilespmem:s28], [sflag:$0x1] =	stream.linear.gather [hbm4b:s25+s1], $0x80, $0x38;
	[tilespmem:$0x18800] =	vst v63  }
0x125: {  	s29 =	spop (v2sf)  }
0x126: {  	s30 =	spop (v2sf)  }
0x127: {  	s25 =	sor.u32 s30, s29  }
0x128: {  	s25 =	sshrl.u32 s25, $0x3  }
0x129: {  	s31 =	sadd.s32 $0xD80, s24;
	s25 =	sadd.s32 s3, s25  }
0x12a: {  	[tilespmem:s31], [sflag:$0x1] =	stream.linear.gather [hbm4b:s25+s1], $0x80, $0x38;
	[tilespmem:$0x18800] =	vst v63  }
0x12b: {  	s26 =	spop (v2sf)  }
0x12c: {  	s28 =	spop (v2sf)  }
0x12d: {  	s25 =	sor.u32 s28, s26  }
0x12e: {  	s30 =	spop (v2sf);
	s25 =	sshrl.u32 s25, $0x3  }
0x12f: {  	s29 =	sadd.s32 $0x10D80, s24;
	s31 =	spop (v2sf);
	s25 =	sadd.s32 s3, s25  }
0x130: {  	[tilespmem:s29], [sflag:$0x1] =	stream.linear.gather [hbm4b:s25+s1], $0x80, $0x38;
	[tilespmem:$0x18800] =	vst v63  }
0x131: {  	s25 =	sor.u32 s31, s30  }
0x132: {  	s25 =	sshrl.u32 s25, $0x3  }
0x133: {  	s24 =	sadd.s32 $0x8D80, s24;
	s25 =	sadd.s32 s4, s25  }
0x134: {  	[tilespmem:s24], [sflag:$0x1] =	stream.linear.gather [hbm4b:s25+s1], $0x80, $0x38;
	[tilespmem:$0x18800] =	vst v63  }
0x135: {  	_ =	swait.ge [sflag:s13], $0x80  }
0x136: {  	[sflag:s13] =	ssyncset.done $0x0  }
0x137: {  	[sflag:s13] =	ssyncadd.s32 $0xFFFFFF80  }
0x138: {  	_ =	swait.ge [sflag:s13], $0x80  }
0x139: {  	[sflag:s13] =	ssyncset.done $0x0  }
0x13a: {  	[sflag:s13] =	ssyncadd.s32 $0xFFFFFF80  }
0x13b: {  	_ =	swait.ge [sflag:s13], $0x80  }
0x13c: {  	[sflag:s13] =	ssyncset.done $0x0  }
0x13d: {  	[sflag:s13] =	ssyncadd.s32 $0xFFFFFF80  }
0x13e: {  	_ =	swait.ge [sflag:s13], $0x80  }
0x13f: {  	[sflag:s13] =	ssyncset.done $0x0  }
0x140: {  	[sflag:s13] =	ssyncadd.s32 $0xFFFFFF80  }
0x141: {  	_ =	swait.ge [sflag:s13], $0x80  }
0x142: {  	[sflag:s13] =	ssyncset.done $0x0  }
0x143: {  	[sflag:s13] =	ssyncadd.s32 $0xFFFFFF80  }
0x144: {  	_ =	swait.ge [sflag:s13], $0x80  }
0x145: {  	[sflag:s13] =	ssyncset.done $0x0  }
0x146: {  	[sflag:s13] =	ssyncadd.s32 $0xFFFFFF80  }
0x147: {  	_ =	swait.ge [sflag:s13], $0x80  }
0x148: {  	[sflag:s13] =	ssyncset.done $0x0  }
0x149: {  	[sflag:s13] =	ssyncadd.s32 $0xFFFFFF80  }
0x14a: {  	_ =	swait.ge [sflag:s13], $0x80  }
0x14b: {  	[sflag:s13] =	ssyncset.done $0x0  }
0x14c: {  	[sflag:s13] =	ssyncadd.s32 $0xFFFFFF80  }
0x14d: {  	_ =	swait.ge [sflag:s13], $0x80  }
0x14e: {  	[sflag:s13] =	ssyncset.done $0x0  }
0x14f: {  	[sflag:s13] =	ssyncadd.s32 $0xFFFFFF80  }
0x150: {  	_ =	swait.ge [sflag:s13], $0x80  }
0x151: {  	[sflag:s13] =	ssyncset.done $0x0  }
0x152: {  	[sflag:s13] =	ssyncadd.s32 $0xFFFFFF80  }
0x153: {  	_ =	swait.ge [sflag:s13], $0x80  }
0x154: {  	[sflag:s13] =	ssyncset.done $0x0  }
0x155: {  	[sflag:s13] =	ssyncadd.s32 $0xFFFFFF80  }
0x156: {  	_ =	swait.ge [sflag:s13], $0x80  }
0x157: {  	[sflag:s13] =	ssyncset.done $0x0  }
0x158: {  	[sflag:s13] =	ssyncadd.s32 $0xFFFFFF80  }
0x159: {  	_ =	swait.ge [sflag:s13], $0x80  }
0x15a: {  	[sflag:s13] =	ssyncset.done $0x0  }
0x15b: {  	[sflag:s13] =	ssyncadd.s32 $0xFFFFFF80  }
0x15c: {  	_ =	swait.ge [sflag:s13], $0x80  }
0x15d: {  	[sflag:s13] =	ssyncset.done $0x0  }
0x15e: {  	[sflag:s13] =	ssyncadd.s32 $0xFFFFFF80  }
0x15f: {  	_ =	swait.ge [sflag:s13], $0x80  }
0x160: {  	[sflag:s13] =	ssyncset.done $0x0  }
0x161: {  	[sflag:s13] =	ssyncadd.s32 $0xFFFFFF80  }
0x162: {  	_ =	swait.ge [sflag:s13], $0x80  }
0x163: {  	[sflag:s13] =	ssyncset.done $0x0  }
0x164: {  	[sflag:s13] =	ssyncadd.s32 $0xFFFFFF80  }
0x165: {  	_ =	swait.ge [sflag:s13], $0x80  }
0x166: {  	[sflag:s13] =	ssyncset.done $0x0  }
0x167: {  	[sflag:s13] =	ssyncadd.s32 $0xFFFFFF80  }
0x168: {  	_ =	swait.ge [sflag:s13], $0x80  }
0x169: {  	[sflag:s13] =	ssyncset.done $0x0  }
0x16a: {  	[sflag:s13] =	ssyncadd.s32 $0xFFFFFF80  }
0x16b: {  	_ =	swait.ge [sflag:s13], $0x80  }
0x16c: {  	[sflag:s13] =	ssyncset.done $0x0  }
0x16d: {  	[sflag:s13] =	ssyncadd.s32 $0xFFFFFF80  }
0x16e: {  	_ =	swait.ge [sflag:s13], $0x80  }
0x16f: {  	[sflag:s13] =	ssyncset.done $0x0  }
0x170: {  	[sflag:s13] =	ssyncadd.s32 $0xFFFFFF80  }
0x171: {  	_ =	swait.ge [sflag:s13], $0x80  }
0x172: {  	[sflag:s13] =	ssyncset.done $0x0  }
0x173: {  	[sflag:s13] =	ssyncadd.s32 $0xFFFFFF80  }
0x174: {  	_ =	swait.ge [sflag:s13], $0x80  }
0x175: {  	[sflag:s13] =	ssyncset.done $0x0  }
0x176: {  	[sflag:s13] =	ssyncadd.s32 $0xFFFFFF80  }
0x177: {  	_ =	swait.ge [sflag:s13], $0x80  }
0x178: {  	[sflag:s13] =	ssyncset.done $0x0  }
0x179: {  	[sflag:s13] =	ssyncadd.s32 $0xFFFFFF80  }
0x17a: {  	_ =	swait.ge [sflag:s13], $0x80  }
0x17b: {  	[sflag:s13] =	ssyncset.done $0x0  }
0x17c: {  	[sflag:s13] =	ssyncadd.s32 $0xFFFFFF80  }
0x17d: {  	_ =	swait.ge [sflag:s13], $0x80  }
0x17e: {  	[sflag:s13] =	ssyncset.done $0x0  }
0x17f: {  	[sflag:s13] =	ssyncadd.s32 $0xFFFFFF80  }
0x180: {  	_ =	swait.ge [sflag:s13], $0x80  }
0x181: {  	[sflag:s13] =	ssyncset.done $0x0  }
0x182: {  	[sflag:s13] =	ssyncadd.s32 $0xFFFFFF80  }
0x183: {  	_ =	swait.ge [sflag:s13], $0x80  }
0x184: {  	[sflag:s13] =	ssyncset.done $0x0  }
0x185: {  	[sflag:s13] =	ssyncadd.s32 $0xFFFFFF80  }
0x186: {  	_ =	swait.ge [sflag:s13], $0x80  }
0x187: {  	[sflag:s13] =	ssyncset.done $0x0  }
0x188: {  	[sflag:s13] =	ssyncadd.s32 $0xFFFFFF80  }
0x189: {  	_ =	swait.ge [sflag:s13], $0x80  }
0x18a: {  	[sflag:s13] =	ssyncset.done $0x0  }
0x18b: {  	[sflag:s13] =	ssyncadd.s32 $0xFFFFFF80  }
0x18c: {  	_ =	swait.ge [sflag:s13], $0x80  }
0x18d: {  	[sflag:s13] =	ssyncset.done $0x0  }
0x18e: {  	[sflag:s13] =	ssyncadd.s32 $0xFFFFFF80  }
0x18f: {  	_ =	swait.ge [sflag:s13], $0x80  }
0x190: {  	[sflag:s13] =	ssyncset.done $0x0  }
0x191: {  	[sflag:s13] =	ssyncadd.s32 $0xFFFFFF80  }
0x192: {  	_ =	swait.ge [sflag:s13], $0x80  }
0x193: {  	[sflag:s13] =	ssyncset.done $0x0  }
0x194: {  	[sflag:s13] =	ssyncadd.s32 $0xFFFFFF80  }
0x195: {  	_ =	swait.ge [sflag:s13], $0x80  }
0x196: {  	[sflag:s13] =	ssyncset.done $0x0  }
0x197: {  	[sflag:s13] =	ssyncadd.s32 $0xFFFFFF80  }
0x198: {  	_ =	swait.ge [sflag:s13], $0x80  }
0x199: {  	[sflag:s13] =	ssyncset.done $0x0  }
0x19a: {  	[sflag:s13] =	ssyncadd.s32 $0xFFFFFF80  }
0x19b: {  	_ =	swait.ge [sflag:s13], $0x80  }
0x19c: {  	[sflag:s13] =	ssyncset.done $0x0  }
0x19d: {  	[sflag:s13] =	ssyncadd.s32 $0xFFFFFF80  }
0x19e: {  	_ =	swait.ge [sflag:s13], $0x80  }
0x19f: {  	[sflag:s13] =	ssyncset.done $0x0  }
0x1a0: {  	[sflag:s13] =	ssyncadd.s32 $0xFFFFFF80  }
0x1a1: {  	_ =	swait.ge [sflag:s13], $0x80  }
0x1a2: {  	[sflag:s13] =	ssyncset.done $0x0  }
0x1a3: {  	[sflag:s13] =	ssyncadd.s32 $0xFFFFFF80  }
0x1a4: {  	_ =	swait.ge [sflag:s13], $0x80  }
0x1a5: {  	[sflag:s13] =	ssyncset.done $0x0  }
0x1a6: {  	[sflag:s13] =	ssyncadd.s32 $0xFFFFFF80  }
0x1a7: {  	_ =	swait.ge [sflag:s13], $0x80  }
0x1a8: {  	[sflag:s13] =	ssyncset.done $0x0  }
0x1a9: {  	[sflag:s13] =	ssyncadd.s32 $0xFFFFFF80  }
0x1aa: {  	_ =	swait.ge [sflag:s13], $0x80  }
0x1ab: {  	[sflag:s13] =	ssyncset.done $0x0  }
0x1ac: {  	[sflag:s13] =	ssyncadd.s32 $0xFFFFFF80  }
0x1ad: {  	_ =	swait.ge [sflag:s13], $0x80  }
0x1ae: {  	[sflag:s13] =	ssyncset.done $0x0  }
0x1af: {  	[sflag:s13] =	ssyncadd.s32 $0xFFFFFF80  }
0x1b0: {  	_ =	swait.ge [sflag:s13], $0x80  }
0x1b1: {  	[sflag:s13] =	ssyncset.done $0x0  }
0x1b2: {  	[sflag:s13] =	ssyncadd.s32 $0xFFFFFF80  }
0x1b3: {  	_ =	swait.ge [sflag:s13], $0x80  }
0x1b4: {  	[sflag:s13] =	ssyncset.done $0x0  }
0x1b5: {  	[sflag:s13] =	ssyncadd.s32 $0xFFFFFF80  }
0x1b6: {  	_ =	swait.ge [sflag:s13], $0x80  }
0x1b7: {  	[sflag:s13] =	ssyncset.done $0x0  }
0x1b8: {  	[sflag:s13] =	ssyncadd.s32 $0xFFFFFF80  }
0x1b9: {  	_ =	swait.ge [sflag:s13], $0x80  }
0x1ba: {  	[sflag:s13] =	ssyncset.done $0x0  }
0x1bb: {  	[sflag:s13] =	ssyncadd.s32 $0xFFFFFF80  }
0x1bc: {  	_ =	swait.ge [sflag:s13], $0x80  }
0x1bd: {  	[sflag:s13] =	ssyncset.done $0x0  }
0x1be: {  	[sflag:s13] =	ssyncadd.s32 $0xFFFFFF80  }
0x1bf: {  	p1 =	seq.s32 s23, $0x1E000;
	_ =	swait.ge [sflag:s13], $0x80  }
.Ltmp0:
0x1c0: {  	[sflag:s13] =	ssyncset.done $0x0;
	(pc) =	sbr.rel @!p1 .LBB2_3-.Ltmp0, $4  }
0x1c1: {  	[sflag:s13] =	ssyncadd.s32 $0xFFFFFF80  }
0x1c2: {  	_ =	swait.ge [sflag:s13], $0x80  }
0x1c3: {  	s20 =	sadd.s32 $0x10, s20;
	s21 =	sadd.s32 $0x10, s21;
	[sflag:s13] =	ssyncset.done $0x0  }
0x1c4: {  	s22 =	sadd.s32 $0x10, s22;
	s23 =	sadd.s32 $0x2000, s23;
	[sflag:s13] =	ssyncadd.s32 $0xFFFFFF80  }
0x1c5: {  	s20 =	simm.s32 $0x0  }
0x1c6: {  	v0 =	vmov s20  }
0x1c7: {  	v0 =	vshll.u32 v0, $0x7  }
0x1c8: {  	v7 =	vor.u32 v57, v0  }
0x1c9: {  	v0 =	vor.u32 $0x3E, v7  }
0x1ca: {  	v1 =	vor.u32 $0x3D, v7;
	_ =	sdelay $0x3  }
0x1cb: {  	v59 =	vld.idx.msk [tilespmem:v0+s16+$0x0], $0xffff  }
0x1cc: {  	v2 =	vor.u32 $0x3C, v7;
	[tilespmem:$0x1FBC0] =	vst v0;
	v0 =	vld.idx.msk [tilespmem:v1+s16+$0x0], $0xffff;
	_ =	sdelay $0x4  }
0x1cd: {  	v3 =	vor.u32 $0x3B, v7;
	[tilespmem:$0x1FBE0] =	vst v0;
	v0 =	vld.idx.msk [tilespmem:v2+s16+$0x0], $0xffff;
	_ =	sdelay $0x4  }
0x1ce: {  	v4 =	vor.u32 $0x3A, v7;
	[tilespmem:$0x1FC00] =	vst v0;
	v0 =	vld.idx.msk [tilespmem:v3+s16+$0x0], $0xffff;
	_ =	sdelay $0x4  }
0x1cf: {  	v5 =	vor.u32 $0x39, v7;
	[tilespmem:$0x1FC20] =	vst v0;
	v0 =	vld.idx.msk [tilespmem:v4+s16+$0x0], $0xffff;
	_ =	sdelay $0x4  }
0x1d0: {  	v6 =	vor.u32 $0x38, v7;
	[tilespmem:$0x1FC40] =	vst v0;
	v0 =	vld.idx.msk [tilespmem:v5+s16+$0x0], $0xffff;
	_ =	sdelay $0x3  }
0x1d1: {  	[tilespmem:$0x1FBD0] =	vst v1  }
0x1d2: {  	v1 =	vor.u32 $0x37, v7;
	[tilespmem:$0x1FC60] =	vst v0;
	v0 =	vld.idx.msk [tilespmem:v6+s16+$0x0], $0xffff;
	_ =	sdelay $0x3  }
0x1d3: {  	[tilespmem:$0x1FBF0] =	vst v2  }
0x1d4: {  	v2 =	vor.u32 $0x36, v7;
	[tilespmem:$0x1FC80] =	vst v0;
	v0 =	vld.idx.msk [tilespmem:v1+s16+$0x0], $0xffff;
	_ =	sdelay $0x3  }
0x1d5: {  	[tilespmem:$0x1FC10] =	vst v3  }
0x1d6: {  	v3 =	vor.u32 $0x35, v7;
	[tilespmem:$0x1FCA0] =	vst v0;
	v0 =	vld.idx.msk [tilespmem:v2+s16+$0x0], $0xffff;
	_ =	sdelay $0x3  }
0x1d7: {  	[tilespmem:$0x1FC30] =	vst v4  }
0x1d8: {  	v4 =	vor.u32 $0x34, v7;
	[tilespmem:$0x1FCC0] =	vst v0;
	v0 =	vld.idx.msk [tilespmem:v3+s16+$0x0], $0xffff;
	_ =	sdelay $0x3  }
0x1d9: {  	[tilespmem:$0x1FC50] =	vst v5  }
0x1da: {  	v5 =	vor.u32 $0x33, v7;
	[tilespmem:$0x1FCE0] =	vst v0;
	v0 =	vld.idx.msk [tilespmem:v4+s16+$0x0], $0xffff;
	_ =	sdelay $0x3  }
0x1db: {  	[tilespmem:$0x1FC70] =	vst v6  }
0x1dc: {  	v6 =	vor.u32 $0x32, v7;
	[tilespmem:$0x1FD00] =	vst v0;
	v0 =	vld.idx.msk [tilespmem:v5+s16+$0x0], $0xffff;
	_ =	sdelay $0x3  }
0x1dd: {  	[tilespmem:$0x1FC90] =	vst v1  }
0x1de: {  	v1 =	vor.u32 $0x31, v7;
	[tilespmem:$0x1FD20] =	vst v0;
	v0 =	vld.idx.msk [tilespmem:v6+s16+$0x0], $0xffff;
	_ =	sdelay $0x3  }
0x1df: {  	[tilespmem:$0x1FCB0] =	vst v2  }
0x1e0: {  	v2 =	vor.u32 $0x30, v7;
	[tilespmem:$0x1FD40] =	vst v0;
	v0 =	vld.idx.msk [tilespmem:v1+s16+$0x0], $0xffff;
	_ =	sdelay $0x3  }
0x1e1: {  	[tilespmem:$0x1FCD0] =	vst v3  }
0x1e2: {  	v3 =	vor.u32 $0x2F, v7;
	[tilespmem:$0x1FD60] =	vst v0;
	v0 =	vld.idx.msk [tilespmem:v2+s16+$0x0], $0xffff;
	_ =	sdelay $0x3  }
0x1e3: {  	[tilespmem:$0x1FCF0] =	vst v4  }
0x1e4: {  	v4 =	vor.u32 $0x2E, v7;
	[tilespmem:$0x1FD80] =	vst v0;
	v0 =	vld.idx.msk [tilespmem:v3+s16+$0x0], $0xffff;
	_ =	sdelay $0x3  }
0x1e5: {  	[tilespmem:$0x1FD10] =	vst v5  }
0x1e6: {  	v5 =	vor.u32 $0x2D, v7;
	[tilespmem:$0x1FDA0] =	vst v0;
	v0 =	vld.idx.msk [tilespmem:v4+s16+$0x0], $0xffff;
	_ =	sdelay $0x3  }
0x1e7: {  	[tilespmem:$0x1FD30] =	vst v6  }
0x1e8: {  	v6 =	vor.u32 $0x2C, v7;
	[tilespmem:$0x1FDC0] =	vst v0;
	v0 =	vld.idx.msk [tilespmem:v5+s16+$0x0], $0xffff;
	_ =	sdelay $0x3  }
0x1e9: {  	[tilespmem:$0x1FD50] =	vst v1  }
0x1ea: {  	v1 =	vor.u32 $0x2B, v7;
	[tilespmem:$0x1FDE0] =	vst v0;
	v0 =	vld.idx.msk [tilespmem:v6+s16+$0x0], $0xffff;
	_ =	sdelay $0x3  }
0x1eb: {  	[tilespmem:$0x1FD70] =	vst v2  }
0x1ec: {  	v2 =	vor.u32 $0x2A, v7;
	[tilespmem:$0x1FE00] =	vst v0;
	v0 =	vld.idx.msk [tilespmem:v1+s16+$0x0], $0xffff;
	_ =	sdelay $0x3  }
0x1ed: {  	[tilespmem:$0x1FD90] =	vst v3  }
0x1ee: {  	v3 =	vor.u32 $0x29, v7;
	[tilespmem:$0x1FE20] =	vst v0;
	v0 =	vld.idx.msk [tilespmem:v2+s16+$0x0], $0xffff;
	_ =	sdelay $0x3  }
0x1ef: {  	[tilespmem:$0x1FDB0] =	vst v4  }
0x1f0: {  	v4 =	vor.u32 $0x28, v7;
	[tilespmem:$0x1FE40] =	vst v0;
	v0 =	vld.idx.msk [tilespmem:v3+s16+$0x0], $0xffff;
	_ =	sdelay $0x3  }
0x1f1: {  	[tilespmem:$0x1FDD0] =	vst v5  }
0x1f2: {  	v5 =	vor.u32 $0x27, v7;
	[tilespmem:$0x1FE60] =	vst v0;
	v0 =	vld.idx.msk [tilespmem:v4+s16+$0x0], $0xffff;
	_ =	sdelay $0x3  }
0x1f3: {  	[tilespmem:$0x1FDF0] =	vst v6  }
0x1f4: {  	v6 =	vor.u32 $0x26, v7;
	[tilespmem:$0x1FE80] =	vst v0;
	v0 =	vld.idx.msk [tilespmem:v5+s16+$0x0], $0xffff;
	_ =	sdelay $0x4  }
0x1f5: {  	v8 =	vor.u32 $0x25, v7;
	[tilespmem:$0x1FEA0] =	vst v0;
	v0 =	vld.idx.msk [tilespmem:v6+s16+$0x0], $0xffff;
	_ =	sdelay $0x3  }
0x1f6: {  	[tilespmem:$0x1FE30] =	vst v2  }
0x1f7: {  	v2 =	vor.u32 $0x24, v7;
	[tilespmem:$0x1FEC0] =	vst v0;
	v0 =	vld.idx.msk [tilespmem:v8+s16+$0x0], $0xffff;
	_ =	sdelay $0x4  }
0x1f8: {  	v9 =	vor.u32 $0x23, v7;
	[tilespmem:$0x1FEE0] =	vst v0;
	v0 =	vld.idx.msk [tilespmem:v2+s16+$0x0], $0xffff;
	_ =	sdelay $0x4  }
0x1f9: {  	v61 =	vor.u32 $0x22, v7;
	[tilespmem:$0x1FF00] =	vst v0;
	v0 =	vld.idx.msk [tilespmem:v9+s16+$0x0], $0xffff;
	_ =	sdelay $0x4  }
0x1fa: {  	v63 =	vor.u32 $0x21, v7;
	[tilespmem:$0x1FF20] =	vst v0;
	v0 =	vld.idx.msk [tilespmem:v61+s16+$0x0], $0xffff;
	_ =	sdelay $0x3  }
0x1fb: {  	[tilespmem:$0x1FE10] =	vst v1  }
0x1fc: {  	v1 =	vor.u32 $0x20, v7;
	[tilespmem:$0x1FF30] =	vst v0;
	v0 =	vld.idx.msk [tilespmem:v63+s16+$0x0], $0xffff;
	_ =	sdelay $0x3  }
0x1fd: {  	[tilespmem:$0x1FE50] =	vst v3  }
0x1fe: {  	v3 =	vor.u32 $0x1F, v7;
	[tilespmem:$0x1FF40] =	vst v0;
	v0 =	vld.idx.msk [tilespmem:v1+s16+$0x0], $0xffff;
	_ =	sdelay $0x3  }
0x1ff: {  	[tilespmem:$0x1FED0] =	vst v8  }
0x200: {  	v8 =	vor.u32 $0x1E, v7;
	[tilespmem:$0x1FF50] =	vst v0;
	v0 =	vld.idx.msk [tilespmem:v3+s16+$0x0], $0xffff;
	_ =	sdelay $0x4  }
0x201: {  	v12 =	vor.u32 $0x1D, v7;
	[tilespmem:$0x1FF60] =	vst v0;
	v0 =	vld.idx.msk [tilespmem:v8+s16+$0x0], $0xffff;
	_ =	sdelay $0x4  }
0x202: {  	v16 =	vor.u32 $0x1C, v7;
	[tilespmem:$0x1FF70] =	vst v0;
	v0 =	vld.idx.msk [tilespmem:v12+s16+$0x0], $0xffff;
	_ =	sdelay $0x4  }
0x203: {  	v20 =	vor.u32 $0x1B, v7;
	[tilespmem:$0x1FF80] =	vst v0;
	v0 =	vld.idx.msk [tilespmem:v16+s16+$0x0], $0xffff;
	_ =	sdelay $0x4  }
0x204: {  	v24 =	vor.u32 $0x1A, v7;
	[tilespmem:$0x1FF90] =	vst v0;
	v0 =	vld.idx.msk [tilespmem:v20+s16+$0x0], $0xffff;
	_ =	sdelay $0x4  }
0x205: {  	v28 =	vor.u32 $0x19, v7;
	[tilespmem:$0x1FFA0] =	vst v0;
	v0 =	vld.idx.msk [tilespmem:v24+s16+$0x0], $0xffff;
	_ =	sdelay $0x4  }
0x206: {  	v32 =	vor.u32 $0x18, v7;
	[tilespmem:$0x1FFB0] =	vst v0;
	v0 =	vld.idx.msk [tilespmem:v28+s16+$0x0], $0xffff  }
0x207: {  	v44 =	vor.u32 $0x15, v7  }
0x208: {  	v48 =	vor.u32 $0x13, v7  }
0x209: {  	v15 =	vor.u32 $0x10, v7  }
0x20a: {  	v17 =	vor.u32 $0xF, v7  }
0x20b: {  	v36 =	vor.u32 $0x17, v7;
	[tilespmem:$0x1FFC0] =	vst v0;
	v0 =	vld.idx.msk [tilespmem:v32+s16+$0x0], $0xffff  }
0x20c: {  	v56 =	vor.u32 $0xE, v7;
	v38 =	vld.idx.msk [tilespmem:v44+s16+$0x0], $0xffff  }
0x20d: {  	v58 =	vor.u32 $0xD, v7;
	v46 =	vld.idx.msk [tilespmem:v48+s16+$0x0], $0xffff  }
0x20e: {  	v25 =	vor.u32 $0xC, v7;
	v11 =	vld.idx.msk [tilespmem:v15+s16+$0x0], $0xffff  }
0x20f: {  	v27 =	vor.u32 $0xB, v7;
	v52 =	vld.idx.msk [tilespmem:v17+s16+$0x0], $0xffff  }
0x210: {  	v40 =	vor.u32 $0x16, v7;
	[tilespmem:$0x1FFD0] =	vst v0;
	v0 =	vld.idx.msk [tilespmem:v36+s16+$0x0], $0xffff  }
0x211: {  	v29 =	vor.u32 $0xA, v7;
	v54 =	vld.idx.msk [tilespmem:v56+s16+$0x0], $0xffff  }
0x212: {  	v37 =	vor.u32 $0x7, v7;
	v19 =	vld.idx.msk [tilespmem:v58+s16+$0x0], $0xffff  }
0x213: {  	v39 =	vor.u32 $0x6, v7;
	v21 =	vld.idx.msk [tilespmem:v25+s16+$0x0], $0xffff  }
0x214: {  	v43 =	vor.u32 $0x4, v7;
	v23 =	vld.idx.msk [tilespmem:v27+s16+$0x0], $0xffff;
	[tilespmem:$0x1FE70] =	vst v4  }
0x215: {  	v4 =	vor.u32 $0x14, v7;
	[tilespmem:$0x1FFE0] =	vst v0;
	v0 =	vld.idx.msk [tilespmem:v40+s16+$0x0], $0xffff  }
0x216: {  	v41 =	vor.u32 $0x5, v7;
	v60 =	vld.idx.msk [tilespmem:v29+s16+$0x0], $0xffff  }
0x217: {  	v50 =	vor.u32 $0x12, v7;
	v33 =	vld.idx.msk [tilespmem:v37+s16+$0x0], $0xffff  }
0x218: {  	v13 =	vor.u32 $0x11, v7;
	v35 =	vld.idx.msk [tilespmem:v39+s16+$0x0], $0xffff  }
0x219: {  	v10 =	vld.idx.msk [tilespmem:v43+s16+$0x0], $0xffff;
	[tilespmem:$0x1FEF0] =	vst v2;
	v2 =	vor.u32 $0x8, v7  }
0x21a: {  	v42 =	vld.idx.msk [tilespmem:v4+s16+$0x0], $0xffff;
	[tilespmem:$0x1FFF0] =	vst v0;
	v0 =	vor.u32 $0x9, v7  }
0x21b: {  	[tilespmem:$0x1FE90] =	vst v5;
	v5 =	vld.idx.msk [tilespmem:v41+s16+$0x0], $0xffff  }
0x21c: {  	[tilespmem:$0x1FEB0] =	vst v6;
	v6 =	vld.idx.msk [tilespmem:v50+s16+$0x0], $0xffff  }
0x21d: {  	[tilespmem:$0x1FF10] =	vst v9;
	v9 =	vld.idx.msk [tilespmem:v13+s16+$0x0], $0xffff  }
0x21e: {  	v31 =	vld.idx.msk [tilespmem:v2+s16+$0x0], $0xffff  }
0x21f: {  	s19 =	sadd.s32 $0x18600, s19;
	s21 =	simm.s32 $0x10;
	v14 =	vor.u32 $0x3, v7;
	v45 =	vor.u32 $0x2, v7;
	v62 =	vld.idx.msk [tilespmem:v0+s16+$0x0], $0xffff  }
.LBB2_5:
0x220: {  	_ =	sdelay $0x3  }
0x221: {  	v18 =	vld.idx.msk [tilespmem:v14+s16+$0x0], $0xffff  }
0x222: {  	v49 =	vld.idx.msk [tilespmem:v14+s14+$0x0], $0xffff  }
0x223: {  	v47 =	vor.u32 $0x1, v7;
	v22 =	vld.idx.msk [tilespmem:v7+s16+$0x0], $0xffff  }
0x224: {  	v51 =	vld.idx.msk [tilespmem:v45+s14+$0x0], $0xffff  }
0x225: {  	v26 =	vld.idx.msk [tilespmem:v7+s15+$0x0], $0xffff  }
0x226: {  	v53 =	vld.idx.msk [tilespmem:v7+s14+$0x0], $0xffff  }
0x227: {  	[tilespmem:$0x1FBB0] =	vst v59;
	v59 =	vmov v57;
	v57 =	vld.idx.msk [tilespmem:v45+s15+$0x0], $0xffff  }
0x228: {  	v55 =	vld.idx.msk [tilespmem:v47+s14+$0x0], $0xffff  }
0x229: {  	v30 =	vld.idx.msk [tilespmem:v47+s15+$0x0], $0xffff  }
0x22a: {  	v14 =	vld.idx.msk [tilespmem:v14+s15+$0x0], $0xffff  }
0x22b: {  	v47 =	vld.idx.msk [tilespmem:v47+s16+$0x0], $0xffff  }
0x22c: {  	v45 =	vld.idx.msk [tilespmem:v45+s16+$0x0], $0xffff  }
0x22d: {  	v34 =	vld.idx.msk [tilespmem:v43+s14+$0x0], $0xffff  }
0x22e: {  	v43 =	vld.idx.msk [tilespmem:v43+s15+$0x0], $0xffff;
	v26 =	vadd.f32 v26, v53;
	v30 =	vadd.f32 v30, v55  }
0x22f: {  	v51 =	vadd.f32 v57, v51;
	v53 =	vld.idx.msk [tilespmem:v41+s14+$0x0], $0xffff;
	v14 =	vadd.f32 v14, v49  }
0x230: {  	v49 =	vld.idx.msk [tilespmem:v39+s15+$0x0], $0xffff;
	v22 =	vsub.f32 v26, v22;
	v26 =	vsub.f32 v30, v47  }
0x231: {  	v30 =	vld.idx.msk [tilespmem:v41+s15+$0x0], $0xffff  }
0x232: {  	v45 =	vsub.f32 v51, v45;
	v51 =	vld.idx.msk [tilespmem:v37+s15+$0x0], $0xffff;
	v22 =	vand.u32 $0x7FFFFFFF, v22;
	v26 =	vand.u32 $0x7FFFFFFF, v26  }
0x233: {  	v41 =	vld.idx.msk [tilespmem:v39+s14+$0x0], $0xffff;
	v22 =	vadd.f32 v26, v22  }
0x234: {  	v14 =	vsub.f32 v14, v18;
	v18 =	vadd.f32 v43, v34;
	v45 =	vand.u32 $0x7FFFFFFF, v45;
	v55 =	vld.idx.msk [tilespmem:v2+s14+$0x0], $0xffff  }
0x235: {  	v26 =	vld.idx.msk [tilespmem:v37+s14+$0x0], $0xffff;
	v22 =	vadd.f32 v45, v22  }
0x236: {  	v14 =	vand.u32 $0x7FFFFFFF, v14;
	v10 =	vsub.f32 v18, v10;
	v2 =	vld.idx.msk [tilespmem:v2+s15+$0x0], $0xffff;
	v18 =	vadd.f32 v30, v53  }
0x237: {  	v14 =	vadd.f32 v14, v22;
	v22 =	vld.idx.msk [tilespmem:v0+s14+$0x0], $0xffff  }
0x238: {  	v10 =	vand.u32 $0x7FFFFFFF, v10;
	v5 =	vsub.f32 v18, v5;
	v18 =	vadd.f32 v49, v41;
	v0 =	vld.idx.msk [tilespmem:v0+s15+$0x0], $0xffff  }
0x239: {  	v10 =	vadd.f32 v10, v14;
	v14 =	vld.idx.msk [tilespmem:v29+s14+$0x0], $0xffff  }
0x23a: {  	v26 =	vadd.f32 v51, v26;
	v5 =	vand.u32 $0x7FFFFFFF, v5;
	v18 =	vsub.f32 v18, v35;
	v29 =	vld.idx.msk [tilespmem:v29+s15+$0x0], $0xffff  }
0x23b: {  	v5 =	vadd.f32 v5, v10;
	v10 =	vld.idx.msk [tilespmem:v27+s14+$0x0], $0xffff  }
0x23c: {  	v2 =	vadd.f32 v2, v55;
	v26 =	vsub.f32 v26, v33;
	v18 =	vand.u32 $0x7FFFFFFF, v18;
	v27 =	vld.idx.msk [tilespmem:v27+s15+$0x0], $0xffff  }
0x23d: {  	v0 =	vadd.f32 v0, v22;
	v22 =	vld.idx.msk [tilespmem:v25+s15+$0x0], $0xffff;
	v5 =	vadd.f32 v18, v5  }
0x23e: {  	v2 =	vsub.f32 v2, v31;
	v26 =	vand.u32 $0x7FFFFFFF, v26;
	v18 =	vld.idx.msk [tilespmem:v25+s14+$0x0], $0xffff  }
0x23f: {  	v25 =	vld.idx.msk [tilespmem:v58+s14+$0x0], $0xffff;
	v5 =	vadd.f32 v26, v5  }
0x240: {  	v2 =	vand.u32 $0x7FFFFFFF, v2;
	v0 =	vsub.f32 v0, v62;
	v14 =	vadd.f32 v29, v14;
	v26 =	vld.idx.msk [tilespmem:v58+s15+$0x0], $0xffff  }
0x241: {  	v10 =	vadd.f32 v27, v10;
	v27 =	vld.idx.msk [tilespmem:v56+s15+$0x0], $0xffff;
	v2 =	vadd.f32 v2, v5  }
0x242: {  	v0 =	vand.u32 $0x7FFFFFFF, v0;
	v14 =	vsub.f32 v14, v60;
	v5 =	vld.idx.msk [tilespmem:v56+s14+$0x0], $0xffff  }
0x243: {  	v0 =	vadd.f32 v0, v2;
	v2 =	vld.idx.msk [tilespmem:v17+s14+$0x0], $0xffff  }
0x244: {  	v14 =	vand.u32 $0x7FFFFFFF, v14;
	v10 =	vsub.f32 v10, v23;
	v18 =	vadd.f32 v22, v18;
	v17 =	vld.idx.msk [tilespmem:v17+s15+$0x0], $0xffff  }
0x245: {  	v0 =	vadd.f32 v14, v0;
	v14 =	vld.idx.msk [tilespmem:v15+s14+$0x0], $0xffff  }
0x246: {  	v10 =	vand.u32 $0x7FFFFFFF, v10;
	v18 =	vsub.f32 v18, v21;
	v21 =	vadd.f32 v26, v25;
	v15 =	vld.idx.msk [tilespmem:v15+s15+$0x0], $0xffff  }
0x247: {  	v0 =	vadd.f32 v10, v0;
	v10 =	vld.idx.msk [tilespmem:v13+s14+$0x0], $0xffff  }
0x248: {  	v19 =	vsub.f32 v21, v19;
	v13 =	vld.idx.msk [tilespmem:v13+s15+$0x0], $0xffff  }
0x249: {  	v18 =	vand.u32 $0x7FFFFFFF, v18;
	v5 =	vadd.f32 v27, v5;
	v2 =	vadd.f32 v17, v2;
	v17 =	vld.idx.msk [tilespmem:v50+s15+$0x0], $0xffff  }
0x24a: {  	v0 =	vadd.f32 v18, v0;
	v18 =	vld.idx.msk [tilespmem:v50+s14+$0x0], $0xffff  }
0x24b: {  	v19 =	vand.u32 $0x7FFFFFFF, v19;
	v5 =	vsub.f32 v5, v54;
	v14 =	vadd.f32 v15, v14;
	v15 =	vld.idx.msk [tilespmem:v48+s15+$0x0], $0xffff  }
0x24c: {  	v0 =	vadd.f32 v19, v0;
	v19 =	vld.idx.msk [tilespmem:v48+s14+$0x0], $0xffff  }
0x24d: {  	v5 =	vand.u32 $0x7FFFFFFF, v5;
	v2 =	vsub.f32 v2, v52;
	v10 =	vadd.f32 v13, v10;
	v13 =	vld.idx.msk [tilespmem:v44+s15+$0x0], $0xffff  }
0x24e: {  	v0 =	vadd.f32 v5, v0;
	v5 =	vld.idx.msk [tilespmem:v4+s14+$0x0], $0xffff  }
0x24f: {  	v2 =	vand.u32 $0x7FFFFFFF, v2;
	v11 =	vsub.f32 v14, v11;
	v4 =	vld.idx.msk [tilespmem:v4+s15+$0x0], $0xffff  }
0x250: {  	v14 =	vld.idx.msk [tilespmem:v40+s15+$0x0], $0xffff;
	v0 =	vadd.f32 v2, v0  }
0x251: {  	v11 =	vand.u32 $0x7FFFFFFF, v11;
	v9 =	vsub.f32 v10, v9;
	v10 =	vadd.f32 v17, v18;
	v2 =	vld.idx.msk [tilespmem:v44+s14+$0x0], $0xffff  }
0x252: {  	v0 =	vadd.f32 v11, v0;
	v11 =	vld.idx.msk [tilespmem:v40+s14+$0x0], $0xffff  }
0x253: {  	v6 =	vsub.f32 v10, v6;
	v10 =	vadd.f32 v15, v19;
	v15 =	vld [tilespmem:$0x1FFF0]  }
0x254: {  	v9 =	vand.u32 $0x7FFFFFFF, v9;
	v4 =	vadd.f32 v4, v5;
	v5 =	vld.idx.msk [tilespmem:v36+s15+$0x0], $0xffff  }
0x255: {  	v0 =	vadd.f32 v9, v0;
	v9 =	vld.idx.msk [tilespmem:v36+s14+$0x0], $0xffff  }
0x256: {  	v6 =	vand.u32 $0x7FFFFFFF, v6;
	v10 =	vsub.f32 v10, v46  }
0x257: {  	v0 =	vadd.f32 v6, v0;
	v11 =	vadd.f32 v14, v11  }
0x258: {  	v10 =	vand.u32 $0x7FFFFFFF, v10;
	v4 =	vsub.f32 v4, v42;
	v2 =	vadd.f32 v13, v2  }
0x259: {  	v0 =	vadd.f32 v10, v0;
	v11 =	vsub.f32 v11, v15;
	v15 =	vld [tilespmem:$0x1FFE0]  }
0x25a: {  	v4 =	vand.u32 $0x7FFFFFFF, v4;
	v2 =	vsub.f32 v2, v38;
	v5 =	vadd.f32 v5, v9;
	v9 =	vld.idx.msk [tilespmem:v24+s15+$0x0], $0xffff  }
0x25b: {  	v0 =	vadd.f32 v4, v0;
	v4 =	vld.idx.msk [tilespmem:v24+s14+$0x0], $0xffff  }
0x25c: {  	v2 =	vand.u32 $0x7FFFFFFF, v2  }
0x25d: {  	v13 =	vld.idx.msk [tilespmem:v32+s15+$0x0], $0xffff;
	v0 =	vadd.f32 v2, v0  }
0x25e: {  	v6 =	vld.idx.msk [tilespmem:v32+s14+$0x0], $0xffff;
	v11 =	vand.u32 $0x7FFFFFFF, v11;
	v5 =	vsub.f32 v5, v15  }
0x25f: {  	v14 =	vld.idx.msk [tilespmem:v28+s15+$0x0], $0xffff;
	v0 =	vadd.f32 v11, v0  }
0x260: {  	v4 =	vadd.f32 v9, v4;
	v9 =	vld.idx.msk [tilespmem:v12+s15+$0x0], $0xffff;
	v5 =	vand.u32 $0x7FFFFFFF, v5  }
0x261: {  	v0 =	vadd.f32 v5, v0;
	v5 =	vld.idx.msk [tilespmem:v12+s14+$0x0], $0xffff  }
0x262: {  	v12 =	vld [tilespmem:$0x1FFB0]  }
0x263: {  	v10 =	vld.idx.msk [tilespmem:v28+s14+$0x0], $0xffff  }
0x264: {  	v6 =	vadd.f32 v13, v6;
	v13 =	vld.idx.msk [tilespmem:v20+s15+$0x0], $0xffff  }
0x265: {  	v2 =	vld.idx.msk [tilespmem:v20+s14+$0x0], $0xffff;
	_ =	sdelay $0x1  }
0x266: {  	v4 =	vsub.f32 v4, v12;
	v12 =	vld [tilespmem:$0x1FFA0];
	_ =	sdelay $0x1  }
0x267: {  	v10 =	vadd.f32 v14, v10;
	v14 =	vld.idx.msk [tilespmem:v16+s15+$0x0], $0xffff  }
0x268: {  	v11 =	vld.idx.msk [tilespmem:v16+s14+$0x0], $0xffff;
	v2 =	vadd.f32 v13, v2;
	_ =	sdelay $0x1  }
0x269: {  	v2 =	vsub.f32 v2, v12;
	v12 =	vld [tilespmem:$0x1FF90]  }
0x26a: {  	v15 =	vld [tilespmem:$0x1FFD0];
	_ =	sdelay $0x1  }
0x26b: {  	v11 =	vadd.f32 v14, v11;
	_ =	sdelay $0x1  }
0x26c: {  	v11 =	vsub.f32 v11, v12  }
0x26d: {  	v6 =	vsub.f32 v6, v15  }
0x26e: {  	v5 =	vadd.f32 v9, v5;
	v9 =	vand.u32 $0x7FFFFFFF, v11;
	v11 =	vld [tilespmem:$0x1FF80]  }
0x26f: {  	v15 =	vld [tilespmem:$0x1FFC0];
	v6 =	vand.u32 $0x7FFFFFFF, v6  }
0x270: {  	v0 =	vadd.f32 v6, v0;
	v6 =	vld.idx.msk [tilespmem:v8+s14+$0x0], $0xffff  }
0x271: {  	v8 =	vld.idx.msk [tilespmem:v8+s15+$0x0], $0xffff;
	_ =	sdelay $0x1  }
0x272: {  	v5 =	vsub.f32 v5, v11;
	v11 =	vld [tilespmem:$0x1FF70];
	_ =	sdelay $0x1  }
0x273: {  	v10 =	vsub.f32 v10, v15  }
0x274: {  	v6 =	vadd.f32 v8, v6  }
0x275: {  	v10 =	vand.u32 $0x7FFFFFFF, v10  }
0x276: {  	v0 =	vadd.f32 v10, v0;
	v6 =	vsub.f32 v6, v11;
	v11 =	vld [tilespmem:$0x1FF10]  }
0x277: {  	v4 =	vand.u32 $0x7FFFFFFF, v4  }
0x278: {  	v0 =	vadd.f32 v4, v0  }
0x279: {  	v4 =	vld.idx.msk [tilespmem:v1+s14+$0x0], $0xffff;
	v2 =	vand.u32 $0x7FFFFFFF, v2  }
0x27a: {  	v1 =	vld.idx.msk [tilespmem:v1+s15+$0x0], $0xffff;
	v0 =	vadd.f32 v2, v0;
	_ =	sdelay $0x1  }
0x27b: {  	v0 =	vadd.f32 v9, v0  }
0x27c: {  	v5 =	vand.u32 $0x7FFFFFFF, v5  }
0x27d: {  	v0 =	vadd.f32 v5, v0;
	v5 =	vld.idx.msk [tilespmem:v11+s14+$0x0], $0xffff  }
0x27e: {  	v1 =	vadd.f32 v1, v4;
	v4 =	vld.idx.msk [tilespmem:v11+s15+$0x0], $0xffff  }
0x27f: {  	v11 =	vld [tilespmem:$0x1FEF0];
	_ =	sdelay $0x2  }
0x280: {  	v8 =	vld.idx.msk [tilespmem:v63+s15+$0x0], $0xffff  }
0x281: {  	v2 =	vld.idx.msk [tilespmem:v63+s14+$0x0], $0xffff  }
0x282: {  	v10 =	vld.idx.msk [tilespmem:v3+s14+$0x0], $0xffff  }
0x283: {  	v3 =	vld.idx.msk [tilespmem:v3+s15+$0x0], $0xffff  }
0x284: {  	v12 =	vld [tilespmem:$0x1FF60];
	v6 =	vand.u32 $0x7FFFFFFF, v6  }
0x285: {  	v0 =	vadd.f32 v6, v0;
	v6 =	vld.idx.msk [tilespmem:v11+s14+$0x0], $0xffff  }
0x286: {  	v2 =	vadd.f32 v8, v2;
	v8 =	vld.idx.msk [tilespmem:v11+s15+$0x0], $0xffff  }
0x287: {  	v11 =	vld [tilespmem:$0x1FED0];
	_ =	sdelay $0x2  }
0x288: {  	v3 =	vadd.f32 v3, v10;
	v10 =	vld.idx.msk [tilespmem:v61+s15+$0x0], $0xffff  }
0x289: {  	v9 =	vld.idx.msk [tilespmem:v61+s14+$0x0], $0xffff  }
0x28a: {  	v3 =	vsub.f32 v3, v12;
	_ =	sdelay $0x1  }
0x28b: {  	v12 =	vld [tilespmem:$0x1FF50];
	v3 =	vand.u32 $0x7FFFFFFF, v3  }
0x28c: {  	v0 =	vadd.f32 v3, v0;
	v3 =	vld.idx.msk [tilespmem:v11+s14+$0x0], $0xffff  }
0x28d: {  	v9 =	vadd.f32 v10, v9;
	v10 =	vld.idx.msk [tilespmem:v11+s15+$0x0], $0xffff  }
0x28e: {  	v11 =	vld [tilespmem:$0x1FEB0];
	_ =	sdelay $0x4  }
0x28f: {  	v1 =	vsub.f32 v1, v12;
	_ =	sdelay $0x1  }
0x290: {  	v12 =	vld [tilespmem:$0x1FF40];
	v1 =	vand.u32 $0x7FFFFFFF, v1  }
0x291: {  	v0 =	vadd.f32 v1, v0;
	v1 =	vld.idx.msk [tilespmem:v11+s14+$0x0], $0xffff  }
0x292: {  	v4 =	vadd.f32 v4, v5;
	v5 =	vld.idx.msk [tilespmem:v11+s15+$0x0], $0xffff  }
0x293: {  	v11 =	vld [tilespmem:$0x1FE90];
	_ =	sdelay $0x4  }
0x294: {  	v2 =	vsub.f32 v2, v12;
	_ =	sdelay $0x1  }
0x295: {  	v12 =	vld [tilespmem:$0x1FF30];
	v2 =	vand.u32 $0x7FFFFFFF, v2  }
0x296: {  	v0 =	vadd.f32 v2, v0;
	v2 =	vld.idx.msk [tilespmem:v11+s14+$0x0], $0xffff  }
0x297: {  	v6 =	vadd.f32 v8, v6;
	v8 =	vld.idx.msk [tilespmem:v11+s15+$0x0], $0xffff  }
0x298: {  	v11 =	vld [tilespmem:$0x1FE70];
	_ =	sdelay $0x4  }
0x299: {  	v9 =	vsub.f32 v9, v12;
	_ =	sdelay $0x1  }
0x29a: {  	v12 =	vld [tilespmem:$0x1FF20];
	v9 =	vand.u32 $0x7FFFFFFF, v9  }
0x29b: {  	v0 =	vadd.f32 v9, v0;
	v9 =	vld.idx.msk [tilespmem:v11+s14+$0x0], $0xffff  }
0x29c: {  	v3 =	vadd.f32 v10, v3;
	v10 =	vld.idx.msk [tilespmem:v11+s15+$0x0], $0xffff  }
0x29d: {  	v11 =	vld [tilespmem:$0x1FE50];
	_ =	sdelay $0x4  }
0x29e: {  	v4 =	vsub.f32 v4, v12;
	_ =	sdelay $0x1  }
0x29f: {  	v12 =	vld [tilespmem:$0x1FF00];
	v4 =	vand.u32 $0x7FFFFFFF, v4  }
0x2a0: {  	v0 =	vadd.f32 v4, v0;
	v4 =	vld.idx.msk [tilespmem:v11+s14+$0x0], $0xffff  }
0x2a1: {  	v1 =	vadd.f32 v5, v1;
	v5 =	vld.idx.msk [tilespmem:v11+s15+$0x0], $0xffff  }
0x2a2: {  	v11 =	vld [tilespmem:$0x1FE30];
	_ =	sdelay $0x4  }
0x2a3: {  	v6 =	vsub.f32 v6, v12;
	_ =	sdelay $0x1  }
0x2a4: {  	v12 =	vld [tilespmem:$0x1FEE0];
	v6 =	vand.u32 $0x7FFFFFFF, v6  }
0x2a5: {  	v0 =	vadd.f32 v6, v0;
	v6 =	vld.idx.msk [tilespmem:v11+s14+$0x0], $0xffff  }
0x2a6: {  	v2 =	vadd.f32 v8, v2;
	v8 =	vld.idx.msk [tilespmem:v11+s15+$0x0], $0xffff  }
0x2a7: {  	v11 =	vld [tilespmem:$0x1FE10];
	_ =	sdelay $0x4  }
0x2a8: {  	v3 =	vsub.f32 v3, v12;
	_ =	sdelay $0x1  }
0x2a9: {  	v12 =	vld [tilespmem:$0x1FEC0];
	v3 =	vand.u32 $0x7FFFFFFF, v3  }
0x2aa: {  	v0 =	vadd.f32 v3, v0;
	v3 =	vld.idx.msk [tilespmem:v11+s14+$0x0], $0xffff  }
0x2ab: {  	v9 =	vadd.f32 v10, v9;
	v10 =	vld.idx.msk [tilespmem:v11+s15+$0x0], $0xffff  }
0x2ac: {  	v11 =	vld [tilespmem:$0x1FDF0];
	_ =	sdelay $0x4  }
0x2ad: {  	v1 =	vsub.f32 v1, v12;
	_ =	sdelay $0x1  }
0x2ae: {  	v12 =	vld [tilespmem:$0x1FEA0];
	v1 =	vand.u32 $0x7FFFFFFF, v1  }
0x2af: {  	v0 =	vadd.f32 v1, v0;
	v1 =	vld.idx.msk [tilespmem:v11+s14+$0x0], $0xffff  }
0x2b0: {  	v4 =	vadd.f32 v5, v4;
	v5 =	vld.idx.msk [tilespmem:v11+s15+$0x0], $0xffff  }
0x2b1: {  	v11 =	vld [tilespmem:$0x1FDD0];
	_ =	sdelay $0x4  }
0x2b2: {  	v2 =	vsub.f32 v2, v12;
	_ =	sdelay $0x1  }
0x2b3: {  	v12 =	vld [tilespmem:$0x1FE80];
	v2 =	vand.u32 $0x7FFFFFFF, v2  }
0x2b4: {  	v0 =	vadd.f32 v2, v0;
	v2 =	vld.idx.msk [tilespmem:v11+s14+$0x0], $0xffff  }
0x2b5: {  	v6 =	vadd.f32 v8, v6;
	v8 =	vld.idx.msk [tilespmem:v11+s15+$0x0], $0xffff  }
0x2b6: {  	v11 =	vld [tilespmem:$0x1FDB0];
	_ =	sdelay $0x4  }
0x2b7: {  	v9 =	vsub.f32 v9, v12;
	_ =	sdelay $0x1  }
0x2b8: {  	v12 =	vld [tilespmem:$0x1FE60];
	v9 =	vand.u32 $0x7FFFFFFF, v9  }
0x2b9: {  	v0 =	vadd.f32 v9, v0;
	v9 =	vld.idx.msk [tilespmem:v11+s14+$0x0], $0xffff  }
0x2ba: {  	v3 =	vadd.f32 v10, v3;
	v10 =	vld.idx.msk [tilespmem:v11+s15+$0x0], $0xffff  }
0x2bb: {  	v11 =	vld [tilespmem:$0x1FD90];
	_ =	sdelay $0x4  }
0x2bc: {  	v4 =	vsub.f32 v4, v12;
	_ =	sdelay $0x1  }
0x2bd: {  	v12 =	vld [tilespmem:$0x1FE40];
	v4 =	vand.u32 $0x7FFFFFFF, v4  }
0x2be: {  	v0 =	vadd.f32 v4, v0;
	v4 =	vld.idx.msk [tilespmem:v11+s14+$0x0], $0xffff  }
0x2bf: {  	v1 =	vadd.f32 v5, v1;
	v5 =	vld.idx.msk [tilespmem:v11+s15+$0x0], $0xffff  }
0x2c0: {  	v11 =	vld [tilespmem:$0x1FD70];
	_ =	sdelay $0x4  }
0x2c1: {  	v6 =	vsub.f32 v6, v12;
	_ =	sdelay $0x1  }
0x2c2: {  	v12 =	vld [tilespmem:$0x1FE20];
	v6 =	vand.u32 $0x7FFFFFFF, v6  }
0x2c3: {  	v0 =	vadd.f32 v6, v0;
	v6 =	vld.idx.msk [tilespmem:v11+s14+$0x0], $0xffff  }
0x2c4: {  	v2 =	vadd.f32 v8, v2;
	v8 =	vld.idx.msk [tilespmem:v11+s15+$0x0], $0xffff  }
0x2c5: {  	v11 =	vld [tilespmem:$0x1FD50];
	_ =	sdelay $0x4  }
0x2c6: {  	v3 =	vsub.f32 v3, v12;
	_ =	sdelay $0x1  }
0x2c7: {  	v12 =	vld [tilespmem:$0x1FE00];
	v3 =	vand.u32 $0x7FFFFFFF, v3  }
0x2c8: {  	v0 =	vadd.f32 v3, v0;
	v3 =	vld.idx.msk [tilespmem:v11+s14+$0x0], $0xffff  }
0x2c9: {  	v9 =	vadd.f32 v10, v9;
	v10 =	vld.idx.msk [tilespmem:v11+s15+$0x0], $0xffff  }
0x2ca: {  	v11 =	vld [tilespmem:$0x1FD30];
	_ =	sdelay $0x4  }
0x2cb: {  	v1 =	vsub.f32 v1, v12;
	_ =	sdelay $0x1  }
0x2cc: {  	v12 =	vld [tilespmem:$0x1FDE0];
	v1 =	vand.u32 $0x7FFFFFFF, v1  }
0x2cd: {  	v0 =	vadd.f32 v1, v0;
	v1 =	vld.idx.msk [tilespmem:v11+s14+$0x0], $0xffff  }
0x2ce: {  	v4 =	vadd.f32 v5, v4;
	v5 =	vld.idx.msk [tilespmem:v11+s15+$0x0], $0xffff  }
0x2cf: {  	v11 =	vld [tilespmem:$0x1FD10];
	_ =	sdelay $0x4  }
0x2d0: {  	v2 =	vsub.f32 v2, v12;
	_ =	sdelay $0x1  }
0x2d1: {  	v12 =	vld [tilespmem:$0x1FDC0];
	v2 =	vand.u32 $0x7FFFFFFF, v2  }
0x2d2: {  	v0 =	vadd.f32 v2, v0;
	v2 =	vld.idx.msk [tilespmem:v11+s14+$0x0], $0xffff  }
0x2d3: {  	v6 =	vadd.f32 v8, v6;
	v8 =	vld.idx.msk [tilespmem:v11+s15+$0x0], $0xffff  }
0x2d4: {  	v11 =	vld [tilespmem:$0x1FCF0];
	_ =	sdelay $0x4  }
0x2d5: {  	v9 =	vsub.f32 v9, v12;
	_ =	sdelay $0x1  }
0x2d6: {  	v12 =	vld [tilespmem:$0x1FDA0];
	v9 =	vand.u32 $0x7FFFFFFF, v9  }
0x2d7: {  	v0 =	vadd.f32 v9, v0;
	v9 =	vld.idx.msk [tilespmem:v11+s14+$0x0], $0xffff  }
0x2d8: {  	v3 =	vadd.f32 v10, v3;
	v10 =	vld.idx.msk [tilespmem:v11+s15+$0x0], $0xffff  }
0x2d9: {  	v11 =	vld [tilespmem:$0x1FCD0];
	_ =	sdelay $0x4  }
0x2da: {  	v4 =	vsub.f32 v4, v12;
	_ =	sdelay $0x1  }
0x2db: {  	v12 =	vld [tilespmem:$0x1FD80];
	v4 =	vand.u32 $0x7FFFFFFF, v4  }
0x2dc: {  	v0 =	vadd.f32 v4, v0;
	v4 =	vld.idx.msk [tilespmem:v11+s14+$0x0], $0xffff  }
0x2dd: {  	v1 =	vadd.f32 v5, v1;
	v5 =	vld.idx.msk [tilespmem:v11+s15+$0x0], $0xffff  }
0x2de: {  	v11 =	vld [tilespmem:$0x1FCB0];
	_ =	sdelay $0x4  }
0x2df: {  	v6 =	vsub.f32 v6, v12;
	_ =	sdelay $0x1  }
0x2e0: {  	v12 =	vld [tilespmem:$0x1FD60];
	v6 =	vand.u32 $0x7FFFFFFF, v6  }
0x2e1: {  	v0 =	vadd.f32 v6, v0;
	v6 =	vld.idx.msk [tilespmem:v11+s14+$0x0], $0xffff  }
0x2e2: {  	v2 =	vadd.f32 v8, v2;
	v8 =	vld.idx.msk [tilespmem:v11+s15+$0x0], $0xffff  }
0x2e3: {  	v11 =	vld [tilespmem:$0x1FC90];
	_ =	sdelay $0x4  }
0x2e4: {  	v3 =	vsub.f32 v3, v12;
	_ =	sdelay $0x1  }
0x2e5: {  	v12 =	vld [tilespmem:$0x1FD40];
	v3 =	vand.u32 $0x7FFFFFFF, v3  }
0x2e6: {  	v0 =	vadd.f32 v3, v0;
	v3 =	vld.idx.msk [tilespmem:v11+s14+$0x0], $0xffff  }
0x2e7: {  	v9 =	vadd.f32 v10, v9;
	v10 =	vld.idx.msk [tilespmem:v11+s15+$0x0], $0xffff  }
0x2e8: {  	v11 =	vld [tilespmem:$0x1FC70];
	_ =	sdelay $0x4  }
0x2e9: {  	v1 =	vsub.f32 v1, v12;
	_ =	sdelay $0x1  }
0x2ea: {  	v12 =	vld [tilespmem:$0x1FD20];
	v1 =	vand.u32 $0x7FFFFFFF, v1  }
0x2eb: {  	v0 =	vadd.f32 v1, v0;
	v1 =	vld.idx.msk [tilespmem:v11+s14+$0x0], $0xffff  }
0x2ec: {  	v4 =	vadd.f32 v5, v4;
	v5 =	vld.idx.msk [tilespmem:v11+s15+$0x0], $0xffff  }
0x2ed: {  	v11 =	vld [tilespmem:$0x1FC50];
	_ =	sdelay $0x4  }
0x2ee: {  	v2 =	vsub.f32 v2, v12;
	_ =	sdelay $0x1  }
0x2ef: {  	v12 =	vld [tilespmem:$0x1FD00];
	v2 =	vand.u32 $0x7FFFFFFF, v2  }
0x2f0: {  	v0 =	vadd.f32 v2, v0;
	v2 =	vld.idx.msk [tilespmem:v11+s14+$0x0], $0xffff  }
0x2f1: {  	v6 =	vadd.f32 v8, v6;
	v8 =	vld.idx.msk [tilespmem:v11+s15+$0x0], $0xffff  }
0x2f2: {  	v11 =	vld [tilespmem:$0x1FC30];
	_ =	sdelay $0x4  }
0x2f3: {  	v9 =	vsub.f32 v9, v12;
	_ =	sdelay $0x1  }
0x2f4: {  	v12 =	vld [tilespmem:$0x1FCE0];
	v9 =	vand.u32 $0x7FFFFFFF, v9  }
0x2f5: {  	v0 =	vadd.f32 v9, v0;
	v9 =	vld.idx.msk [tilespmem:v11+s14+$0x0], $0xffff  }
0x2f6: {  	v3 =	vadd.f32 v10, v3;
	v10 =	vld.idx.msk [tilespmem:v11+s15+$0x0], $0xffff  }
0x2f7: {  	v11 =	vld [tilespmem:$0x1FC10];
	_ =	sdelay $0x4  }
0x2f8: {  	v4 =	vsub.f32 v4, v12;
	_ =	sdelay $0x1  }
0x2f9: {  	v12 =	vld [tilespmem:$0x1FCC0];
	v4 =	vand.u32 $0x7FFFFFFF, v4  }
0x2fa: {  	v0 =	vadd.f32 v4, v0;
	v4 =	vld.idx.msk [tilespmem:v11+s14+$0x0], $0xffff  }
0x2fb: {  	v1 =	vadd.f32 v5, v1;
	v5 =	vld.idx.msk [tilespmem:v11+s15+$0x0], $0xffff  }
0x2fc: {  	v11 =	vld [tilespmem:$0x1FBF0];
	_ =	sdelay $0x4  }
0x2fd: {  	v6 =	vsub.f32 v6, v12;
	_ =	sdelay $0x1  }
0x2fe: {  	v12 =	vld [tilespmem:$0x1FCA0];
	v6 =	vand.u32 $0x7FFFFFFF, v6  }
0x2ff: {  	v0 =	vadd.f32 v6, v0;
	v6 =	vld.idx.msk [tilespmem:v11+s14+$0x0], $0xffff  }
0x300: {  	v2 =	vadd.f32 v8, v2;
	v8 =	vld.idx.msk [tilespmem:v11+s15+$0x0], $0xffff  }
0x301: {  	v11 =	vld [tilespmem:$0x1FBD0];
	_ =	sdelay $0x1  }
0x302: {  	v3 =	vsub.f32 v3, v12;
	v12 =	vld [tilespmem:$0x1FC80];
	_ =	sdelay $0x4  }
0x303: {  	v3 =	vand.u32 $0x7FFFFFFF, v3;
	v1 =	vsub.f32 v1, v12;
	v12 =	vld [tilespmem:$0x1FC60]  }
0x304: {  	v0 =	vadd.f32 v3, v0;
	v3 =	vld.idx.msk [tilespmem:v11+s14+$0x0], $0xffff  }
0x305: {  	v9 =	vadd.f32 v10, v9;
	v10 =	vld.idx.msk [tilespmem:v11+s15+$0x0], $0xffff  }
0x306: {  	v11 =	vld [tilespmem:$0x1FBC0];
	_ =	sdelay $0x2  }
0x307: {  	v2 =	vsub.f32 v2, v12;
	v12 =	vld [tilespmem:$0x1FC40];
	_ =	sdelay $0x2  }
0x308: {  	v1 =	vand.u32 $0x7FFFFFFF, v1  }
0x309: {  	v0 =	vadd.f32 v1, v0  }
0x30a: {  	v2 =	vand.u32 $0x7FFFFFFF, v2;
	v9 =	vsub.f32 v9, v12;
	v1 =	vld.idx.msk [tilespmem:v11+s14+$0x0], $0xffff  }
0x30b: {  	v0 =	vadd.f32 v2, v0;
	v4 =	vadd.f32 v5, v4;
	v5 =	vld.idx.msk [tilespmem:v11+s15+$0x0], $0xffff  }
0x30c: {  	v9 =	vand.u32 $0x7FFFFFFF, v9;
	v11 =	vld [tilespmem:$0x1FC20]  }
0x30d: {  	v0 =	vadd.f32 v9, v0;
	v9 =	vld [tilespmem:$0x1FC00]  }
0x30e: {  	v7 =	vor.u32 $0x3F, v7;
	_ =	sdelay $0x1  }
0x30f: {  	v6 =	vadd.f32 v8, v6  }
0x310: {  	v4 =	vsub.f32 v4, v11  }
0x311: {  	v6 =	vsub.f32 v6, v9  }
0x312: {  	v2 =	vld.idx.msk [tilespmem:v7+s14+$0x0], $0xffff;
	v4 =	vand.u32 $0x7FFFFFFF, v4  }
0x313: {  	v0 =	vadd.f32 v4, v0;
	v4 =	vand.u32 $0x7FFFFFFF, v6;
	v6 =	vld [tilespmem:$0x1FBE0]  }
0x314: {  	v8 =	vld.idx.msk [tilespmem:v7+s15+$0x0], $0xffff  }
0x315: {  	v0 =	vadd.f32 v4, v0;
	v4 =	vld [tilespmem:$0x1FBB0]  }
0x316: {  	v3 =	vadd.f32 v10, v3  }
0x317: {  	v7 =	vld.idx.msk [tilespmem:v7+s16+$0x0], $0xffff  }
0x318: {  	v1 =	vadd.f32 v5, v1;
	v3 =	vsub.f32 v3, v6;
	_ =	sdelay $0x1  }
0x319: {  	v2 =	vadd.f32 v8, v2;
	v3 =	vand.u32 $0x7FFFFFFF, v3;
	v1 =	vsub.f32 v1, v4  }
0x31a: {  	v0 =	vadd.f32 v3, v0  }
0x31b: {  	v2 =	vsub.f32 v2, v7;
	v3 =	vmov s21;
	v1 =	vand.u32 $0x7FFFFFFF, v1  }
0x31c: {  	v3 =	vshll.u32 v3, $0x7;
	v0 =	vadd.f32 v1, v0  }
0x31d: {  	v7 =	vor.u32 v59, v3;
	v1 =	vand.u32 $0x7FFFFFFF, v2  }
0x31e: {  	v0 =	vadd.f32 v1, v0;
	v1 =	vor.u32 $0x3D, v7  }
0x31f: {  	s22 =	sand.u32 $0x80, s20  }
0x320: {  	s23 =	sand.u32 $0x70, s20;
	s22 =	sadd.s32 s22, s19;
	v0 =	vsub.f32 $0.0e+00, v0  }
0x321: {  	s22 =	sadd.s32 s23, s22  }
0x322: {  	[tilespmem:s22+$0x0] =	vst v0  }
0x323: {  	v3 =	vor.u32 $0x3C, v7;
	v0 =	vld.idx.msk [tilespmem:v1+s16+$0x0], $0xffff;
	_ =	sdelay $0x4  }
0x324: {  	v4 =	vor.u32 $0x3B, v7;
	[tilespmem:$0x1FBE0] =	vst v0;
	v0 =	vld.idx.msk [tilespmem:v3+s16+$0x0], $0xffff;
	_ =	sdelay $0x4  }
0x325: {  	v5 =	vor.u32 $0x3A, v7;
	[tilespmem:$0x1FC00] =	vst v0;
	v0 =	vld.idx.msk [tilespmem:v4+s16+$0x0], $0xffff;
	_ =	sdelay $0x3  }
0x326: {  	v2 =	vor.u32 $0x3E, v7  }
0x327: {  	v6 =	vor.u32 $0x39, v7;
	[tilespmem:$0x1FC20] =	vst v0;
	v0 =	vld.idx.msk [tilespmem:v5+s16+$0x0], $0xffff;
	_ =	sdelay $0x3  }
0x328: {  	v57 =	vmov v59;
	[tilespmem:$0x1FBC0] =	vst v2;
	v59 =	vld.idx.msk [tilespmem:v2+s16+$0x0], $0xffff  }
0x329: {  	v2 =	vor.u32 $0x38, v7;
	[tilespmem:$0x1FC40] =	vst v0;
	v0 =	vld.idx.msk [tilespmem:v6+s16+$0x0], $0xffff;
	_ =	sdelay $0x3  }
0x32a: {  	[tilespmem:$0x1FBD0] =	vst v1  }
0x32b: {  	v1 =	vor.u32 $0x37, v7;
	[tilespmem:$0x1FC60] =	vst v0;
	v0 =	vld.idx.msk [tilespmem:v2+s16+$0x0], $0xffff;
	_ =	sdelay $0x3  }
0x32c: {  	[tilespmem:$0x1FBF0] =	vst v3  }
0x32d: {  	v3 =	vor.u32 $0x36, v7;
	[tilespmem:$0x1FC80] =	vst v0;
	v0 =	vld.idx.msk [tilespmem:v1+s16+$0x0], $0xffff;
	_ =	sdelay $0x3  }
0x32e: {  	[tilespmem:$0x1FC10] =	vst v4  }
0x32f: {  	v4 =	vor.u32 $0x35, v7;
	[tilespmem:$0x1FCA0] =	vst v0;
	v0 =	vld.idx.msk [tilespmem:v3+s16+$0x0], $0xffff;
	_ =	sdelay $0x3  }
0x330: {  	[tilespmem:$0x1FC30] =	vst v5  }
0x331: {  	v5 =	vor.u32 $0x34, v7;
	[tilespmem:$0x1FCC0] =	vst v0;
	v0 =	vld.idx.msk [tilespmem:v4+s16+$0x0], $0xffff;
	_ =	sdelay $0x3  }
0x332: {  	[tilespmem:$0x1FC50] =	vst v6  }
0x333: {  	v6 =	vor.u32 $0x33, v7;
	[tilespmem:$0x1FCE0] =	vst v0;
	v0 =	vld.idx.msk [tilespmem:v5+s16+$0x0], $0xffff;
	_ =	sdelay $0x3  }
0x334: {  	[tilespmem:$0x1FC70] =	vst v2  }
0x335: {  	v2 =	vor.u32 $0x32, v7;
	[tilespmem:$0x1FD00] =	vst v0;
	v0 =	vld.idx.msk [tilespmem:v6+s16+$0x0], $0xffff;
	_ =	sdelay $0x3  }
0x336: {  	[tilespmem:$0x1FC90] =	vst v1  }
0x337: {  	v1 =	vor.u32 $0x31, v7;
	[tilespmem:$0x1FD20] =	vst v0;
	v0 =	vld.idx.msk [tilespmem:v2+s16+$0x0], $0xffff;
	_ =	sdelay $0x3  }
0x338: {  	[tilespmem:$0x1FCB0] =	vst v3  }
0x339: {  	v3 =	vor.u32 $0x30, v7;
	[tilespmem:$0x1FD40] =	vst v0;
	v0 =	vld.idx.msk [tilespmem:v1+s16+$0x0], $0xffff;
	_ =	sdelay $0x3  }
0x33a: {  	[tilespmem:$0x1FCD0] =	vst v4  }
0x33b: {  	v4 =	vor.u32 $0x2F, v7;
	[tilespmem:$0x1FD60] =	vst v0;
	v0 =	vld.idx.msk [tilespmem:v3+s16+$0x0], $0xffff;
	_ =	sdelay $0x3  }
0x33c: {  	[tilespmem:$0x1FCF0] =	vst v5  }
0x33d: {  	v5 =	vor.u32 $0x2E, v7;
	[tilespmem:$0x1FD80] =	vst v0;
	v0 =	vld.idx.msk [tilespmem:v4+s16+$0x0], $0xffff;
	_ =	sdelay $0x3  }
0x33e: {  	[tilespmem:$0x1FD10] =	vst v6  }
0x33f: {  	v6 =	vor.u32 $0x2D, v7;
	[tilespmem:$0x1FDA0] =	vst v0;
	v0 =	vld.idx.msk [tilespmem:v5+s16+$0x0], $0xffff;
	_ =	sdelay $0x3  }
0x340: {  	[tilespmem:$0x1FD30] =	vst v2  }
0x341: {  	v2 =	vor.u32 $0x2C, v7;
	[tilespmem:$0x1FDC0] =	vst v0;
	v0 =	vld.idx.msk [tilespmem:v6+s16+$0x0], $0xffff;
	_ =	sdelay $0x3  }
0x342: {  	[tilespmem:$0x1FD50] =	vst v1  }
0x343: {  	v1 =	vor.u32 $0x2B, v7;
	[tilespmem:$0x1FDE0] =	vst v0;
	v0 =	vld.idx.msk [tilespmem:v2+s16+$0x0], $0xffff;
	_ =	sdelay $0x3  }
0x344: {  	[tilespmem:$0x1FD70] =	vst v3  }
0x345: {  	v3 =	vor.u32 $0x2A, v7;
	[tilespmem:$0x1FE00] =	vst v0;
	v0 =	vld.idx.msk [tilespmem:v1+s16+$0x0], $0xffff;
	_ =	sdelay $0x3  }
0x346: {  	[tilespmem:$0x1FD90] =	vst v4  }
0x347: {  	v4 =	vor.u32 $0x29, v7;
	[tilespmem:$0x1FE20] =	vst v0;
	v0 =	vld.idx.msk [tilespmem:v3+s16+$0x0], $0xffff;
	_ =	sdelay $0x3  }
0x348: {  	[tilespmem:$0x1FDB0] =	vst v5  }
0x349: {  	v5 =	vor.u32 $0x28, v7;
	[tilespmem:$0x1FE40] =	vst v0;
	v0 =	vld.idx.msk [tilespmem:v4+s16+$0x0], $0xffff;
	_ =	sdelay $0x3  }
0x34a: {  	[tilespmem:$0x1FDD0] =	vst v6  }
0x34b: {  	v6 =	vor.u32 $0x27, v7;
	[tilespmem:$0x1FE60] =	vst v0;
	v0 =	vld.idx.msk [tilespmem:v5+s16+$0x0], $0xffff;
	_ =	sdelay $0x3  }
0x34c: {  	[tilespmem:$0x1FDF0] =	vst v2  }
0x34d: {  	v2 =	vor.u32 $0x26, v7;
	[tilespmem:$0x1FE80] =	vst v0;
	v0 =	vld.idx.msk [tilespmem:v6+s16+$0x0], $0xffff;
	_ =	sdelay $0x4  }
0x34e: {  	v8 =	vor.u32 $0x25, v7;
	[tilespmem:$0x1FEA0] =	vst v0;
	v0 =	vld.idx.msk [tilespmem:v2+s16+$0x0], $0xffff;
	_ =	sdelay $0x4  }
0x34f: {  	v9 =	vor.u32 $0x24, v7;
	[tilespmem:$0x1FEC0] =	vst v0;
	v0 =	vld.idx.msk [tilespmem:v8+s16+$0x0], $0xffff;
	_ =	sdelay $0x3  }
0x350: {  	[tilespmem:$0x1FE50] =	vst v4  }
0x351: {  	v4 =	vor.u32 $0x23, v7;
	[tilespmem:$0x1FEE0] =	vst v0;
	v0 =	vld.idx.msk [tilespmem:v9+s16+$0x0], $0xffff;
	_ =	sdelay $0x4  }
0x352: {  	v61 =	vor.u32 $0x22, v7;
	[tilespmem:$0x1FF00] =	vst v0;
	v0 =	vld.idx.msk [tilespmem:v4+s16+$0x0], $0xffff;
	_ =	sdelay $0x4  }
0x353: {  	v63 =	vor.u32 $0x21, v7;
	[tilespmem:$0x1FF20] =	vst v0;
	v0 =	vld.idx.msk [tilespmem:v61+s16+$0x0], $0xffff;
	_ =	sdelay $0x3  }
0x354: {  	[tilespmem:$0x1FE10] =	vst v1  }
0x355: {  	v1 =	vor.u32 $0x20, v7;
	[tilespmem:$0x1FF30] =	vst v0;
	v0 =	vld.idx.msk [tilespmem:v63+s16+$0x0], $0xffff;
	_ =	sdelay $0x3  }
0x356: {  	[tilespmem:$0x1FE30] =	vst v3  }
0x357: {  	v3 =	vor.u32 $0x1F, v7;
	[tilespmem:$0x1FF40] =	vst v0;
	v0 =	vld.idx.msk [tilespmem:v1+s16+$0x0], $0xffff;
	_ =	sdelay $0x3  }
0x358: {  	[tilespmem:$0x1FED0] =	vst v8  }
0x359: {  	v8 =	vor.u32 $0x1E, v7;
	[tilespmem:$0x1FF50] =	vst v0;
	v0 =	vld.idx.msk [tilespmem:v3+s16+$0x0], $0xffff;
	_ =	sdelay $0x4  }
0x35a: {  	v12 =	vor.u32 $0x1D, v7;
	[tilespmem:$0x1FF60] =	vst v0;
	v0 =	vld.idx.msk [tilespmem:v8+s16+$0x0], $0xffff;
	_ =	sdelay $0x4  }
0x35b: {  	v16 =	vor.u32 $0x1C, v7;
	[tilespmem:$0x1FF70] =	vst v0;
	v0 =	vld.idx.msk [tilespmem:v12+s16+$0x0], $0xffff;
	_ =	sdelay $0x4  }
0x35c: {  	v20 =	vor.u32 $0x1B, v7;
	[tilespmem:$0x1FF80] =	vst v0;
	v0 =	vld.idx.msk [tilespmem:v16+s16+$0x0], $0xffff;
	_ =	sdelay $0x4  }
0x35d: {  	v24 =	vor.u32 $0x1A, v7;
	[tilespmem:$0x1FF90] =	vst v0;
	v0 =	vld.idx.msk [tilespmem:v20+s16+$0x0], $0xffff;
	_ =	sdelay $0x4  }
0x35e: {  	v28 =	vor.u32 $0x19, v7;
	[tilespmem:$0x1FFA0] =	vst v0;
	v0 =	vld.idx.msk [tilespmem:v24+s16+$0x0], $0xffff;
	_ =	sdelay $0x4  }
0x35f: {  	v32 =	vor.u32 $0x18, v7;
	[tilespmem:$0x1FFB0] =	vst v0;
	v0 =	vld.idx.msk [tilespmem:v28+s16+$0x0], $0xffff  }
0x360: {  	v44 =	vor.u32 $0x15, v7  }
0x361: {  	v48 =	vor.u32 $0x13, v7  }
0x362: {  	v15 =	vor.u32 $0x10, v7  }
0x363: {  	v17 =	vor.u32 $0xF, v7  }
0x364: {  	v36 =	vor.u32 $0x17, v7;
	[tilespmem:$0x1FFC0] =	vst v0;
	v0 =	vld.idx.msk [tilespmem:v32+s16+$0x0], $0xffff  }
0x365: {  	v56 =	vor.u32 $0xE, v7;
	v38 =	vld.idx.msk [tilespmem:v44+s16+$0x0], $0xffff  }
0x366: {  	v58 =	vor.u32 $0xD, v7;
	v46 =	vld.idx.msk [tilespmem:v48+s16+$0x0], $0xffff  }
0x367: {  	v25 =	vor.u32 $0xC, v7;
	v11 =	vld.idx.msk [tilespmem:v15+s16+$0x0], $0xffff  }
0x368: {  	v27 =	vor.u32 $0xB, v7;
	v52 =	vld.idx.msk [tilespmem:v17+s16+$0x0], $0xffff  }
0x369: {  	v40 =	vor.u32 $0x16, v7;
	[tilespmem:$0x1FFD0] =	vst v0;
	v0 =	vld.idx.msk [tilespmem:v36+s16+$0x0], $0xffff  }
0x36a: {  	v29 =	vor.u32 $0xA, v7;
	v54 =	vld.idx.msk [tilespmem:v56+s16+$0x0], $0xffff  }
0x36b: {  	v37 =	vor.u32 $0x7, v7;
	v19 =	vld.idx.msk [tilespmem:v58+s16+$0x0], $0xffff  }
0x36c: {  	v39 =	vor.u32 $0x6, v7;
	v21 =	vld.idx.msk [tilespmem:v25+s16+$0x0], $0xffff  }
0x36d: {  	v43 =	vor.u32 $0x4, v7;
	v23 =	vld.idx.msk [tilespmem:v27+s16+$0x0], $0xffff  }
0x36e: {  	v41 =	vor.u32 $0x5, v7;
	[tilespmem:$0x1FFE0] =	vst v0;
	v0 =	vld.idx.msk [tilespmem:v40+s16+$0x0], $0xffff  }
0x36f: {  	v50 =	vor.u32 $0x12, v7;
	v60 =	vld.idx.msk [tilespmem:v29+s16+$0x0], $0xffff  }
0x370: {  	v33 =	vld.idx.msk [tilespmem:v37+s16+$0x0], $0xffff;
	[tilespmem:$0x1FEB0] =	vst v2;
	v2 =	vor.u32 $0x8, v7  }
0x371: {  	v13 =	vor.u32 $0x11, v7;
	v35 =	vld.idx.msk [tilespmem:v39+s16+$0x0], $0xffff;
	[tilespmem:$0x1FE70] =	vst v5  }
0x372: {  	v10 =	vld.idx.msk [tilespmem:v43+s16+$0x0], $0xffff;
	[tilespmem:$0x1FF10] =	vst v4;
	v4 =	vor.u32 $0x14, v7  }
0x373: {  	p1 =	sne.s32 s21, $0xF0;
	v5 =	vld.idx.msk [tilespmem:v41+s16+$0x0], $0xffff;
	[tilespmem:$0x1FFF0] =	vst v0;
	v0 =	vor.u32 $0x9, v7  }
.Ltmp1:
0x374: {  	[tilespmem:$0x1FE90] =	vst v6;
	v6 =	vld.idx.msk [tilespmem:v50+s16+$0x0], $0xffff;
	(pc) =	sbr.rel @p1 .LBB2_5-.Ltmp1, $4  }
0x375: {  	v31 =	vld.idx.msk [tilespmem:v2+s16+$0x0], $0xffff  }
0x376: {  	[tilespmem:$0x1FEF0] =	vst v9;
	v9 =	vld.idx.msk [tilespmem:v13+s16+$0x0], $0xffff  }
0x377: {  	v42 =	vld.idx.msk [tilespmem:v4+s16+$0x0], $0xffff  }
0x378: {  	s20 =	smov.u32 s21;
	s21 =	sadd.s32 $0x10, s21;
	v14 =	vor.u32 $0x3, v7;
	v45 =	vor.u32 $0x2, v7;
	v62 =	vld.idx.msk [tilespmem:v0+s16+$0x0], $0xffff  }
0x379: {  	_ =	sdelay $0x3  }
0x37a: {  	v30 =	vld.idx.msk [tilespmem:v14+s16+$0x0], $0xffff  }
0x37b: {  	v34 =	vld.idx.msk [tilespmem:v14+s14+$0x0], $0xffff  }
0x37c: {  	v47 =	vld.idx.msk [tilespmem:v45+s14+$0x0], $0xffff  }
0x37d: {  	v18 =	vor.u32 $0x1, v7;
	v49 =	vld.idx.msk [tilespmem:v7+s15+$0x0], $0xffff  }
0x37e: {  	v51 =	vld.idx.msk [tilespmem:v7+s14+$0x0], $0xffff  }
0x37f: {  	v53 =	vld.idx.msk [tilespmem:v45+s15+$0x0], $0xffff  }
0x380: {  	v55 =	vld.idx.msk [tilespmem:v7+s16+$0x0], $0xffff  }
0x381: {  	v14 =	vld.idx.msk [tilespmem:v14+s15+$0x0], $0xffff  }
0x382: {  	v22 =	vld.idx.msk [tilespmem:v18+s14+$0x0], $0xffff  }
0x383: {  	v26 =	vld.idx.msk [tilespmem:v18+s15+$0x0], $0xffff  }
0x384: {  	v45 =	vld.idx.msk [tilespmem:v45+s16+$0x0], $0xffff  }
0x385: {  	v18 =	vld.idx.msk [tilespmem:v18+s16+$0x0], $0xffff  }
0x386: {  	v14 =	vadd.f32 v14, v34;
	v34 =	vld.idx.msk [tilespmem:v41+s15+$0x0], $0xffff  }
0x387: {  	v49 =	vadd.f32 v49, v51;
	v51 =	vld.idx.msk [tilespmem:v37+s15+$0x0], $0xffff  }
0x388: {  	v47 =	vadd.f32 v53, v47;
	v22 =	vadd.f32 v26, v22;
	v26 =	vld.idx.msk [tilespmem:v43+s14+$0x0], $0xffff  }
0x389: {  	v49 =	vsub.f32 v49, v55;
	v43 =	vld.idx.msk [tilespmem:v43+s15+$0x0], $0xffff  }
0x38a: {  	v53 =	vsub.f32 v47, v45;
	v47 =	vld.idx.msk [tilespmem:v39+s14+$0x0], $0xffff;
	v18 =	vsub.f32 v22, v18  }
0x38b: {  	v22 =	vld.idx.msk [tilespmem:v41+s14+$0x0], $0xffff  }
0x38c: {  	v39 =	vld.idx.msk [tilespmem:v39+s15+$0x0], $0xffff;
	v55 =	vand.u32 $0x7FFFFFFF, v49;
	v18 =	vand.u32 $0x7FFFFFFF, v18  }
0x38d: {  	v14 =	vsub.f32 v14, v30;
	v30 =	vld.idx.msk [tilespmem:v56+s14+$0x0], $0xffff;
	v18 =	vadd.f32 v18, v55  }
0x38e: {  	v45 =	vand.u32 $0x7FFFFFFF, v53;
	v49 =	vld.idx.msk [tilespmem:v37+s14+$0x0], $0xffff;
	v26 =	vadd.f32 v43, v26  }
0x38f: {  	v53 =	vld.idx.msk [tilespmem:v2+s14+$0x0], $0xffff;
	v18 =	vadd.f32 v45, v18  }
0x390: {  	v14 =	vand.u32 $0x7FFFFFFF, v14;
	v37 =	vld.idx.msk [tilespmem:v0+s14+$0x0], $0xffff;
	v10 =	vsub.f32 v26, v10;
	v22 =	vadd.f32 v34, v22  }
0x391: {  	v55 =	vld.idx.msk [tilespmem:v2+s15+$0x0], $0xffff;
	v14 =	vadd.f32 v14, v18  }
0x392: {  	v41 =	vld.idx.msk [tilespmem:v13+s14+$0x0], $0xffff;
	v34 =	vadd.f32 v39, v47;
	v5 =	vsub.f32 v22, v5;
	v10 =	vand.u32 $0x7FFFFFFF, v10  }
0x393: {  	v39 =	vld.idx.msk [tilespmem:v0+s15+$0x0], $0xffff;
	v10 =	vadd.f32 v10, v14  }
0x394: {  	v45 =	vadd.f32 v51, v49;
	v47 =	vld.idx.msk [tilespmem:v29+s14+$0x0], $0xffff;
	v43 =	vsub.f32 v34, v35;
	v5 =	vand.u32 $0x7FFFFFFF, v5  }
0x395: {  	v5 =	vadd.f32 v5, v10;
	v10 =	vld.idx.msk [tilespmem:v29+s15+$0x0], $0xffff  }
0x396: {  	v49 =	vld.idx.msk [tilespmem:v27+s14+$0x0], $0xffff;
	v18 =	vsub.f32 v45, v33;
	v2 =	vadd.f32 v55, v53;
	v14 =	vand.u32 $0x7FFFFFFF, v43  }
0x397: {  	v51 =	vld.idx.msk [tilespmem:v27+s15+$0x0], $0xffff;
	v5 =	vadd.f32 v14, v5  }
0x398: {  	v53 =	vld.idx.msk [tilespmem:v25+s14+$0x0], $0xffff;
	v18 =	vand.u32 $0x7FFFFFFF, v18;
	v2 =	vsub.f32 v2, v31;
	v0 =	vadd.f32 v39, v37  }
0x399: {  	v55 =	vld.idx.msk [tilespmem:v25+s15+$0x0], $0xffff;
	v5 =	vadd.f32 v18, v5  }
0x39a: {  	v29 =	vld.idx.msk [tilespmem:v58+s15+$0x0], $0xffff;
	v0 =	vsub.f32 v0, v62;
	v2 =	vand.u32 $0x7FFFFFFF, v2;
	v10 =	vadd.f32 v10, v47  }
0x39b: {  	v62 =	vld.idx.msk [tilespmem:v58+s14+$0x0], $0xffff;
	v2 =	vadd.f32 v2, v5  }
0x39c: {  	v33 =	vld.idx.msk [tilespmem:v17+s14+$0x0], $0xffff;
	v14 =	vadd.f32 v51, v49;
	v0 =	vand.u32 $0x7FFFFFFF, v0;
	v10 =	vsub.f32 v10, v60  }
0x39d: {  	v31 =	vld.idx.msk [tilespmem:v56+s15+$0x0], $0xffff;
	v0 =	vadd.f32 v0, v2  }
0x39e: {  	v35 =	vld.idx.msk [tilespmem:v15+s14+$0x0], $0xffff;
	v14 =	vsub.f32 v14, v23;
	v18 =	vadd.f32 v55, v53;
	v10 =	vand.u32 $0x7FFFFFFF, v10  }
0x39f: {  	v0 =	vadd.f32 v10, v0;
	v10 =	vld.idx.msk [tilespmem:v17+s15+$0x0], $0xffff  }
0x3a0: {  	v45 =	vld.idx.msk [tilespmem:v50+s14+$0x0], $0xffff;
	v34 =	vsub.f32 v18, v21;
	v5 =	vadd.f32 v29, v62;
	v14 =	vand.u32 $0x7FFFFFFF, v14  }
0x3a1: {  	v37 =	vld.idx.msk [tilespmem:v15+s15+$0x0], $0xffff;
	v0 =	vadd.f32 v14, v0  }
0x3a2: {  	v22 =	vld [tilespmem:$0x1FFB0];
	v5 =	vsub.f32 v5, v19;
	v2 =	vadd.f32 v31, v30;
	v39 =	vand.u32 $0x7FFFFFFF, v34  }
0x3a3: {  	v43 =	vld.idx.msk [tilespmem:v13+s15+$0x0], $0xffff;
	v0 =	vadd.f32 v39, v0  }
0x3a4: {  	v56 =	vld.idx.msk [tilespmem:v28+s15+$0x0], $0xffff;
	v2 =	vsub.f32 v2, v54;
	v5 =	vand.u32 $0x7FFFFFFF, v5;
	v10 =	vadd.f32 v10, v33  }
0x3a5: {  	v47 =	vld.idx.msk [tilespmem:v50+s15+$0x0], $0xffff;
	v0 =	vadd.f32 v5, v0  }
0x3a6: {  	v49 =	vld.idx.msk [tilespmem:v48+s14+$0x0], $0xffff;
	v14 =	vadd.f32 v37, v35;
	v2 =	vand.u32 $0x7FFFFFFF, v2;
	v10 =	vsub.f32 v10, v52  }
0x3a7: {  	v50 =	vld.idx.msk [tilespmem:v48+s15+$0x0], $0xffff;
	v0 =	vadd.f32 v2, v0  }
0x3a8: {  	v51 =	vld.idx.msk [tilespmem:v4+s14+$0x0], $0xffff;
	v13 =	vadd.f32 v43, v41;
	v11 =	vsub.f32 v14, v11;
	v10 =	vand.u32 $0x7FFFFFFF, v10  }
0x3a9: {  	v52 =	vld.idx.msk [tilespmem:v4+s15+$0x0], $0xffff;
	v0 =	vadd.f32 v10, v0  }
0x3aa: {  	v9 =	vsub.f32 v13, v9;
	v5 =	vadd.f32 v47, v45;
	v10 =	vand.u32 $0x7FFFFFFF, v11;
	v11 =	vld.idx.msk [tilespmem:v44+s14+$0x0], $0xffff  }
0x3ab: {  	v0 =	vadd.f32 v10, v0;
	v10 =	vld.idx.msk [tilespmem:v44+s15+$0x0], $0xffff  }
0x3ac: {  	v5 =	vsub.f32 v5, v6;
	v2 =	vadd.f32 v50, v49;
	v6 =	vand.u32 $0x7FFFFFFF, v9;
	v9 =	vld.idx.msk [tilespmem:v40+s14+$0x0], $0xffff  }
0x3ad: {  	v0 =	vadd.f32 v6, v0;
	v6 =	vld.idx.msk [tilespmem:v40+s15+$0x0], $0xffff  }
0x3ae: {  	v58 =	vld [tilespmem:$0x1FFF0];
	v2 =	vsub.f32 v2, v46;
	v5 =	vand.u32 $0x7FFFFFFF, v5;
	v4 =	vadd.f32 v52, v51  }
0x3af: {  	v53 =	vld.idx.msk [tilespmem:v36+s14+$0x0], $0xffff;
	v0 =	vadd.f32 v5, v0  }
0x3b0: {  	v55 =	vld.idx.msk [tilespmem:v32+s15+$0x0], $0xffff;
	v2 =	vand.u32 $0x7FFFFFFF, v2;
	v4 =	vsub.f32 v4, v42;
	v10 =	vadd.f32 v10, v11  }
0x3b1: {  	v11 =	vld.idx.msk [tilespmem:v32+s14+$0x0], $0xffff;
	v0 =	vadd.f32 v2, v0  }
0x3b2: {  	v23 =	vld.idx.msk [tilespmem:v8+s15+$0x0], $0xffff;
	v4 =	vand.u32 $0x7FFFFFFF, v4;
	v10 =	vsub.f32 v10, v38;
	v6 =	vadd.f32 v6, v9  }
0x3b3: {  	v62 =	vld [tilespmem:$0x1FFE0];
	v0 =	vadd.f32 v4, v0  }
0x3b4: {  	v60 =	vld.idx.msk [tilespmem:v24+s14+$0x0], $0xffff;
	v6 =	vsub.f32 v6, v58;
	v10 =	vand.u32 $0x7FFFFFFF, v10  }
0x3b5: {  	v54 =	vld.idx.msk [tilespmem:v36+s15+$0x0], $0xffff;
	v0 =	vadd.f32 v10, v0  }
0x3b6: {  	v2 =	vadd.f32 v55, v11;
	v11 =	vld.idx.msk [tilespmem:v20+s14+$0x0], $0xffff;
	v6 =	vand.u32 $0x7FFFFFFF, v6  }
0x3b7: {  	v0 =	vadd.f32 v6, v0;
	v6 =	vld.idx.msk [tilespmem:v20+s15+$0x0], $0xffff  }
0x3b8: {  	v19 =	vld [tilespmem:$0x1FFC0]  }
0x3b9: {  	v10 =	vld.idx.msk [tilespmem:v24+s15+$0x0], $0xffff  }
0x3ba: {  	v9 =	vld.idx.msk [tilespmem:v28+s14+$0x0], $0xffff  }
0x3bb: {  	v17 =	vld [tilespmem:$0x1FFD0]  }
0x3bc: {  	v5 =	vadd.f32 v54, v53;
	v6 =	vadd.f32 v6, v11;
	v11 =	vld.idx.msk [tilespmem:v8+s14+$0x0], $0xffff  }
0x3bd: {  	v8 =	vld [tilespmem:$0x1FFA0]  }
0x3be: {  	v18 =	vld.idx.msk [tilespmem:v16+s15+$0x0], $0xffff;
	v5 =	vsub.f32 v5, v62;
	v10 =	vadd.f32 v10, v60  }
0x3bf: {  	v4 =	vadd.f32 v56, v9;
	v9 =	vld.idx.msk [tilespmem:v16+s14+$0x0], $0xffff  }
0x3c0: {  	v5 =	vand.u32 $0x7FFFFFFF, v5;
	v2 =	vsub.f32 v2, v17;
	v10 =	vsub.f32 v10, v22  }
0x3c1: {  	v0 =	vadd.f32 v5, v0;
	v4 =	vsub.f32 v4, v19  }
0x3c2: {  	v2 =	vand.u32 $0x7FFFFFFF, v2;
	v6 =	vsub.f32 v6, v8;
	v8 =	vand.u32 $0x7FFFFFFF, v10;
	v10 =	vld [tilespmem:$0x1FF70]  }
0x3c3: {  	v0 =	vadd.f32 v2, v0  }
0x3c4: {  	v24 =	vld.idx.msk [tilespmem:v3+s15+$0x0], $0xffff;
	v4 =	vand.u32 $0x7FFFFFFF, v4;
	v5 =	vadd.f32 v18, v9  }
0x3c5: {  	v9 =	vld.idx.msk [tilespmem:v3+s14+$0x0], $0xffff;
	v0 =	vadd.f32 v4, v0;
	v4 =	vadd.f32 v23, v11;
	_ =	sdelay $0x1  }
0x3c6: {  	v4 =	vsub.f32 v4, v10;
	v10 =	vld [tilespmem:$0x1FF60];
	_ =	sdelay $0x2  }
0x3c7: {  	v3 =	vadd.f32 v24, v9;
	v0 =	vadd.f32 v8, v0;
	v8 =	vld [tilespmem:$0x1FF90];
	_ =	sdelay $0x1  }
0x3c8: {  	v3 =	vsub.f32 v3, v10;
	v10 =	vld [tilespmem:$0x1FF10];
	_ =	sdelay $0x1  }
0x3c9: {  	v25 =	vld.idx.msk [tilespmem:v1+s15+$0x0], $0xffff  }
0x3ca: {  	v5 =	vsub.f32 v5, v8;
	v8 =	vld.idx.msk [tilespmem:v1+s14+$0x0], $0xffff;
	_ =	sdelay $0x3  }
0x3cb: {  	v21 =	vld.idx.msk [tilespmem:v12+s15+$0x0], $0xffff  }
0x3cc: {  	v1 =	vadd.f32 v25, v8;
	v8 =	vld.idx.msk [tilespmem:v10+s14+$0x0], $0xffff  }
0x3cd: {  	v28 =	vld.idx.msk [tilespmem:v10+s15+$0x0], $0xffff  }
0x3ce: {  	v10 =	vld [tilespmem:$0x1FF50]  }
0x3cf: {  	v20 =	vld.idx.msk [tilespmem:v12+s14+$0x0], $0xffff  }
0x3d0: {  	v6 =	vand.u32 $0x7FFFFFFF, v6  }
0x3d1: {  	v0 =	vadd.f32 v6, v0;
	v6 =	vld [tilespmem:$0x1FF80];
	_ =	sdelay $0x1  }
0x3d2: {  	v1 =	vsub.f32 v1, v10;
	v10 =	vld [tilespmem:$0x1FEF0]  }
0x3d3: {  	v2 =	vadd.f32 v21, v20  }
0x3d4: {  	v26 =	vld.idx.msk [tilespmem:v63+s15+$0x0], $0xffff  }
0x3d5: {  	v2 =	vsub.f32 v2, v6;
	v6 =	vld.idx.msk [tilespmem:v63+s14+$0x0], $0xffff;
	_ =	sdelay $0x3  }
0x3d6: {  	v5 =	vand.u32 $0x7FFFFFFF, v5  }
0x3d7: {  	v0 =	vadd.f32 v5, v0;
	v5 =	vadd.f32 v26, v6;
	v6 =	vld.idx.msk [tilespmem:v10+s14+$0x0], $0xffff  }
0x3d8: {  	v29 =	vld.idx.msk [tilespmem:v10+s15+$0x0], $0xffff  }
0x3d9: {  	v10 =	vld [tilespmem:$0x1FF40];
	_ =	sdelay $0x4  }
0x3da: {  	v5 =	vsub.f32 v5, v10;
	v10 =	vld [tilespmem:$0x1FED0];
	_ =	sdelay $0x1  }
0x3db: {  	v27 =	vld.idx.msk [tilespmem:v61+s15+$0x0], $0xffff  }
0x3dc: {  	v9 =	vld.idx.msk [tilespmem:v61+s14+$0x0], $0xffff;
	_ =	sdelay $0x3  }
0x3dd: {  	v2 =	vand.u32 $0x7FFFFFFF, v2  }
0x3de: {  	v0 =	vadd.f32 v2, v0;
	v2 =	vadd.f32 v27, v9;
	v9 =	vld.idx.msk [tilespmem:v10+s14+$0x0], $0xffff  }
0x3df: {  	v30 =	vld.idx.msk [tilespmem:v10+s15+$0x0], $0xffff  }
0x3e0: {  	v10 =	vld [tilespmem:$0x1FF30];
	_ =	sdelay $0x4  }
0x3e1: {  	v2 =	vsub.f32 v2, v10;
	v10 =	vld [tilespmem:$0x1FEB0];
	_ =	sdelay $0x6  }
0x3e2: {  	v4 =	vand.u32 $0x7FFFFFFF, v4  }
0x3e3: {  	v0 =	vadd.f32 v4, v0;
	v4 =	vadd.f32 v28, v8;
	v8 =	vld.idx.msk [tilespmem:v10+s14+$0x0], $0xffff  }
0x3e4: {  	v31 =	vld.idx.msk [tilespmem:v10+s15+$0x0], $0xffff  }
0x3e5: {  	v10 =	vld [tilespmem:$0x1FF20];
	_ =	sdelay $0x4  }
0x3e6: {  	v4 =	vsub.f32 v4, v10;
	v10 =	vld [tilespmem:$0x1FE90];
	_ =	sdelay $0x6  }
0x3e7: {  	v3 =	vand.u32 $0x7FFFFFFF, v3  }
0x3e8: {  	v0 =	vadd.f32 v3, v0;
	v3 =	vadd.f32 v29, v6;
	v6 =	vld.idx.msk [tilespmem:v10+s14+$0x0], $0xffff  }
0x3e9: {  	v32 =	vld.idx.msk [tilespmem:v10+s15+$0x0], $0xffff  }
0x3ea: {  	v10 =	vld [tilespmem:$0x1FF00];
	_ =	sdelay $0x4  }
0x3eb: {  	v3 =	vsub.f32 v3, v10;
	v10 =	vld [tilespmem:$0x1FE70];
	_ =	sdelay $0x6  }
0x3ec: {  	v1 =	vand.u32 $0x7FFFFFFF, v1  }
0x3ed: {  	v0 =	vadd.f32 v1, v0;
	v1 =	vadd.f32 v30, v9;
	v9 =	vld.idx.msk [tilespmem:v10+s14+$0x0], $0xffff  }
0x3ee: {  	v33 =	vld.idx.msk [tilespmem:v10+s15+$0x0], $0xffff  }
0x3ef: {  	v10 =	vld [tilespmem:$0x1FEE0];
	_ =	sdelay $0x4  }
0x3f0: {  	v1 =	vsub.f32 v1, v10;
	v10 =	vld [tilespmem:$0x1FE50];
	_ =	sdelay $0x6  }
0x3f1: {  	v5 =	vand.u32 $0x7FFFFFFF, v5  }
0x3f2: {  	v0 =	vadd.f32 v5, v0;
	v5 =	vadd.f32 v31, v8;
	v8 =	vld.idx.msk [tilespmem:v10+s14+$0x0], $0xffff  }
0x3f3: {  	v34 =	vld.idx.msk [tilespmem:v10+s15+$0x0], $0xffff  }
0x3f4: {  	v10 =	vld [tilespmem:$0x1FEC0];
	_ =	sdelay $0x4  }
0x3f5: {  	v5 =	vsub.f32 v5, v10;
	v10 =	vld [tilespmem:$0x1FE30];
	_ =	sdelay $0x6  }
0x3f6: {  	v2 =	vand.u32 $0x7FFFFFFF, v2  }
0x3f7: {  	v0 =	vadd.f32 v2, v0;
	v2 =	vadd.f32 v32, v6;
	v6 =	vld.idx.msk [tilespmem:v10+s14+$0x0], $0xffff  }
0x3f8: {  	v35 =	vld.idx.msk [tilespmem:v10+s15+$0x0], $0xffff  }
0x3f9: {  	v10 =	vld [tilespmem:$0x1FEA0];
	_ =	sdelay $0x4  }
0x3fa: {  	v2 =	vsub.f32 v2, v10;
	v10 =	vld [tilespmem:$0x1FE10];
	_ =	sdelay $0x6  }
0x3fb: {  	v4 =	vand.u32 $0x7FFFFFFF, v4  }
0x3fc: {  	v0 =	vadd.f32 v4, v0;
	v4 =	vadd.f32 v33, v9;
	v9 =	vld.idx.msk [tilespmem:v10+s14+$0x0], $0xffff  }
0x3fd: {  	v36 =	vld.idx.msk [tilespmem:v10+s15+$0x0], $0xffff  }
0x3fe: {  	v10 =	vld [tilespmem:$0x1FE80];
	_ =	sdelay $0x4  }
0x3ff: {  	v4 =	vsub.f32 v4, v10;
	v10 =	vld [tilespmem:$0x1FDF0];
	_ =	sdelay $0x6  }
0x400: {  	v3 =	vand.u32 $0x7FFFFFFF, v3  }
0x401: {  	v0 =	vadd.f32 v3, v0;
	v3 =	vadd.f32 v34, v8;
	v8 =	vld.idx.msk [tilespmem:v10+s14+$0x0], $0xffff  }
0x402: {  	v37 =	vld.idx.msk [tilespmem:v10+s15+$0x0], $0xffff  }
0x403: {  	v10 =	vld [tilespmem:$0x1FE60];
	_ =	sdelay $0x4  }
0x404: {  	v3 =	vsub.f32 v3, v10;
	v10 =	vld [tilespmem:$0x1FDD0];
	_ =	sdelay $0x6  }
0x405: {  	v1 =	vand.u32 $0x7FFFFFFF, v1  }
0x406: {  	v0 =	vadd.f32 v1, v0;
	v1 =	vadd.f32 v35, v6;
	v6 =	vld.idx.msk [tilespmem:v10+s14+$0x0], $0xffff  }
0x407: {  	v38 =	vld.idx.msk [tilespmem:v10+s15+$0x0], $0xffff  }
0x408: {  	v10 =	vld [tilespmem:$0x1FE40];
	_ =	sdelay $0x4  }
0x409: {  	v1 =	vsub.f32 v1, v10;
	v10 =	vld [tilespmem:$0x1FDB0];
	_ =	sdelay $0x6  }
0x40a: {  	v5 =	vand.u32 $0x7FFFFFFF, v5  }
0x40b: {  	v0 =	vadd.f32 v5, v0;
	v5 =	vadd.f32 v36, v9;
	v9 =	vld.idx.msk [tilespmem:v10+s14+$0x0], $0xffff  }
0x40c: {  	v39 =	vld.idx.msk [tilespmem:v10+s15+$0x0], $0xffff  }
0x40d: {  	v10 =	vld [tilespmem:$0x1FE20];
	_ =	sdelay $0x4  }
0x40e: {  	v5 =	vsub.f32 v5, v10;
	v10 =	vld [tilespmem:$0x1FD90];
	_ =	sdelay $0x6  }
0x40f: {  	v2 =	vand.u32 $0x7FFFFFFF, v2  }
0x410: {  	v0 =	vadd.f32 v2, v0;
	v2 =	vadd.f32 v37, v8;
	v8 =	vld.idx.msk [tilespmem:v10+s14+$0x0], $0xffff  }
0x411: {  	v40 =	vld.idx.msk [tilespmem:v10+s15+$0x0], $0xffff  }
0x412: {  	v10 =	vld [tilespmem:$0x1FE00];
	_ =	sdelay $0x4  }
0x413: {  	v2 =	vsub.f32 v2, v10;
	v10 =	vld [tilespmem:$0x1FD70];
	_ =	sdelay $0x6  }
0x414: {  	v4 =	vand.u32 $0x7FFFFFFF, v4  }
0x415: {  	v0 =	vadd.f32 v4, v0;
	v4 =	vadd.f32 v38, v6;
	v6 =	vld.idx.msk [tilespmem:v10+s14+$0x0], $0xffff  }
0x416: {  	v41 =	vld.idx.msk [tilespmem:v10+s15+$0x0], $0xffff  }
0x417: {  	v10 =	vld [tilespmem:$0x1FDE0];
	_ =	sdelay $0x4  }
0x418: {  	v4 =	vsub.f32 v4, v10;
	v10 =	vld [tilespmem:$0x1FD50];
	_ =	sdelay $0x6  }
0x419: {  	v3 =	vand.u32 $0x7FFFFFFF, v3  }
0x41a: {  	v0 =	vadd.f32 v3, v0;
	v3 =	vadd.f32 v39, v9;
	v9 =	vld.idx.msk [tilespmem:v10+s14+$0x0], $0xffff  }
0x41b: {  	v42 =	vld.idx.msk [tilespmem:v10+s15+$0x0], $0xffff  }
0x41c: {  	v10 =	vld [tilespmem:$0x1FDC0];
	_ =	sdelay $0x4  }
0x41d: {  	v3 =	vsub.f32 v3, v10;
	v10 =	vld [tilespmem:$0x1FD30];
	_ =	sdelay $0x6  }
0x41e: {  	v1 =	vand.u32 $0x7FFFFFFF, v1  }
0x41f: {  	v0 =	vadd.f32 v1, v0;
	v1 =	vadd.f32 v40, v8;
	v8 =	vld.idx.msk [tilespmem:v10+s14+$0x0], $0xffff  }
0x420: {  	v43 =	vld.idx.msk [tilespmem:v10+s15+$0x0], $0xffff  }
0x421: {  	v10 =	vld [tilespmem:$0x1FDA0];
	_ =	sdelay $0x4  }
0x422: {  	v1 =	vsub.f32 v1, v10;
	v10 =	vld [tilespmem:$0x1FD10];
	_ =	sdelay $0x6  }
0x423: {  	v5 =	vand.u32 $0x7FFFFFFF, v5  }
0x424: {  	v0 =	vadd.f32 v5, v0;
	v5 =	vadd.f32 v41, v6;
	v6 =	vld.idx.msk [tilespmem:v10+s14+$0x0], $0xffff  }
0x425: {  	v44 =	vld.idx.msk [tilespmem:v10+s15+$0x0], $0xffff  }
0x426: {  	v10 =	vld [tilespmem:$0x1FD80];
	_ =	sdelay $0x4  }
0x427: {  	v5 =	vsub.f32 v5, v10;
	v10 =	vld [tilespmem:$0x1FCF0];
	_ =	sdelay $0x6  }
0x428: {  	v2 =	vand.u32 $0x7FFFFFFF, v2  }
0x429: {  	v0 =	vadd.f32 v2, v0;
	v2 =	vadd.f32 v42, v9;
	v9 =	vld.idx.msk [tilespmem:v10+s14+$0x0], $0xffff  }
0x42a: {  	v45 =	vld.idx.msk [tilespmem:v10+s15+$0x0], $0xffff  }
0x42b: {  	v10 =	vld [tilespmem:$0x1FD60];
	_ =	sdelay $0x4  }
0x42c: {  	v2 =	vsub.f32 v2, v10;
	v10 =	vld [tilespmem:$0x1FCD0];
	_ =	sdelay $0x6  }
0x42d: {  	v4 =	vand.u32 $0x7FFFFFFF, v4  }
0x42e: {  	v0 =	vadd.f32 v4, v0;
	v4 =	vadd.f32 v43, v8;
	v8 =	vld.idx.msk [tilespmem:v10+s14+$0x0], $0xffff  }
0x42f: {  	v46 =	vld.idx.msk [tilespmem:v10+s15+$0x0], $0xffff  }
0x430: {  	v10 =	vld [tilespmem:$0x1FD40];
	_ =	sdelay $0x4  }
0x431: {  	v4 =	vsub.f32 v4, v10;
	v10 =	vld [tilespmem:$0x1FCB0];
	_ =	sdelay $0x6  }
0x432: {  	v3 =	vand.u32 $0x7FFFFFFF, v3  }
0x433: {  	v0 =	vadd.f32 v3, v0;
	v3 =	vadd.f32 v44, v6;
	v6 =	vld.idx.msk [tilespmem:v10+s14+$0x0], $0xffff  }
0x434: {  	v47 =	vld.idx.msk [tilespmem:v10+s15+$0x0], $0xffff  }
0x435: {  	v10 =	vld [tilespmem:$0x1FD20];
	_ =	sdelay $0x4  }
0x436: {  	v3 =	vsub.f32 v3, v10;
	v10 =	vld [tilespmem:$0x1FC90];
	_ =	sdelay $0x6  }
0x437: {  	v1 =	vand.u32 $0x7FFFFFFF, v1  }
0x438: {  	v0 =	vadd.f32 v1, v0;
	v1 =	vadd.f32 v45, v9;
	v9 =	vld.idx.msk [tilespmem:v10+s14+$0x0], $0xffff  }
0x439: {  	v48 =	vld.idx.msk [tilespmem:v10+s15+$0x0], $0xffff  }
0x43a: {  	v10 =	vld [tilespmem:$0x1FD00];
	_ =	sdelay $0x4  }
0x43b: {  	v1 =	vsub.f32 v1, v10;
	v10 =	vld [tilespmem:$0x1FC70];
	_ =	sdelay $0x6  }
0x43c: {  	v5 =	vand.u32 $0x7FFFFFFF, v5  }
0x43d: {  	v0 =	vadd.f32 v5, v0;
	v5 =	vadd.f32 v46, v8;
	v8 =	vld.idx.msk [tilespmem:v10+s14+$0x0], $0xffff  }
0x43e: {  	v49 =	vld.idx.msk [tilespmem:v10+s15+$0x0], $0xffff  }
0x43f: {  	v10 =	vld [tilespmem:$0x1FCE0];
	_ =	sdelay $0x4  }
0x440: {  	v5 =	vsub.f32 v5, v10;
	v10 =	vld [tilespmem:$0x1FC50];
	_ =	sdelay $0x6  }
0x441: {  	v2 =	vand.u32 $0x7FFFFFFF, v2  }
0x442: {  	v0 =	vadd.f32 v2, v0;
	v2 =	vadd.f32 v47, v6;
	v6 =	vld.idx.msk [tilespmem:v10+s14+$0x0], $0xffff  }
0x443: {  	v50 =	vld.idx.msk [tilespmem:v10+s15+$0x0], $0xffff  }
0x444: {  	v10 =	vld [tilespmem:$0x1FCC0];
	_ =	sdelay $0x4  }
0x445: {  	v2 =	vsub.f32 v2, v10;
	v10 =	vld [tilespmem:$0x1FC30];
	_ =	sdelay $0x6  }
0x446: {  	v4 =	vand.u32 $0x7FFFFFFF, v4  }
0x447: {  	v0 =	vadd.f32 v4, v0;
	v4 =	vadd.f32 v48, v9;
	v9 =	vld.idx.msk [tilespmem:v10+s14+$0x0], $0xffff  }
0x448: {  	v51 =	vld.idx.msk [tilespmem:v10+s15+$0x0], $0xffff  }
0x449: {  	v10 =	vld [tilespmem:$0x1FCA0];
	_ =	sdelay $0x4  }
0x44a: {  	v4 =	vsub.f32 v4, v10;
	v10 =	vld [tilespmem:$0x1FC10];
	_ =	sdelay $0x6  }
0x44b: {  	v3 =	vand.u32 $0x7FFFFFFF, v3  }
0x44c: {  	v0 =	vadd.f32 v3, v0;
	v3 =	vadd.f32 v49, v8;
	v8 =	vld.idx.msk [tilespmem:v10+s14+$0x0], $0xffff  }
0x44d: {  	v52 =	vld.idx.msk [tilespmem:v10+s15+$0x0], $0xffff  }
0x44e: {  	v10 =	vld [tilespmem:$0x1FC80];
	_ =	sdelay $0x4  }
0x44f: {  	v3 =	vsub.f32 v3, v10;
	v10 =	vld [tilespmem:$0x1FBF0];
	_ =	sdelay $0x6  }
0x450: {  	v1 =	vand.u32 $0x7FFFFFFF, v1  }
0x451: {  	v0 =	vadd.f32 v1, v0;
	v1 =	vadd.f32 v50, v6;
	v6 =	vld.idx.msk [tilespmem:v10+s14+$0x0], $0xffff  }
0x452: {  	v53 =	vor.u32 $0x3F, v7;
	v7 =	vld.idx.msk [tilespmem:v10+s15+$0x0], $0xffff  }
0x453: {  	v10 =	vld [tilespmem:$0x1FC60];
	_ =	sdelay $0x4  }
0x454: {  	v1 =	vsub.f32 v1, v10;
	v10 =	vld [tilespmem:$0x1FBD0];
	_ =	sdelay $0x6  }
0x455: {  	v5 =	vand.u32 $0x7FFFFFFF, v5  }
0x456: {  	v0 =	vadd.f32 v5, v0;
	v5 =	vadd.f32 v51, v9;
	v9 =	vld.idx.msk [tilespmem:v10+s14+$0x0], $0xffff  }
0x457: {  	v54 =	vld.idx.msk [tilespmem:v10+s15+$0x0], $0xffff  }
0x458: {  	v10 =	vld [tilespmem:$0x1FC40];
	_ =	sdelay $0x4  }
0x459: {  	v5 =	vsub.f32 v5, v10;
	v10 =	vld [tilespmem:$0x1FBC0];
	_ =	sdelay $0x6  }
0x45a: {  	v2 =	vand.u32 $0x7FFFFFFF, v2  }
0x45b: {  	v0 =	vadd.f32 v2, v0;
	v2 =	vadd.f32 v52, v8;
	v8 =	vld.idx.msk [tilespmem:v10+s14+$0x0], $0xffff  }
0x45c: {  	v55 =	vld.idx.msk [tilespmem:v10+s15+$0x0], $0xffff  }
0x45d: {  	v10 =	vld [tilespmem:$0x1FC20];
	_ =	sdelay $0x1  }
0x45e: {  	v4 =	vand.u32 $0x7FFFFFFF, v4  }
0x45f: {  	v0 =	vadd.f32 v4, v0  }
0x460: {  	v3 =	vand.u32 $0x7FFFFFFF, v3  }
0x461: {  	v0 =	vadd.f32 v3, v0;
	v2 =	vsub.f32 v2, v10;
	v10 =	vld [tilespmem:$0x1FC00]  }
0x462: {  	v1 =	vand.u32 $0x7FFFFFFF, v1  }
0x463: {  	v60 =	vld [tilespmem:$0x1FBE0];
	v0 =	vadd.f32 v1, v0  }
0x464: {  	v56 =	vld.idx.msk [tilespmem:v53+s15+$0x0], $0xffff;
	v6 =	vadd.f32 v7, v6;
	v5 =	vand.u32 $0x7FFFFFFF, v5  }
0x465: {  	v7 =	vld.idx.msk [tilespmem:v53+s14+$0x0], $0xffff;
	v0 =	vadd.f32 v5, v0  }
0x466: {  	v3 =	vadd.f32 v54, v9;
	v2 =	vand.u32 $0x7FFFFFFF, v2;
	v6 =	vsub.f32 v6, v10  }
0x467: {  	v58 =	vld.idx.msk [tilespmem:v53+s16+$0x0], $0xffff;
	v0 =	vadd.f32 v2, v0  }
0x468: {  	v3 =	vsub.f32 v3, v60;
	v1 =	vadd.f32 v55, v8;
	v61 =	vand.u32 $0x7FFFFFFF, v6  }
0x469: {  	v0 =	vadd.f32 v61, v0  }
0x46a: {  	v62 =	vadd.f32 v56, v7;
	v3 =	vand.u32 $0x7FFFFFFF, v3;
	v1 =	vsub.f32 v1, v59  }
0x46b: {  	v0 =	vadd.f32 v3, v0  }
0x46c: {  	v2 =	vsub.f32 v62, v58;
	v1 =	vand.u32 $0x7FFFFFFF, v1  }
0x46d: {  	v0 =	vadd.f32 v1, v0  }
0x46e: {  	v63 =	vand.u32 $0x7FFFFFFF, v2  }
.Ltmp2:
0x46f: {  	v0 =	vadd.f32 v63, v0;
	(pc) =	sbr.rel @p0 .LBB2_2-.Ltmp2, $4  }
0x470: {  	s21 =	sand.u32 $0x80, s20  }
0x471: {  	s31 =	sand.u32 $0x70, s20;
	s19 =	sadd.s32 s21, s19;
	v0 =	vsub.f32 $0.0e+00, v0  }
0x472: {  	s19 =	sadd.s32 s31, s19  }
0x473: {  	p1 =	por $0x0, $0x0;
	v8 =	vimm.s32 $0x0;
	[tilespmem:s19+$0x0] =	vst v0;
	s19 =	simm.s32 $0x100  }
0x474: {  	s18 =	sadd.s32 $0x1, s18  }
0x475: {  	p0 =	sne.s32 s18, s9  }
.Ltmp3:
0x476: {  	_ = 	snop;
	(pc) =	sbr.rel @p0 .LBB2_1-.Ltmp3, $4  }
0x477: {  	[hbm4b:s8+s1] =	stream.linear.scatter [tilespmem:s17], [sflag:$0x2], $0x200, $0x38;
	[tilespmem:$0x18800] =	vst v63  }
0x478: {  	_ =	swait.ge [sflag:s10], $0x200  }
0x479: {  	[sflag:s10] =	ssyncset.done $0x0  }
0x47a: {  	[sflag:s10] =	ssyncadd.s32 $0xFFFFFE00  }
0x47b: {  	_ =	sfence.sel $0x180000  }
0x47c: {  	[bflag:$0x0] =	sbarrier.arrive $0xFFFF  }
0x47d: {  	p0 =	sne.s32 s2, $0x0;
	_ =	strace $0x90000047  }
0x47e: {  	s0 =	sadd.s32 @!p0 $0x100000, s0;
	[bflag:$0x2] =	sbarrier.arrive $0xFFFF  }
0x47f: {  	[sflag:s0] =	ssyncadd.tile.s32 @!p0 $0x1;
	_ =	shalt  }
.Lfunc_end2:
_tile_overlayer_lowered:
.L_overlay_start_2:
0x480: {  	(tag) =	ssettag $0x2  }
0x481: {  	s0 =	rddreg [dreg:$0x0];
	s2 =	stileid.u32  }
0x482: {  	s1 =	rddreg [dreg:$0x1];
	p0 =	sne.s32 s2, $0x0  }
0x483: {  	s3 =	rddreg [dreg:$0x2];
	[bflag:$0x3] =	sbarrier.arrive $0xFFFF;
	s2 =	simm.s32 @!p0 $0x1C02  }
0x484: {  	[timem:s3], [sflag:s2] =	dma.local @!p0 [hbm:s0], s1  }
0x485: {  	s0 =	simm.s32 @!p0 $0x2  }
0x486: {  	_ =	swait.ge @!p0 [sflag:s0], s1  }
0x487: {  	s1 =	ssub.s32 @!p0 $0x0, s1;
	[sflag:s0] =	ssyncset.done @!p0 $0x0  }
0x488: {  	[sflag:s0] =	ssyncadd.s32 @!p0 s1  }
0x489: {  	[bflag:$0x3] =	sbarrier.arrive $0xFFFF  }
0x48a: {  	_ =	shalt  }

</sc_bundles>
